<compile_context>
chip_gen: v7x
topology: tpu7x:2x2x1
jax: 0.10.2.dev20260603
libtpu: 0.0.44.dev20260713+nightly
codegen_flags: <defaults>
</compile_context>

<pallas_src>
import functools

import jax
import jax.numpy as jnp
from jax import lax
from jax.experimental import pallas as pl
from jax.experimental.pallas import tpu as pltpu
from jax.experimental.pallas import tpu_sc as plsc

K_NN = 16
THRES = 0.12
S_GRP = 32
DB_TILE = 2048
BQ = 512


def _prep_body(xo_ref, out_ref):
    xg = xo_ref[...]
    c = jnp.sum(xg * xg, axis=1, keepdims=True)
    c1 = c.astype(jnp.bfloat16)
    r1 = c - c1.astype(jnp.float32)
    c2 = r1.astype(jnp.bfloat16)
    c3 = (r1 - c2.astype(jnp.float32)).astype(jnp.bfloat16)
    z = jnp.zeros((xg.shape[0], 2), jnp.bfloat16)
    out_ref[...] = jnp.concatenate(
        [xg.astype(jnp.bfloat16), c1, c2, c3, z], axis=1)


def _prep(xo):
    N = xo.shape[0]
    return pl.pallas_call(
        _prep_body,
        grid=(N // DB_TILE,),
        in_specs=[pl.BlockSpec((DB_TILE, 3), lambda i: (i, 0))],
        out_specs=pl.BlockSpec((DB_TILE, 8), lambda i: (i, 0)),
        out_shape=jax.ShapeDtypeStruct((N, 8), jnp.bfloat16),
    )(xo)


def _knn_groups_body(xct_ref, xg6_ref, gid_ref, mt_ref):
    N = xg6_ref.shape[0]
    xct = xct_ref[...]
    qt = jnp.concatenate(
        [(-2.0 * xct).astype(jnp.bfloat16),
         jnp.ones((3, BQ), jnp.bfloat16),
         jnp.zeros((2, BQ), jnp.bfloat16)], axis=0)
    gpb = DB_TILE // S_GRP
    for dbt in range(N // DB_TILE):
        d = jnp.dot(xg6_ref[dbt * DB_TILE:(dbt + 1) * DB_TILE, :], qt,
                    preferred_element_type=jnp.float32)
        gm = jnp.min(d.reshape(S_GRP, gpb, BQ), axis=0)
        mt_ref[dbt * gpb:(dbt + 1) * gpb, :] = gm

    mt = mt_ref[...]
    G = mt.shape[0]
    giota = lax.broadcasted_iota(jnp.int32, (G, BQ), 0).astype(jnp.float32)
    rows = []
    for _ in range(K_NN):
        m = jnp.min(mt, axis=0, keepdims=True)
        w = jnp.min(jnp.where(mt == m, giota, 1e9), axis=0, keepdims=True)
        rows.append(w)
        mt = jnp.where(giota == w, jnp.float32(jnp.inf), mt)
    gid_ref[...] = jnp.concatenate(rows, axis=0).astype(jnp.int32)


def _knn_groups(xct, xg6):
    N = xg6.shape[0]
    Q = xct.shape[1]
    return pl.pallas_call(
        _knn_groups_body,
        grid=(Q // BQ,),
        in_specs=[
            pl.BlockSpec((3, BQ), lambda qb: (0, qb)),
            pl.BlockSpec((N, 8), lambda qb: (0, 0)),
        ],
        out_specs=pl.BlockSpec((K_NN, BQ), lambda qb: (0, qb)),
        out_shape=jax.ShapeDtypeStruct((K_NN, Q), jnp.int32),
        scratch_shapes=[pltpu.VMEM((N // S_GRP, BQ), jnp.float32)],
        compiler_params=pltpu.CompilerParams(
            dimension_semantics=("arbitrary",),
        ),
    )(xct, xg6)


def _make_sc_gather(B, D):
    info = plsc.get_sparse_core_info()
    NW = info.num_cores * info.num_subcores
    b_per_w = B // NW
    CH = min(256, b_per_w)
    n_ch = b_per_w // CH
    assert n_ch % 2 == 0 or n_ch == 1
    mesh = plsc.VectorSubcoreMesh(core_axis_name="c", subcore_axis_name="s")

    @functools.partial(
        pl.kernel, mesh=mesh,
        out_type=jax.ShapeDtypeStruct((B, D), jnp.float32),
        scratch_types=[
            pltpu.VMEM((b_per_w,), jnp.int32),
            pltpu.VMEM((CH, D), jnp.float32),
            pltpu.VMEM((CH, D), jnp.float32),
            pltpu.SemaphoreType.DMA,
            pltpu.SemaphoreType.DMA,
        ],
    )
    def k(table_hbm, idx_hbm, out_hbm, idx_v, rows_a, rows_b, sem_a, sem_b):
        wid = lax.axis_index("s") * info.num_cores + lax.axis_index("c")
        base = wid * b_per_w
        pltpu.sync_copy(idx_hbm.at[pl.ds(base, b_per_w)], idx_v)

        def start(ch, buf, sem):
            off = pl.multiple_of(ch * CH, 8)
            pltpu.async_copy(table_hbm.at[idx_v.at[pl.ds(off, CH)]], buf, sem)

        def drain(buf, sem):
            pltpu.make_async_copy(table_hbm.at[pl.ds(0, CH)], buf, sem).wait()

        def out(ch, buf):
            off = pl.multiple_of(ch * CH, 8)
            pltpu.sync_copy(buf, out_hbm.at[pl.ds(base + off, CH)])

        start(0, rows_a, sem_a)

        def body(i, carry):
            start(2 * i + 1, rows_b, sem_b)
            drain(rows_a, sem_a)
            out(2 * i, rows_a)

            @pl.when(i + 1 < n_ch // 2)
            def _():
                start(2 * i + 2, rows_a, sem_a)

            drain(rows_b, sem_b)
            out(2 * i + 1, rows_b)
            return carry

        lax.fori_loop(0, n_ch // 2, body, 0)

    return k


def _rescan_mlp_body(xct_ref, gid_ref, xg_ref, w1t_ref, b1_ref, w2t_ref,
                     b2_ref, out_ref, dc_ref, ids_ref, rx_ref, ry_ref, rz_ref):
    xct = xct_ref[...]
    qx = xct[0:1]
    qy = xct[1:2]
    qz = xct[2:3]
    q_sq = (qx * qx + qy * qy) + qz * qz
    qxb = qx.astype(jnp.bfloat16).astype(jnp.float32)
    qyb = qy.astype(jnp.bfloat16).astype(jnp.float32)
    qzb = qz.astype(jnp.bfloat16).astype(jnp.float32)
    jio = lax.broadcasted_iota(jnp.int32, (S_GRP, BQ), 0).astype(jnp.float32)
    for s in range(K_NN):
        xgt = xg_ref[s].T
        px = xgt[0:S_GRP]
        py = xgt[S_GRP:2 * S_GRP]
        pz = xgt[2 * S_GRP:3 * S_GRP]
        dot = (px.astype(jnp.bfloat16).astype(jnp.float32) * qxb
               + py.astype(jnp.bfloat16).astype(jnp.float32) * qyb) \
            + pz.astype(jnp.bfloat16).astype(jnp.float32) * qzb
        cc = (px * px + py * py) + pz * pz
        sl = pl.ds(s * S_GRP, S_GRP)
        dc_ref[sl, :] = (q_sq + (-2.0) * dot) + cc
        rx_ref[sl, :] = px
        ry_ref[sl, :] = py
        rz_ref[sl, :] = pz
        gi = gid_ref[s:s + 1, :]
        gpb = DB_TILE // S_GRP
        base = ((gi // gpb) * DB_TILE + (gi % gpb)).astype(jnp.float32)
        ids_ref[sl, :] = base + jio * float(gpb)

    dc = dc_ref[...]
    ids = ids_ref[...]
    RX = rx_ref[...]
    RY = ry_ref[...]
    RZ = rz_ref[...]
    w1t = w1t_ref[...]
    b1 = b1_ref[...]
    w2t = w2t_ref[...]
    b2 = b2_ref[...]
    r0 = None
    acc = None
    for r in range(K_NN):
        m = jnp.min(dc, axis=0, keepdims=True)
        w = jnp.min(jnp.where(dc == m, ids, 1e9), axis=0, keepdims=True)
        sel = ids == w
        px = jnp.sum(jnp.where(sel, RX, 0.0), axis=0, keepdims=True)
        py = jnp.sum(jnp.where(sel, RY, 0.0), axis=0, keepdims=True)
        pz = jnp.sum(jnp.where(sel, RZ, 0.0), axis=0, keepdims=True)
        dc = jnp.where(sel, jnp.float32(jnp.inf), dc)
        resx = px - qx
        resy = py - qy
        resz = pz - qz
        if r == 0:
            r0 = (resx, resy, resz)
        ok = ((resx <= THRES) & (resx >= -THRES)
              & (resy <= THRES) & (resy >= -THRES)
              & (resz <= THRES) & (resz >= -THRES))
        resx = jnp.where(ok, resx, r0[0])
        resy = jnp.where(ok, resy, r0[1])
        resz = jnp.where(ok, resz, r0[2])
        rvec = jnp.concatenate([resx, resy, resz], axis=0)
        h1 = jnp.dot(w1t.astype(jnp.bfloat16), rvec.astype(jnp.bfloat16),
                     preferred_element_type=jnp.float32) + b1
        h1 = jnp.maximum(h1, 0.0)
        h2 = jnp.dot(w2t.astype(jnp.bfloat16), h1.astype(jnp.bfloat16),
                     preferred_element_type=jnp.float32) + b2
        acc = h2 if acc is None else jnp.maximum(acc, h2)
    out_ref[...] = acc.T


def _rescan_mlp(xct, gids, xgv, w1t, b1c, w2t, b2c):
    Q = xct.shape[1]
    D = 4 * S_GRP
    return pl.pallas_call(
        _rescan_mlp_body,
        grid=(Q // BQ,),
        in_specs=[
            pl.BlockSpec((3, BQ), lambda qb: (0, qb)),
            pl.BlockSpec((K_NN, BQ), lambda qb: (0, qb)),
            pl.BlockSpec((K_NN, BQ, D), lambda qb: (0, qb, 0)),
            pl.BlockSpec((64, 3), lambda qb: (0, 0)),
            pl.BlockSpec((64, 1), lambda qb: (0, 0)),
            pl.BlockSpec((128, 64), lambda qb: (0, 0)),
            pl.BlockSpec((128, 1), lambda qb: (0, 0)),
        ],
        out_specs=pl.BlockSpec((BQ, 128), lambda qb: (qb, 0)),
        out_shape=jax.ShapeDtypeStruct((Q, 128), jnp.float32),
        scratch_shapes=[
            pltpu.VMEM((K_NN * S_GRP, BQ), jnp.float32),
            pltpu.VMEM((K_NN * S_GRP, BQ), jnp.float32),
            pltpu.VMEM((K_NN * S_GRP, BQ), jnp.float32),
            pltpu.VMEM((K_NN * S_GRP, BQ), jnp.float32),
            pltpu.VMEM((K_NN * S_GRP, BQ), jnp.float32),
        ],
        compiler_params=pltpu.CompilerParams(
            dimension_semantics=("parallel",),
        ),
    )(xct, gids, xgv, w1t, b1c, w2t, b2c)


def kernel(x_orig, x_coarse, W1, b1, W2, b2):
    xo = x_orig[0]
    xc = x_coarse[0]
    N = xo.shape[0]
    Q = xc.shape[0]
    G = N // S_GRP

    xct = xc.T
    xg6 = _prep(xo)
    gids = _knn_groups(xct, xg6)

    gpb = DB_TILE // S_GRP
    xg = xo.reshape(N // DB_TILE, S_GRP, gpb, 3).transpose(0, 2, 1, 3)
    xg = xg.reshape(G, S_GRP, 3)
    dbg = jnp.concatenate(
        [xg[:, :, 0], xg[:, :, 1], xg[:, :, 2],
         jnp.zeros((G, S_GRP), jnp.float32)], axis=1)
    idx_flat = gids.reshape(K_NN * Q)
    XG = _make_sc_gather(K_NN * Q, 4 * S_GRP)(dbg, idx_flat)
    xgv = XG.reshape(K_NN, Q, 4 * S_GRP)

    feat = _rescan_mlp(xct, gids, xgv, W1.T,
                       b1.reshape(64, 1), W2.T, b2.reshape(128, 1))
    return feat

# --- scband reference (transcript-rebuilt; emitter-appended) ---
"""Pipeline reference for scband-point-residual-encoder-52561809768829 (READ-ONLY COPY).

The authoritative reference and input builder live on the scoring server;
editing this copy changes nothing except your own understanding.
"""

import jax, jax.numpy as jnp
import numpy as np

K_NN = 16
THRES = 0.12
CHUNK = 1024


def setup_inputs(seed: int = 0):
    key = jax.random.key(seed)
    k1, k2, k3, k4 = jax.random.split(key, 4)
    x_orig = jax.random.uniform(k1, (1, 65536, 3), dtype=jnp.float32)
    x_coarse = jax.random.uniform(k2, (1, 16384, 3), dtype=jnp.float32)
    # PointNet shared-MLP params (per-neighbor MLP 3->64->128, max-pool over k)
    W1 = jax.random.normal(k3, (3, 64), dtype=jnp.float32) * 0.1
    b1 = jnp.zeros((64,), dtype=jnp.float32)
    W2 = jax.random.normal(k4, (64, 128), dtype=jnp.float32) * 0.1
    b2 = jnp.zeros((128,), dtype=jnp.float32)
    return {"x_orig": x_orig, "x_coarse": x_coarse, "W1": W1, "b1": b1, "W2": W2, "b2": b2}


def _knn_indices(xc, xo):
    # exact L2 k-NN (replaces faiss GpuIndexFlatL2 exact search), chunked over queries
    xo_sq = jnp.sum(xo * xo, axis=-1)

    def chunk_fn(q):
        d = jnp.sum(q * q, axis=-1)[:, None] - 2.0 * (q @ xo.T) + xo_sq[None, :]
        _, idx = jax.lax.top_k(-d, K_NN)
        return idx

    qs = xc.reshape(-1, CHUNK, 3)
    I = jax.lax.map(chunk_fn, qs)
    return I.reshape(-1, K_NN)


def reference(x_orig, x_coarse, W1, b1, W2, b2):
    xo = x_orig[0]
    xc = x_coarse[0]
    I = _knn_indices(xc, xo)                       # [Q, k]
    geo_res = xo[I] - xc[:, None, :]               # [Q, k, 3]
    # threshold mask: any residual component outside [-thres, thres]
    ok = jnp.logical_and(jnp.max(geo_res, axis=2) <= THRES,
                         jnp.min(geo_res, axis=2) >= -THRES)
    mask = jnp.logical_not(ok)                     # [Q, k]
    # replace out-of-threshold neighbors with the nearest neighbor (column 0)
    I = jnp.where(mask, jnp.broadcast_to(I[:, :1], I.shape), I)
    geo_res = xo[I] - xc[:, None, :]               # recompute residuals with fixed indices
    # PointNet feature generation: shared MLP per neighbor + max pool over k
    h = jax.nn.relu(geo_res @ W1 + b1)             # [Q, k, 64]
    h = h @ W2 + b2                                # [Q, k, 128]
    feat = jnp.max(h, axis=1)                      # [Q, 128]
    return feat

if __name__ == "__main__":
    import jax
    _d = setup_inputs()
    print(jax.jit(kernel)(*tuple(_d.values())))

</pallas_src>

<mosaic_0001>
#map = affine_map<(d0, d1) -> (0, 0)>
#map1 = affine_map<(d0, d1) -> (0)>
module attributes {stable_mosaic.version = 14 : i64} {
  func.func @k(%arg0: i32, %arg1: i32, %arg2: memref<2048x128xf32, #tpu.memory_space<hbm>>, %arg3: memref<262144xi32, #tpu.memory_space<hbm>>, %arg4: memref<262144x128xf32, #tpu.memory_space<hbm>>, %arg5: memref<8192xi32, #tpu.memory_space<vmem>>, %arg6: memref<256x128xf32, #tpu.memory_space<vmem>>, %arg7: memref<256x128xf32, #tpu.memory_space<vmem>>, %arg8: memref<!tpu.dma_semaphore, #tpu.memory_space<semaphore_mem>>, %arg9: memref<!tpu.dma_semaphore, #tpu.memory_space<semaphore_mem>>) attributes {dimension_semantics = [#tpu.dimension_semantics<core_parallel>, #tpu.dimension_semantics<subcore_parallel>], iteration_bounds = array<i64: 2, 16>, scalar_prefetch = 0 : i64, scratch_operands = 5 : i64, tpu.core_type = #tpu.core_type<sc_vector_subcore>, window_params = [{transform_indices = #map}, {transform_indices = #map1}, {transform_indices = #map}]} {
    %mul3A = arith.constant 2 : i32
    %mul3A_0 = arith.muli %arg1, %mul3A : i32
    %add3A = arith.addi %mul3A_0, %arg0 : i32
    %mul3A_1 = arith.constant 8192 : i32
    %mul3A_2 = arith.muli %add3A, %mul3A_1 : i32
    "tpu.region"() ({
      %run_scoped3A = tpu.sem_alloc : memref<!tpu.dma_semaphore, #tpu.memory_space<semaphore_mem>>
      %dma_start3A_12 = tpu.memref_slice %arg3[%mul3A_2] : memref<262144xi32, #tpu.memory_space<hbm>> -> memref<8192xi32, #tpu.memory_space<hbm>>
      %dma_start3A_13 = tpu.memref_slice %arg3[%mul3A_2] : memref<262144xi32, #tpu.memory_space<hbm>> -> memref<8192xi32, #tpu.memory_space<hbm>>
      tpu.enqueue_dma source(%dma_start3A_13 : memref<8192xi32, #tpu.memory_space<hbm>>) target(%arg5 : memref<8192xi32, #tpu.memory_space<vmem>>) target_semaphore(%run_scoped3A : memref<!tpu.dma_semaphore, #tpu.memory_space<semaphore_mem>>)
      %dma_wait3A = tpu.memref_slice %arg3[%mul3A_2] : memref<262144xi32, #tpu.memory_space<hbm>> -> memref<8192xi32, #tpu.memory_space<hbm>>
      %dma_wait3A_14 = tpu.memref_slice %arg3[%mul3A_2] : memref<262144xi32, #tpu.memory_space<hbm>> -> memref<8192xi32, #tpu.memory_space<hbm>>
      tpu.wait_dma2 semaphore(%run_scoped3A : memref<!tpu.dma_semaphore, #tpu.memory_space<semaphore_mem>>) src(%dma_wait3A_14 : memref<8192xi32, #tpu.memory_space<hbm>>) dst(%arg5 : memref<8192xi32, #tpu.memory_space<vmem>>)
      tpu.yield
    }) : () -> ()
    %multiple_of3A = arith.constant 0 : i32
    %multiple_of3A_3 = tpu.assume_multiple %multiple_of3A, 8 : i32
    %dma_start3A = tpu.memref_slice %arg5[%multiple_of3A_3] : memref<8192xi32, #tpu.memory_space<vmem>> -> memref<256xi32, #tpu.memory_space<vmem>>
    %dma_start3A_4 = arith.constant 0 : i32
    %dma_start3A_5 = arith.constant 0 : i32
    %dma_start3A_6 = tpu.memref_slice %arg2[%dma_start3A_4, %dma_start3A_5] : memref<2048x128xf32, #tpu.memory_space<hbm>> -> memref<2048x128xf32, #tpu.memory_space<hbm>>
    tpu.enqueue_indirect_dma source(%dma_start3A_6 : memref<2048x128xf32, #tpu.memory_space<hbm>>) target(%arg6 : memref<256x128xf32, #tpu.memory_space<vmem>>) offsets(%dma_start3A : memref<256xi32, #tpu.memory_space<vmem>>) semaphore(%arg8 : memref<!tpu.dma_semaphore, #tpu.memory_space<semaphore_mem>>)
    %scan3A = arith.constant 0 : i32
    %scan3A_7 = arith.constant 0 : i32
    %scan3A_8 = arith.constant 16 : i32
    %scan3A_9 = arith.addi %scan3A_7, %scan3A_8 : i32
    %scan3A_10 = arith.constant 1 : i32
    scf.for %scan3A_12 = %scan3A_7 to %scan3A_9 step %scan3A_10  : i32 {
      %mul3A_13 = arith.constant 2 : i32
      %mul3A_14 = arith.muli %mul3A_13, %scan3A_12 : i32
      %add3A_15 = arith.constant 1 : i32
      %add3A_16 = arith.addi %mul3A_14, %add3A_15 : i32
      %mul3A_17 = arith.constant 256 : i32
      %mul3A_18 = arith.muli %add3A_16, %mul3A_17 : i32
      %multiple_of3A_19 = tpu.assume_multiple %mul3A_18, 8 : i32
      %dma_start3A_20 = tpu.memref_slice %arg5[%multiple_of3A_19] : memref<8192xi32, #tpu.memory_space<vmem>> -> memref<256xi32, #tpu.memory_space<vmem>>
      %dma_start3A_21 = arith.constant 0 : i32
      %dma_start3A_22 = arith.constant 0 : i32
      %dma_start3A_23 = tpu.memref_slice %arg2[%dma_start3A_21, %dma_start3A_22] : memref<2048x128xf32, #tpu.memory_space<hbm>> -> memref<2048x128xf32, #tpu.memory_space<hbm>>
      tpu.enqueue_indirect_dma source(%dma_start3A_23 : memref<2048x128xf32, #tpu.memory_space<hbm>>) target(%arg7 : memref<256x128xf32, #tpu.memory_space<vmem>>) offsets(%dma_start3A_20 : memref<256xi32, #tpu.memory_space<vmem>>) semaphore(%arg9 : memref<!tpu.dma_semaphore, #tpu.memory_space<semaphore_mem>>)
      %dma_wait3A = arith.constant 0 : i32
      %dma_wait3A_24 = arith.constant 0 : i32
      %dma_wait3A_25 = tpu.memref_slice %arg2[%dma_wait3A, %dma_wait3A_24] : memref<2048x128xf32, #tpu.memory_space<hbm>> -> memref<256x128xf32, #tpu.memory_space<hbm>>
      %dma_wait3A_26 = arith.constant 0 : i32
      %dma_wait3A_27 = arith.constant 0 : i32
      %dma_wait3A_28 = tpu.memref_slice %arg2[%dma_wait3A_26, %dma_wait3A_27] : memref<2048x128xf32, #tpu.memory_space<hbm>> -> memref<256x128xf32, #tpu.memory_space<hbm>>
      tpu.wait_dma2 semaphore(%arg8 : memref<!tpu.dma_semaphore, #tpu.memory_space<semaphore_mem>>) src(%dma_wait3A_28 : memref<256x128xf32, #tpu.memory_space<hbm>>) dst(%arg6 : memref<256x128xf32, #tpu.memory_space<vmem>>)
      %mul3A_29 = arith.constant 2 : i32
      %mul3A_30 = arith.muli %mul3A_29, %scan3A_12 : i32
      %mul3A_31 = arith.constant 256 : i32
      %mul3A_32 = arith.muli %mul3A_30, %mul3A_31 : i32
      %multiple_of3A_33 = tpu.assume_multiple %mul3A_32, 8 : i32
      %add3A_34 = arith.addi %mul3A_2, %multiple_of3A_33 : i32
      "tpu.region"() ({
        %run_scoped3A = tpu.sem_alloc : memref<!tpu.dma_semaphore, #tpu.memory_space<semaphore_mem>>
        %dma_start3A_53 = arith.constant 0 : i32
        %dma_start3A_54 = tpu.memref_slice %arg4[%add3A_34, %dma_start3A_53] : memref<262144x128xf32, #tpu.memory_space<hbm>> -> memref<256x128xf32, #tpu.memory_space<hbm>>
        %dma_start3A_55 = arith.constant 0 : i32
        %dma_start3A_56 = tpu.memref_slice %arg4[%add3A_34, %dma_start3A_55] : memref<262144x128xf32, #tpu.memory_space<hbm>> -> memref<256x128xf32, #tpu.memory_space<hbm>>
        tpu.enqueue_dma source(%arg6 : memref<256x128xf32, #tpu.memory_space<vmem>>) target(%dma_start3A_56 : memref<256x128xf32, #tpu.memory_space<hbm>>) target_semaphore(%run_scoped3A : memref<!tpu.dma_semaphore, #tpu.memory_space<semaphore_mem>>)
        %dma_wait3A_57 = arith.constant 0 : i32
        %dma_wait3A_58 = tpu.memref_slice %arg4[%add3A_34, %dma_wait3A_57] : memref<262144x128xf32, #tpu.memory_space<hbm>> -> memref<256x128xf32, #tpu.memory_space<hbm>>
        %dma_wait3A_59 = arith.constant 0 : i32
        %dma_wait3A_60 = tpu.memref_slice %arg4[%add3A_34, %dma_wait3A_59] : memref<262144x128xf32, #tpu.memory_space<hbm>> -> memref<256x128xf32, #tpu.memory_space<hbm>>
        tpu.wait_dma2 semaphore(%run_scoped3A : memref<!tpu.dma_semaphore, #tpu.memory_space<semaphore_mem>>) src(%arg6 : memref<256x128xf32, #tpu.memory_space<vmem>>) dst(%dma_wait3A_60 : memref<256x128xf32, #tpu.memory_space<hbm>>)
        tpu.yield
      }) : () -> ()
      %add3A_35 = arith.constant 1 : i32
      %add3A_36 = arith.addi %scan3A_12, %add3A_35 : i32
      %lt3A = arith.constant 16 : i32
      %lt3A_37 = arith.cmpi slt, %add3A_36, %lt3A : i32
      %convert_element_type3A = arith.extui %lt3A_37 : i1 to i32
      %cond3A = arith.constant 0 : i32
      %cond3A_38 = arith.cmpi ne, %convert_element_type3A, %cond3A : i32
      scf.if %cond3A_38 {
        %mul3A_53 = arith.constant 2 : i32
        %mul3A_54 = arith.muli %mul3A_53, %scan3A_12 : i32
        %add3A_55 = arith.constant 2 : i32
        %add3A_56 = arith.addi %mul3A_54, %add3A_55 : i32
        %mul3A_57 = arith.constant 256 : i32
        %mul3A_58 = arith.muli %add3A_56, %mul3A_57 : i32
        %multiple_of3A_59 = tpu.assume_multiple %mul3A_58, 8 : i32
        %dma_start3A_60 = tpu.memref_slice %arg5[%multiple_of3A_59] : memref<8192xi32, #tpu.memory_space<vmem>> -> memref<256xi32, #tpu.memory_space<vmem>>
        %dma_start3A_61 = arith.constant 0 : i32
        %dma_start3A_62 = arith.constant 0 : i32
        %dma_start3A_63 = tpu.memref_slice %arg2[%dma_start3A_61, %dma_start3A_62] : memref<2048x128xf32, #tpu.memory_space<hbm>> -> memref<2048x128xf32, #tpu.memory_space<hbm>>
        tpu.enqueue_indirect_dma source(%dma_start3A_63 : memref<2048x128xf32, #tpu.memory_space<hbm>>) target(%arg6 : memref<256x128xf32, #tpu.memory_space<vmem>>) offsets(%dma_start3A_60 : memref<256xi32, #tpu.memory_space<vmem>>) semaphore(%arg8 : memref<!tpu.dma_semaphore, #tpu.memory_space<semaphore_mem>>)
      } else {
      }
      %dma_wait3A_39 = arith.constant 0 : i32
      %dma_wait3A_40 = arith.constant 0 : i32
      %dma_wait3A_41 = tpu.memref_slice %arg2[%dma_wait3A_39, %dma_wait3A_40] : memref<2048x128xf32, #tpu.memory_space<hbm>> -> memref<256x128xf32, #tpu.memory_space<hbm>>
      %dma_wait3A_42 = arith.constant 0 : i32
      %dma_wait3A_43 = arith.constant 0 : i32
      %dma_wait3A_44 = tpu.memref_slice %arg2[%dma_wait3A_42, %dma_wait3A_43] : memref<2048x128xf32, #tpu.memory_space<hbm>> -> memref<256x128xf32, #tpu.memory_space<hbm>>
      tpu.wait_dma2 semaphore(%arg9 : memref<!tpu.dma_semaphore, #tpu.memory_space<semaphore_mem>>) src(%dma_wait3A_44 : memref<256x128xf32, #tpu.memory_space<hbm>>) dst(%arg7 : memref<256x128xf32, #tpu.memory_space<vmem>>)
      %mul3A_45 = arith.constant 2 : i32
      %mul3A_46 = arith.muli %mul3A_45, %scan3A_12 : i32
      %add3A_47 = arith.constant 1 : i32
      %add3A_48 = arith.addi %mul3A_46, %add3A_47 : i32
      %mul3A_49 = arith.constant 256 : i32
      %mul3A_50 = arith.muli %add3A_48, %mul3A_49 : i32
      %multiple_of3A_51 = tpu.assume_multiple %mul3A_50, 8 : i32
      %add3A_52 = arith.addi %mul3A_2, %multiple_of3A_51 : i32
      "tpu.region"() ({
        %run_scoped3A = tpu.sem_alloc : memref<!tpu.dma_semaphore, #tpu.memory_space<semaphore_mem>>
        %dma_start3A_53 = arith.constant 0 : i32
        %dma_start3A_54 = tpu.memref_slice %arg4[%add3A_52, %dma_start3A_53] : memref<262144x128xf32, #tpu.memory_space<hbm>> -> memref<256x128xf32, #tpu.memory_space<hbm>>
        %dma_start3A_55 = arith.constant 0 : i32
        %dma_start3A_56 = tpu.memref_slice %arg4[%add3A_52, %dma_start3A_55] : memref<262144x128xf32, #tpu.memory_space<hbm>> -> memref<256x128xf32, #tpu.memory_space<hbm>>
        tpu.enqueue_dma source(%arg7 : memref<256x128xf32, #tpu.memory_space<vmem>>) target(%dma_start3A_56 : memref<256x128xf32, #tpu.memory_space<hbm>>) target_semaphore(%run_scoped3A : memref<!tpu.dma_semaphore, #tpu.memory_space<semaphore_mem>>)
        %dma_wait3A_57 = arith.constant 0 : i32
        %dma_wait3A_58 = tpu.memref_slice %arg4[%add3A_52, %dma_wait3A_57] : memref<262144x128xf32, #tpu.memory_space<hbm>> -> memref<256x128xf32, #tpu.memory_space<hbm>>
        %dma_wait3A_59 = arith.constant 0 : i32
        %dma_wait3A_60 = tpu.memref_slice %arg4[%add3A_52, %dma_wait3A_59] : memref<262144x128xf32, #tpu.memory_space<hbm>> -> memref<256x128xf32, #tpu.memory_space<hbm>>
        tpu.wait_dma2 semaphore(%run_scoped3A : memref<!tpu.dma_semaphore, #tpu.memory_space<semaphore_mem>>) src(%arg7 : memref<256x128xf32, #tpu.memory_space<vmem>>) dst(%dma_wait3A_60 : memref<256x128xf32, #tpu.memory_space<hbm>>)
        tpu.yield
      }) : () -> ()
    }
    %scan3A_11 = arith.constant 16 : i32
    return
  }
}

module attributes {stable_mosaic.version = 14 : i64} {
  func.func @_prep_body(%arg0: i32, %arg1: memref<2048x3xf32, #tpu.memory_space<vmem>>, %arg2: memref<2048x8xbf16, #tpu.memory_space<vmem>>) attributes {dimension_semantics = [#tpu.dimension_semantics<arbitrary>], iteration_bounds = array<i64: 32>, scalar_prefetch = 0 : i64, scratch_operands = 0 : i64, tpu.core_type = #tpu.core_type<tc>, window_params = [{transform_indices = @transform_0, window_bounds = array<i64: 2048, 3>}, {transform_indices = @transform_1, window_bounds = array<i64: 2048, 8>}]} {
    %get3A = arith.constant 0 : index
    %get3A_0 = arith.constant 0 : index
    %get3A_1 = vector.load %arg1[%get3A, %get3A_0] : memref<2048x3xf32, #tpu.memory_space<vmem>>, vector<2048x3xf32>
    %mul3A = arith.mulf %get3A_1, %get3A_1 : vector<2048x3xf32>
    %reduce_sum3A = arith.constant dense<0.000000e+00> : vector<2048xf32>
    %reduce_sum3A_2 = vector.multi_reduction <add>, %mul3A, %reduce_sum3A [1] : vector<2048x3xf32> to vector<2048xf32>
    %broadcast_in_dim3A = vector.shape_cast %reduce_sum3A_2 : vector<2048xf32> to vector<2048x1xf32>
    %convert_element_type3A = arith.truncf %broadcast_in_dim3A : vector<2048x1xf32> to vector<2048x1xbf16>
    %convert_element_type3A_3 = arith.extf %convert_element_type3A : vector<2048x1xbf16> to vector<2048x1xf32>
    %sub3A = arith.subf %broadcast_in_dim3A, %convert_element_type3A_3 : vector<2048x1xf32>
    %convert_element_type3A_4 = arith.truncf %sub3A : vector<2048x1xf32> to vector<2048x1xbf16>
    %convert_element_type3A_5 = arith.extf %convert_element_type3A_4 : vector<2048x1xbf16> to vector<2048x1xf32>
    %sub3A_6 = arith.subf %sub3A, %convert_element_type3A_5 : vector<2048x1xf32>
    %convert_element_type3A_7 = arith.truncf %sub3A_6 : vector<2048x1xf32> to vector<2048x1xbf16>
    %broadcast_in_dim3A_8 = arith.constant 0.000000e+00 : bf16
    %broadcast_in_dim3A_9 = vector.broadcast %broadcast_in_dim3A_8 : bf16 to vector<2048x2xbf16>
    %convert_element_type3A_10 = arith.truncf %get3A_1 : vector<2048x3xf32> to vector<2048x3xbf16>
    %concatenate3A = tpu.concatenate %convert_element_type3A_10, %convert_element_type3A, %convert_element_type3A_4, %convert_element_type3A_7, %broadcast_in_dim3A_9 in 1 : vector<2048x3xbf16>, vector<2048x1xbf16>, vector<2048x1xbf16>, vector<2048x1xbf16>, vector<2048x2xbf16> -> vector<2048x8xbf16>
    %swap3A = arith.constant 0 : index
    %swap3A_11 = arith.constant 0 : index
    %swap3A_12 = vector.load %arg2[%swap3A, %swap3A_11] : memref<2048x8xbf16, #tpu.memory_space<vmem>>, vector<2048x8xbf16>
    tpu.vector_store %arg2[%swap3A, %swap3A_11], %concatenate3A {strides = array<i32>} : memref<2048x8xbf16, #tpu.memory_space<vmem>>, vector<2048x8xbf16>,
    return
  }
  func.func @transform_0(%arg0: i32) -> (i32, i32) {
    %c0_i32 = arith.constant 0 : i32
    %c0_i32_0 = arith.constant 0 : i32
    return %arg0, %c0_i32 : i32, i32
  }
  func.func @transform_1(%arg0: i32) -> (i32, i32) {
    %c0_i32 = arith.constant 0 : i32
    %c0_i32_0 = arith.constant 0 : i32
    return %arg0, %c0_i32 : i32, i32
  }
}

module attributes {stable_mosaic.version = 14 : i64} {
  func.func @_knn_groups_body(%arg0: i32, %arg1: memref<3x512xf32, #tpu.memory_space<vmem>>, %arg2: memref<65536x8xbf16, #tpu.memory_space<vmem>>, %arg3: memref<16x512xi32, #tpu.memory_space<vmem>>, %arg4: memref<2048x512xf32, #tpu.memory_space<vmem>>) attributes {dimension_semantics = [#tpu.dimension_semantics<arbitrary>], iteration_bounds = array<i64: 32>, scalar_prefetch = 0 : i64, scratch_operands = 1 : i64, tpu.core_type = #tpu.core_type<tc>, window_params = [{transform_indices = @transform_0, window_bounds = array<i64: 3, 512>}, {pipeline_mode = #tpu.pipeline_mode<synchronous>, transform_indices = @transform_1, window_bounds = array<i64: 65536, 8>}, {transform_indices = @transform_2, window_bounds = array<i64: 16, 512>}]} {
    %get3A = arith.constant 0 : index
    %get3A_0 = arith.constant 0 : index
    %get3A_1 = vector.load %arg1[%get3A, %get3A_0] : memref<3x512xf32, #tpu.memory_space<vmem>>, vector<3x512xf32>
    %mul3A = arith.constant -2.000000e+00 : f32
    %mul3A_2 = vector.broadcast %mul3A : f32 to vector<3x512xf32>
    %mul3A_3 = arith.mulf %mul3A_2, %get3A_1 : vector<3x512xf32>
    %convert_element_type3A = arith.truncf %mul3A_3 : vector<3x512xf32> to vector<3x512xbf16>
    %broadcast_in_dim3A = arith.constant 1.000000e+00 : bf16
    %broadcast_in_dim3A_4 = vector.broadcast %broadcast_in_dim3A : bf16 to vector<3x512xbf16>
    %broadcast_in_dim3A_5 = arith.constant 0.000000e+00 : bf16
    %broadcast_in_dim3A_6 = vector.broadcast %broadcast_in_dim3A_5 : bf16 to vector<2x512xbf16>
    %concatenate3A = tpu.concatenate %convert_element_type3A, %broadcast_in_dim3A_4, %broadcast_in_dim3A_6 in 0 : vector<3x512xbf16>, vector<3x512xbf16>, vector<2x512xbf16> -> vector<8x512xbf16>
    %get3A_7 = arith.constant 0 : index
    %get3A_8 = arith.constant 0 : index
    %get3A_9 = vector.load %arg2[%get3A_7, %get3A_8] : memref<65536x8xbf16, #tpu.memory_space<vmem>>, vector<2048x8xbf16>
    %dot_general3A = arith.constant dense<0.000000e+00> : vector<2048x512xf32>
    %dot_general3A_10 = tpu.matmul %get3A_9, %concatenate3A, %dot_general3A {dimension_numbers = #tpu.dot_dimension_numbers<[1], [0], [0], [1], [0, 0, 1, 1], [], []>, transpose_lhs_hint = false} : vector<2048x8xbf16>, vector<8x512xbf16>, vector<2048x512xf32> -> vector<2048x512xf32>
    %reshape3A = vector.shape_cast %dot_general3A_10 : vector<2048x512xf32> to vector<32x64x512xf32>
    %reduce_min3A = arith.constant dense<0x7F800000> : vector<64x512xf32>
    %reduce_min3A_11 = vector.multi_reduction <minimumf>, %reshape3A, %reduce_min3A [0] : vector<32x64x512xf32> to vector<64x512xf32>
    %swap3A = arith.constant 0 : index
    %swap3A_12 = arith.constant 0 : index
    %swap3A_13 = vector.load %arg4[%swap3A, %swap3A_12] : memref<2048x512xf32, #tpu.memory_space<vmem>>, vector<64x512xf32>
    tpu.vector_store %arg4[%swap3A, %swap3A_12], %reduce_min3A_11 {strides = array<i32>} : memref<2048x512xf32, #tpu.memory_space<vmem>>, vector<64x512xf32>,
    %get3A_14 = arith.constant 2048 : index
    %get3A_15 = arith.constant 0 : index
    %get3A_16 = vector.load %arg2[%get3A_14, %get3A_15] : memref<65536x8xbf16, #tpu.memory_space<vmem>>, vector<2048x8xbf16>
    %dot_general3A_17 = arith.constant dense<0.000000e+00> : vector<2048x512xf32>
    %dot_general3A_18 = tpu.matmul %get3A_16, %concatenate3A, %dot_general3A_17 {dimension_numbers = #tpu.dot_dimension_numbers<[1], [0], [0], [1], [0, 0, 1, 1], [], []>, transpose_lhs_hint = false} : vector<2048x8xbf16>, vector<8x512xbf16>, vector<2048x512xf32> -> vector<2048x512xf32>
    %reshape3A_19 = vector.shape_cast %dot_general3A_18 : vector<2048x512xf32> to vector<32x64x512xf32>
    %reduce_min3A_20 = arith.constant dense<0x7F800000> : vector<64x512xf32>
    %reduce_min3A_21 = vector.multi_reduction <minimumf>, %reshape3A_19, %reduce_min3A_20 [0] : vector<32x64x512xf32> to vector<64x512xf32>
    %swap3A_22 = arith.constant 64 : index
    %swap3A_23 = arith.constant 0 : index
    %swap3A_24 = vector.load %arg4[%swap3A_22, %swap3A_23] : memref<2048x512xf32, #tpu.memory_space<vmem>>, vector<64x512xf32>
    tpu.vector_store %arg4[%swap3A_22, %swap3A_23], %reduce_min3A_21 {strides = array<i32>} : memref<2048x512xf32, #tpu.memory_space<vmem>>, vector<64x512xf32>,
    %get3A_25 = arith.constant 4096 : index
    %get3A_26 = arith.constant 0 : index
    %get3A_27 = vector.load %arg2[%get3A_25, %get3A_26] : memref<65536x8xbf16, #tpu.memory_space<vmem>>, vector<2048x8xbf16>
    %dot_general3A_28 = arith.constant dense<0.000000e+00> : vector<2048x512xf32>
    %dot_general3A_29 = tpu.matmul %get3A_27, %concatenate3A, %dot_general3A_28 {dimension_numbers = #tpu.dot_dimension_numbers<[1], [0], [0], [1], [0, 0, 1, 1], [], []>, transpose_lhs_hint = false} : vector<2048x8xbf16>, vector<8x512xbf16>, vector<2048x512xf32> -> vector<2048x512xf32>
    %reshape3A_30 = vector.shape_cast %dot_general3A_29 : vector<2048x512xf32> to vector<32x64x512xf32>
    %reduce_min3A_31 = arith.constant dense<0x7F800000> : vector<64x512xf32>
    %reduce_min3A_32 = vector.multi_reduction <minimumf>, %reshape3A_30, %reduce_min3A_31 [0] : vector<32x64x512xf32> to vector<64x512xf32>
    %swap3A_33 = arith.constant 128 : index
    %swap3A_34 = arith.constant 0 : index
    %swap3A_35 = vector.load %arg4[%swap3A_33, %swap3A_34] : memref<2048x512xf32, #tpu.memory_space<vmem>>, vector<64x512xf32>
    tpu.vector_store %arg4[%swap3A_33, %swap3A_34], %reduce_min3A_32 {strides = array<i32>} : memref<2048x512xf32, #tpu.memory_space<vmem>>, vector<64x512xf32>,
    %get3A_36 = arith.constant 6144 : index
    %get3A_37 = arith.constant 0 : index
    %get3A_38 = vector.load %arg2[%get3A_36, %get3A_37] : memref<65536x8xbf16, #tpu.memory_space<vmem>>, vector<2048x8xbf16>
    %dot_general3A_39 = arith.constant dense<0.000000e+00> : vector<2048x512xf32>
    %dot_general3A_40 = tpu.matmul %get3A_38, %concatenate3A, %dot_general3A_39 {dimension_numbers = #tpu.dot_dimension_numbers<[1], [0], [0], [1], [0, 0, 1, 1], [], []>, transpose_lhs_hint = false} : vector<2048x8xbf16>, vector<8x512xbf16>, vector<2048x512xf32> -> vector<2048x512xf32>
    %reshape3A_41 = vector.shape_cast %dot_general3A_40 : vector<2048x512xf32> to vector<32x64x512xf32>
    %reduce_min3A_42 = arith.constant dense<0x7F800000> : vector<64x512xf32>
    %reduce_min3A_43 = vector.multi_reduction <minimumf>, %reshape3A_41, %reduce_min3A_42 [0] : vector<32x64x512xf32> to vector<64x512xf32>
    %swap3A_44 = arith.constant 192 : index
    %swap3A_45 = arith.constant 0 : index
    %swap3A_46 = vector.load %arg4[%swap3A_44, %swap3A_45] : memref<2048x512xf32, #tpu.memory_space<vmem>>, vector<64x512xf32>
    tpu.vector_store %arg4[%swap3A_44, %swap3A_45], %reduce_min3A_43 {strides = array<i32>} : memref<2048x512xf32, #tpu.memory_space<vmem>>, vector<64x512xf32>,
    %get3A_47 = arith.constant 8192 : index
    %get3A_48 = arith.constant 0 : index
    %get3A_49 = vector.load %arg2[%get3A_47, %get3A_48] : memref<65536x8xbf16, #tpu.memory_space<vmem>>, vector<2048x8xbf16>
    %dot_general3A_50 = arith.constant dense<0.000000e+00> : vector<2048x512xf32>
    %dot_general3A_51 = tpu.matmul %get3A_49, %concatenate3A, %dot_general3A_50 {dimension_numbers = #tpu.dot_dimension_numbers<[1], [0], [0], [1], [0, 0, 1, 1], [], []>, transpose_lhs_hint = false} : vector<2048x8xbf16>, vector<8x512xbf16>, vector<2048x512xf32> -> vector<2048x512xf32>
    %reshape3A_52 = vector.shape_cast %dot_general3A_51 : vector<2048x512xf32> to vector<32x64x512xf32>
    %reduce_min3A_53 = arith.constant dense<0x7F800000> : vector<64x512xf32>
    %reduce_min3A_54 = vector.multi_reduction <minimumf>, %reshape3A_52, %reduce_min3A_53 [0] : vector<32x64x512xf32> to vector<64x512xf32>
    %swap3A_55 = arith.constant 256 : index
    %swap3A_56 = arith.constant 0 : index
    %swap3A_57 = vector.load %arg4[%swap3A_55, %swap3A_56] : memref<2048x512xf32, #tpu.memory_space<vmem>>, vector<64x512xf32>
    tpu.vector_store %arg4[%swap3A_55, %swap3A_56], %reduce_min3A_54 {strides = array<i32>} : memref<2048x512xf32, #tpu.memory_space<vmem>>, vector<64x512xf32>,
    %get3A_58 = arith.constant 10240 : index
    %get3A_59 = arith.constant 0 : index
    %get3A_60 = vector.load %arg2[%get3A_58, %get3A_59] : memref<65536x8xbf16, #tpu.memory_space<vmem>>, vector<2048x8xbf16>
    %dot_general3A_61 = arith.constant dense<0.000000e+00> : vector<2048x512xf32>
    %dot_general3A_62 = tpu.matmul %get3A_60, %concatenate3A, %dot_general3A_61 {dimension_numbers = #tpu.dot_dimension_numbers<[1], [0], [0], [1], [0, 0, 1, 1], [], []>, transpose_lhs_hint = false} : vector<2048x8xbf16>, vector<8x512xbf16>, vector<2048x512xf32> -> vector<2048x512xf32>
    %reshape3A_63 = vector.shape_cast %dot_general3A_62 : vector<2048x512xf32> to vector<32x64x512xf32>
    %reduce_min3A_64 = arith.constant dense<0x7F800000> : vector<64x512xf32>
    %reduce_min3A_65 = vector.multi_reduction <minimumf>, %reshape3A_63, %reduce_min3A_64 [0] : vector<32x64x512xf32> to vector<64x512xf32>
    %swap3A_66 = arith.constant 320 : index
    %swap3A_67 = arith.constant 0 : index
    %swap3A_68 = vector.load %arg4[%swap3A_66, %swap3A_67] : memref<2048x512xf32, #tpu.memory_space<vmem>>, vector<64x512xf32>
    tpu.vector_store %arg4[%swap3A_66, %swap3A_67], %reduce_min3A_65 {strides = array<i32>} : memref<2048x512xf32, #tpu.memory_space<vmem>>, vector<64x512xf32>,
    %get3A_69 = arith.constant 12288 : index
    %get3A_70 = arith.constant 0 : index
    %get3A_71 = vector.load %arg2[%get3A_69, %get3A_70] : memref<65536x8xbf16, #tpu.memory_space<vmem>>, vector<2048x8xbf16>
    %dot_general3A_72 = arith.constant dense<0.000000e+00> : vector<2048x512xf32>
    %dot_general3A_73 = tpu.matmul %get3A_71, %concatenate3A, %dot_general3A_72 {dimension_numbers = #tpu.dot_dimension_numbers<[1], [0], [0], [1], [0, 0, 1, 1], [], []>, transpose_lhs_hint = false} : vector<2048x8xbf16>, vector<8x512xbf16>, vector<2048x512xf32> -> vector<2048x512xf32>
    %reshape3A_74 = vector.shape_cast %dot_general3A_73 : vector<2048x512xf32> to vector<32x64x512xf32>
    %reduce_min3A_75 = arith.constant dense<0x7F800000> : vector<64x512xf32>
    %reduce_min3A_76 = vector.multi_reduction <minimumf>, %reshape3A_74, %reduce_min3A_75 [0] : vector<32x64x512xf32> to vector<64x512xf32>
    %swap3A_77 = arith.constant 384 : index
    %swap3A_78 = arith.constant 0 : index
    %swap3A_79 = vector.load %arg4[%swap3A_77, %swap3A_78] : memref<2048x512xf32, #tpu.memory_space<vmem>>, vector<64x512xf32>
    tpu.vector_store %arg4[%swap3A_77, %swap3A_78], %reduce_min3A_76 {strides = array<i32>} : memref<2048x512xf32, #tpu.memory_space<vmem>>, vector<64x512xf32>,
    %get3A_80 = arith.constant 14336 : index
    %get3A_81 = arith.constant 0 : index
    %get3A_82 = vector.load %arg2[%get3A_80, %get3A_81] : memref<65536x8xbf16, #tpu.memory_space<vmem>>, vector<2048x8xbf16>
    %dot_general3A_83 = arith.constant dense<0.000000e+00> : vector<2048x512xf32>
    %dot_general3A_84 = tpu.matmul %get3A_82, %concatenate3A, %dot_general3A_83 {dimension_numbers = #tpu.dot_dimension_numbers<[1], [0], [0], [1], [0, 0, 1, 1], [], []>, transpose_lhs_hint = false} : vector<2048x8xbf16>, vector<8x512xbf16>, vector<2048x512xf32> -> vector<2048x512xf32>
    %reshape3A_85 = vector.shape_cast %dot_general3A_84 : vector<2048x512xf32> to vector<32x64x512xf32>
    %reduce_min3A_86 = arith.constant dense<0x7F800000> : vector<64x512xf32>
    %reduce_min3A_87 = vector.multi_reduction <minimumf>, %reshape3A_85, %reduce_min3A_86 [0] : vector<32x64x512xf32> to vector<64x512xf32>
    %swap3A_88 = arith.constant 448 : index
    %swap3A_89 = arith.constant 0 : index
    %swap3A_90 = vector.load %arg4[%swap3A_88, %swap3A_89] : memref<2048x512xf32, #tpu.memory_space<vmem>>, vector<64x512xf32>
    tpu.vector_store %arg4[%swap3A_88, %swap3A_89], %reduce_min3A_87 {strides = array<i32>} : memref<2048x512xf32, #tpu.memory_space<vmem>>, vector<64x512xf32>,
    %get3A_91 = arith.constant 16384 : index
    %get3A_92 = arith.constant 0 : index
    %get3A_93 = vector.load %arg2[%get3A_91, %get3A_92] : memref<65536x8xbf16, #tpu.memory_space<vmem>>, vector<2048x8xbf16>
    %dot_general3A_94 = arith.constant dense<0.000000e+00> : vector<2048x512xf32>
    %dot_general3A_95 = tpu.matmul %get3A_93, %concatenate3A, %dot_general3A_94 {dimension_numbers = #tpu.dot_dimension_numbers<[1], [0], [0], [1], [0, 0, 1, 1], [], []>, transpose_lhs_hint = false} : vector<2048x8xbf16>, vector<8x512xbf16>, vector<2048x512xf32> -> vector<2048x512xf32>
    %reshape3A_96 = vector.shape_cast %dot_general3A_95 : vector<2048x512xf32> to vector<32x64x512xf32>
    %reduce_min3A_97 = arith.constant dense<0x7F800000> : vector<64x512xf32>
    %reduce_min3A_98 = vector.multi_reduction <minimumf>, %reshape3A_96, %reduce_min3A_97 [0] : vector<32x64x512xf32> to vector<64x512xf32>
    %swap3A_99 = arith.constant 512 : index
    %swap3A_100 = arith.constant 0 : index
    %swap3A_101 = vector.load %arg4[%swap3A_99, %swap3A_100] : memref<2048x512xf32, #tpu.memory_space<vmem>>, vector<64x512xf32>
    tpu.vector_store %arg4[%swap3A_99, %swap3A_100], %reduce_min3A_98 {strides = array<i32>} : memref<2048x512xf32, #tpu.memory_space<vmem>>, vector<64x512xf32>,
    %get3A_102 = arith.constant 18432 : index
    %get3A_103 = arith.constant 0 : index
    %get3A_104 = vector.load %arg2[%get3A_102, %get3A_103] : memref<65536x8xbf16, #tpu.memory_space<vmem>>, vector<2048x8xbf16>
    %dot_general3A_105 = arith.constant dense<0.000000e+00> : vector<2048x512xf32>
    %dot_general3A_106 = tpu.matmul %get3A_104, %concatenate3A, %dot_general3A_105 {dimension_numbers = #tpu.dot_dimension_numbers<[1], [0], [0], [1], [0, 0, 1, 1], [], []>, transpose_lhs_hint = false} : vector<2048x8xbf16>, vector<8x512xbf16>, vector<2048x512xf32> -> vector<2048x512xf32>
    %reshape3A_107 = vector.shape_cast %dot_general3A_106 : vector<2048x512xf32> to vector<32x64x512xf32>
    %reduce_min3A_108 = arith.constant dense<0x7F800000> : vector<64x512xf32>
    %reduce_min3A_109 = vector.multi_reduction <minimumf>, %reshape3A_107, %reduce_min3A_108 [0] : vector<32x64x512xf32> to vector<64x512xf32>
    %swap3A_110 = arith.constant 576 : index
    %swap3A_111 = arith.constant 0 : index
    %swap3A_112 = vector.load %arg4[%swap3A_110, %swap3A_111] : memref<2048x512xf32, #tpu.memory_space<vmem>>, vector<64x512xf32>
    tpu.vector_store %arg4[%swap3A_110, %swap3A_111], %reduce_min3A_109 {strides = array<i32>} : memref<2048x512xf32, #tpu.memory_space<vmem>>, vector<64x512xf32>,
    %get3A_113 = arith.constant 20480 : index
    %get3A_114 = arith.constant 0 : index
    %get3A_115 = vector.load %arg2[%get3A_113, %get3A_114] : memref<65536x8xbf16, #tpu.memory_space<vmem>>, vector<2048x8xbf16>
    %dot_general3A_116 = arith.constant dense<0.000000e+00> : vector<2048x512xf32>
    %dot_general3A_117 = tpu.matmul %get3A_115, %concatenate3A, %dot_general3A_116 {dimension_numbers = #tpu.dot_dimension_numbers<[1], [0], [0], [1], [0, 0, 1, 1], [], []>, transpose_lhs_hint = false} : vector<2048x8xbf16>, vector<8x512xbf16>, vector<2048x512xf32> -> vector<2048x512xf32>
    %reshape3A_118 = vector.shape_cast %dot_general3A_117 : vector<2048x512xf32> to vector<32x64x512xf32>
    %reduce_min3A_119 = arith.constant dense<0x7F800000> : vector<64x512xf32>
    %reduce_min3A_120 = vector.multi_reduction <minimumf>, %reshape3A_118, %reduce_min3A_119 [0] : vector<32x64x512xf32> to vector<64x512xf32>
    %swap3A_121 = arith.constant 640 : index
    %swap3A_122 = arith.constant 0 : index
    %swap3A_123 = vector.load %arg4[%swap3A_121, %swap3A_122] : memref<2048x512xf32, #tpu.memory_space<vmem>>, vector<64x512xf32>
    tpu.vector_store %arg4[%swap3A_121, %swap3A_122], %reduce_min3A_120 {strides = array<i32>} : memref<2048x512xf32, #tpu.memory_space<vmem>>, vector<64x512xf32>,
    %get3A_124 = arith.constant 22528 : index
    %get3A_125 = arith.constant 0 : index
    %get3A_126 = vector.load %arg2[%get3A_124, %get3A_125] : memref<65536x8xbf16, #tpu.memory_space<vmem>>, vector<2048x8xbf16>
    %dot_general3A_127 = arith.constant dense<0.000000e+00> : vector<2048x512xf32>
    %dot_general3A_128 = tpu.matmul %get3A_126, %concatenate3A, %dot_general3A_127 {dimension_numbers = #tpu.dot_dimension_numbers<[1], [0], [0], [1], [0, 0, 1, 1], [], []>, transpose_lhs_hint = false} : vector<2048x8xbf16>, vector<8x512xbf16>, vector<2048x512xf32> -> vector<2048x512xf32>
    %reshape3A_129 = vector.shape_cast %dot_general3A_128 : vector<2048x512xf32> to vector<32x64x512xf32>
    %reduce_min3A_130 = arith.constant dense<0x7F800000> : vector<64x512xf32>
    %reduce_min3A_131 = vector.multi_reduction <minimumf>, %reshape3A_129, %reduce_min3A_130 [0] : vector<32x64x512xf32> to vector<64x512xf32>
    %swap3A_132 = arith.constant 704 : index
    %swap3A_133 = arith.constant 0 : index
    %swap3A_134 = vector.load %arg4[%swap3A_132, %swap3A_133] : memref<2048x512xf32, #tpu.memory_space<vmem>>, vector<64x512xf32>
    tpu.vector_store %arg4[%swap3A_132, %swap3A_133], %reduce_min3A_131 {strides = array<i32>} : memref<2048x512xf32, #tpu.memory_space<vmem>>, vector<64x512xf32>,
    %get3A_135 = arith.constant 24576 : index
    %get3A_136 = arith.constant 0 : index
    %get3A_137 = vector.load %arg2[%get3A_135, %get3A_136] : memref<65536x8xbf16, #tpu.memory_space<vmem>>, vector<2048x8xbf16>
    %dot_general3A_138 = arith.constant dense<0.000000e+00> : vector<2048x512xf32>
    %dot_general3A_139 = tpu.matmul %get3A_137, %concatenate3A, %dot_general3A_138 {dimension_numbers = #tpu.dot_dimension_numbers<[1], [0], [0], [1], [0, 0, 1, 1], [], []>, transpose_lhs_hint = false} : vector<2048x8xbf16>, vector<8x512xbf16>, vector<2048x512xf32> -> vector<2048x512xf32>
    %reshape3A_140 = vector.shape_cast %dot_general3A_139 : vector<2048x512xf32> to vector<32x64x512xf32>
    %reduce_min3A_141 = arith.constant dense<0x7F800000> : vector<64x512xf32>
    %reduce_min3A_142 = vector.multi_reduction <minimumf>, %reshape3A_140, %reduce_min3A_141 [0] : vector<32x64x512xf32> to vector<64x512xf32>
    %swap3A_143 = arith.constant 768 : index
    %swap3A_144 = arith.constant 0 : index
    %swap3A_145 = vector.load %arg4[%swap3A_143, %swap3A_144] : memref<2048x512xf32, #tpu.memory_space<vmem>>, vector<64x512xf32>
    tpu.vector_store %arg4[%swap3A_143, %swap3A_144], %reduce_min3A_142 {strides = array<i32>} : memref<2048x512xf32, #tpu.memory_space<vmem>>, vector<64x512xf32>,
    %get3A_146 = arith.constant 26624 : index
    %get3A_147 = arith.constant 0 : index
    %get3A_148 = vector.load %arg2[%get3A_146, %get3A_147] : memref<65536x8xbf16, #tpu.memory_space<vmem>>, vector<2048x8xbf16>
    %dot_general3A_149 = arith.constant dense<0.000000e+00> : vector<2048x512xf32>
    %dot_general3A_150 = tpu.matmul %get3A_148, %concatenate3A, %dot_general3A_149 {dimension_numbers = #tpu.dot_dimension_numbers<[1], [0], [0], [1], [0, 0, 1, 1], [], []>, transpose_lhs_hint = false} : vector<2048x8xbf16>, vector<8x512xbf16>, vector<2048x512xf32> -> vector<2048x512xf32>
    %reshape3A_151 = vector.shape_cast %dot_general3A_150 : vector<2048x512xf32> to vector<32x64x512xf32>
    %reduce_min3A_152 = arith.constant dense<0x7F800000> : vector<64x512xf32>
    %reduce_min3A_153 = vector.multi_reduction <minimumf>, %reshape3A_151, %reduce_min3A_152 [0] : vector<32x64x512xf32> to vector<64x512xf32>
    %swap3A_154 = arith.constant 832 : index
    %swap3A_155 = arith.constant 0 : index
    %swap3A_156 = vector.load %arg4[%swap3A_154, %swap3A_155] : memref<2048x512xf32, #tpu.memory_space<vmem>>, vector<64x512xf32>
    tpu.vector_store %arg4[%swap3A_154, %swap3A_155], %reduce_min3A_153 {strides = array<i32>} : memref<2048x512xf32, #tpu.memory_space<vmem>>, vector<64x512xf32>,
    %get3A_157 = arith.constant 28672 : index
    %get3A_158 = arith.constant 0 : index
    %get3A_159 = vector.load %arg2[%get3A_157, %get3A_158] : memref<65536x8xbf16, #tpu.memory_space<vmem>>, vector<2048x8xbf16>
    %dot_general3A_160 = arith.constant dense<0.000000e+00> : vector<2048x512xf32>
    %dot_general3A_161 = tpu.matmul %get3A_159, %concatenate3A, %dot_general3A_160 {dimension_numbers = #tpu.dot_dimension_numbers<[1], [0], [0], [1], [0, 0, 1, 1], [], []>, transpose_lhs_hint = false} : vector<2048x8xbf16>, vector<8x512xbf16>, vector<2048x512xf32> -> vector<2048x512xf32>
    %reshape3A_162 = vector.shape_cast %dot_general3A_161 : vector<2048x512xf32> to vector<32x64x512xf32>
    %reduce_min3A_163 = arith.constant dense<0x7F800000> : vector<64x512xf32>
    %reduce_min3A_164 = vector.multi_reduction <minimumf>, %reshape3A_162, %reduce_min3A_163 [0] : vector<32x64x512xf32> to vector<64x512xf32>
    %swap3A_165 = arith.constant 896 : index
    %swap3A_166 = arith.constant 0 : index
    %swap3A_167 = vector.load %arg4[%swap3A_165, %swap3A_166] : memref<2048x512xf32, #tpu.memory_space<vmem>>, vector<64x512xf32>
    tpu.vector_store %arg4[%swap3A_165, %swap3A_166], %reduce_min3A_164 {strides = array<i32>} : memref<2048x512xf32, #tpu.memory_space<vmem>>, vector<64x512xf32>,
    %get3A_168 = arith.constant 30720 : index
    %get3A_169 = arith.constant 0 : index
    %get3A_170 = vector.load %arg2[%get3A_168, %get3A_169] : memref<65536x8xbf16, #tpu.memory_space<vmem>>, vector<2048x8xbf16>
    %dot_general3A_171 = arith.constant dense<0.000000e+00> : vector<2048x512xf32>
    %dot_general3A_172 = tpu.matmul %get3A_170, %concatenate3A, %dot_general3A_171 {dimension_numbers = #tpu.dot_dimension_numbers<[1], [0], [0], [1], [0, 0, 1, 1], [], []>, transpose_lhs_hint = false} : vector<2048x8xbf16>, vector<8x512xbf16>, vector<2048x512xf32> -> vector<2048x512xf32>
    %reshape3A_173 = vector.shape_cast %dot_general3A_172 : vector<2048x512xf32> to vector<32x64x512xf32>
    %reduce_min3A_174 = arith.constant dense<0x7F800000> : vector<64x512xf32>
    %reduce_min3A_175 = vector.multi_reduction <minimumf>, %reshape3A_173, %reduce_min3A_174 [0] : vector<32x64x512xf32> to vector<64x512xf32>
    %swap3A_176 = arith.constant 960 : index
    %swap3A_177 = arith.constant 0 : index
    %swap3A_178 = vector.load %arg4[%swap3A_176, %swap3A_177] : memref<2048x512xf32, #tpu.memory_space<vmem>>, vector<64x512xf32>
    tpu.vector_store %arg4[%swap3A_176, %swap3A_177], %reduce_min3A_175 {strides = array<i32>} : memref<2048x512xf32, #tpu.memory_space<vmem>>, vector<64x512xf32>,
    %get3A_179 = arith.constant 32768 : index
    %get3A_180 = arith.constant 0 : index
    %get3A_181 = vector.load %arg2[%get3A_179, %get3A_180] : memref<65536x8xbf16, #tpu.memory_space<vmem>>, vector<2048x8xbf16>
    %dot_general3A_182 = arith.constant dense<0.000000e+00> : vector<2048x512xf32>
    %dot_general3A_183 = tpu.matmul %get3A_181, %concatenate3A, %dot_general3A_182 {dimension_numbers = #tpu.dot_dimension_numbers<[1], [0], [0], [1], [0, 0, 1, 1], [], []>, transpose_lhs_hint = false} : vector<2048x8xbf16>, vector<8x512xbf16>, vector<2048x512xf32> -> vector<2048x512xf32>
    %reshape3A_184 = vector.shape_cast %dot_general3A_183 : vector<2048x512xf32> to vector<32x64x512xf32>
    %reduce_min3A_185 = arith.constant dense<0x7F800000> : vector<64x512xf32>
    %reduce_min3A_186 = vector.multi_reduction <minimumf>, %reshape3A_184, %reduce_min3A_185 [0] : vector<32x64x512xf32> to vector<64x512xf32>
    %swap3A_187 = arith.constant 1024 : index
    %swap3A_188 = arith.constant 0 : index
    %swap3A_189 = vector.load %arg4[%swap3A_187, %swap3A_188] : memref<2048x512xf32, #tpu.memory_space<vmem>>, vector<64x512xf32>
    tpu.vector_store %arg4[%swap3A_187, %swap3A_188], %reduce_min3A_186 {strides = array<i32>} : memref<2048x512xf32, #tpu.memory_space<vmem>>, vector<64x512xf32>,
    %get3A_190 = arith.constant 34816 : index
    %get3A_191 = arith.constant 0 : index
    %get3A_192 = vector.load %arg2[%get3A_190, %get3A_191] : memref<65536x8xbf16, #tpu.memory_space<vmem>>, vector<2048x8xbf16>
    %dot_general3A_193 = arith.constant dense<0.000000e+00> : vector<2048x512xf32>
    %dot_general3A_194 = tpu.matmul %get3A_192, %concatenate3A, %dot_general3A_193 {dimension_numbers = #tpu.dot_dimension_numbers<[1], [0], [0], [1], [0, 0, 1, 1], [], []>, transpose_lhs_hint = false} : vector<2048x8xbf16>, vector<8x512xbf16>, vector<2048x512xf32> -> vector<2048x512xf32>
    %reshape3A_195 = vector.shape_cast %dot_general3A_194 : vector<2048x512xf32> to vector<32x64x512xf32>
    %reduce_min3A_196 = arith.constant dense<0x7F800000> : vector<64x512xf32>
    %reduce_min3A_197 = vector.multi_reduction <minimumf>, %reshape3A_195, %reduce_min3A_196 [0] : vector<32x64x512xf32> to vector<64x512xf32>
    %swap3A_198 = arith.constant 1088 : index
    %swap3A_199 = arith.constant 0 : index
    %swap3A_200 = vector.load %arg4[%swap3A_198, %swap3A_199] : memref<2048x512xf32, #tpu.memory_space<vmem>>, vector<64x512xf32>
    tpu.vector_store %arg4[%swap3A_198, %swap3A_199], %reduce_min3A_197 {strides = array<i32>} : memref<2048x512xf32, #tpu.memory_space<vmem>>, vector<64x512xf32>,
    %get3A_201 = arith.constant 36864 : index
    %get3A_202 = arith.constant 0 : index
    %get3A_203 = vector.load %arg2[%get3A_201, %get3A_202] : memref<65536x8xbf16, #tpu.memory_space<vmem>>, vector<2048x8xbf16>
    %dot_general3A_204 = arith.constant dense<0.000000e+00> : vector<2048x512xf32>
    %dot_general3A_205 = tpu.matmul %get3A_203, %concatenate3A, %dot_general3A_204 {dimension_numbers = #tpu.dot_dimension_numbers<[1], [0], [0], [1], [0, 0, 1, 1], [], []>, transpose_lhs_hint = false} : vector<2048x8xbf16>, vector<8x512xbf16>, vector<2048x512xf32> -> vector<2048x512xf32>
    %reshape3A_206 = vector.shape_cast %dot_general3A_205 : vector<2048x512xf32> to vector<32x64x512xf32>
    %reduce_min3A_207 = arith.constant dense<0x7F800000> : vector<64x512xf32>
    %reduce_min3A_208 = vector.multi_reduction <minimumf>, %reshape3A_206, %reduce_min3A_207 [0] : vector<32x64x512xf32> to vector<64x512xf32>
    %swap3A_209 = arith.constant 1152 : index
    %swap3A_210 = arith.constant 0 : index
    %swap3A_211 = vector.load %arg4[%swap3A_209, %swap3A_210] : memref<2048x512xf32, #tpu.memory_space<vmem>>, vector<64x512xf32>
    tpu.vector_store %arg4[%swap3A_209, %swap3A_210], %reduce_min3A_208 {strides = array<i32>} : memref<2048x512xf32, #tpu.memory_space<vmem>>, vector<64x512xf32>,
    %get3A_212 = arith.constant 38912 : index
    %get3A_213 = arith.constant 0 : index
    %get3A_214 = vector.load %arg2[%get3A_212, %get3A_213] : memref<65536x8xbf16, #tpu.memory_space<vmem>>, vector<2048x8xbf16>
    %dot_general3A_215 = arith.constant dense<0.000000e+00> : vector<2048x512xf32>
    %dot_general3A_216 = tpu.matmul %get3A_214, %concatenate3A, %dot_general3A_215 {dimension_numbers = #tpu.dot_dimension_numbers<[1], [0], [0], [1], [0, 0, 1, 1], [], []>, transpose_lhs_hint = false} : vector<2048x8xbf16>, vector<8x512xbf16>, vector<2048x512xf32> -> vector<2048x512xf32>
    %reshape3A_217 = vector.shape_cast %dot_general3A_216 : vector<2048x512xf32> to vector<32x64x512xf32>
    %reduce_min3A_218 = arith.constant dense<0x7F800000> : vector<64x512xf32>
    %reduce_min3A_219 = vector.multi_reduction <minimumf>, %reshape3A_217, %reduce_min3A_218 [0] : vector<32x64x512xf32> to vector<64x512xf32>
    %swap3A_220 = arith.constant 1216 : index
    %swap3A_221 = arith.constant 0 : index
    %swap3A_222 = vector.load %arg4[%swap3A_220, %swap3A_221] : memref<2048x512xf32, #tpu.memory_space<vmem>>, vector<64x512xf32>
    tpu.vector_store %arg4[%swap3A_220, %swap3A_221], %reduce_min3A_219 {strides = array<i32>} : memref<2048x512xf32, #tpu.memory_space<vmem>>, vector<64x512xf32>,
    %get3A_223 = arith.constant 40960 : index
    %get3A_224 = arith.constant 0 : index
    %get3A_225 = vector.load %arg2[%get3A_223, %get3A_224] : memref<65536x8xbf16, #tpu.memory_space<vmem>>, vector<2048x8xbf16>
    %dot_general3A_226 = arith.constant dense<0.000000e+00> : vector<2048x512xf32>
    %dot_general3A_227 = tpu.matmul %get3A_225, %concatenate3A, %dot_general3A_226 {dimension_numbers = #tpu.dot_dimension_numbers<[1], [0], [0], [1], [0, 0, 1, 1], [], []>, transpose_lhs_hint = false} : vector<2048x8xbf16>, vector<8x512xbf16>, vector<2048x512xf32> -> vector<2048x512xf32>
    %reshape3A_228 = vector.shape_cast %dot_general3A_227 : vector<2048x512xf32> to vector<32x64x512xf32>
    %reduce_min3A_229 = arith.constant dense<0x7F800000> : vector<64x512xf32>
    %reduce_min3A_230 = vector.multi_reduction <minimumf>, %reshape3A_228, %reduce_min3A_229 [0] : vector<32x64x512xf32> to vector<64x512xf32>
    %swap3A_231 = arith.constant 1280 : index
    %swap3A_232 = arith.constant 0 : index
    %swap3A_233 = vector.load %arg4[%swap3A_231, %swap3A_232] : memref<2048x512xf32, #tpu.memory_space<vmem>>, vector<64x512xf32>
    tpu.vector_store %arg4[%swap3A_231, %swap3A_232], %reduce_min3A_230 {strides = array<i32>} : memref<2048x512xf32, #tpu.memory_space<vmem>>, vector<64x512xf32>,
    %get3A_234 = arith.constant 43008 : index
    %get3A_235 = arith.constant 0 : index
    %get3A_236 = vector.load %arg2[%get3A_234, %get3A_235] : memref<65536x8xbf16, #tpu.memory_space<vmem>>, vector<2048x8xbf16>
    %dot_general3A_237 = arith.constant dense<0.000000e+00> : vector<2048x512xf32>
    %dot_general3A_238 = tpu.matmul %get3A_236, %concatenate3A, %dot_general3A_237 {dimension_numbers = #tpu.dot_dimension_numbers<[1], [0], [0], [1], [0, 0, 1, 1], [], []>, transpose_lhs_hint = false} : vector<2048x8xbf16>, vector<8x512xbf16>, vector<2048x512xf32> -> vector<2048x512xf32>
    %reshape3A_239 = vector.shape_cast %dot_general3A_238 : vector<2048x512xf32> to vector<32x64x512xf32>
    %reduce_min3A_240 = arith.constant dense<0x7F800000> : vector<64x512xf32>
    %reduce_min3A_241 = vector.multi_reduction <minimumf>, %reshape3A_239, %reduce_min3A_240 [0] : vector<32x64x512xf32> to vector<64x512xf32>
    %swap3A_242 = arith.constant 1344 : index
    %swap3A_243 = arith.constant 0 : index
    %swap3A_244 = vector.load %arg4[%swap3A_242, %swap3A_243] : memref<2048x512xf32, #tpu.memory_space<vmem>>, vector<64x512xf32>
    tpu.vector_store %arg4[%swap3A_242, %swap3A_243], %reduce_min3A_241 {strides = array<i32>} : memref<2048x512xf32, #tpu.memory_space<vmem>>, vector<64x512xf32>,
    %get3A_245 = arith.constant 45056 : index
    %get3A_246 = arith.constant 0 : index
    %get3A_247 = vector.load %arg2[%get3A_245, %get3A_246] : memref<65536x8xbf16, #tpu.memory_space<vmem>>, vector<2048x8xbf16>
    %dot_general3A_248 = arith.constant dense<0.000000e+00> : vector<2048x512xf32>
    %dot_general3A_249 = tpu.matmul %get3A_247, %concatenate3A, %dot_general3A_248 {dimension_numbers = #tpu.dot_dimension_numbers<[1], [0], [0], [1], [0, 0, 1, 1], [], []>, transpose_lhs_hint = false} : vector<2048x8xbf16>, vector<8x512xbf16>, vector<2048x512xf32> -> vector<2048x512xf32>
    %reshape3A_250 = vector.shape_cast %dot_general3A_249 : vector<2048x512xf32> to vector<32x64x512xf32>
    %reduce_min3A_251 = arith.constant dense<0x7F800000> : vector<64x512xf32>
    %reduce_min3A_252 = vector.multi_reduction <minimumf>, %reshape3A_250, %reduce_min3A_251 [0] : vector<32x64x512xf32> to vector<64x512xf32>
    %swap3A_253 = arith.constant 1408 : index
    %swap3A_254 = arith.constant 0 : index
    %swap3A_255 = vector.load %arg4[%swap3A_253, %swap3A_254] : memref<2048x512xf32, #tpu.memory_space<vmem>>, vector<64x512xf32>
    tpu.vector_store %arg4[%swap3A_253, %swap3A_254], %reduce_min3A_252 {strides = array<i32>} : memref<2048x512xf32, #tpu.memory_space<vmem>>, vector<64x512xf32>,
    %get3A_256 = arith.constant 47104 : index
    %get3A_257 = arith.constant 0 : index
    %get3A_258 = vector.load %arg2[%get3A_256, %get3A_257] : memref<65536x8xbf16, #tpu.memory_space<vmem>>, vector<2048x8xbf16>
    %dot_general3A_259 = arith.constant dense<0.000000e+00> : vector<2048x512xf32>
    %dot_general3A_260 = tpu.matmul %get3A_258, %concatenate3A, %dot_general3A_259 {dimension_numbers = #tpu.dot_dimension_numbers<[1], [0], [0], [1], [0, 0, 1, 1], [], []>, transpose_lhs_hint = false} : vector<2048x8xbf16>, vector<8x512xbf16>, vector<2048x512xf32> -> vector<2048x512xf32>
    %reshape3A_261 = vector.shape_cast %dot_general3A_260 : vector<2048x512xf32> to vector<32x64x512xf32>
    %reduce_min3A_262 = arith.constant dense<0x7F800000> : vector<64x512xf32>
    %reduce_min3A_263 = vector.multi_reduction <minimumf>, %reshape3A_261, %reduce_min3A_262 [0] : vector<32x64x512xf32> to vector<64x512xf32>
    %swap3A_264 = arith.constant 1472 : index
    %swap3A_265 = arith.constant 0 : index
    %swap3A_266 = vector.load %arg4[%swap3A_264, %swap3A_265] : memref<2048x512xf32, #tpu.memory_space<vmem>>, vector<64x512xf32>
    tpu.vector_store %arg4[%swap3A_264, %swap3A_265], %reduce_min3A_263 {strides = array<i32>} : memref<2048x512xf32, #tpu.memory_space<vmem>>, vector<64x512xf32>,
    %get3A_267 = arith.constant 49152 : index
    %get3A_268 = arith.constant 0 : index
    %get3A_269 = vector.load %arg2[%get3A_267, %get3A_268] : memref<65536x8xbf16, #tpu.memory_space<vmem>>, vector<2048x8xbf16>
    %dot_general3A_270 = arith.constant dense<0.000000e+00> : vector<2048x512xf32>
    %dot_general3A_271 = tpu.matmul %get3A_269, %concatenate3A, %dot_general3A_270 {dimension_numbers = #tpu.dot_dimension_numbers<[1], [0], [0], [1], [0, 0, 1, 1], [], []>, transpose_lhs_hint = false} : vector<2048x8xbf16>, vector<8x512xbf16>, vector<2048x512xf32> -> vector<2048x512xf32>
    %reshape3A_272 = vector.shape_cast %dot_general3A_271 : vector<2048x512xf32> to vector<32x64x512xf32>
    %reduce_min3A_273 = arith.constant dense<0x7F800000> : vector<64x512xf32>
    %reduce_min3A_274 = vector.multi_reduction <minimumf>, %reshape3A_272, %reduce_min3A_273 [0] : vector<32x64x512xf32> to vector<64x512xf32>
    %swap3A_275 = arith.constant 1536 : index
    %swap3A_276 = arith.constant 0 : index
    %swap3A_277 = vector.load %arg4[%swap3A_275, %swap3A_276] : memref<2048x512xf32, #tpu.memory_space<vmem>>, vector<64x512xf32>
    tpu.vector_store %arg4[%swap3A_275, %swap3A_276], %reduce_min3A_274 {strides = array<i32>} : memref<2048x512xf32, #tpu.memory_space<vmem>>, vector<64x512xf32>,
    %get3A_278 = arith.constant 51200 : index
    %get3A_279 = arith.constant 0 : index
    %get3A_280 = vector.load %arg2[%get3A_278, %get3A_279] : memref<65536x8xbf16, #tpu.memory_space<vmem>>, vector<2048x8xbf16>
    %dot_general3A_281 = arith.constant dense<0.000000e+00> : vector<2048x512xf32>
    %dot_general3A_282 = tpu.matmul %get3A_280, %concatenate3A, %dot_general3A_281 {dimension_numbers = #tpu.dot_dimension_numbers<[1], [0], [0], [1], [0, 0, 1, 1], [], []>, transpose_lhs_hint = false} : vector<2048x8xbf16>, vector<8x512xbf16>, vector<2048x512xf32> -> vector<2048x512xf32>
    %reshape3A_283 = vector.shape_cast %dot_general3A_282 : vector<2048x512xf32> to vector<32x64x512xf32>
    %reduce_min3A_284 = arith.constant dense<0x7F800000> : vector<64x512xf32>
    %reduce_min3A_285 = vector.multi_reduction <minimumf>, %reshape3A_283, %reduce_min3A_284 [0] : vector<32x64x512xf32> to vector<64x512xf32>
    %swap3A_286 = arith.constant 1600 : index
    %swap3A_287 = arith.constant 0 : index
    %swap3A_288 = vector.load %arg4[%swap3A_286, %swap3A_287] : memref<2048x512xf32, #tpu.memory_space<vmem>>, vector<64x512xf32>
    tpu.vector_store %arg4[%swap3A_286, %swap3A_287], %reduce_min3A_285 {strides = array<i32>} : memref<2048x512xf32, #tpu.memory_space<vmem>>, vector<64x512xf32>,
    %get3A_289 = arith.constant 53248 : index
    %get3A_290 = arith.constant 0 : index
    %get3A_291 = vector.load %arg2[%get3A_289, %get3A_290] : memref<65536x8xbf16, #tpu.memory_space<vmem>>, vector<2048x8xbf16>
    %dot_general3A_292 = arith.constant dense<0.000000e+00> : vector<2048x512xf32>
    %dot_general3A_293 = tpu.matmul %get3A_291, %concatenate3A, %dot_general3A_292 {dimension_numbers = #tpu.dot_dimension_numbers<[1], [0], [0], [1], [0, 0, 1, 1], [], []>, transpose_lhs_hint = false} : vector<2048x8xbf16>, vector<8x512xbf16>, vector<2048x512xf32> -> vector<2048x512xf32>
    %reshape3A_294 = vector.shape_cast %dot_general3A_293 : vector<2048x512xf32> to vector<32x64x512xf32>
    %reduce_min3A_295 = arith.constant dense<0x7F800000> : vector<64x512xf32>
    %reduce_min3A_296 = vector.multi_reduction <minimumf>, %reshape3A_294, %reduce_min3A_295 [0] : vector<32x64x512xf32> to vector<64x512xf32>
    %swap3A_297 = arith.constant 1664 : index
    %swap3A_298 = arith.constant 0 : index
    %swap3A_299 = vector.load %arg4[%swap3A_297, %swap3A_298] : memref<2048x512xf32, #tpu.memory_space<vmem>>, vector<64x512xf32>
    tpu.vector_store %arg4[%swap3A_297, %swap3A_298], %reduce_min3A_296 {strides = array<i32>} : memref<2048x512xf32, #tpu.memory_space<vmem>>, vector<64x512xf32>,
    %get3A_300 = arith.constant 55296 : index
    %get3A_301 = arith.constant 0 : index
    %get3A_302 = vector.load %arg2[%get3A_300, %get3A_301] : memref<65536x8xbf16, #tpu.memory_space<vmem>>, vector<2048x8xbf16>
    %dot_general3A_303 = arith.constant dense<0.000000e+00> : vector<2048x512xf32>
    %dot_general3A_304 = tpu.matmul %get3A_302, %concatenate3A, %dot_general3A_303 {dimension_numbers = #tpu.dot_dimension_numbers<[1], [0], [0], [1], [0, 0, 1, 1], [], []>, transpose_lhs_hint = false} : vector<2048x8xbf16>, vector<8x512xbf16>, vector<2048x512xf32> -> vector<2048x512xf32>
    %reshape3A_305 = vector.shape_cast %dot_general3A_304 : vector<2048x512xf32> to vector<32x64x512xf32>
    %reduce_min3A_306 = arith.constant dense<0x7F800000> : vector<64x512xf32>
    %reduce_min3A_307 = vector.multi_reduction <minimumf>, %reshape3A_305, %reduce_min3A_306 [0] : vector<32x64x512xf32> to vector<64x512xf32>
    %swap3A_308 = arith.constant 1728 : index
    %swap3A_309 = arith.constant 0 : index
    %swap3A_310 = vector.load %arg4[%swap3A_308, %swap3A_309] : memref<2048x512xf32, #tpu.memory_space<vmem>>, vector<64x512xf32>
    tpu.vector_store %arg4[%swap3A_308, %swap3A_309], %reduce_min3A_307 {strides = array<i32>} : memref<2048x512xf32, #tpu.memory_space<vmem>>, vector<64x512xf32>,
    %get3A_311 = arith.constant 57344 : index
    %get3A_312 = arith.constant 0 : index
    %get3A_313 = vector.load %arg2[%get3A_311, %get3A_312] : memref<65536x8xbf16, #tpu.memory_space<vmem>>, vector<2048x8xbf16>
    %dot_general3A_314 = arith.constant dense<0.000000e+00> : vector<2048x512xf32>
    %dot_general3A_315 = tpu.matmul %get3A_313, %concatenate3A, %dot_general3A_314 {dimension_numbers = #tpu.dot_dimension_numbers<[1], [0], [0], [1], [0, 0, 1, 1], [], []>, transpose_lhs_hint = false} : vector<2048x8xbf16>, vector<8x512xbf16>, vector<2048x512xf32> -> vector<2048x512xf32>
    %reshape3A_316 = vector.shape_cast %dot_general3A_315 : vector<2048x512xf32> to vector<32x64x512xf32>
    %reduce_min3A_317 = arith.constant dense<0x7F800000> : vector<64x512xf32>
    %reduce_min3A_318 = vector.multi_reduction <minimumf>, %reshape3A_316, %reduce_min3A_317 [0] : vector<32x64x512xf32> to vector<64x512xf32>
    %swap3A_319 = arith.constant 1792 : index
    %swap3A_320 = arith.constant 0 : index
    %swap3A_321 = vector.load %arg4[%swap3A_319, %swap3A_320] : memref<2048x512xf32, #tpu.memory_space<vmem>>, vector<64x512xf32>
    tpu.vector_store %arg4[%swap3A_319, %swap3A_320], %reduce_min3A_318 {strides = array<i32>} : memref<2048x512xf32, #tpu.memory_space<vmem>>, vector<64x512xf32>,
    %get3A_322 = arith.constant 59392 : index
    %get3A_323 = arith.constant 0 : index
    %get3A_324 = vector.load %arg2[%get3A_322, %get3A_323] : memref<65536x8xbf16, #tpu.memory_space<vmem>>, vector<2048x8xbf16>
    %dot_general3A_325 = arith.constant dense<0.000000e+00> : vector<2048x512xf32>
    %dot_general3A_326 = tpu.matmul %get3A_324, %concatenate3A, %dot_general3A_325 {dimension_numbers = #tpu.dot_dimension_numbers<[1], [0], [0], [1], [0, 0, 1, 1], [], []>, transpose_lhs_hint = false} : vector<2048x8xbf16>, vector<8x512xbf16>, vector<2048x512xf32> -> vector<2048x512xf32>
    %reshape3A_327 = vector.shape_cast %dot_general3A_326 : vector<2048x512xf32> to vector<32x64x512xf32>
    %reduce_min3A_328 = arith.constant dense<0x7F800000> : vector<64x512xf32>
    %reduce_min3A_329 = vector.multi_reduction <minimumf>, %reshape3A_327, %reduce_min3A_328 [0] : vector<32x64x512xf32> to vector<64x512xf32>
    %swap3A_330 = arith.constant 1856 : index
    %swap3A_331 = arith.constant 0 : index
    %swap3A_332 = vector.load %arg4[%swap3A_330, %swap3A_331] : memref<2048x512xf32, #tpu.memory_space<vmem>>, vector<64x512xf32>
    tpu.vector_store %arg4[%swap3A_330, %swap3A_331], %reduce_min3A_329 {strides = array<i32>} : memref<2048x512xf32, #tpu.memory_space<vmem>>, vector<64x512xf32>,
    %get3A_333 = arith.constant 61440 : index
    %get3A_334 = arith.constant 0 : index
    %get3A_335 = vector.load %arg2[%get3A_333, %get3A_334] : memref<65536x8xbf16, #tpu.memory_space<vmem>>, vector<2048x8xbf16>
    %dot_general3A_336 = arith.constant dense<0.000000e+00> : vector<2048x512xf32>
    %dot_general3A_337 = tpu.matmul %get3A_335, %concatenate3A, %dot_general3A_336 {dimension_numbers = #tpu.dot_dimension_numbers<[1], [0], [0], [1], [0, 0, 1, 1], [], []>, transpose_lhs_hint = false} : vector<2048x8xbf16>, vector<8x512xbf16>, vector<2048x512xf32> -> vector<2048x512xf32>
    %reshape3A_338 = vector.shape_cast %dot_general3A_337 : vector<2048x512xf32> to vector<32x64x512xf32>
    %reduce_min3A_339 = arith.constant dense<0x7F800000> : vector<64x512xf32>
    %reduce_min3A_340 = vector.multi_reduction <minimumf>, %reshape3A_338, %reduce_min3A_339 [0] : vector<32x64x512xf32> to vector<64x512xf32>
    %swap3A_341 = arith.constant 1920 : index
    %swap3A_342 = arith.constant 0 : index
    %swap3A_343 = vector.load %arg4[%swap3A_341, %swap3A_342] : memref<2048x512xf32, #tpu.memory_space<vmem>>, vector<64x512xf32>
    tpu.vector_store %arg4[%swap3A_341, %swap3A_342], %reduce_min3A_340 {strides = array<i32>} : memref<2048x512xf32, #tpu.memory_space<vmem>>, vector<64x512xf32>,
    %get3A_344 = arith.constant 63488 : index
    %get3A_345 = arith.constant 0 : index
    %get3A_346 = vector.load %arg2[%get3A_344, %get3A_345] : memref<65536x8xbf16, #tpu.memory_space<vmem>>, vector<2048x8xbf16>
    %dot_general3A_347 = arith.constant dense<0.000000e+00> : vector<2048x512xf32>
    %dot_general3A_348 = tpu.matmul %get3A_346, %concatenate3A, %dot_general3A_347 {dimension_numbers = #tpu.dot_dimension_numbers<[1], [0], [0], [1], [0, 0, 1, 1], [], []>, transpose_lhs_hint = false} : vector<2048x8xbf16>, vector<8x512xbf16>, vector<2048x512xf32> -> vector<2048x512xf32>
    %reshape3A_349 = vector.shape_cast %dot_general3A_348 : vector<2048x512xf32> to vector<32x64x512xf32>
    %reduce_min3A_350 = arith.constant dense<0x7F800000> : vector<64x512xf32>
    %reduce_min3A_351 = vector.multi_reduction <minimumf>, %reshape3A_349, %reduce_min3A_350 [0] : vector<32x64x512xf32> to vector<64x512xf32>
    %swap3A_352 = arith.constant 1984 : index
    %swap3A_353 = arith.constant 0 : index
    %swap3A_354 = vector.load %arg4[%swap3A_352, %swap3A_353] : memref<2048x512xf32, #tpu.memory_space<vmem>>, vector<64x512xf32>
    tpu.vector_store %arg4[%swap3A_352, %swap3A_353], %reduce_min3A_351 {strides = array<i32>} : memref<2048x512xf32, #tpu.memory_space<vmem>>, vector<64x512xf32>,
    %get3A_355 = arith.constant 0 : index
    %get3A_356 = arith.constant 0 : index
    %get3A_357 = vector.load %arg4[%get3A_355, %get3A_356] : memref<2048x512xf32, #tpu.memory_space<vmem>>, vector<2048x512xf32>
    %iota3A = tpu.iota {dimensions = array<i32: 0>} : vector<2048x512xi32>
    %convert_element_type3A_358 = arith.sitofp %iota3A : vector<2048x512xi32> to vector<2048x512xf32>
    %reduce_min3A_359 = arith.constant dense<0x7F800000> : vector<512xf32>
    %reduce_min3A_360 = vector.multi_reduction <minimumf>, %get3A_357, %reduce_min3A_359 [0] : vector<2048x512xf32> to vector<512xf32>
    %broadcast_in_dim3A_361 = vector.shape_cast %reduce_min3A_360 : vector<512xf32> to vector<1x512xf32>
    %eq3A = vector.broadcast %broadcast_in_dim3A_361 : vector<1x512xf32> to vector<2048x512xf32>
    %eq3A_362 = arith.cmpf oeq, %get3A_357, %eq3A : vector<2048x512xf32>
    %jit3A = arith.constant 1.000000e+09 : f32
    %broadcast_in_dim3A_363 = vector.broadcast %jit3A : f32 to vector<2048x512xf32>
    %select_n3A = arith.select %eq3A_362, %convert_element_type3A_358, %broadcast_in_dim3A_363 : vector<2048x512xi1>, vector<2048x512xf32>
    %reduce_min3A_364 = arith.constant dense<0x7F800000> : vector<512xf32>
    %reduce_min3A_365 = vector.multi_reduction <minimumf>, %select_n3A, %reduce_min3A_364 [0] : vector<2048x512xf32> to vector<512xf32>
    %broadcast_in_dim3A_366 = vector.shape_cast %reduce_min3A_365 : vector<512xf32> to vector<1x512xf32>
    %eq3A_367 = vector.broadcast %broadcast_in_dim3A_366 : vector<1x512xf32> to vector<2048x512xf32>
    %eq3A_368 = arith.cmpf oeq, %convert_element_type3A_358, %eq3A_367 : vector<2048x512xf32>
    %jit3A_369 = arith.constant 0x7F800000 : f32
    %broadcast_in_dim3A_370 = vector.broadcast %jit3A_369 : f32 to vector<2048x512xf32>
    %select_n3A_371 = arith.select %eq3A_368, %broadcast_in_dim3A_370, %get3A_357 : vector<2048x512xi1>, vector<2048x512xf32>
    %reduce_min3A_372 = arith.constant dense<0x7F800000> : vector<512xf32>
    %reduce_min3A_373 = vector.multi_reduction <minimumf>, %select_n3A_371, %reduce_min3A_372 [0] : vector<2048x512xf32> to vector<512xf32>
    %broadcast_in_dim3A_374 = vector.shape_cast %reduce_min3A_373 : vector<512xf32> to vector<1x512xf32>
    %eq3A_375 = vector.broadcast %broadcast_in_dim3A_374 : vector<1x512xf32> to vector<2048x512xf32>
    %eq3A_376 = arith.cmpf oeq, %select_n3A_371, %eq3A_375 : vector<2048x512xf32>
    %jit3A_377 = arith.constant 1.000000e+09 : f32
    %broadcast_in_dim3A_378 = vector.broadcast %jit3A_377 : f32 to vector<2048x512xf32>
    %select_n3A_379 = arith.select %eq3A_376, %convert_element_type3A_358, %broadcast_in_dim3A_378 : vector<2048x512xi1>, vector<2048x512xf32>
    %reduce_min3A_380 = arith.constant dense<0x7F800000> : vector<512xf32>
    %reduce_min3A_381 = vector.multi_reduction <minimumf>, %select_n3A_379, %reduce_min3A_380 [0] : vector<2048x512xf32> to vector<512xf32>
    %broadcast_in_dim3A_382 = vector.shape_cast %reduce_min3A_381 : vector<512xf32> to vector<1x512xf32>
    %eq3A_383 = vector.broadcast %broadcast_in_dim3A_382 : vector<1x512xf32> to vector<2048x512xf32>
    %eq3A_384 = arith.cmpf oeq, %convert_element_type3A_358, %eq3A_383 : vector<2048x512xf32>
    %jit3A_385 = arith.constant 0x7F800000 : f32
    %broadcast_in_dim3A_386 = vector.broadcast %jit3A_385 : f32 to vector<2048x512xf32>
    %select_n3A_387 = arith.select %eq3A_384, %broadcast_in_dim3A_386, %select_n3A_371 : vector<2048x512xi1>, vector<2048x512xf32>
    %reduce_min3A_388 = arith.constant dense<0x7F800000> : vector<512xf32>
    %reduce_min3A_389 = vector.multi_reduction <minimumf>, %select_n3A_387, %reduce_min3A_388 [0] : vector<2048x512xf32> to vector<512xf32>
    %broadcast_in_dim3A_390 = vector.shape_cast %reduce_min3A_389 : vector<512xf32> to vector<1x512xf32>
    %eq3A_391 = vector.broadcast %broadcast_in_dim3A_390 : vector<1x512xf32> to vector<2048x512xf32>
    %eq3A_392 = arith.cmpf oeq, %select_n3A_387, %eq3A_391 : vector<2048x512xf32>
    %jit3A_393 = arith.constant 1.000000e+09 : f32
    %broadcast_in_dim3A_394 = vector.broadcast %jit3A_393 : f32 to vector<2048x512xf32>
    %select_n3A_395 = arith.select %eq3A_392, %convert_element_type3A_358, %broadcast_in_dim3A_394 : vector<2048x512xi1>, vector<2048x512xf32>
    %reduce_min3A_396 = arith.constant dense<0x7F800000> : vector<512xf32>
    %reduce_min3A_397 = vector.multi_reduction <minimumf>, %select_n3A_395, %reduce_min3A_396 [0] : vector<2048x512xf32> to vector<512xf32>
    %broadcast_in_dim3A_398 = vector.shape_cast %reduce_min3A_397 : vector<512xf32> to vector<1x512xf32>
    %eq3A_399 = vector.broadcast %broadcast_in_dim3A_398 : vector<1x512xf32> to vector<2048x512xf32>
    %eq3A_400 = arith.cmpf oeq, %convert_element_type3A_358, %eq3A_399 : vector<2048x512xf32>
    %jit3A_401 = arith.constant 0x7F800000 : f32
    %broadcast_in_dim3A_402 = vector.broadcast %jit3A_401 : f32 to vector<2048x512xf32>
    %select_n3A_403 = arith.select %eq3A_400, %broadcast_in_dim3A_402, %select_n3A_387 : vector<2048x512xi1>, vector<2048x512xf32>
    %reduce_min3A_404 = arith.constant dense<0x7F800000> : vector<512xf32>
    %reduce_min3A_405 = vector.multi_reduction <minimumf>, %select_n3A_403, %reduce_min3A_404 [0] : vector<2048x512xf32> to vector<512xf32>
    %broadcast_in_dim3A_406 = vector.shape_cast %reduce_min3A_405 : vector<512xf32> to vector<1x512xf32>
    %eq3A_407 = vector.broadcast %broadcast_in_dim3A_406 : vector<1x512xf32> to vector<2048x512xf32>
    %eq3A_408 = arith.cmpf oeq, %select_n3A_403, %eq3A_407 : vector<2048x512xf32>
    %jit3A_409 = arith.constant 1.000000e+09 : f32
    %broadcast_in_dim3A_410 = vector.broadcast %jit3A_409 : f32 to vector<2048x512xf32>
    %select_n3A_411 = arith.select %eq3A_408, %convert_element_type3A_358, %broadcast_in_dim3A_410 : vector<2048x512xi1>, vector<2048x512xf32>
    %reduce_min3A_412 = arith.constant dense<0x7F800000> : vector<512xf32>
    %reduce_min3A_413 = vector.multi_reduction <minimumf>, %select_n3A_411, %reduce_min3A_412 [0] : vector<2048x512xf32> to vector<512xf32>
    %broadcast_in_dim3A_414 = vector.shape_cast %reduce_min3A_413 : vector<512xf32> to vector<1x512xf32>
    %eq3A_415 = vector.broadcast %broadcast_in_dim3A_414 : vector<1x512xf32> to vector<2048x512xf32>
    %eq3A_416 = arith.cmpf oeq, %convert_element_type3A_358, %eq3A_415 : vector<2048x512xf32>
    %jit3A_417 = arith.constant 0x7F800000 : f32
    %broadcast_in_dim3A_418 = vector.broadcast %jit3A_417 : f32 to vector<2048x512xf32>
    %select_n3A_419 = arith.select %eq3A_416, %broadcast_in_dim3A_418, %select_n3A_403 : vector<2048x512xi1>, vector<2048x512xf32>
    %reduce_min3A_420 = arith.constant dense<0x7F800000> : vector<512xf32>
    %reduce_min3A_421 = vector.multi_reduction <minimumf>, %select_n3A_419, %reduce_min3A_420 [0] : vector<2048x512xf32> to vector<512xf32>
    %broadcast_in_dim3A_422 = vector.shape_cast %reduce_min3A_421 : vector<512xf32> to vector<1x512xf32>
    %eq3A_423 = vector.broadcast %broadcast_in_dim3A_422 : vector<1x512xf32> to vector<2048x512xf32>
    %eq3A_424 = arith.cmpf oeq, %select_n3A_419, %eq3A_423 : vector<2048x512xf32>
    %jit3A_425 = arith.constant 1.000000e+09 : f32
    %broadcast_in_dim3A_426 = vector.broadcast %jit3A_425 : f32 to vector<2048x512xf32>
    %select_n3A_427 = arith.select %eq3A_424, %convert_element_type3A_358, %broadcast_in_dim3A_426 : vector<2048x512xi1>, vector<2048x512xf32>
    %reduce_min3A_428 = arith.constant dense<0x7F800000> : vector<512xf32>
    %reduce_min3A_429 = vector.multi_reduction <minimumf>, %select_n3A_427, %reduce_min3A_428 [0] : vector<2048x512xf32> to vector<512xf32>
    %broadcast_in_dim3A_430 = vector.shape_cast %reduce_min3A_429 : vector<512xf32> to vector<1x512xf32>
    %eq3A_431 = vector.broadcast %broadcast_in_dim3A_430 : vector<1x512xf32> to vector<2048x512xf32>
    %eq3A_432 = arith.cmpf oeq, %convert_element_type3A_358, %eq3A_431 : vector<2048x512xf32>
    %jit3A_433 = arith.constant 0x7F800000 : f32
    %broadcast_in_dim3A_434 = vector.broadcast %jit3A_433 : f32 to vector<2048x512xf32>
    %select_n3A_435 = arith.select %eq3A_432, %broadcast_in_dim3A_434, %select_n3A_419 : vector<2048x512xi1>, vector<2048x512xf32>
    %reduce_min3A_436 = arith.constant dense<0x7F800000> : vector<512xf32>
    %reduce_min3A_437 = vector.multi_reduction <minimumf>, %select_n3A_435, %reduce_min3A_436 [0] : vector<2048x512xf32> to vector<512xf32>
    %broadcast_in_dim3A_438 = vector.shape_cast %reduce_min3A_437 : vector<512xf32> to vector<1x512xf32>
    %eq3A_439 = vector.broadcast %broadcast_in_dim3A_438 : vector<1x512xf32> to vector<2048x512xf32>
    %eq3A_440 = arith.cmpf oeq, %select_n3A_435, %eq3A_439 : vector<2048x512xf32>
    %jit3A_441 = arith.constant 1.000000e+09 : f32
    %broadcast_in_dim3A_442 = vector.broadcast %jit3A_441 : f32 to vector<2048x512xf32>
    %select_n3A_443 = arith.select %eq3A_440, %convert_element_type3A_358, %broadcast_in_dim3A_442 : vector<2048x512xi1>, vector<2048x512xf32>
    %reduce_min3A_444 = arith.constant dense<0x7F800000> : vector<512xf32>
    %reduce_min3A_445 = vector.multi_reduction <minimumf>, %select_n3A_443, %reduce_min3A_444 [0] : vector<2048x512xf32> to vector<512xf32>
    %broadcast_in_dim3A_446 = vector.shape_cast %reduce_min3A_445 : vector<512xf32> to vector<1x512xf32>
    %eq3A_447 = vector.broadcast %broadcast_in_dim3A_446 : vector<1x512xf32> to vector<2048x512xf32>
    %eq3A_448 = arith.cmpf oeq, %convert_element_type3A_358, %eq3A_447 : vector<2048x512xf32>
    %jit3A_449 = arith.constant 0x7F800000 : f32
    %broadcast_in_dim3A_450 = vector.broadcast %jit3A_449 : f32 to vector<2048x512xf32>
    %select_n3A_451 = arith.select %eq3A_448, %broadcast_in_dim3A_450, %select_n3A_435 : vector<2048x512xi1>, vector<2048x512xf32>
    %reduce_min3A_452 = arith.constant dense<0x7F800000> : vector<512xf32>
    %reduce_min3A_453 = vector.multi_reduction <minimumf>, %select_n3A_451, %reduce_min3A_452 [0] : vector<2048x512xf32> to vector<512xf32>
    %broadcast_in_dim3A_454 = vector.shape_cast %reduce_min3A_453 : vector<512xf32> to vector<1x512xf32>
    %eq3A_455 = vector.broadcast %broadcast_in_dim3A_454 : vector<1x512xf32> to vector<2048x512xf32>
    %eq3A_456 = arith.cmpf oeq, %select_n3A_451, %eq3A_455 : vector<2048x512xf32>
    %jit3A_457 = arith.constant 1.000000e+09 : f32
    %broadcast_in_dim3A_458 = vector.broadcast %jit3A_457 : f32 to vector<2048x512xf32>
    %select_n3A_459 = arith.select %eq3A_456, %convert_element_type3A_358, %broadcast_in_dim3A_458 : vector<2048x512xi1>, vector<2048x512xf32>
    %reduce_min3A_460 = arith.constant dense<0x7F800000> : vector<512xf32>
    %reduce_min3A_461 = vector.multi_reduction <minimumf>, %select_n3A_459, %reduce_min3A_460 [0] : vector<2048x512xf32> to vector<512xf32>
    %broadcast_in_dim3A_462 = vector.shape_cast %reduce_min3A_461 : vector<512xf32> to vector<1x512xf32>
    %eq3A_463 = vector.broadcast %broadcast_in_dim3A_462 : vector<1x512xf32> to vector<2048x512xf32>
    %eq3A_464 = arith.cmpf oeq, %convert_element_type3A_358, %eq3A_463 : vector<2048x512xf32>
    %jit3A_465 = arith.constant 0x7F800000 : f32
    %broadcast_in_dim3A_466 = vector.broadcast %jit3A_465 : f32 to vector<2048x512xf32>
    %select_n3A_467 = arith.select %eq3A_464, %broadcast_in_dim3A_466, %select_n3A_451 : vector<2048x512xi1>, vector<2048x512xf32>
    %reduce_min3A_468 = arith.constant dense<0x7F800000> : vector<512xf32>
    %reduce_min3A_469 = vector.multi_reduction <minimumf>, %select_n3A_467, %reduce_min3A_468 [0] : vector<2048x512xf32> to vector<512xf32>
    %broadcast_in_dim3A_470 = vector.shape_cast %reduce_min3A_469 : vector<512xf32> to vector<1x512xf32>
    %eq3A_471 = vector.broadcast %broadcast_in_dim3A_470 : vector<1x512xf32> to vector<2048x512xf32>
    %eq3A_472 = arith.cmpf oeq, %select_n3A_467, %eq3A_471 : vector<2048x512xf32>
    %jit3A_473 = arith.constant 1.000000e+09 : f32
    %broadcast_in_dim3A_474 = vector.broadcast %jit3A_473 : f32 to vector<2048x512xf32>
    %select_n3A_475 = arith.select %eq3A_472, %convert_element_type3A_358, %broadcast_in_dim3A_474 : vector<2048x512xi1>, vector<2048x512xf32>
    %reduce_min3A_476 = arith.constant dense<0x7F800000> : vector<512xf32>
    %reduce_min3A_477 = vector.multi_reduction <minimumf>, %select_n3A_475, %reduce_min3A_476 [0] : vector<2048x512xf32> to vector<512xf32>
    %broadcast_in_dim3A_478 = vector.shape_cast %reduce_min3A_477 : vector<512xf32> to vector<1x512xf32>
    %eq3A_479 = vector.broadcast %broadcast_in_dim3A_478 : vector<1x512xf32> to vector<2048x512xf32>
    %eq3A_480 = arith.cmpf oeq, %convert_element_type3A_358, %eq3A_479 : vector<2048x512xf32>
    %jit3A_481 = arith.constant 0x7F800000 : f32
    %broadcast_in_dim3A_482 = vector.broadcast %jit3A_481 : f32 to vector<2048x512xf32>
    %select_n3A_483 = arith.select %eq3A_480, %broadcast_in_dim3A_482, %select_n3A_467 : vector<2048x512xi1>, vector<2048x512xf32>
    %reduce_min3A_484 = arith.constant dense<0x7F800000> : vector<512xf32>
    %reduce_min3A_485 = vector.multi_reduction <minimumf>, %select_n3A_483, %reduce_min3A_484 [0] : vector<2048x512xf32> to vector<512xf32>
    %broadcast_in_dim3A_486 = vector.shape_cast %reduce_min3A_485 : vector<512xf32> to vector<1x512xf32>
    %eq3A_487 = vector.broadcast %broadcast_in_dim3A_486 : vector<1x512xf32> to vector<2048x512xf32>
    %eq3A_488 = arith.cmpf oeq, %select_n3A_483, %eq3A_487 : vector<2048x512xf32>
    %jit3A_489 = arith.constant 1.000000e+09 : f32
    %broadcast_in_dim3A_490 = vector.broadcast %jit3A_489 : f32 to vector<2048x512xf32>
    %select_n3A_491 = arith.select %eq3A_488, %convert_element_type3A_358, %broadcast_in_dim3A_490 : vector<2048x512xi1>, vector<2048x512xf32>
    %reduce_min3A_492 = arith.constant dense<0x7F800000> : vector<512xf32>
    %reduce_min3A_493 = vector.multi_reduction <minimumf>, %select_n3A_491, %reduce_min3A_492 [0] : vector<2048x512xf32> to vector<512xf32>
    %broadcast_in_dim3A_494 = vector.shape_cast %reduce_min3A_493 : vector<512xf32> to vector<1x512xf32>
    %eq3A_495 = vector.broadcast %broadcast_in_dim3A_494 : vector<1x512xf32> to vector<2048x512xf32>
    %eq3A_496 = arith.cmpf oeq, %convert_element_type3A_358, %eq3A_495 : vector<2048x512xf32>
    %jit3A_497 = arith.constant 0x7F800000 : f32
    %broadcast_in_dim3A_498 = vector.broadcast %jit3A_497 : f32 to vector<2048x512xf32>
    %select_n3A_499 = arith.select %eq3A_496, %broadcast_in_dim3A_498, %select_n3A_483 : vector<2048x512xi1>, vector<2048x512xf32>
    %reduce_min3A_500 = arith.constant dense<0x7F800000> : vector<512xf32>
    %reduce_min3A_501 = vector.multi_reduction <minimumf>, %select_n3A_499, %reduce_min3A_500 [0] : vector<2048x512xf32> to vector<512xf32>
    %broadcast_in_dim3A_502 = vector.shape_cast %reduce_min3A_501 : vector<512xf32> to vector<1x512xf32>
    %eq3A_503 = vector.broadcast %broadcast_in_dim3A_502 : vector<1x512xf32> to vector<2048x512xf32>
    %eq3A_504 = arith.cmpf oeq, %select_n3A_499, %eq3A_503 : vector<2048x512xf32>
    %jit3A_505 = arith.constant 1.000000e+09 : f32
    %broadcast_in_dim3A_506 = vector.broadcast %jit3A_505 : f32 to vector<2048x512xf32>
    %select_n3A_507 = arith.select %eq3A_504, %convert_element_type3A_358, %broadcast_in_dim3A_506 : vector<2048x512xi1>, vector<2048x512xf32>
    %reduce_min3A_508 = arith.constant dense<0x7F800000> : vector<512xf32>
    %reduce_min3A_509 = vector.multi_reduction <minimumf>, %select_n3A_507, %reduce_min3A_508 [0] : vector<2048x512xf32> to vector<512xf32>
    %broadcast_in_dim3A_510 = vector.shape_cast %reduce_min3A_509 : vector<512xf32> to vector<1x512xf32>
    %eq3A_511 = vector.broadcast %broadcast_in_dim3A_510 : vector<1x512xf32> to vector<2048x512xf32>
    %eq3A_512 = arith.cmpf oeq, %convert_element_type3A_358, %eq3A_511 : vector<2048x512xf32>
    %jit3A_513 = arith.constant 0x7F800000 : f32
    %broadcast_in_dim3A_514 = vector.broadcast %jit3A_513 : f32 to vector<2048x512xf32>
    %select_n3A_515 = arith.select %eq3A_512, %broadcast_in_dim3A_514, %select_n3A_499 : vector<2048x512xi1>, vector<2048x512xf32>
    %reduce_min3A_516 = arith.constant dense<0x7F800000> : vector<512xf32>
    %reduce_min3A_517 = vector.multi_reduction <minimumf>, %select_n3A_515, %reduce_min3A_516 [0] : vector<2048x512xf32> to vector<512xf32>
    %broadcast_in_dim3A_518 = vector.shape_cast %reduce_min3A_517 : vector<512xf32> to vector<1x512xf32>
    %eq3A_519 = vector.broadcast %broadcast_in_dim3A_518 : vector<1x512xf32> to vector<2048x512xf32>
    %eq3A_520 = arith.cmpf oeq, %select_n3A_515, %eq3A_519 : vector<2048x512xf32>
    %jit3A_521 = arith.constant 1.000000e+09 : f32
    %broadcast_in_dim3A_522 = vector.broadcast %jit3A_521 : f32 to vector<2048x512xf32>
    %select_n3A_523 = arith.select %eq3A_520, %convert_element_type3A_358, %broadcast_in_dim3A_522 : vector<2048x512xi1>, vector<2048x512xf32>
    %reduce_min3A_524 = arith.constant dense<0x7F800000> : vector<512xf32>
    %reduce_min3A_525 = vector.multi_reduction <minimumf>, %select_n3A_523, %reduce_min3A_524 [0] : vector<2048x512xf32> to vector<512xf32>
    %broadcast_in_dim3A_526 = vector.shape_cast %reduce_min3A_525 : vector<512xf32> to vector<1x512xf32>
    %eq3A_527 = vector.broadcast %broadcast_in_dim3A_526 : vector<1x512xf32> to vector<2048x512xf32>
    %eq3A_528 = arith.cmpf oeq, %convert_element_type3A_358, %eq3A_527 : vector<2048x512xf32>
    %jit3A_529 = arith.constant 0x7F800000 : f32
    %broadcast_in_dim3A_530 = vector.broadcast %jit3A_529 : f32 to vector<2048x512xf32>
    %select_n3A_531 = arith.select %eq3A_528, %broadcast_in_dim3A_530, %select_n3A_515 : vector<2048x512xi1>, vector<2048x512xf32>
    %reduce_min3A_532 = arith.constant dense<0x7F800000> : vector<512xf32>
    %reduce_min3A_533 = vector.multi_reduction <minimumf>, %select_n3A_531, %reduce_min3A_532 [0] : vector<2048x512xf32> to vector<512xf32>
    %broadcast_in_dim3A_534 = vector.shape_cast %reduce_min3A_533 : vector<512xf32> to vector<1x512xf32>
    %eq3A_535 = vector.broadcast %broadcast_in_dim3A_534 : vector<1x512xf32> to vector<2048x512xf32>
    %eq3A_536 = arith.cmpf oeq, %select_n3A_531, %eq3A_535 : vector<2048x512xf32>
    %jit3A_537 = arith.constant 1.000000e+09 : f32
    %broadcast_in_dim3A_538 = vector.broadcast %jit3A_537 : f32 to vector<2048x512xf32>
    %select_n3A_539 = arith.select %eq3A_536, %convert_element_type3A_358, %broadcast_in_dim3A_538 : vector<2048x512xi1>, vector<2048x512xf32>
    %reduce_min3A_540 = arith.constant dense<0x7F800000> : vector<512xf32>
    %reduce_min3A_541 = vector.multi_reduction <minimumf>, %select_n3A_539, %reduce_min3A_540 [0] : vector<2048x512xf32> to vector<512xf32>
    %broadcast_in_dim3A_542 = vector.shape_cast %reduce_min3A_541 : vector<512xf32> to vector<1x512xf32>
    %eq3A_543 = vector.broadcast %broadcast_in_dim3A_542 : vector<1x512xf32> to vector<2048x512xf32>
    %eq3A_544 = arith.cmpf oeq, %convert_element_type3A_358, %eq3A_543 : vector<2048x512xf32>
    %jit3A_545 = arith.constant 0x7F800000 : f32
    %broadcast_in_dim3A_546 = vector.broadcast %jit3A_545 : f32 to vector<2048x512xf32>
    %select_n3A_547 = arith.select %eq3A_544, %broadcast_in_dim3A_546, %select_n3A_531 : vector<2048x512xi1>, vector<2048x512xf32>
    %reduce_min3A_548 = arith.constant dense<0x7F800000> : vector<512xf32>
    %reduce_min3A_549 = vector.multi_reduction <minimumf>, %select_n3A_547, %reduce_min3A_548 [0] : vector<2048x512xf32> to vector<512xf32>
    %broadcast_in_dim3A_550 = vector.shape_cast %reduce_min3A_549 : vector<512xf32> to vector<1x512xf32>
    %eq3A_551 = vector.broadcast %broadcast_in_dim3A_550 : vector<1x512xf32> to vector<2048x512xf32>
    %eq3A_552 = arith.cmpf oeq, %select_n3A_547, %eq3A_551 : vector<2048x512xf32>
    %jit3A_553 = arith.constant 1.000000e+09 : f32
    %broadcast_in_dim3A_554 = vector.broadcast %jit3A_553 : f32 to vector<2048x512xf32>
    %select_n3A_555 = arith.select %eq3A_552, %convert_element_type3A_358, %broadcast_in_dim3A_554 : vector<2048x512xi1>, vector<2048x512xf32>
    %reduce_min3A_556 = arith.constant dense<0x7F800000> : vector<512xf32>
    %reduce_min3A_557 = vector.multi_reduction <minimumf>, %select_n3A_555, %reduce_min3A_556 [0] : vector<2048x512xf32> to vector<512xf32>
    %broadcast_in_dim3A_558 = vector.shape_cast %reduce_min3A_557 : vector<512xf32> to vector<1x512xf32>
    %eq3A_559 = vector.broadcast %broadcast_in_dim3A_558 : vector<1x512xf32> to vector<2048x512xf32>
    %eq3A_560 = arith.cmpf oeq, %convert_element_type3A_358, %eq3A_559 : vector<2048x512xf32>
    %jit3A_561 = arith.constant 0x7F800000 : f32
    %broadcast_in_dim3A_562 = vector.broadcast %jit3A_561 : f32 to vector<2048x512xf32>
    %select_n3A_563 = arith.select %eq3A_560, %broadcast_in_dim3A_562, %select_n3A_547 : vector<2048x512xi1>, vector<2048x512xf32>
    %reduce_min3A_564 = arith.constant dense<0x7F800000> : vector<512xf32>
    %reduce_min3A_565 = vector.multi_reduction <minimumf>, %select_n3A_563, %reduce_min3A_564 [0] : vector<2048x512xf32> to vector<512xf32>
    %broadcast_in_dim3A_566 = vector.shape_cast %reduce_min3A_565 : vector<512xf32> to vector<1x512xf32>
    %eq3A_567 = vector.broadcast %broadcast_in_dim3A_566 : vector<1x512xf32> to vector<2048x512xf32>
    %eq3A_568 = arith.cmpf oeq, %select_n3A_563, %eq3A_567 : vector<2048x512xf32>
    %jit3A_569 = arith.constant 1.000000e+09 : f32
    %broadcast_in_dim3A_570 = vector.broadcast %jit3A_569 : f32 to vector<2048x512xf32>
    %select_n3A_571 = arith.select %eq3A_568, %convert_element_type3A_358, %broadcast_in_dim3A_570 : vector<2048x512xi1>, vector<2048x512xf32>
    %reduce_min3A_572 = arith.constant dense<0x7F800000> : vector<512xf32>
    %reduce_min3A_573 = vector.multi_reduction <minimumf>, %select_n3A_571, %reduce_min3A_572 [0] : vector<2048x512xf32> to vector<512xf32>
    %broadcast_in_dim3A_574 = vector.shape_cast %reduce_min3A_573 : vector<512xf32> to vector<1x512xf32>
    %eq3A_575 = vector.broadcast %broadcast_in_dim3A_574 : vector<1x512xf32> to vector<2048x512xf32>
    %eq3A_576 = arith.cmpf oeq, %convert_element_type3A_358, %eq3A_575 : vector<2048x512xf32>
    %jit3A_577 = arith.constant 0x7F800000 : f32
    %broadcast_in_dim3A_578 = vector.broadcast %jit3A_577 : f32 to vector<2048x512xf32>
    %select_n3A_579 = arith.select %eq3A_576, %broadcast_in_dim3A_578, %select_n3A_563 : vector<2048x512xi1>, vector<2048x512xf32>
    %reduce_min3A_580 = arith.constant dense<0x7F800000> : vector<512xf32>
    %reduce_min3A_581 = vector.multi_reduction <minimumf>, %select_n3A_579, %reduce_min3A_580 [0] : vector<2048x512xf32> to vector<512xf32>
    %broadcast_in_dim3A_582 = vector.shape_cast %reduce_min3A_581 : vector<512xf32> to vector<1x512xf32>
    %eq3A_583 = vector.broadcast %broadcast_in_dim3A_582 : vector<1x512xf32> to vector<2048x512xf32>
    %eq3A_584 = arith.cmpf oeq, %select_n3A_579, %eq3A_583 : vector<2048x512xf32>
    %jit3A_585 = arith.constant 1.000000e+09 : f32
    %broadcast_in_dim3A_586 = vector.broadcast %jit3A_585 : f32 to vector<2048x512xf32>
    %select_n3A_587 = arith.select %eq3A_584, %convert_element_type3A_358, %broadcast_in_dim3A_586 : vector<2048x512xi1>, vector<2048x512xf32>
    %reduce_min3A_588 = arith.constant dense<0x7F800000> : vector<512xf32>
    %reduce_min3A_589 = vector.multi_reduction <minimumf>, %select_n3A_587, %reduce_min3A_588 [0] : vector<2048x512xf32> to vector<512xf32>
    %broadcast_in_dim3A_590 = vector.shape_cast %reduce_min3A_589 : vector<512xf32> to vector<1x512xf32>
    %eq3A_591 = vector.broadcast %broadcast_in_dim3A_590 : vector<1x512xf32> to vector<2048x512xf32>
    %eq3A_592 = arith.cmpf oeq, %convert_element_type3A_358, %eq3A_591 : vector<2048x512xf32>
    %jit3A_593 = arith.constant 0x7F800000 : f32
    %broadcast_in_dim3A_594 = vector.broadcast %jit3A_593 : f32 to vector<2048x512xf32>
    %select_n3A_595 = arith.select %eq3A_592, %broadcast_in_dim3A_594, %select_n3A_579 : vector<2048x512xi1>, vector<2048x512xf32>
    %reduce_min3A_596 = arith.constant dense<0x7F800000> : vector<512xf32>
    %reduce_min3A_597 = vector.multi_reduction <minimumf>, %select_n3A_595, %reduce_min3A_596 [0] : vector<2048x512xf32> to vector<512xf32>
    %broadcast_in_dim3A_598 = vector.shape_cast %reduce_min3A_597 : vector<512xf32> to vector<1x512xf32>
    %eq3A_599 = vector.broadcast %broadcast_in_dim3A_598 : vector<1x512xf32> to vector<2048x512xf32>
    %eq3A_600 = arith.cmpf oeq, %select_n3A_595, %eq3A_599 : vector<2048x512xf32>
    %jit3A_601 = arith.constant 1.000000e+09 : f32
    %broadcast_in_dim3A_602 = vector.broadcast %jit3A_601 : f32 to vector<2048x512xf32>
    %select_n3A_603 = arith.select %eq3A_600, %convert_element_type3A_358, %broadcast_in_dim3A_602 : vector<2048x512xi1>, vector<2048x512xf32>
    %reduce_min3A_604 = arith.constant dense<0x7F800000> : vector<512xf32>
    %reduce_min3A_605 = vector.multi_reduction <minimumf>, %select_n3A_603, %reduce_min3A_604 [0] : vector<2048x512xf32> to vector<512xf32>
    %broadcast_in_dim3A_606 = vector.shape_cast %reduce_min3A_605 : vector<512xf32> to vector<1x512xf32>
    %concatenate3A_607 = tpu.concatenate %broadcast_in_dim3A_366, %broadcast_in_dim3A_382, %broadcast_in_dim3A_398, %broadcast_in_dim3A_414, %broadcast_in_dim3A_430, %broadcast_in_dim3A_446, %broadcast_in_dim3A_462, %broadcast_in_dim3A_478, %broadcast_in_dim3A_494, %broadcast_in_dim3A_510, %broadcast_in_dim3A_526, %broadcast_in_dim3A_542, %broadcast_in_dim3A_558, %broadcast_in_dim3A_574, %broadcast_in_dim3A_590, %broadcast_in_dim3A_606 in 0 : vector<1x512xf32>, vector<1x512xf32>, vector<1x512xf32>, vector<1x512xf32>, vector<1x512xf32>, vector<1x512xf32>, vector<1x512xf32>, vector<1x512xf32>, vector<1x512xf32>, vector<1x512xf32>, vector<1x512xf32>, vector<1x512xf32>, vector<1x512xf32>, vector<1x512xf32>, vector<1x512xf32>, vector<1x512xf32> -> vector<16x512xf32>
    %convert_element_type3A_608 = arith.fptosi %concatenate3A_607 : vector<16x512xf32> to vector<16x512xi32>
    %swap3A_609 = arith.constant 0 : index
    %swap3A_610 = arith.constant 0 : index
    %swap3A_611 = vector.load %arg3[%swap3A_609, %swap3A_610] : memref<16x512xi32, #tpu.memory_space<vmem>>, vector<16x512xi32>
    tpu.vector_store %arg3[%swap3A_609, %swap3A_610], %convert_element_type3A_608 {strides = array<i32>} : memref<16x512xi32, #tpu.memory_space<vmem>>, vector<16x512xi32>,
    return
  }
  func.func @transform_0(%arg0: i32) -> (i32, i32) {
    %c0_i32 = arith.constant 0 : i32
    %c0_i32_0 = arith.constant 0 : i32
    return %c0_i32, %arg0 : i32, i32
  }
  func.func @transform_1(%arg0: i32) -> (i32, i32) {
    %c0_i32 = arith.constant 0 : i32
    %c0_i32_0 = arith.constant 0 : i32
    %c0_i32_1 = arith.constant 0 : i32
    return %c0_i32, %c0_i32_0 : i32, i32
  }
  func.func @transform_2(%arg0: i32) -> (i32, i32) {
    %c0_i32 = arith.constant 0 : i32
    %c0_i32_0 = arith.constant 0 : i32
    return %c0_i32, %arg0 : i32, i32
  }
}

module attributes {stable_mosaic.version = 14 : i64} {
  func.func @_rescan_mlp_body(%arg0: i32, %arg1: memref<3x512xf32, #tpu.memory_space<vmem>>, %arg2: memref<16x512xi32, #tpu.memory_space<vmem>>, %arg3: memref<16x512x128xf32, #tpu.memory_space<vmem>>, %arg4: memref<64x3xf32, #tpu.memory_space<vmem>>, %arg5: memref<64x1xf32, #tpu.memory_space<vmem>>, %arg6: memref<128x64xf32, #tpu.memory_space<vmem>>, %arg7: memref<128x1xf32, #tpu.memory_space<vmem>>, %arg8: memref<512x128xf32, #tpu.memory_space<vmem>>, %arg9: memref<512x512xf32, #tpu.memory_space<vmem>>, %arg10: memref<512x512xf32, #tpu.memory_space<vmem>>, %arg11: memref<512x512xf32, #tpu.memory_space<vmem>>, %arg12: memref<512x512xf32, #tpu.memory_space<vmem>>, %arg13: memref<512x512xf32, #tpu.memory_space<vmem>>) attributes {dimension_semantics = [#tpu.dimension_semantics<parallel>], iteration_bounds = array<i64: 32>, scalar_prefetch = 0 : i64, scratch_operands = 5 : i64, tpu.core_type = #tpu.core_type<tc>, window_params = [{transform_indices = @transform_0, window_bounds = array<i64: 3, 512>}, {transform_indices = @transform_1, window_bounds = array<i64: 16, 512>}, {transform_indices = @transform_2, window_bounds = array<i64: 16, 512, 128>}, {pipeline_mode = #tpu.pipeline_mode<synchronous>, transform_indices = @transform_3, window_bounds = array<i64: 64, 3>}, {pipeline_mode = #tpu.pipeline_mode<synchronous>, transform_indices = @transform_4, window_bounds = array<i64: 64, 1>}, {pipeline_mode = #tpu.pipeline_mode<synchronous>, transform_indices = @transform_5, window_bounds = array<i64: 128, 64>}, {pipeline_mode = #tpu.pipeline_mode<synchronous>, transform_indices = @transform_6, window_bounds = array<i64: 128, 1>}, {transform_indices = @transform_7, window_bounds = array<i64: 512, 128>}]} {
    %get3A = arith.constant 0 : index
    %get3A_0 = arith.constant 0 : index
    %get3A_1 = vector.load %arg1[%get3A, %get3A_0] : memref<3x512xf32, #tpu.memory_space<vmem>>, vector<3x512xf32>
    %slice3A = vector.extract_strided_slice %get3A_1 {offsets = [0, 0], sizes = [1, 512], strides = [1, 1]} : vector<3x512xf32> to vector<1x512xf32>
    %slice3A_2 = vector.extract_strided_slice %get3A_1 {offsets = [1, 0], sizes = [1, 512], strides = [1, 1]} : vector<3x512xf32> to vector<1x512xf32>
    %slice3A_3 = vector.extract_strided_slice %get3A_1 {offsets = [2, 0], sizes = [1, 512], strides = [1, 1]} : vector<3x512xf32> to vector<1x512xf32>
    %mul3A = arith.mulf %slice3A, %slice3A : vector<1x512xf32>
    %mul3A_4 = arith.mulf %slice3A_2, %slice3A_2 : vector<1x512xf32>
    %add3A = arith.addf %mul3A, %mul3A_4 : vector<1x512xf32>
    %mul3A_5 = arith.mulf %slice3A_3, %slice3A_3 : vector<1x512xf32>
    %add3A_6 = arith.addf %add3A, %mul3A_5 : vector<1x512xf32>
    %convert_element_type3A = arith.truncf %slice3A : vector<1x512xf32> to vector<1x512xbf16>
    %convert_element_type3A_7 = arith.extf %convert_element_type3A : vector<1x512xbf16> to vector<1x512xf32>
    %convert_element_type3A_8 = arith.truncf %slice3A_2 : vector<1x512xf32> to vector<1x512xbf16>
    %convert_element_type3A_9 = arith.extf %convert_element_type3A_8 : vector<1x512xbf16> to vector<1x512xf32>
    %convert_element_type3A_10 = arith.truncf %slice3A_3 : vector<1x512xf32> to vector<1x512xbf16>
    %convert_element_type3A_11 = arith.extf %convert_element_type3A_10 : vector<1x512xbf16> to vector<1x512xf32>
    %iota3A = tpu.iota {dimensions = array<i32: 0>} : vector<32x512xi32>
    %convert_element_type3A_12 = arith.sitofp %iota3A : vector<32x512xi32> to vector<32x512xf32>
    %get3A_13 = arith.constant 0 : index
    %get3A_14 = arith.constant 0 : index
    %get3A_15 = arith.constant 0 : index
    %get3A_16 = vector.load %arg3[%get3A_13, %get3A_14, %get3A_15] : memref<16x512x128xf32, #tpu.memory_space<vmem>>, vector<1x512x128xf32>
    %get3A_17 = vector.shape_cast %get3A_16 : vector<1x512x128xf32> to vector<512x128xf32>
    %transpose3A = tpu.transpose %get3A_17, [1, 0] : vector<512x128xf32> -> vector<128x512xf32>
    %slice3A_18 = vector.extract_strided_slice %transpose3A {offsets = [0, 0], sizes = [32, 512], strides = [1, 1]} : vector<128x512xf32> to vector<32x512xf32>
    %slice3A_19 = vector.extract_strided_slice %transpose3A {offsets = [32, 0], sizes = [32, 512], strides = [1, 1]} : vector<128x512xf32> to vector<32x512xf32>
    %slice3A_20 = vector.extract_strided_slice %transpose3A {offsets = [64, 0], sizes = [32, 512], strides = [1, 1]} : vector<128x512xf32> to vector<32x512xf32>
    %convert_element_type3A_21 = arith.truncf %slice3A_18 : vector<32x512xf32> to vector<32x512xbf16>
    %convert_element_type3A_22 = arith.extf %convert_element_type3A_21 : vector<32x512xbf16> to vector<32x512xf32>
    %mul3A_23 = vector.broadcast %convert_element_type3A_7 : vector<1x512xf32> to vector<32x512xf32>
    %mul3A_24 = arith.mulf %convert_element_type3A_22, %mul3A_23 : vector<32x512xf32>
    %convert_element_type3A_25 = arith.truncf %slice3A_19 : vector<32x512xf32> to vector<32x512xbf16>
    %convert_element_type3A_26 = arith.extf %convert_element_type3A_25 : vector<32x512xbf16> to vector<32x512xf32>
    %mul3A_27 = vector.broadcast %convert_element_type3A_9 : vector<1x512xf32> to vector<32x512xf32>
    %mul3A_28 = arith.mulf %convert_element_type3A_26, %mul3A_27 : vector<32x512xf32>
    %add3A_29 = arith.addf %mul3A_24, %mul3A_28 : vector<32x512xf32>
    %convert_element_type3A_30 = arith.truncf %slice3A_20 : vector<32x512xf32> to vector<32x512xbf16>
    %convert_element_type3A_31 = arith.extf %convert_element_type3A_30 : vector<32x512xbf16> to vector<32x512xf32>
    %mul3A_32 = vector.broadcast %convert_element_type3A_11 : vector<1x512xf32> to vector<32x512xf32>
    %mul3A_33 = arith.mulf %convert_element_type3A_31, %mul3A_32 : vector<32x512xf32>
    %add3A_34 = arith.addf %add3A_29, %mul3A_33 : vector<32x512xf32>
    %mul3A_35 = arith.mulf %slice3A_18, %slice3A_18 : vector<32x512xf32>
    %mul3A_36 = arith.mulf %slice3A_19, %slice3A_19 : vector<32x512xf32>
    %add3A_37 = arith.addf %mul3A_35, %mul3A_36 : vector<32x512xf32>
    %mul3A_38 = arith.mulf %slice3A_20, %slice3A_20 : vector<32x512xf32>
    %add3A_39 = arith.addf %add3A_37, %mul3A_38 : vector<32x512xf32>
    %mul3A_40 = arith.constant -2.000000e+00 : f32
    %mul3A_41 = vector.broadcast %mul3A_40 : f32 to vector<32x512xf32>
    %mul3A_42 = arith.mulf %mul3A_41, %add3A_34 : vector<32x512xf32>
    %add3A_43 = vector.broadcast %add3A_6 : vector<1x512xf32> to vector<32x512xf32>
    %add3A_44 = arith.addf %add3A_43, %mul3A_42 : vector<32x512xf32>
    %add3A_45 = arith.addf %add3A_44, %add3A_39 : vector<32x512xf32>
    %swap3A = arith.constant 0 : index
    %swap3A_46 = arith.constant 0 : index
    %swap3A_47 = vector.load %arg9[%swap3A, %swap3A_46] : memref<512x512xf32, #tpu.memory_space<vmem>>, vector<32x512xf32>
    tpu.vector_store %arg9[%swap3A, %swap3A_46], %add3A_45 {strides = array<i32>} : memref<512x512xf32, #tpu.memory_space<vmem>>, vector<32x512xf32>,
    %swap3A_48 = arith.constant 0 : index
    %swap3A_49 = arith.constant 0 : index
    %swap3A_50 = vector.load %arg11[%swap3A_48, %swap3A_49] : memref<512x512xf32, #tpu.memory_space<vmem>>, vector<32x512xf32>
    tpu.vector_store %arg11[%swap3A_48, %swap3A_49], %slice3A_18 {strides = array<i32>} : memref<512x512xf32, #tpu.memory_space<vmem>>, vector<32x512xf32>,
    %swap3A_51 = arith.constant 0 : index
    %swap3A_52 = arith.constant 0 : index
    %swap3A_53 = vector.load %arg12[%swap3A_51, %swap3A_52] : memref<512x512xf32, #tpu.memory_space<vmem>>, vector<32x512xf32>
    tpu.vector_store %arg12[%swap3A_51, %swap3A_52], %slice3A_19 {strides = array<i32>} : memref<512x512xf32, #tpu.memory_space<vmem>>, vector<32x512xf32>,
    %swap3A_54 = arith.constant 0 : index
    %swap3A_55 = arith.constant 0 : index
    %swap3A_56 = vector.load %arg13[%swap3A_54, %swap3A_55] : memref<512x512xf32, #tpu.memory_space<vmem>>, vector<32x512xf32>
    tpu.vector_store %arg13[%swap3A_54, %swap3A_55], %slice3A_20 {strides = array<i32>} : memref<512x512xf32, #tpu.memory_space<vmem>>, vector<32x512xf32>,
    %get3A_57 = arith.constant 0 : index
    %get3A_58 = arith.constant 0 : index
    %get3A_59 = vector.load %arg2[%get3A_57, %get3A_58] : memref<16x512xi32, #tpu.memory_space<vmem>>, vector<1x512xi32>
    %jit3A = arith.constant 64 : i32
    %div3A = vector.broadcast %jit3A : i32 to vector<1x512xi32>
    %div3A_60 = arith.divsi %get3A_59, %div3A : vector<1x512xi32>
    %sign3A = arith.constant 0 : i32
    %sign3A_61 = vector.broadcast %sign3A : i32 to vector<1x512xi32>
    %sign3A_62 = arith.cmpi sgt, %get3A_59, %sign3A_61 : vector<1x512xi32>
    %sign3A_63 = arith.extui %sign3A_62 : vector<1x512xi1> to vector<1x512xi32>
    %sign3A_64 = arith.constant 0 : i32
    %sign3A_65 = vector.broadcast %sign3A_64 : i32 to vector<1x512xi32>
    %sign3A_66 = arith.cmpi slt, %get3A_59, %sign3A_65 : vector<1x512xi32>
    %sign3A_67 = arith.extui %sign3A_66 : vector<1x512xi1> to vector<1x512xi32>
    %sign3A_68 = arith.subi %sign3A_63, %sign3A_67 : vector<1x512xi32>
    %sign3A_69 = arith.constant 0 : i32
    %sign3A_70 = arith.cmpi sgt, %jit3A, %sign3A_69 : i32
    %sign3A_71 = arith.extui %sign3A_70 : i1 to i32
    %sign3A_72 = arith.constant 0 : i32
    %sign3A_73 = arith.cmpi slt, %jit3A, %sign3A_72 : i32
    %sign3A_74 = arith.extui %sign3A_73 : i1 to i32
    %sign3A_75 = arith.subi %sign3A_71, %sign3A_74 : i32
    %ne3A = vector.broadcast %sign3A_75 : i32 to vector<1x512xi32>
    %ne3A_76 = arith.cmpi ne, %sign3A_68, %ne3A : vector<1x512xi32>
    %rem3A = vector.broadcast %jit3A : i32 to vector<1x512xi32>
    %rem3A_77 = arith.remsi %get3A_59, %rem3A : vector<1x512xi32>
    %ne3A_78 = arith.constant 0 : i32
    %ne3A_79 = vector.broadcast %ne3A_78 : i32 to vector<1x512xi32>
    %ne3A_80 = arith.cmpi ne, %rem3A_77, %ne3A_79 : vector<1x512xi32>
    %and3A = arith.andi %ne3A_76, %ne3A_80 : vector<1x512xi1>
    %sub3A = arith.constant 1 : i32
    %sub3A_81 = vector.broadcast %sub3A : i32 to vector<1x512xi32>
    %sub3A_82 = arith.subi %div3A_60, %sub3A_81 : vector<1x512xi32>
    %select_n3A = arith.select %and3A, %sub3A_82, %div3A_60 : vector<1x512xi1>, vector<1x512xi32>
    %mul3A_83 = arith.constant 2048 : i32
    %mul3A_84 = vector.broadcast %mul3A_83 : i32 to vector<1x512xi32>
    %mul3A_85 = arith.muli %select_n3A, %mul3A_84 : vector<1x512xi32>
    %jit3A_86 = arith.constant 64 : i32
    %eq3A = arith.constant 0 : i32
    %eq3A_87 = arith.cmpi eq, %jit3A_86, %eq3A : i32
    %jit3A_88 = arith.constant 1 : i32
    %select_n3A_89 = arith.select %eq3A_87, %jit3A_88, %jit3A_86 : i32
    %rem3A_90 = vector.broadcast %select_n3A_89 : i32 to vector<1x512xi32>
    %rem3A_91 = arith.remsi %get3A_59, %rem3A_90 : vector<1x512xi32>
    %ne3A_92 = arith.constant 0 : i32
    %ne3A_93 = vector.broadcast %ne3A_92 : i32 to vector<1x512xi32>
    %ne3A_94 = arith.cmpi ne, %rem3A_91, %ne3A_93 : vector<1x512xi32>
    %lt3A = arith.constant 0 : i32
    %lt3A_95 = vector.broadcast %lt3A : i32 to vector<1x512xi32>
    %lt3A_96 = arith.cmpi slt, %rem3A_91, %lt3A_95 : vector<1x512xi32>
    %lt3A_97 = arith.constant 0 : i32
    %lt3A_98 = arith.cmpi slt, %select_n3A_89, %lt3A_97 : i32
    %ne3A_99 = vector.broadcast %lt3A_98 : i1 to vector<1x512xi1>
    %ne3A_100 = vector.broadcast %ne3A_99 : vector<1x512xi1> to vector<1x512xi1>
    %ne3A_101 = arith.xori %lt3A_96, %ne3A_100 : vector<1x512xi1>
    %and3A_102 = arith.andi %ne3A_101, %ne3A_94 : vector<1x512xi1>
    %add3A_103 = vector.broadcast %select_n3A_89 : i32 to vector<1x512xi32>
    %add3A_104 = arith.addi %rem3A_91, %add3A_103 : vector<1x512xi32>
    %select_n3A_105 = arith.select %and3A_102, %add3A_104, %rem3A_91 : vector<1x512xi1>, vector<1x512xi32>
    %add3A_106 = arith.addi %mul3A_85, %select_n3A_105 : vector<1x512xi32>
    %convert_element_type3A_107 = arith.sitofp %add3A_106 : vector<1x512xi32> to vector<1x512xf32>
    %mul3A_108 = arith.constant 6.400000e+01 : f32
    %mul3A_109 = vector.broadcast %mul3A_108 : f32 to vector<32x512xf32>
    %mul3A_110 = arith.mulf %convert_element_type3A_12, %mul3A_109 : vector<32x512xf32>
    %add3A_111 = vector.broadcast %convert_element_type3A_107 : vector<1x512xf32> to vector<32x512xf32>
    %add3A_112 = arith.addf %add3A_111, %mul3A_110 : vector<32x512xf32>
    %swap3A_113 = arith.constant 0 : index
    %swap3A_114 = arith.constant 0 : index
    %swap3A_115 = vector.load %arg10[%swap3A_113, %swap3A_114] : memref<512x512xf32, #tpu.memory_space<vmem>>, vector<32x512xf32>
    tpu.vector_store %arg10[%swap3A_113, %swap3A_114], %add3A_112 {strides = array<i32>} : memref<512x512xf32, #tpu.memory_space<vmem>>, vector<32x512xf32>,
    %get3A_116 = arith.constant 1 : index
    %get3A_117 = arith.constant 0 : index
    %get3A_118 = arith.constant 0 : index
    %get3A_119 = vector.load %arg3[%get3A_116, %get3A_117, %get3A_118] : memref<16x512x128xf32, #tpu.memory_space<vmem>>, vector<1x512x128xf32>
    %get3A_120 = vector.shape_cast %get3A_119 : vector<1x512x128xf32> to vector<512x128xf32>
    %transpose3A_121 = tpu.transpose %get3A_120, [1, 0] : vector<512x128xf32> -> vector<128x512xf32>
    %slice3A_122 = vector.extract_strided_slice %transpose3A_121 {offsets = [0, 0], sizes = [32, 512], strides = [1, 1]} : vector<128x512xf32> to vector<32x512xf32>
    %slice3A_123 = vector.extract_strided_slice %transpose3A_121 {offsets = [32, 0], sizes = [32, 512], strides = [1, 1]} : vector<128x512xf32> to vector<32x512xf32>
    %slice3A_124 = vector.extract_strided_slice %transpose3A_121 {offsets = [64, 0], sizes = [32, 512], strides = [1, 1]} : vector<128x512xf32> to vector<32x512xf32>
    %convert_element_type3A_125 = arith.truncf %slice3A_122 : vector<32x512xf32> to vector<32x512xbf16>
    %convert_element_type3A_126 = arith.extf %convert_element_type3A_125 : vector<32x512xbf16> to vector<32x512xf32>
    %mul3A_127 = vector.broadcast %convert_element_type3A_7 : vector<1x512xf32> to vector<32x512xf32>
    %mul3A_128 = arith.mulf %convert_element_type3A_126, %mul3A_127 : vector<32x512xf32>
    %convert_element_type3A_129 = arith.truncf %slice3A_123 : vector<32x512xf32> to vector<32x512xbf16>
    %convert_element_type3A_130 = arith.extf %convert_element_type3A_129 : vector<32x512xbf16> to vector<32x512xf32>
    %mul3A_131 = vector.broadcast %convert_element_type3A_9 : vector<1x512xf32> to vector<32x512xf32>
    %mul3A_132 = arith.mulf %convert_element_type3A_130, %mul3A_131 : vector<32x512xf32>
    %add3A_133 = arith.addf %mul3A_128, %mul3A_132 : vector<32x512xf32>
    %convert_element_type3A_134 = arith.truncf %slice3A_124 : vector<32x512xf32> to vector<32x512xbf16>
    %convert_element_type3A_135 = arith.extf %convert_element_type3A_134 : vector<32x512xbf16> to vector<32x512xf32>
    %mul3A_136 = vector.broadcast %convert_element_type3A_11 : vector<1x512xf32> to vector<32x512xf32>
    %mul3A_137 = arith.mulf %convert_element_type3A_135, %mul3A_136 : vector<32x512xf32>
    %add3A_138 = arith.addf %add3A_133, %mul3A_137 : vector<32x512xf32>
    %mul3A_139 = arith.mulf %slice3A_122, %slice3A_122 : vector<32x512xf32>
    %mul3A_140 = arith.mulf %slice3A_123, %slice3A_123 : vector<32x512xf32>
    %add3A_141 = arith.addf %mul3A_139, %mul3A_140 : vector<32x512xf32>
    %mul3A_142 = arith.mulf %slice3A_124, %slice3A_124 : vector<32x512xf32>
    %add3A_143 = arith.addf %add3A_141, %mul3A_142 : vector<32x512xf32>
    %mul3A_144 = arith.constant -2.000000e+00 : f32
    %mul3A_145 = vector.broadcast %mul3A_144 : f32 to vector<32x512xf32>
    %mul3A_146 = arith.mulf %mul3A_145, %add3A_138 : vector<32x512xf32>
    %add3A_147 = vector.broadcast %add3A_6 : vector<1x512xf32> to vector<32x512xf32>
    %add3A_148 = arith.addf %add3A_147, %mul3A_146 : vector<32x512xf32>
    %add3A_149 = arith.addf %add3A_148, %add3A_143 : vector<32x512xf32>
    %swap3A_150 = arith.constant 32 : index
    %swap3A_151 = arith.constant 0 : index
    %swap3A_152 = vector.load %arg9[%swap3A_150, %swap3A_151] : memref<512x512xf32, #tpu.memory_space<vmem>>, vector<32x512xf32>
    tpu.vector_store %arg9[%swap3A_150, %swap3A_151], %add3A_149 {strides = array<i32>} : memref<512x512xf32, #tpu.memory_space<vmem>>, vector<32x512xf32>,
    %swap3A_153 = arith.constant 32 : index
    %swap3A_154 = arith.constant 0 : index
    %swap3A_155 = vector.load %arg11[%swap3A_153, %swap3A_154] : memref<512x512xf32, #tpu.memory_space<vmem>>, vector<32x512xf32>
    tpu.vector_store %arg11[%swap3A_153, %swap3A_154], %slice3A_122 {strides = array<i32>} : memref<512x512xf32, #tpu.memory_space<vmem>>, vector<32x512xf32>,
    %swap3A_156 = arith.constant 32 : index
    %swap3A_157 = arith.constant 0 : index
    %swap3A_158 = vector.load %arg12[%swap3A_156, %swap3A_157] : memref<512x512xf32, #tpu.memory_space<vmem>>, vector<32x512xf32>
    tpu.vector_store %arg12[%swap3A_156, %swap3A_157], %slice3A_123 {strides = array<i32>} : memref<512x512xf32, #tpu.memory_space<vmem>>, vector<32x512xf32>,
    %swap3A_159 = arith.constant 32 : index
    %swap3A_160 = arith.constant 0 : index
    %swap3A_161 = vector.load %arg13[%swap3A_159, %swap3A_160] : memref<512x512xf32, #tpu.memory_space<vmem>>, vector<32x512xf32>
    tpu.vector_store %arg13[%swap3A_159, %swap3A_160], %slice3A_124 {strides = array<i32>} : memref<512x512xf32, #tpu.memory_space<vmem>>, vector<32x512xf32>,
    %get3A_162 = arith.constant 1 : index
    %get3A_163 = arith.constant 0 : index
    %get3A_164 = vector.load %arg2[%get3A_162, %get3A_163] : memref<16x512xi32, #tpu.memory_space<vmem>>, vector<1x512xi32>
    %jit3A_165 = arith.constant 64 : i32
    %div3A_166 = vector.broadcast %jit3A_165 : i32 to vector<1x512xi32>
    %div3A_167 = arith.divsi %get3A_164, %div3A_166 : vector<1x512xi32>
    %sign3A_168 = arith.constant 0 : i32
    %sign3A_169 = vector.broadcast %sign3A_168 : i32 to vector<1x512xi32>
    %sign3A_170 = arith.cmpi sgt, %get3A_164, %sign3A_169 : vector<1x512xi32>
    %sign3A_171 = arith.extui %sign3A_170 : vector<1x512xi1> to vector<1x512xi32>
    %sign3A_172 = arith.constant 0 : i32
    %sign3A_173 = vector.broadcast %sign3A_172 : i32 to vector<1x512xi32>
    %sign3A_174 = arith.cmpi slt, %get3A_164, %sign3A_173 : vector<1x512xi32>
    %sign3A_175 = arith.extui %sign3A_174 : vector<1x512xi1> to vector<1x512xi32>
    %sign3A_176 = arith.subi %sign3A_171, %sign3A_175 : vector<1x512xi32>
    %sign3A_177 = arith.constant 0 : i32
    %sign3A_178 = arith.cmpi sgt, %jit3A_165, %sign3A_177 : i32
    %sign3A_179 = arith.extui %sign3A_178 : i1 to i32
    %sign3A_180 = arith.constant 0 : i32
    %sign3A_181 = arith.cmpi slt, %jit3A_165, %sign3A_180 : i32
    %sign3A_182 = arith.extui %sign3A_181 : i1 to i32
    %sign3A_183 = arith.subi %sign3A_179, %sign3A_182 : i32
    %ne3A_184 = vector.broadcast %sign3A_183 : i32 to vector<1x512xi32>
    %ne3A_185 = arith.cmpi ne, %sign3A_176, %ne3A_184 : vector<1x512xi32>
    %rem3A_186 = vector.broadcast %jit3A_165 : i32 to vector<1x512xi32>
    %rem3A_187 = arith.remsi %get3A_164, %rem3A_186 : vector<1x512xi32>
    %ne3A_188 = arith.constant 0 : i32
    %ne3A_189 = vector.broadcast %ne3A_188 : i32 to vector<1x512xi32>
    %ne3A_190 = arith.cmpi ne, %rem3A_187, %ne3A_189 : vector<1x512xi32>
    %and3A_191 = arith.andi %ne3A_185, %ne3A_190 : vector<1x512xi1>
    %sub3A_192 = arith.constant 1 : i32
    %sub3A_193 = vector.broadcast %sub3A_192 : i32 to vector<1x512xi32>
    %sub3A_194 = arith.subi %div3A_167, %sub3A_193 : vector<1x512xi32>
    %select_n3A_195 = arith.select %and3A_191, %sub3A_194, %div3A_167 : vector<1x512xi1>, vector<1x512xi32>
    %mul3A_196 = arith.constant 2048 : i32
    %mul3A_197 = vector.broadcast %mul3A_196 : i32 to vector<1x512xi32>
    %mul3A_198 = arith.muli %select_n3A_195, %mul3A_197 : vector<1x512xi32>
    %jit3A_199 = arith.constant 64 : i32
    %eq3A_200 = arith.constant 0 : i32
    %eq3A_201 = arith.cmpi eq, %jit3A_199, %eq3A_200 : i32
    %jit3A_202 = arith.constant 1 : i32
    %select_n3A_203 = arith.select %eq3A_201, %jit3A_202, %jit3A_199 : i32
    %rem3A_204 = vector.broadcast %select_n3A_203 : i32 to vector<1x512xi32>
    %rem3A_205 = arith.remsi %get3A_164, %rem3A_204 : vector<1x512xi32>
    %ne3A_206 = arith.constant 0 : i32
    %ne3A_207 = vector.broadcast %ne3A_206 : i32 to vector<1x512xi32>
    %ne3A_208 = arith.cmpi ne, %rem3A_205, %ne3A_207 : vector<1x512xi32>
    %lt3A_209 = arith.constant 0 : i32
    %lt3A_210 = vector.broadcast %lt3A_209 : i32 to vector<1x512xi32>
    %lt3A_211 = arith.cmpi slt, %rem3A_205, %lt3A_210 : vector<1x512xi32>
    %lt3A_212 = arith.constant 0 : i32
    %lt3A_213 = arith.cmpi slt, %select_n3A_203, %lt3A_212 : i32
    %ne3A_214 = vector.broadcast %lt3A_213 : i1 to vector<1x512xi1>
    %ne3A_215 = vector.broadcast %ne3A_214 : vector<1x512xi1> to vector<1x512xi1>
    %ne3A_216 = arith.xori %lt3A_211, %ne3A_215 : vector<1x512xi1>
    %and3A_217 = arith.andi %ne3A_216, %ne3A_208 : vector<1x512xi1>
    %add3A_218 = vector.broadcast %select_n3A_203 : i32 to vector<1x512xi32>
    %add3A_219 = arith.addi %rem3A_205, %add3A_218 : vector<1x512xi32>
    %select_n3A_220 = arith.select %and3A_217, %add3A_219, %rem3A_205 : vector<1x512xi1>, vector<1x512xi32>
    %add3A_221 = arith.addi %mul3A_198, %select_n3A_220 : vector<1x512xi32>
    %convert_element_type3A_222 = arith.sitofp %add3A_221 : vector<1x512xi32> to vector<1x512xf32>
    %mul3A_223 = arith.constant 6.400000e+01 : f32
    %mul3A_224 = vector.broadcast %mul3A_223 : f32 to vector<32x512xf32>
    %mul3A_225 = arith.mulf %convert_element_type3A_12, %mul3A_224 : vector<32x512xf32>
    %add3A_226 = vector.broadcast %convert_element_type3A_222 : vector<1x512xf32> to vector<32x512xf32>
    %add3A_227 = arith.addf %add3A_226, %mul3A_225 : vector<32x512xf32>
    %swap3A_228 = arith.constant 32 : index
    %swap3A_229 = arith.constant 0 : index
    %swap3A_230 = vector.load %arg10[%swap3A_228, %swap3A_229] : memref<512x512xf32, #tpu.memory_space<vmem>>, vector<32x512xf32>
    tpu.vector_store %arg10[%swap3A_228, %swap3A_229], %add3A_227 {strides = array<i32>} : memref<512x512xf32, #tpu.memory_space<vmem>>, vector<32x512xf32>,
    %get3A_231 = arith.constant 2 : index
    %get3A_232 = arith.constant 0 : index
    %get3A_233 = arith.constant 0 : index
    %get3A_234 = vector.load %arg3[%get3A_231, %get3A_232, %get3A_233] : memref<16x512x128xf32, #tpu.memory_space<vmem>>, vector<1x512x128xf32>
    %get3A_235 = vector.shape_cast %get3A_234 : vector<1x512x128xf32> to vector<512x128xf32>
    %transpose3A_236 = tpu.transpose %get3A_235, [1, 0] : vector<512x128xf32> -> vector<128x512xf32>
    %slice3A_237 = vector.extract_strided_slice %transpose3A_236 {offsets = [0, 0], sizes = [32, 512], strides = [1, 1]} : vector<128x512xf32> to vector<32x512xf32>
    %slice3A_238 = vector.extract_strided_slice %transpose3A_236 {offsets = [32, 0], sizes = [32, 512], strides = [1, 1]} : vector<128x512xf32> to vector<32x512xf32>
    %slice3A_239 = vector.extract_strided_slice %transpose3A_236 {offsets = [64, 0], sizes = [32, 512], strides = [1, 1]} : vector<128x512xf32> to vector<32x512xf32>
    %convert_element_type3A_240 = arith.truncf %slice3A_237 : vector<32x512xf32> to vector<32x512xbf16>
    %convert_element_type3A_241 = arith.extf %convert_element_type3A_240 : vector<32x512xbf16> to vector<32x512xf32>
    %mul3A_242 = vector.broadcast %convert_element_type3A_7 : vector<1x512xf32> to vector<32x512xf32>
    %mul3A_243 = arith.mulf %convert_element_type3A_241, %mul3A_242 : vector<32x512xf32>
    %convert_element_type3A_244 = arith.truncf %slice3A_238 : vector<32x512xf32> to vector<32x512xbf16>
    %convert_element_type3A_245 = arith.extf %convert_element_type3A_244 : vector<32x512xbf16> to vector<32x512xf32>
    %mul3A_246 = vector.broadcast %convert_element_type3A_9 : vector<1x512xf32> to vector<32x512xf32>
    %mul3A_247 = arith.mulf %convert_element_type3A_245, %mul3A_246 : vector<32x512xf32>
    %add3A_248 = arith.addf %mul3A_243, %mul3A_247 : vector<32x512xf32>
    %convert_element_type3A_249 = arith.truncf %slice3A_239 : vector<32x512xf32> to vector<32x512xbf16>
    %convert_element_type3A_250 = arith.extf %convert_element_type3A_249 : vector<32x512xbf16> to vector<32x512xf32>
    %mul3A_251 = vector.broadcast %convert_element_type3A_11 : vector<1x512xf32> to vector<32x512xf32>
    %mul3A_252 = arith.mulf %convert_element_type3A_250, %mul3A_251 : vector<32x512xf32>
    %add3A_253 = arith.addf %add3A_248, %mul3A_252 : vector<32x512xf32>
    %mul3A_254 = arith.mulf %slice3A_237, %slice3A_237 : vector<32x512xf32>
    %mul3A_255 = arith.mulf %slice3A_238, %slice3A_238 : vector<32x512xf32>
    %add3A_256 = arith.addf %mul3A_254, %mul3A_255 : vector<32x512xf32>
    %mul3A_257 = arith.mulf %slice3A_239, %slice3A_239 : vector<32x512xf32>
    %add3A_258 = arith.addf %add3A_256, %mul3A_257 : vector<32x512xf32>
    %mul3A_259 = arith.constant -2.000000e+00 : f32
    %mul3A_260 = vector.broadcast %mul3A_259 : f32 to vector<32x512xf32>
    %mul3A_261 = arith.mulf %mul3A_260, %add3A_253 : vector<32x512xf32>
    %add3A_262 = vector.broadcast %add3A_6 : vector<1x512xf32> to vector<32x512xf32>
    %add3A_263 = arith.addf %add3A_262, %mul3A_261 : vector<32x512xf32>
    %add3A_264 = arith.addf %add3A_263, %add3A_258 : vector<32x512xf32>
    %swap3A_265 = arith.constant 64 : index
    %swap3A_266 = arith.constant 0 : index
    %swap3A_267 = vector.load %arg9[%swap3A_265, %swap3A_266] : memref<512x512xf32, #tpu.memory_space<vmem>>, vector<32x512xf32>
    tpu.vector_store %arg9[%swap3A_265, %swap3A_266], %add3A_264 {strides = array<i32>} : memref<512x512xf32, #tpu.memory_space<vmem>>, vector<32x512xf32>,
    %swap3A_268 = arith.constant 64 : index
    %swap3A_269 = arith.constant 0 : index
    %swap3A_270 = vector.load %arg11[%swap3A_268, %swap3A_269] : memref<512x512xf32, #tpu.memory_space<vmem>>, vector<32x512xf32>
    tpu.vector_store %arg11[%swap3A_268, %swap3A_269], %slice3A_237 {strides = array<i32>} : memref<512x512xf32, #tpu.memory_space<vmem>>, vector<32x512xf32>,
    %swap3A_271 = arith.constant 64 : index
    %swap3A_272 = arith.constant 0 : index
    %swap3A_273 = vector.load %arg12[%swap3A_271, %swap3A_272] : memref<512x512xf32, #tpu.memory_space<vmem>>, vector<32x512xf32>
    tpu.vector_store %arg12[%swap3A_271, %swap3A_272], %slice3A_238 {strides = array<i32>} : memref<512x512xf32, #tpu.memory_space<vmem>>, vector<32x512xf32>,
    %swap3A_274 = arith.constant 64 : index
    %swap3A_275 = arith.constant 0 : index
    %swap3A_276 = vector.load %arg13[%swap3A_274, %swap3A_275] : memref<512x512xf32, #tpu.memory_space<vmem>>, vector<32x512xf32>
    tpu.vector_store %arg13[%swap3A_274, %swap3A_275], %slice3A_239 {strides = array<i32>} : memref<512x512xf32, #tpu.memory_space<vmem>>, vector<32x512xf32>,
    %get3A_277 = arith.constant 2 : index
    %get3A_278 = arith.constant 0 : index
    %get3A_279 = vector.load %arg2[%get3A_277, %get3A_278] : memref<16x512xi32, #tpu.memory_space<vmem>>, vector<1x512xi32>
    %jit3A_280 = arith.constant 64 : i32
    %div3A_281 = vector.broadcast %jit3A_280 : i32 to vector<1x512xi32>
    %div3A_282 = arith.divsi %get3A_279, %div3A_281 : vector<1x512xi32>
    %sign3A_283 = arith.constant 0 : i32
    %sign3A_284 = vector.broadcast %sign3A_283 : i32 to vector<1x512xi32>
    %sign3A_285 = arith.cmpi sgt, %get3A_279, %sign3A_284 : vector<1x512xi32>
    %sign3A_286 = arith.extui %sign3A_285 : vector<1x512xi1> to vector<1x512xi32>
    %sign3A_287 = arith.constant 0 : i32
    %sign3A_288 = vector.broadcast %sign3A_287 : i32 to vector<1x512xi32>
    %sign3A_289 = arith.cmpi slt, %get3A_279, %sign3A_288 : vector<1x512xi32>
    %sign3A_290 = arith.extui %sign3A_289 : vector<1x512xi1> to vector<1x512xi32>
    %sign3A_291 = arith.subi %sign3A_286, %sign3A_290 : vector<1x512xi32>
    %sign3A_292 = arith.constant 0 : i32
    %sign3A_293 = arith.cmpi sgt, %jit3A_280, %sign3A_292 : i32
    %sign3A_294 = arith.extui %sign3A_293 : i1 to i32
    %sign3A_295 = arith.constant 0 : i32
    %sign3A_296 = arith.cmpi slt, %jit3A_280, %sign3A_295 : i32
    %sign3A_297 = arith.extui %sign3A_296 : i1 to i32
    %sign3A_298 = arith.subi %sign3A_294, %sign3A_297 : i32
    %ne3A_299 = vector.broadcast %sign3A_298 : i32 to vector<1x512xi32>
    %ne3A_300 = arith.cmpi ne, %sign3A_291, %ne3A_299 : vector<1x512xi32>
    %rem3A_301 = vector.broadcast %jit3A_280 : i32 to vector<1x512xi32>
    %rem3A_302 = arith.remsi %get3A_279, %rem3A_301 : vector<1x512xi32>
    %ne3A_303 = arith.constant 0 : i32
    %ne3A_304 = vector.broadcast %ne3A_303 : i32 to vector<1x512xi32>
    %ne3A_305 = arith.cmpi ne, %rem3A_302, %ne3A_304 : vector<1x512xi32>
    %and3A_306 = arith.andi %ne3A_300, %ne3A_305 : vector<1x512xi1>
    %sub3A_307 = arith.constant 1 : i32
    %sub3A_308 = vector.broadcast %sub3A_307 : i32 to vector<1x512xi32>
    %sub3A_309 = arith.subi %div3A_282, %sub3A_308 : vector<1x512xi32>
    %select_n3A_310 = arith.select %and3A_306, %sub3A_309, %div3A_282 : vector<1x512xi1>, vector<1x512xi32>
    %mul3A_311 = arith.constant 2048 : i32
    %mul3A_312 = vector.broadcast %mul3A_311 : i32 to vector<1x512xi32>
    %mul3A_313 = arith.muli %select_n3A_310, %mul3A_312 : vector<1x512xi32>
    %jit3A_314 = arith.constant 64 : i32
    %eq3A_315 = arith.constant 0 : i32
    %eq3A_316 = arith.cmpi eq, %jit3A_314, %eq3A_315 : i32
    %jit3A_317 = arith.constant 1 : i32
    %select_n3A_318 = arith.select %eq3A_316, %jit3A_317, %jit3A_314 : i32
    %rem3A_319 = vector.broadcast %select_n3A_318 : i32 to vector<1x512xi32>
    %rem3A_320 = arith.remsi %get3A_279, %rem3A_319 : vector<1x512xi32>
    %ne3A_321 = arith.constant 0 : i32
    %ne3A_322 = vector.broadcast %ne3A_321 : i32 to vector<1x512xi32>
    %ne3A_323 = arith.cmpi ne, %rem3A_320, %ne3A_322 : vector<1x512xi32>
    %lt3A_324 = arith.constant 0 : i32
    %lt3A_325 = vector.broadcast %lt3A_324 : i32 to vector<1x512xi32>
    %lt3A_326 = arith.cmpi slt, %rem3A_320, %lt3A_325 : vector<1x512xi32>
    %lt3A_327 = arith.constant 0 : i32
    %lt3A_328 = arith.cmpi slt, %select_n3A_318, %lt3A_327 : i32
    %ne3A_329 = vector.broadcast %lt3A_328 : i1 to vector<1x512xi1>
    %ne3A_330 = vector.broadcast %ne3A_329 : vector<1x512xi1> to vector<1x512xi1>
    %ne3A_331 = arith.xori %lt3A_326, %ne3A_330 : vector<1x512xi1>
    %and3A_332 = arith.andi %ne3A_331, %ne3A_323 : vector<1x512xi1>
    %add3A_333 = vector.broadcast %select_n3A_318 : i32 to vector<1x512xi32>
    %add3A_334 = arith.addi %rem3A_320, %add3A_333 : vector<1x512xi32>
    %select_n3A_335 = arith.select %and3A_332, %add3A_334, %rem3A_320 : vector<1x512xi1>, vector<1x512xi32>
    %add3A_336 = arith.addi %mul3A_313, %select_n3A_335 : vector<1x512xi32>
    %convert_element_type3A_337 = arith.sitofp %add3A_336 : vector<1x512xi32> to vector<1x512xf32>
    %mul3A_338 = arith.constant 6.400000e+01 : f32
    %mul3A_339 = vector.broadcast %mul3A_338 : f32 to vector<32x512xf32>
    %mul3A_340 = arith.mulf %convert_element_type3A_12, %mul3A_339 : vector<32x512xf32>
    %add3A_341 = vector.broadcast %convert_element_type3A_337 : vector<1x512xf32> to vector<32x512xf32>
    %add3A_342 = arith.addf %add3A_341, %mul3A_340 : vector<32x512xf32>
    %swap3A_343 = arith.constant 64 : index
    %swap3A_344 = arith.constant 0 : index
    %swap3A_345 = vector.load %arg10[%swap3A_343, %swap3A_344] : memref<512x512xf32, #tpu.memory_space<vmem>>, vector<32x512xf32>
    tpu.vector_store %arg10[%swap3A_343, %swap3A_344], %add3A_342 {strides = array<i32>} : memref<512x512xf32, #tpu.memory_space<vmem>>, vector<32x512xf32>,
    %get3A_346 = arith.constant 3 : index
    %get3A_347 = arith.constant 0 : index
    %get3A_348 = arith.constant 0 : index
    %get3A_349 = vector.load %arg3[%get3A_346, %get3A_347, %get3A_348] : memref<16x512x128xf32, #tpu.memory_space<vmem>>, vector<1x512x128xf32>
    %get3A_350 = vector.shape_cast %get3A_349 : vector<1x512x128xf32> to vector<512x128xf32>
    %transpose3A_351 = tpu.transpose %get3A_350, [1, 0] : vector<512x128xf32> -> vector<128x512xf32>
    %slice3A_352 = vector.extract_strided_slice %transpose3A_351 {offsets = [0, 0], sizes = [32, 512], strides = [1, 1]} : vector<128x512xf32> to vector<32x512xf32>
    %slice3A_353 = vector.extract_strided_slice %transpose3A_351 {offsets = [32, 0], sizes = [32, 512], strides = [1, 1]} : vector<128x512xf32> to vector<32x512xf32>
    %slice3A_354 = vector.extract_strided_slice %transpose3A_351 {offsets = [64, 0], sizes = [32, 512], strides = [1, 1]} : vector<128x512xf32> to vector<32x512xf32>
    %convert_element_type3A_355 = arith.truncf %slice3A_352 : vector<32x512xf32> to vector<32x512xbf16>
    %convert_element_type3A_356 = arith.extf %convert_element_type3A_355 : vector<32x512xbf16> to vector<32x512xf32>
    %mul3A_357 = vector.broadcast %convert_element_type3A_7 : vector<1x512xf32> to vector<32x512xf32>
    %mul3A_358 = arith.mulf %convert_element_type3A_356, %mul3A_357 : vector<32x512xf32>
    %convert_element_type3A_359 = arith.truncf %slice3A_353 : vector<32x512xf32> to vector<32x512xbf16>
    %convert_element_type3A_360 = arith.extf %convert_element_type3A_359 : vector<32x512xbf16> to vector<32x512xf32>
    %mul3A_361 = vector.broadcast %convert_element_type3A_9 : vector<1x512xf32> to vector<32x512xf32>
    %mul3A_362 = arith.mulf %convert_element_type3A_360, %mul3A_361 : vector<32x512xf32>
    %add3A_363 = arith.addf %mul3A_358, %mul3A_362 : vector<32x512xf32>
    %convert_element_type3A_364 = arith.truncf %slice3A_354 : vector<32x512xf32> to vector<32x512xbf16>
    %convert_element_type3A_365 = arith.extf %convert_element_type3A_364 : vector<32x512xbf16> to vector<32x512xf32>
    %mul3A_366 = vector.broadcast %convert_element_type3A_11 : vector<1x512xf32> to vector<32x512xf32>
    %mul3A_367 = arith.mulf %convert_element_type3A_365, %mul3A_366 : vector<32x512xf32>
    %add3A_368 = arith.addf %add3A_363, %mul3A_367 : vector<32x512xf32>
    %mul3A_369 = arith.mulf %slice3A_352, %slice3A_352 : vector<32x512xf32>
    %mul3A_370 = arith.mulf %slice3A_353, %slice3A_353 : vector<32x512xf32>
    %add3A_371 = arith.addf %mul3A_369, %mul3A_370 : vector<32x512xf32>
    %mul3A_372 = arith.mulf %slice3A_354, %slice3A_354 : vector<32x512xf32>
    %add3A_373 = arith.addf %add3A_371, %mul3A_372 : vector<32x512xf32>
    %mul3A_374 = arith.constant -2.000000e+00 : f32
    %mul3A_375 = vector.broadcast %mul3A_374 : f32 to vector<32x512xf32>
    %mul3A_376 = arith.mulf %mul3A_375, %add3A_368 : vector<32x512xf32>
    %add3A_377 = vector.broadcast %add3A_6 : vector<1x512xf32> to vector<32x512xf32>
    %add3A_378 = arith.addf %add3A_377, %mul3A_376 : vector<32x512xf32>
    %add3A_379 = arith.addf %add3A_378, %add3A_373 : vector<32x512xf32>
    %swap3A_380 = arith.constant 96 : index
    %swap3A_381 = arith.constant 0 : index
    %swap3A_382 = vector.load %arg9[%swap3A_380, %swap3A_381] : memref<512x512xf32, #tpu.memory_space<vmem>>, vector<32x512xf32>
    tpu.vector_store %arg9[%swap3A_380, %swap3A_381], %add3A_379 {strides = array<i32>} : memref<512x512xf32, #tpu.memory_space<vmem>>, vector<32x512xf32>,
    %swap3A_383 = arith.constant 96 : index
    %swap3A_384 = arith.constant 0 : index
    %swap3A_385 = vector.load %arg11[%swap3A_383, %swap3A_384] : memref<512x512xf32, #tpu.memory_space<vmem>>, vector<32x512xf32>
    tpu.vector_store %arg11[%swap3A_383, %swap3A_384], %slice3A_352 {strides = array<i32>} : memref<512x512xf32, #tpu.memory_space<vmem>>, vector<32x512xf32>,
    %swap3A_386 = arith.constant 96 : index
    %swap3A_387 = arith.constant 0 : index
    %swap3A_388 = vector.load %arg12[%swap3A_386, %swap3A_387] : memref<512x512xf32, #tpu.memory_space<vmem>>, vector<32x512xf32>
    tpu.vector_store %arg12[%swap3A_386, %swap3A_387], %slice3A_353 {strides = array<i32>} : memref<512x512xf32, #tpu.memory_space<vmem>>, vector<32x512xf32>,
    %swap3A_389 = arith.constant 96 : index
    %swap3A_390 = arith.constant 0 : index
    %swap3A_391 = vector.load %arg13[%swap3A_389, %swap3A_390] : memref<512x512xf32, #tpu.memory_space<vmem>>, vector<32x512xf32>
    tpu.vector_store %arg13[%swap3A_389, %swap3A_390], %slice3A_354 {strides = array<i32>} : memref<512x512xf32, #tpu.memory_space<vmem>>, vector<32x512xf32>,
    %get3A_392 = arith.constant 3 : index
    %get3A_393 = arith.constant 0 : index
    %get3A_394 = vector.load %arg2[%get3A_392, %get3A_393] : memref<16x512xi32, #tpu.memory_space<vmem>>, vector<1x512xi32>
    %jit3A_395 = arith.constant 64 : i32
    %div3A_396 = vector.broadcast %jit3A_395 : i32 to vector<1x512xi32>
    %div3A_397 = arith.divsi %get3A_394, %div3A_396 : vector<1x512xi32>
    %sign3A_398 = arith.constant 0 : i32
    %sign3A_399 = vector.broadcast %sign3A_398 : i32 to vector<1x512xi32>
    %sign3A_400 = arith.cmpi sgt, %get3A_394, %sign3A_399 : vector<1x512xi32>
    %sign3A_401 = arith.extui %sign3A_400 : vector<1x512xi1> to vector<1x512xi32>
    %sign3A_402 = arith.constant 0 : i32
    %sign3A_403 = vector.broadcast %sign3A_402 : i32 to vector<1x512xi32>
    %sign3A_404 = arith.cmpi slt, %get3A_394, %sign3A_403 : vector<1x512xi32>
    %sign3A_405 = arith.extui %sign3A_404 : vector<1x512xi1> to vector<1x512xi32>
    %sign3A_406 = arith.subi %sign3A_401, %sign3A_405 : vector<1x512xi32>
    %sign3A_407 = arith.constant 0 : i32
    %sign3A_408 = arith.cmpi sgt, %jit3A_395, %sign3A_407 : i32
    %sign3A_409 = arith.extui %sign3A_408 : i1 to i32
    %sign3A_410 = arith.constant 0 : i32
    %sign3A_411 = arith.cmpi slt, %jit3A_395, %sign3A_410 : i32
    %sign3A_412 = arith.extui %sign3A_411 : i1 to i32
    %sign3A_413 = arith.subi %sign3A_409, %sign3A_412 : i32
    %ne3A_414 = vector.broadcast %sign3A_413 : i32 to vector<1x512xi32>
    %ne3A_415 = arith.cmpi ne, %sign3A_406, %ne3A_414 : vector<1x512xi32>
    %rem3A_416 = vector.broadcast %jit3A_395 : i32 to vector<1x512xi32>
    %rem3A_417 = arith.remsi %get3A_394, %rem3A_416 : vector<1x512xi32>
    %ne3A_418 = arith.constant 0 : i32
    %ne3A_419 = vector.broadcast %ne3A_418 : i32 to vector<1x512xi32>
    %ne3A_420 = arith.cmpi ne, %rem3A_417, %ne3A_419 : vector<1x512xi32>
    %and3A_421 = arith.andi %ne3A_415, %ne3A_420 : vector<1x512xi1>
    %sub3A_422 = arith.constant 1 : i32
    %sub3A_423 = vector.broadcast %sub3A_422 : i32 to vector<1x512xi32>
    %sub3A_424 = arith.subi %div3A_397, %sub3A_423 : vector<1x512xi32>
    %select_n3A_425 = arith.select %and3A_421, %sub3A_424, %div3A_397 : vector<1x512xi1>, vector<1x512xi32>
    %mul3A_426 = arith.constant 2048 : i32
    %mul3A_427 = vector.broadcast %mul3A_426 : i32 to vector<1x512xi32>
    %mul3A_428 = arith.muli %select_n3A_425, %mul3A_427 : vector<1x512xi32>
    %jit3A_429 = arith.constant 64 : i32
    %eq3A_430 = arith.constant 0 : i32
    %eq3A_431 = arith.cmpi eq, %jit3A_429, %eq3A_430 : i32
    %jit3A_432 = arith.constant 1 : i32
    %select_n3A_433 = arith.select %eq3A_431, %jit3A_432, %jit3A_429 : i32
    %rem3A_434 = vector.broadcast %select_n3A_433 : i32 to vector<1x512xi32>
    %rem3A_435 = arith.remsi %get3A_394, %rem3A_434 : vector<1x512xi32>
    %ne3A_436 = arith.constant 0 : i32
    %ne3A_437 = vector.broadcast %ne3A_436 : i32 to vector<1x512xi32>
    %ne3A_438 = arith.cmpi ne, %rem3A_435, %ne3A_437 : vector<1x512xi32>
    %lt3A_439 = arith.constant 0 : i32
    %lt3A_440 = vector.broadcast %lt3A_439 : i32 to vector<1x512xi32>
    %lt3A_441 = arith.cmpi slt, %rem3A_435, %lt3A_440 : vector<1x512xi32>
    %lt3A_442 = arith.constant 0 : i32
    %lt3A_443 = arith.cmpi slt, %select_n3A_433, %lt3A_442 : i32
    %ne3A_444 = vector.broadcast %lt3A_443 : i1 to vector<1x512xi1>
    %ne3A_445 = vector.broadcast %ne3A_444 : vector<1x512xi1> to vector<1x512xi1>
    %ne3A_446 = arith.xori %lt3A_441, %ne3A_445 : vector<1x512xi1>
    %and3A_447 = arith.andi %ne3A_446, %ne3A_438 : vector<1x512xi1>
    %add3A_448 = vector.broadcast %select_n3A_433 : i32 to vector<1x512xi32>
    %add3A_449 = arith.addi %rem3A_435, %add3A_448 : vector<1x512xi32>
    %select_n3A_450 = arith.select %and3A_447, %add3A_449, %rem3A_435 : vector<1x512xi1>, vector<1x512xi32>
    %add3A_451 = arith.addi %mul3A_428, %select_n3A_450 : vector<1x512xi32>
    %convert_element_type3A_452 = arith.sitofp %add3A_451 : vector<1x512xi32> to vector<1x512xf32>
    %mul3A_453 = arith.constant 6.400000e+01 : f32
    %mul3A_454 = vector.broadcast %mul3A_453 : f32 to vector<32x512xf32>
    %mul3A_455 = arith.mulf %convert_element_type3A_12, %mul3A_454 : vector<32x512xf32>
    %add3A_456 = vector.broadcast %convert_element_type3A_452 : vector<1x512xf32> to vector<32x512xf32>
    %add3A_457 = arith.addf %add3A_456, %mul3A_455 : vector<32x512xf32>
    %swap3A_458 = arith.constant 96 : index
    %swap3A_459 = arith.constant 0 : index
    %swap3A_460 = vector.load %arg10[%swap3A_458, %swap3A_459] : memref<512x512xf32, #tpu.memory_space<vmem>>, vector<32x512xf32>
    tpu.vector_store %arg10[%swap3A_458, %swap3A_459], %add3A_457 {strides = array<i32>} : memref<512x512xf32, #tpu.memory_space<vmem>>, vector<32x512xf32>,
    %get3A_461 = arith.constant 4 : index
    %get3A_462 = arith.constant 0 : index
    %get3A_463 = arith.constant 0 : index
    %get3A_464 = vector.load %arg3[%get3A_461, %get3A_462, %get3A_463] : memref<16x512x128xf32, #tpu.memory_space<vmem>>, vector<1x512x128xf32>
    %get3A_465 = vector.shape_cast %get3A_464 : vector<1x512x128xf32> to vector<512x128xf32>
    %transpose3A_466 = tpu.transpose %get3A_465, [1, 0] : vector<512x128xf32> -> vector<128x512xf32>
    %slice3A_467 = vector.extract_strided_slice %transpose3A_466 {offsets = [0, 0], sizes = [32, 512], strides = [1, 1]} : vector<128x512xf32> to vector<32x512xf32>
    %slice3A_468 = vector.extract_strided_slice %transpose3A_466 {offsets = [32, 0], sizes = [32, 512], strides = [1, 1]} : vector<128x512xf32> to vector<32x512xf32>
    %slice3A_469 = vector.extract_strided_slice %transpose3A_466 {offsets = [64, 0], sizes = [32, 512], strides = [1, 1]} : vector<128x512xf32> to vector<32x512xf32>
    %convert_element_type3A_470 = arith.truncf %slice3A_467 : vector<32x512xf32> to vector<32x512xbf16>
    %convert_element_type3A_471 = arith.extf %convert_element_type3A_470 : vector<32x512xbf16> to vector<32x512xf32>
    %mul3A_472 = vector.broadcast %convert_element_type3A_7 : vector<1x512xf32> to vector<32x512xf32>
    %mul3A_473 = arith.mulf %convert_element_type3A_471, %mul3A_472 : vector<32x512xf32>
    %convert_element_type3A_474 = arith.truncf %slice3A_468 : vector<32x512xf32> to vector<32x512xbf16>
    %convert_element_type3A_475 = arith.extf %convert_element_type3A_474 : vector<32x512xbf16> to vector<32x512xf32>
    %mul3A_476 = vector.broadcast %convert_element_type3A_9 : vector<1x512xf32> to vector<32x512xf32>
    %mul3A_477 = arith.mulf %convert_element_type3A_475, %mul3A_476 : vector<32x512xf32>
    %add3A_478 = arith.addf %mul3A_473, %mul3A_477 : vector<32x512xf32>
    %convert_element_type3A_479 = arith.truncf %slice3A_469 : vector<32x512xf32> to vector<32x512xbf16>
    %convert_element_type3A_480 = arith.extf %convert_element_type3A_479 : vector<32x512xbf16> to vector<32x512xf32>
    %mul3A_481 = vector.broadcast %convert_element_type3A_11 : vector<1x512xf32> to vector<32x512xf32>
    %mul3A_482 = arith.mulf %convert_element_type3A_480, %mul3A_481 : vector<32x512xf32>
    %add3A_483 = arith.addf %add3A_478, %mul3A_482 : vector<32x512xf32>
    %mul3A_484 = arith.mulf %slice3A_467, %slice3A_467 : vector<32x512xf32>
    %mul3A_485 = arith.mulf %slice3A_468, %slice3A_468 : vector<32x512xf32>
    %add3A_486 = arith.addf %mul3A_484, %mul3A_485 : vector<32x512xf32>
    %mul3A_487 = arith.mulf %slice3A_469, %slice3A_469 : vector<32x512xf32>
    %add3A_488 = arith.addf %add3A_486, %mul3A_487 : vector<32x512xf32>
    %mul3A_489 = arith.constant -2.000000e+00 : f32
    %mul3A_490 = vector.broadcast %mul3A_489 : f32 to vector<32x512xf32>
    %mul3A_491 = arith.mulf %mul3A_490, %add3A_483 : vector<32x512xf32>
    %add3A_492 = vector.broadcast %add3A_6 : vector<1x512xf32> to vector<32x512xf32>
    %add3A_493 = arith.addf %add3A_492, %mul3A_491 : vector<32x512xf32>
    %add3A_494 = arith.addf %add3A_493, %add3A_488 : vector<32x512xf32>
    %swap3A_495 = arith.constant 128 : index
    %swap3A_496 = arith.constant 0 : index
    %swap3A_497 = vector.load %arg9[%swap3A_495, %swap3A_496] : memref<512x512xf32, #tpu.memory_space<vmem>>, vector<32x512xf32>
    tpu.vector_store %arg9[%swap3A_495, %swap3A_496], %add3A_494 {strides = array<i32>} : memref<512x512xf32, #tpu.memory_space<vmem>>, vector<32x512xf32>,
    %swap3A_498 = arith.constant 128 : index
    %swap3A_499 = arith.constant 0 : index
    %swap3A_500 = vector.load %arg11[%swap3A_498, %swap3A_499] : memref<512x512xf32, #tpu.memory_space<vmem>>, vector<32x512xf32>
    tpu.vector_store %arg11[%swap3A_498, %swap3A_499], %slice3A_467 {strides = array<i32>} : memref<512x512xf32, #tpu.memory_space<vmem>>, vector<32x512xf32>,
    %swap3A_501 = arith.constant 128 : index
    %swap3A_502 = arith.constant 0 : index
    %swap3A_503 = vector.load %arg12[%swap3A_501, %swap3A_502] : memref<512x512xf32, #tpu.memory_space<vmem>>, vector<32x512xf32>
    tpu.vector_store %arg12[%swap3A_501, %swap3A_502], %slice3A_468 {strides = array<i32>} : memref<512x512xf32, #tpu.memory_space<vmem>>, vector<32x512xf32>,
    %swap3A_504 = arith.constant 128 : index
    %swap3A_505 = arith.constant 0 : index
    %swap3A_506 = vector.load %arg13[%swap3A_504, %swap3A_505] : memref<512x512xf32, #tpu.memory_space<vmem>>, vector<32x512xf32>
    tpu.vector_store %arg13[%swap3A_504, %swap3A_505], %slice3A_469 {strides = array<i32>} : memref<512x512xf32, #tpu.memory_space<vmem>>, vector<32x512xf32>,
    %get3A_507 = arith.constant 4 : index
    %get3A_508 = arith.constant 0 : index
    %get3A_509 = vector.load %arg2[%get3A_507, %get3A_508] : memref<16x512xi32, #tpu.memory_space<vmem>>, vector<1x512xi32>
    %jit3A_510 = arith.constant 64 : i32
    %div3A_511 = vector.broadcast %jit3A_510 : i32 to vector<1x512xi32>
    %div3A_512 = arith.divsi %get3A_509, %div3A_511 : vector<1x512xi32>
    %sign3A_513 = arith.constant 0 : i32
    %sign3A_514 = vector.broadcast %sign3A_513 : i32 to vector<1x512xi32>
    %sign3A_515 = arith.cmpi sgt, %get3A_509, %sign3A_514 : vector<1x512xi32>
    %sign3A_516 = arith.extui %sign3A_515 : vector<1x512xi1> to vector<1x512xi32>
    %sign3A_517 = arith.constant 0 : i32
    %sign3A_518 = vector.broadcast %sign3A_517 : i32 to vector<1x512xi32>
    %sign3A_519 = arith.cmpi slt, %get3A_509, %sign3A_518 : vector<1x512xi32>
    %sign3A_520 = arith.extui %sign3A_519 : vector<1x512xi1> to vector<1x512xi32>
    %sign3A_521 = arith.subi %sign3A_516, %sign3A_520 : vector<1x512xi32>
    %sign3A_522 = arith.constant 0 : i32
    %sign3A_523 = arith.cmpi sgt, %jit3A_510, %sign3A_522 : i32
    %sign3A_524 = arith.extui %sign3A_523 : i1 to i32
    %sign3A_525 = arith.constant 0 : i32
    %sign3A_526 = arith.cmpi slt, %jit3A_510, %sign3A_525 : i32
    %sign3A_527 = arith.extui %sign3A_526 : i1 to i32
    %sign3A_528 = arith.subi %sign3A_524, %sign3A_527 : i32
    %ne3A_529 = vector.broadcast %sign3A_528 : i32 to vector<1x512xi32>
    %ne3A_530 = arith.cmpi ne, %sign3A_521, %ne3A_529 : vector<1x512xi32>
    %rem3A_531 = vector.broadcast %jit3A_510 : i32 to vector<1x512xi32>
    %rem3A_532 = arith.remsi %get3A_509, %rem3A_531 : vector<1x512xi32>
    %ne3A_533 = arith.constant 0 : i32
    %ne3A_534 = vector.broadcast %ne3A_533 : i32 to vector<1x512xi32>
    %ne3A_535 = arith.cmpi ne, %rem3A_532, %ne3A_534 : vector<1x512xi32>
    %and3A_536 = arith.andi %ne3A_530, %ne3A_535 : vector<1x512xi1>
    %sub3A_537 = arith.constant 1 : i32
    %sub3A_538 = vector.broadcast %sub3A_537 : i32 to vector<1x512xi32>
    %sub3A_539 = arith.subi %div3A_512, %sub3A_538 : vector<1x512xi32>
    %select_n3A_540 = arith.select %and3A_536, %sub3A_539, %div3A_512 : vector<1x512xi1>, vector<1x512xi32>
    %mul3A_541 = arith.constant 2048 : i32
    %mul3A_542 = vector.broadcast %mul3A_541 : i32 to vector<1x512xi32>
    %mul3A_543 = arith.muli %select_n3A_540, %mul3A_542 : vector<1x512xi32>
    %jit3A_544 = arith.constant 64 : i32
    %eq3A_545 = arith.constant 0 : i32
    %eq3A_546 = arith.cmpi eq, %jit3A_544, %eq3A_545 : i32
    %jit3A_547 = arith.constant 1 : i32
    %select_n3A_548 = arith.select %eq3A_546, %jit3A_547, %jit3A_544 : i32
    %rem3A_549 = vector.broadcast %select_n3A_548 : i32 to vector<1x512xi32>
    %rem3A_550 = arith.remsi %get3A_509, %rem3A_549 : vector<1x512xi32>
    %ne3A_551 = arith.constant 0 : i32
    %ne3A_552 = vector.broadcast %ne3A_551 : i32 to vector<1x512xi32>
    %ne3A_553 = arith.cmpi ne, %rem3A_550, %ne3A_552 : vector<1x512xi32>
    %lt3A_554 = arith.constant 0 : i32
    %lt3A_555 = vector.broadcast %lt3A_554 : i32 to vector<1x512xi32>
    %lt3A_556 = arith.cmpi slt, %rem3A_550, %lt3A_555 : vector<1x512xi32>
    %lt3A_557 = arith.constant 0 : i32
    %lt3A_558 = arith.cmpi slt, %select_n3A_548, %lt3A_557 : i32
    %ne3A_559 = vector.broadcast %lt3A_558 : i1 to vector<1x512xi1>
    %ne3A_560 = vector.broadcast %ne3A_559 : vector<1x512xi1> to vector<1x512xi1>
    %ne3A_561 = arith.xori %lt3A_556, %ne3A_560 : vector<1x512xi1>
    %and3A_562 = arith.andi %ne3A_561, %ne3A_553 : vector<1x512xi1>
    %add3A_563 = vector.broadcast %select_n3A_548 : i32 to vector<1x512xi32>
    %add3A_564 = arith.addi %rem3A_550, %add3A_563 : vector<1x512xi32>
    %select_n3A_565 = arith.select %and3A_562, %add3A_564, %rem3A_550 : vector<1x512xi1>, vector<1x512xi32>
    %add3A_566 = arith.addi %mul3A_543, %select_n3A_565 : vector<1x512xi32>
    %convert_element_type3A_567 = arith.sitofp %add3A_566 : vector<1x512xi32> to vector<1x512xf32>
    %mul3A_568 = arith.constant 6.400000e+01 : f32
    %mul3A_569 = vector.broadcast %mul3A_568 : f32 to vector<32x512xf32>
    %mul3A_570 = arith.mulf %convert_element_type3A_12, %mul3A_569 : vector<32x512xf32>
    %add3A_571 = vector.broadcast %convert_element_type3A_567 : vector<1x512xf32> to vector<32x512xf32>
    %add3A_572 = arith.addf %add3A_571, %mul3A_570 : vector<32x512xf32>
    %swap3A_573 = arith.constant 128 : index
    %swap3A_574 = arith.constant 0 : index
    %swap3A_575 = vector.load %arg10[%swap3A_573, %swap3A_574] : memref<512x512xf32, #tpu.memory_space<vmem>>, vector<32x512xf32>
    tpu.vector_store %arg10[%swap3A_573, %swap3A_574], %add3A_572 {strides = array<i32>} : memref<512x512xf32, #tpu.memory_space<vmem>>, vector<32x512xf32>,
    %get3A_576 = arith.constant 5 : index
    %get3A_577 = arith.constant 0 : index
    %get3A_578 = arith.constant 0 : index
    %get3A_579 = vector.load %arg3[%get3A_576, %get3A_577, %get3A_578] : memref<16x512x128xf32, #tpu.memory_space<vmem>>, vector<1x512x128xf32>
    %get3A_580 = vector.shape_cast %get3A_579 : vector<1x512x128xf32> to vector<512x128xf32>
    %transpose3A_581 = tpu.transpose %get3A_580, [1, 0] : vector<512x128xf32> -> vector<128x512xf32>
    %slice3A_582 = vector.extract_strided_slice %transpose3A_581 {offsets = [0, 0], sizes = [32, 512], strides = [1, 1]} : vector<128x512xf32> to vector<32x512xf32>
    %slice3A_583 = vector.extract_strided_slice %transpose3A_581 {offsets = [32, 0], sizes = [32, 512], strides = [1, 1]} : vector<128x512xf32> to vector<32x512xf32>
    %slice3A_584 = vector.extract_strided_slice %transpose3A_581 {offsets = [64, 0], sizes = [32, 512], strides = [1, 1]} : vector<128x512xf32> to vector<32x512xf32>
    %convert_element_type3A_585 = arith.truncf %slice3A_582 : vector<32x512xf32> to vector<32x512xbf16>
    %convert_element_type3A_586 = arith.extf %convert_element_type3A_585 : vector<32x512xbf16> to vector<32x512xf32>
    %mul3A_587 = vector.broadcast %convert_element_type3A_7 : vector<1x512xf32> to vector<32x512xf32>
    %mul3A_588 = arith.mulf %convert_element_type3A_586, %mul3A_587 : vector<32x512xf32>
    %convert_element_type3A_589 = arith.truncf %slice3A_583 : vector<32x512xf32> to vector<32x512xbf16>
    %convert_element_type3A_590 = arith.extf %convert_element_type3A_589 : vector<32x512xbf16> to vector<32x512xf32>
    %mul3A_591 = vector.broadcast %convert_element_type3A_9 : vector<1x512xf32> to vector<32x512xf32>
    %mul3A_592 = arith.mulf %convert_element_type3A_590, %mul3A_591 : vector<32x512xf32>
    %add3A_593 = arith.addf %mul3A_588, %mul3A_592 : vector<32x512xf32>
    %convert_element_type3A_594 = arith.truncf %slice3A_584 : vector<32x512xf32> to vector<32x512xbf16>
    %convert_element_type3A_595 = arith.extf %convert_element_type3A_594 : vector<32x512xbf16> to vector<32x512xf32>
    %mul3A_596 = vector.broadcast %convert_element_type3A_11 : vector<1x512xf32> to vector<32x512xf32>
    %mul3A_597 = arith.mulf %convert_element_type3A_595, %mul3A_596 : vector<32x512xf32>
    %add3A_598 = arith.addf %add3A_593, %mul3A_597 : vector<32x512xf32>
    %mul3A_599 = arith.mulf %slice3A_582, %slice3A_582 : vector<32x512xf32>
    %mul3A_600 = arith.mulf %slice3A_583, %slice3A_583 : vector<32x512xf32>
    %add3A_601 = arith.addf %mul3A_599, %mul3A_600 : vector<32x512xf32>
    %mul3A_602 = arith.mulf %slice3A_584, %slice3A_584 : vector<32x512xf32>
    %add3A_603 = arith.addf %add3A_601, %mul3A_602 : vector<32x512xf32>
    %mul3A_604 = arith.constant -2.000000e+00 : f32
    %mul3A_605 = vector.broadcast %mul3A_604 : f32 to vector<32x512xf32>
    %mul3A_606 = arith.mulf %mul3A_605, %add3A_598 : vector<32x512xf32>
    %add3A_607 = vector.broadcast %add3A_6 : vector<1x512xf32> to vector<32x512xf32>
    %add3A_608 = arith.addf %add3A_607, %mul3A_606 : vector<32x512xf32>
    %add3A_609 = arith.addf %add3A_608, %add3A_603 : vector<32x512xf32>
    %swap3A_610 = arith.constant 160 : index
    %swap3A_611 = arith.constant 0 : index
    %swap3A_612 = vector.load %arg9[%swap3A_610, %swap3A_611] : memref<512x512xf32, #tpu.memory_space<vmem>>, vector<32x512xf32>
    tpu.vector_store %arg9[%swap3A_610, %swap3A_611], %add3A_609 {strides = array<i32>} : memref<512x512xf32, #tpu.memory_space<vmem>>, vector<32x512xf32>,
    %swap3A_613 = arith.constant 160 : index
    %swap3A_614 = arith.constant 0 : index
    %swap3A_615 = vector.load %arg11[%swap3A_613, %swap3A_614] : memref<512x512xf32, #tpu.memory_space<vmem>>, vector<32x512xf32>
    tpu.vector_store %arg11[%swap3A_613, %swap3A_614], %slice3A_582 {strides = array<i32>} : memref<512x512xf32, #tpu.memory_space<vmem>>, vector<32x512xf32>,
    %swap3A_616 = arith.constant 160 : index
    %swap3A_617 = arith.constant 0 : index
    %swap3A_618 = vector.load %arg12[%swap3A_616, %swap3A_617] : memref<512x512xf32, #tpu.memory_space<vmem>>, vector<32x512xf32>
    tpu.vector_store %arg12[%swap3A_616, %swap3A_617], %slice3A_583 {strides = array<i32>} : memref<512x512xf32, #tpu.memory_space<vmem>>, vector<32x512xf32>,
    %swap3A_619 = arith.constant 160 : index
    %swap3A_620 = arith.constant 0 : index
    %swap3A_621 = vector.load %arg13[%swap3A_619, %swap3A_620] : memref<512x512xf32, #tpu.memory_space<vmem>>, vector<32x512xf32>
    tpu.vector_store %arg13[%swap3A_619, %swap3A_620], %slice3A_584 {strides = array<i32>} : memref<512x512xf32, #tpu.memory_space<vmem>>, vector<32x512xf32>,
    %get3A_622 = arith.constant 5 : index
    %get3A_623 = arith.constant 0 : index
    %get3A_624 = vector.load %arg2[%get3A_622, %get3A_623] : memref<16x512xi32, #tpu.memory_space<vmem>>, vector<1x512xi32>
    %jit3A_625 = arith.constant 64 : i32
    %div3A_626 = vector.broadcast %jit3A_625 : i32 to vector<1x512xi32>
    %div3A_627 = arith.divsi %get3A_624, %div3A_626 : vector<1x512xi32>
    %sign3A_628 = arith.constant 0 : i32
    %sign3A_629 = vector.broadcast %sign3A_628 : i32 to vector<1x512xi32>
    %sign3A_630 = arith.cmpi sgt, %get3A_624, %sign3A_629 : vector<1x512xi32>
    %sign3A_631 = arith.extui %sign3A_630 : vector<1x512xi1> to vector<1x512xi32>
    %sign3A_632 = arith.constant 0 : i32
    %sign3A_633 = vector.broadcast %sign3A_632 : i32 to vector<1x512xi32>
    %sign3A_634 = arith.cmpi slt, %get3A_624, %sign3A_633 : vector<1x512xi32>
    %sign3A_635 = arith.extui %sign3A_634 : vector<1x512xi1> to vector<1x512xi32>
    %sign3A_636 = arith.subi %sign3A_631, %sign3A_635 : vector<1x512xi32>
    %sign3A_637 = arith.constant 0 : i32
    %sign3A_638 = arith.cmpi sgt, %jit3A_625, %sign3A_637 : i32
    %sign3A_639 = arith.extui %sign3A_638 : i1 to i32
    %sign3A_640 = arith.constant 0 : i32
    %sign3A_641 = arith.cmpi slt, %jit3A_625, %sign3A_640 : i32
    %sign3A_642 = arith.extui %sign3A_641 : i1 to i32
    %sign3A_643 = arith.subi %sign3A_639, %sign3A_642 : i32
    %ne3A_644 = vector.broadcast %sign3A_643 : i32 to vector<1x512xi32>
    %ne3A_645 = arith.cmpi ne, %sign3A_636, %ne3A_644 : vector<1x512xi32>
    %rem3A_646 = vector.broadcast %jit3A_625 : i32 to vector<1x512xi32>
    %rem3A_647 = arith.remsi %get3A_624, %rem3A_646 : vector<1x512xi32>
    %ne3A_648 = arith.constant 0 : i32
    %ne3A_649 = vector.broadcast %ne3A_648 : i32 to vector<1x512xi32>
    %ne3A_650 = arith.cmpi ne, %rem3A_647, %ne3A_649 : vector<1x512xi32>
    %and3A_651 = arith.andi %ne3A_645, %ne3A_650 : vector<1x512xi1>
    %sub3A_652 = arith.constant 1 : i32
    %sub3A_653 = vector.broadcast %sub3A_652 : i32 to vector<1x512xi32>
    %sub3A_654 = arith.subi %div3A_627, %sub3A_653 : vector<1x512xi32>
    %select_n3A_655 = arith.select %and3A_651, %sub3A_654, %div3A_627 : vector<1x512xi1>, vector<1x512xi32>
    %mul3A_656 = arith.constant 2048 : i32
    %mul3A_657 = vector.broadcast %mul3A_656 : i32 to vector<1x512xi32>
    %mul3A_658 = arith.muli %select_n3A_655, %mul3A_657 : vector<1x512xi32>
    %jit3A_659 = arith.constant 64 : i32
    %eq3A_660 = arith.constant 0 : i32
    %eq3A_661 = arith.cmpi eq, %jit3A_659, %eq3A_660 : i32
    %jit3A_662 = arith.constant 1 : i32
    %select_n3A_663 = arith.select %eq3A_661, %jit3A_662, %jit3A_659 : i32
    %rem3A_664 = vector.broadcast %select_n3A_663 : i32 to vector<1x512xi32>
    %rem3A_665 = arith.remsi %get3A_624, %rem3A_664 : vector<1x512xi32>
    %ne3A_666 = arith.constant 0 : i32
    %ne3A_667 = vector.broadcast %ne3A_666 : i32 to vector<1x512xi32>
    %ne3A_668 = arith.cmpi ne, %rem3A_665, %ne3A_667 : vector<1x512xi32>
    %lt3A_669 = arith.constant 0 : i32
    %lt3A_670 = vector.broadcast %lt3A_669 : i32 to vector<1x512xi32>
    %lt3A_671 = arith.cmpi slt, %rem3A_665, %lt3A_670 : vector<1x512xi32>
    %lt3A_672 = arith.constant 0 : i32
    %lt3A_673 = arith.cmpi slt, %select_n3A_663, %lt3A_672 : i32
    %ne3A_674 = vector.broadcast %lt3A_673 : i1 to vector<1x512xi1>
    %ne3A_675 = vector.broadcast %ne3A_674 : vector<1x512xi1> to vector<1x512xi1>
    %ne3A_676 = arith.xori %lt3A_671, %ne3A_675 : vector<1x512xi1>
    %and3A_677 = arith.andi %ne3A_676, %ne3A_668 : vector<1x512xi1>
    %add3A_678 = vector.broadcast %select_n3A_663 : i32 to vector<1x512xi32>
    %add3A_679 = arith.addi %rem3A_665, %add3A_678 : vector<1x512xi32>
    %select_n3A_680 = arith.select %and3A_677, %add3A_679, %rem3A_665 : vector<1x512xi1>, vector<1x512xi32>
    %add3A_681 = arith.addi %mul3A_658, %select_n3A_680 : vector<1x512xi32>
    %convert_element_type3A_682 = arith.sitofp %add3A_681 : vector<1x512xi32> to vector<1x512xf32>
    %mul3A_683 = arith.constant 6.400000e+01 : f32
    %mul3A_684 = vector.broadcast %mul3A_683 : f32 to vector<32x512xf32>
    %mul3A_685 = arith.mulf %convert_element_type3A_12, %mul3A_684 : vector<32x512xf32>
    %add3A_686 = vector.broadcast %convert_element_type3A_682 : vector<1x512xf32> to vector<32x512xf32>
    %add3A_687 = arith.addf %add3A_686, %mul3A_685 : vector<32x512xf32>
    %swap3A_688 = arith.constant 160 : index
    %swap3A_689 = arith.constant 0 : index
    %swap3A_690 = vector.load %arg10[%swap3A_688, %swap3A_689] : memref<512x512xf32, #tpu.memory_space<vmem>>, vector<32x512xf32>
    tpu.vector_store %arg10[%swap3A_688, %swap3A_689], %add3A_687 {strides = array<i32>} : memref<512x512xf32, #tpu.memory_space<vmem>>, vector<32x512xf32>,
    %get3A_691 = arith.constant 6 : index
    %get3A_692 = arith.constant 0 : index
    %get3A_693 = arith.constant 0 : index
    %get3A_694 = vector.load %arg3[%get3A_691, %get3A_692, %get3A_693] : memref<16x512x128xf32, #tpu.memory_space<vmem>>, vector<1x512x128xf32>
    %get3A_695 = vector.shape_cast %get3A_694 : vector<1x512x128xf32> to vector<512x128xf32>
    %transpose3A_696 = tpu.transpose %get3A_695, [1, 0] : vector<512x128xf32> -> vector<128x512xf32>
    %slice3A_697 = vector.extract_strided_slice %transpose3A_696 {offsets = [0, 0], sizes = [32, 512], strides = [1, 1]} : vector<128x512xf32> to vector<32x512xf32>
    %slice3A_698 = vector.extract_strided_slice %transpose3A_696 {offsets = [32, 0], sizes = [32, 512], strides = [1, 1]} : vector<128x512xf32> to vector<32x512xf32>
    %slice3A_699 = vector.extract_strided_slice %transpose3A_696 {offsets = [64, 0], sizes = [32, 512], strides = [1, 1]} : vector<128x512xf32> to vector<32x512xf32>
    %convert_element_type3A_700 = arith.truncf %slice3A_697 : vector<32x512xf32> to vector<32x512xbf16>
    %convert_element_type3A_701 = arith.extf %convert_element_type3A_700 : vector<32x512xbf16> to vector<32x512xf32>
    %mul3A_702 = vector.broadcast %convert_element_type3A_7 : vector<1x512xf32> to vector<32x512xf32>
    %mul3A_703 = arith.mulf %convert_element_type3A_701, %mul3A_702 : vector<32x512xf32>
    %convert_element_type3A_704 = arith.truncf %slice3A_698 : vector<32x512xf32> to vector<32x512xbf16>
    %convert_element_type3A_705 = arith.extf %convert_element_type3A_704 : vector<32x512xbf16> to vector<32x512xf32>
    %mul3A_706 = vector.broadcast %convert_element_type3A_9 : vector<1x512xf32> to vector<32x512xf32>
    %mul3A_707 = arith.mulf %convert_element_type3A_705, %mul3A_706 : vector<32x512xf32>
    %add3A_708 = arith.addf %mul3A_703, %mul3A_707 : vector<32x512xf32>
    %convert_element_type3A_709 = arith.truncf %slice3A_699 : vector<32x512xf32> to vector<32x512xbf16>
    %convert_element_type3A_710 = arith.extf %convert_element_type3A_709 : vector<32x512xbf16> to vector<32x512xf32>
    %mul3A_711 = vector.broadcast %convert_element_type3A_11 : vector<1x512xf32> to vector<32x512xf32>
    %mul3A_712 = arith.mulf %convert_element_type3A_710, %mul3A_711 : vector<32x512xf32>
    %add3A_713 = arith.addf %add3A_708, %mul3A_712 : vector<32x512xf32>
    %mul3A_714 = arith.mulf %slice3A_697, %slice3A_697 : vector<32x512xf32>
    %mul3A_715 = arith.mulf %slice3A_698, %slice3A_698 : vector<32x512xf32>
    %add3A_716 = arith.addf %mul3A_714, %mul3A_715 : vector<32x512xf32>
    %mul3A_717 = arith.mulf %slice3A_699, %slice3A_699 : vector<32x512xf32>
    %add3A_718 = arith.addf %add3A_716, %mul3A_717 : vector<32x512xf32>
    %mul3A_719 = arith.constant -2.000000e+00 : f32
    %mul3A_720 = vector.broadcast %mul3A_719 : f32 to vector<32x512xf32>
    %mul3A_721 = arith.mulf %mul3A_720, %add3A_713 : vector<32x512xf32>
    %add3A_722 = vector.broadcast %add3A_6 : vector<1x512xf32> to vector<32x512xf32>
    %add3A_723 = arith.addf %add3A_722, %mul3A_721 : vector<32x512xf32>
    %add3A_724 = arith.addf %add3A_723, %add3A_718 : vector<32x512xf32>
    %swap3A_725 = arith.constant 192 : index
    %swap3A_726 = arith.constant 0 : index
    %swap3A_727 = vector.load %arg9[%swap3A_725, %swap3A_726] : memref<512x512xf32, #tpu.memory_space<vmem>>, vector<32x512xf32>
    tpu.vector_store %arg9[%swap3A_725, %swap3A_726], %add3A_724 {strides = array<i32>} : memref<512x512xf32, #tpu.memory_space<vmem>>, vector<32x512xf32>,
    %swap3A_728 = arith.constant 192 : index
    %swap3A_729 = arith.constant 0 : index
    %swap3A_730 = vector.load %arg11[%swap3A_728, %swap3A_729] : memref<512x512xf32, #tpu.memory_space<vmem>>, vector<32x512xf32>
    tpu.vector_store %arg11[%swap3A_728, %swap3A_729], %slice3A_697 {strides = array<i32>} : memref<512x512xf32, #tpu.memory_space<vmem>>, vector<32x512xf32>,
    %swap3A_731 = arith.constant 192 : index
    %swap3A_732 = arith.constant 0 : index
    %swap3A_733 = vector.load %arg12[%swap3A_731, %swap3A_732] : memref<512x512xf32, #tpu.memory_space<vmem>>, vector<32x512xf32>
    tpu.vector_store %arg12[%swap3A_731, %swap3A_732], %slice3A_698 {strides = array<i32>} : memref<512x512xf32, #tpu.memory_space<vmem>>, vector<32x512xf32>,
    %swap3A_734 = arith.constant 192 : index
    %swap3A_735 = arith.constant 0 : index
    %swap3A_736 = vector.load %arg13[%swap3A_734, %swap3A_735] : memref<512x512xf32, #tpu.memory_space<vmem>>, vector<32x512xf32>
    tpu.vector_store %arg13[%swap3A_734, %swap3A_735], %slice3A_699 {strides = array<i32>} : memref<512x512xf32, #tpu.memory_space<vmem>>, vector<32x512xf32>,
    %get3A_737 = arith.constant 6 : index
    %get3A_738 = arith.constant 0 : index
    %get3A_739 = vector.load %arg2[%get3A_737, %get3A_738] : memref<16x512xi32, #tpu.memory_space<vmem>>, vector<1x512xi32>
    %jit3A_740 = arith.constant 64 : i32
    %div3A_741 = vector.broadcast %jit3A_740 : i32 to vector<1x512xi32>
    %div3A_742 = arith.divsi %get3A_739, %div3A_741 : vector<1x512xi32>
    %sign3A_743 = arith.constant 0 : i32
    %sign3A_744 = vector.broadcast %sign3A_743 : i32 to vector<1x512xi32>
    %sign3A_745 = arith.cmpi sgt, %get3A_739, %sign3A_744 : vector<1x512xi32>
    %sign3A_746 = arith.extui %sign3A_745 : vector<1x512xi1> to vector<1x512xi32>
    %sign3A_747 = arith.constant 0 : i32
    %sign3A_748 = vector.broadcast %sign3A_747 : i32 to vector<1x512xi32>
    %sign3A_749 = arith.cmpi slt, %get3A_739, %sign3A_748 : vector<1x512xi32>
    %sign3A_750 = arith.extui %sign3A_749 : vector<1x512xi1> to vector<1x512xi32>
    %sign3A_751 = arith.subi %sign3A_746, %sign3A_750 : vector<1x512xi32>
    %sign3A_752 = arith.constant 0 : i32
    %sign3A_753 = arith.cmpi sgt, %jit3A_740, %sign3A_752 : i32
    %sign3A_754 = arith.extui %sign3A_753 : i1 to i32
    %sign3A_755 = arith.constant 0 : i32
    %sign3A_756 = arith.cmpi slt, %jit3A_740, %sign3A_755 : i32
    %sign3A_757 = arith.extui %sign3A_756 : i1 to i32
    %sign3A_758 = arith.subi %sign3A_754, %sign3A_757 : i32
    %ne3A_759 = vector.broadcast %sign3A_758 : i32 to vector<1x512xi32>
    %ne3A_760 = arith.cmpi ne, %sign3A_751, %ne3A_759 : vector<1x512xi32>
    %rem3A_761 = vector.broadcast %jit3A_740 : i32 to vector<1x512xi32>
    %rem3A_762 = arith.remsi %get3A_739, %rem3A_761 : vector<1x512xi32>
    %ne3A_763 = arith.constant 0 : i32
    %ne3A_764 = vector.broadcast %ne3A_763 : i32 to vector<1x512xi32>
    %ne3A_765 = arith.cmpi ne, %rem3A_762, %ne3A_764 : vector<1x512xi32>
    %and3A_766 = arith.andi %ne3A_760, %ne3A_765 : vector<1x512xi1>
    %sub3A_767 = arith.constant 1 : i32
    %sub3A_768 = vector.broadcast %sub3A_767 : i32 to vector<1x512xi32>
    %sub3A_769 = arith.subi %div3A_742, %sub3A_768 : vector<1x512xi32>
    %select_n3A_770 = arith.select %and3A_766, %sub3A_769, %div3A_742 : vector<1x512xi1>, vector<1x512xi32>
    %mul3A_771 = arith.constant 2048 : i32
    %mul3A_772 = vector.broadcast %mul3A_771 : i32 to vector<1x512xi32>
    %mul3A_773 = arith.muli %select_n3A_770, %mul3A_772 : vector<1x512xi32>
    %jit3A_774 = arith.constant 64 : i32
    %eq3A_775 = arith.constant 0 : i32
    %eq3A_776 = arith.cmpi eq, %jit3A_774, %eq3A_775 : i32
    %jit3A_777 = arith.constant 1 : i32
    %select_n3A_778 = arith.select %eq3A_776, %jit3A_777, %jit3A_774 : i32
    %rem3A_779 = vector.broadcast %select_n3A_778 : i32 to vector<1x512xi32>
    %rem3A_780 = arith.remsi %get3A_739, %rem3A_779 : vector<1x512xi32>
    %ne3A_781 = arith.constant 0 : i32
    %ne3A_782 = vector.broadcast %ne3A_781 : i32 to vector<1x512xi32>
    %ne3A_783 = arith.cmpi ne, %rem3A_780, %ne3A_782 : vector<1x512xi32>
    %lt3A_784 = arith.constant 0 : i32
    %lt3A_785 = vector.broadcast %lt3A_784 : i32 to vector<1x512xi32>
    %lt3A_786 = arith.cmpi slt, %rem3A_780, %lt3A_785 : vector<1x512xi32>
    %lt3A_787 = arith.constant 0 : i32
    %lt3A_788 = arith.cmpi slt, %select_n3A_778, %lt3A_787 : i32
    %ne3A_789 = vector.broadcast %lt3A_788 : i1 to vector<1x512xi1>
    %ne3A_790 = vector.broadcast %ne3A_789 : vector<1x512xi1> to vector<1x512xi1>
    %ne3A_791 = arith.xori %lt3A_786, %ne3A_790 : vector<1x512xi1>
    %and3A_792 = arith.andi %ne3A_791, %ne3A_783 : vector<1x512xi1>
    %add3A_793 = vector.broadcast %select_n3A_778 : i32 to vector<1x512xi32>
    %add3A_794 = arith.addi %rem3A_780, %add3A_793 : vector<1x512xi32>
    %select_n3A_795 = arith.select %and3A_792, %add3A_794, %rem3A_780 : vector<1x512xi1>, vector<1x512xi32>
    %add3A_796 = arith.addi %mul3A_773, %select_n3A_795 : vector<1x512xi32>
    %convert_element_type3A_797 = arith.sitofp %add3A_796 : vector<1x512xi32> to vector<1x512xf32>
    %mul3A_798 = arith.constant 6.400000e+01 : f32
    %mul3A_799 = vector.broadcast %mul3A_798 : f32 to vector<32x512xf32>
    %mul3A_800 = arith.mulf %convert_element_type3A_12, %mul3A_799 : vector<32x512xf32>
    %add3A_801 = vector.broadcast %convert_element_type3A_797 : vector<1x512xf32> to vector<32x512xf32>
    %add3A_802 = arith.addf %add3A_801, %mul3A_800 : vector<32x512xf32>
    %swap3A_803 = arith.constant 192 : index
    %swap3A_804 = arith.constant 0 : index
    %swap3A_805 = vector.load %arg10[%swap3A_803, %swap3A_804] : memref<512x512xf32, #tpu.memory_space<vmem>>, vector<32x512xf32>
    tpu.vector_store %arg10[%swap3A_803, %swap3A_804], %add3A_802 {strides = array<i32>} : memref<512x512xf32, #tpu.memory_space<vmem>>, vector<32x512xf32>,
    %get3A_806 = arith.constant 7 : index
    %get3A_807 = arith.constant 0 : index
    %get3A_808 = arith.constant 0 : index
    %get3A_809 = vector.load %arg3[%get3A_806, %get3A_807, %get3A_808] : memref<16x512x128xf32, #tpu.memory_space<vmem>>, vector<1x512x128xf32>
    %get3A_810 = vector.shape_cast %get3A_809 : vector<1x512x128xf32> to vector<512x128xf32>
    %transpose3A_811 = tpu.transpose %get3A_810, [1, 0] : vector<512x128xf32> -> vector<128x512xf32>
    %slice3A_812 = vector.extract_strided_slice %transpose3A_811 {offsets = [0, 0], sizes = [32, 512], strides = [1, 1]} : vector<128x512xf32> to vector<32x512xf32>
    %slice3A_813 = vector.extract_strided_slice %transpose3A_811 {offsets = [32, 0], sizes = [32, 512], strides = [1, 1]} : vector<128x512xf32> to vector<32x512xf32>
    %slice3A_814 = vector.extract_strided_slice %transpose3A_811 {offsets = [64, 0], sizes = [32, 512], strides = [1, 1]} : vector<128x512xf32> to vector<32x512xf32>
    %convert_element_type3A_815 = arith.truncf %slice3A_812 : vector<32x512xf32> to vector<32x512xbf16>
    %convert_element_type3A_816 = arith.extf %convert_element_type3A_815 : vector<32x512xbf16> to vector<32x512xf32>
    %mul3A_817 = vector.broadcast %convert_element_type3A_7 : vector<1x512xf32> to vector<32x512xf32>
    %mul3A_818 = arith.mulf %convert_element_type3A_816, %mul3A_817 : vector<32x512xf32>
    %convert_element_type3A_819 = arith.truncf %slice3A_813 : vector<32x512xf32> to vector<32x512xbf16>
    %convert_element_type3A_820 = arith.extf %convert_element_type3A_819 : vector<32x512xbf16> to vector<32x512xf32>
    %mul3A_821 = vector.broadcast %convert_element_type3A_9 : vector<1x512xf32> to vector<32x512xf32>
    %mul3A_822 = arith.mulf %convert_element_type3A_820, %mul3A_821 : vector<32x512xf32>
    %add3A_823 = arith.addf %mul3A_818, %mul3A_822 : vector<32x512xf32>
    %convert_element_type3A_824 = arith.truncf %slice3A_814 : vector<32x512xf32> to vector<32x512xbf16>
    %convert_element_type3A_825 = arith.extf %convert_element_type3A_824 : vector<32x512xbf16> to vector<32x512xf32>
    %mul3A_826 = vector.broadcast %convert_element_type3A_11 : vector<1x512xf32> to vector<32x512xf32>
    %mul3A_827 = arith.mulf %convert_element_type3A_825, %mul3A_826 : vector<32x512xf32>
    %add3A_828 = arith.addf %add3A_823, %mul3A_827 : vector<32x512xf32>
    %mul3A_829 = arith.mulf %slice3A_812, %slice3A_812 : vector<32x512xf32>
    %mul3A_830 = arith.mulf %slice3A_813, %slice3A_813 : vector<32x512xf32>
    %add3A_831 = arith.addf %mul3A_829, %mul3A_830 : vector<32x512xf32>
    %mul3A_832 = arith.mulf %slice3A_814, %slice3A_814 : vector<32x512xf32>
    %add3A_833 = arith.addf %add3A_831, %mul3A_832 : vector<32x512xf32>
    %mul3A_834 = arith.constant -2.000000e+00 : f32
    %mul3A_835 = vector.broadcast %mul3A_834 : f32 to vector<32x512xf32>
    %mul3A_836 = arith.mulf %mul3A_835, %add3A_828 : vector<32x512xf32>
    %add3A_837 = vector.broadcast %add3A_6 : vector<1x512xf32> to vector<32x512xf32>
    %add3A_838 = arith.addf %add3A_837, %mul3A_836 : vector<32x512xf32>
    %add3A_839 = arith.addf %add3A_838, %add3A_833 : vector<32x512xf32>
    %swap3A_840 = arith.constant 224 : index
    %swap3A_841 = arith.constant 0 : index
    %swap3A_842 = vector.load %arg9[%swap3A_840, %swap3A_841] : memref<512x512xf32, #tpu.memory_space<vmem>>, vector<32x512xf32>
    tpu.vector_store %arg9[%swap3A_840, %swap3A_841], %add3A_839 {strides = array<i32>} : memref<512x512xf32, #tpu.memory_space<vmem>>, vector<32x512xf32>,
    %swap3A_843 = arith.constant 224 : index
    %swap3A_844 = arith.constant 0 : index
    %swap3A_845 = vector.load %arg11[%swap3A_843, %swap3A_844] : memref<512x512xf32, #tpu.memory_space<vmem>>, vector<32x512xf32>
    tpu.vector_store %arg11[%swap3A_843, %swap3A_844], %slice3A_812 {strides = array<i32>} : memref<512x512xf32, #tpu.memory_space<vmem>>, vector<32x512xf32>,
    %swap3A_846 = arith.constant 224 : index
    %swap3A_847 = arith.constant 0 : index
    %swap3A_848 = vector.load %arg12[%swap3A_846, %swap3A_847] : memref<512x512xf32, #tpu.memory_space<vmem>>, vector<32x512xf32>
    tpu.vector_store %arg12[%swap3A_846, %swap3A_847], %slice3A_813 {strides = array<i32>} : memref<512x512xf32, #tpu.memory_space<vmem>>, vector<32x512xf32>,
    %swap3A_849 = arith.constant 224 : index
    %swap3A_850 = arith.constant 0 : index
    %swap3A_851 = vector.load %arg13[%swap3A_849, %swap3A_850] : memref<512x512xf32, #tpu.memory_space<vmem>>, vector<32x512xf32>
    tpu.vector_store %arg13[%swap3A_849, %swap3A_850], %slice3A_814 {strides = array<i32>} : memref<512x512xf32, #tpu.memory_space<vmem>>, vector<32x512xf32>,
    %get3A_852 = arith.constant 7 : index
    %get3A_853 = arith.constant 0 : index
    %get3A_854 = vector.load %arg2[%get3A_852, %get3A_853] : memref<16x512xi32, #tpu.memory_space<vmem>>, vector<1x512xi32>
    %jit3A_855 = arith.constant 64 : i32
    %div3A_856 = vector.broadcast %jit3A_855 : i32 to vector<1x512xi32>
    %div3A_857 = arith.divsi %get3A_854, %div3A_856 : vector<1x512xi32>
    %sign3A_858 = arith.constant 0 : i32
    %sign3A_859 = vector.broadcast %sign3A_858 : i32 to vector<1x512xi32>
    %sign3A_860 = arith.cmpi sgt, %get3A_854, %sign3A_859 : vector<1x512xi32>
    %sign3A_861 = arith.extui %sign3A_860 : vector<1x512xi1> to vector<1x512xi32>
    %sign3A_862 = arith.constant 0 : i32
    %sign3A_863 = vector.broadcast %sign3A_862 : i32 to vector<1x512xi32>
    %sign3A_864 = arith.cmpi slt, %get3A_854, %sign3A_863 : vector<1x512xi32>
    %sign3A_865 = arith.extui %sign3A_864 : vector<1x512xi1> to vector<1x512xi32>
    %sign3A_866 = arith.subi %sign3A_861, %sign3A_865 : vector<1x512xi32>
    %sign3A_867 = arith.constant 0 : i32
    %sign3A_868 = arith.cmpi sgt, %jit3A_855, %sign3A_867 : i32
    %sign3A_869 = arith.extui %sign3A_868 : i1 to i32
    %sign3A_870 = arith.constant 0 : i32
    %sign3A_871 = arith.cmpi slt, %jit3A_855, %sign3A_870 : i32
    %sign3A_872 = arith.extui %sign3A_871 : i1 to i32
    %sign3A_873 = arith.subi %sign3A_869, %sign3A_872 : i32
    %ne3A_874 = vector.broadcast %sign3A_873 : i32 to vector<1x512xi32>
    %ne3A_875 = arith.cmpi ne, %sign3A_866, %ne3A_874 : vector<1x512xi32>
    %rem3A_876 = vector.broadcast %jit3A_855 : i32 to vector<1x512xi32>
    %rem3A_877 = arith.remsi %get3A_854, %rem3A_876 : vector<1x512xi32>
    %ne3A_878 = arith.constant 0 : i32
    %ne3A_879 = vector.broadcast %ne3A_878 : i32 to vector<1x512xi32>
    %ne3A_880 = arith.cmpi ne, %rem3A_877, %ne3A_879 : vector<1x512xi32>
    %and3A_881 = arith.andi %ne3A_875, %ne3A_880 : vector<1x512xi1>
    %sub3A_882 = arith.constant 1 : i32
    %sub3A_883 = vector.broadcast %sub3A_882 : i32 to vector<1x512xi32>
    %sub3A_884 = arith.subi %div3A_857, %sub3A_883 : vector<1x512xi32>
    %select_n3A_885 = arith.select %and3A_881, %sub3A_884, %div3A_857 : vector<1x512xi1>, vector<1x512xi32>
    %mul3A_886 = arith.constant 2048 : i32
    %mul3A_887 = vector.broadcast %mul3A_886 : i32 to vector<1x512xi32>
    %mul3A_888 = arith.muli %select_n3A_885, %mul3A_887 : vector<1x512xi32>
    %jit3A_889 = arith.constant 64 : i32
    %eq3A_890 = arith.constant 0 : i32
    %eq3A_891 = arith.cmpi eq, %jit3A_889, %eq3A_890 : i32
    %jit3A_892 = arith.constant 1 : i32
    %select_n3A_893 = arith.select %eq3A_891, %jit3A_892, %jit3A_889 : i32
    %rem3A_894 = vector.broadcast %select_n3A_893 : i32 to vector<1x512xi32>
    %rem3A_895 = arith.remsi %get3A_854, %rem3A_894 : vector<1x512xi32>
    %ne3A_896 = arith.constant 0 : i32
    %ne3A_897 = vector.broadcast %ne3A_896 : i32 to vector<1x512xi32>
    %ne3A_898 = arith.cmpi ne, %rem3A_895, %ne3A_897 : vector<1x512xi32>
    %lt3A_899 = arith.constant 0 : i32
    %lt3A_900 = vector.broadcast %lt3A_899 : i32 to vector<1x512xi32>
    %lt3A_901 = arith.cmpi slt, %rem3A_895, %lt3A_900 : vector<1x512xi32>
    %lt3A_902 = arith.constant 0 : i32
    %lt3A_903 = arith.cmpi slt, %select_n3A_893, %lt3A_902 : i32
    %ne3A_904 = vector.broadcast %lt3A_903 : i1 to vector<1x512xi1>
    %ne3A_905 = vector.broadcast %ne3A_904 : vector<1x512xi1> to vector<1x512xi1>
    %ne3A_906 = arith.xori %lt3A_901, %ne3A_905 : vector<1x512xi1>
    %and3A_907 = arith.andi %ne3A_906, %ne3A_898 : vector<1x512xi1>
    %add3A_908 = vector.broadcast %select_n3A_893 : i32 to vector<1x512xi32>
    %add3A_909 = arith.addi %rem3A_895, %add3A_908 : vector<1x512xi32>
    %select_n3A_910 = arith.select %and3A_907, %add3A_909, %rem3A_895 : vector<1x512xi1>, vector<1x512xi32>
    %add3A_911 = arith.addi %mul3A_888, %select_n3A_910 : vector<1x512xi32>
    %convert_element_type3A_912 = arith.sitofp %add3A_911 : vector<1x512xi32> to vector<1x512xf32>
    %mul3A_913 = arith.constant 6.400000e+01 : f32
    %mul3A_914 = vector.broadcast %mul3A_913 : f32 to vector<32x512xf32>
    %mul3A_915 = arith.mulf %convert_element_type3A_12, %mul3A_914 : vector<32x512xf32>
    %add3A_916 = vector.broadcast %convert_element_type3A_912 : vector<1x512xf32> to vector<32x512xf32>
    %add3A_917 = arith.addf %add3A_916, %mul3A_915 : vector<32x512xf32>
    %swap3A_918 = arith.constant 224 : index
    %swap3A_919 = arith.constant 0 : index
    %swap3A_920 = vector.load %arg10[%swap3A_918, %swap3A_919] : memref<512x512xf32, #tpu.memory_space<vmem>>, vector<32x512xf32>
    tpu.vector_store %arg10[%swap3A_918, %swap3A_919], %add3A_917 {strides = array<i32>} : memref<512x512xf32, #tpu.memory_space<vmem>>, vector<32x512xf32>,
    %get3A_921 = arith.constant 8 : index
    %get3A_922 = arith.constant 0 : index
    %get3A_923 = arith.constant 0 : index
    %get3A_924 = vector.load %arg3[%get3A_921, %get3A_922, %get3A_923] : memref<16x512x128xf32, #tpu.memory_space<vmem>>, vector<1x512x128xf32>
    %get3A_925 = vector.shape_cast %get3A_924 : vector<1x512x128xf32> to vector<512x128xf32>
    %transpose3A_926 = tpu.transpose %get3A_925, [1, 0] : vector<512x128xf32> -> vector<128x512xf32>
    %slice3A_927 = vector.extract_strided_slice %transpose3A_926 {offsets = [0, 0], sizes = [32, 512], strides = [1, 1]} : vector<128x512xf32> to vector<32x512xf32>
    %slice3A_928 = vector.extract_strided_slice %transpose3A_926 {offsets = [32, 0], sizes = [32, 512], strides = [1, 1]} : vector<128x512xf32> to vector<32x512xf32>
    %slice3A_929 = vector.extract_strided_slice %transpose3A_926 {offsets = [64, 0], sizes = [32, 512], strides = [1, 1]} : vector<128x512xf32> to vector<32x512xf32>
    %convert_element_type3A_930 = arith.truncf %slice3A_927 : vector<32x512xf32> to vector<32x512xbf16>
    %convert_element_type3A_931 = arith.extf %convert_element_type3A_930 : vector<32x512xbf16> to vector<32x512xf32>
    %mul3A_932 = vector.broadcast %convert_element_type3A_7 : vector<1x512xf32> to vector<32x512xf32>
    %mul3A_933 = arith.mulf %convert_element_type3A_931, %mul3A_932 : vector<32x512xf32>
    %convert_element_type3A_934 = arith.truncf %slice3A_928 : vector<32x512xf32> to vector<32x512xbf16>
    %convert_element_type3A_935 = arith.extf %convert_element_type3A_934 : vector<32x512xbf16> to vector<32x512xf32>
    %mul3A_936 = vector.broadcast %convert_element_type3A_9 : vector<1x512xf32> to vector<32x512xf32>
    %mul3A_937 = arith.mulf %convert_element_type3A_935, %mul3A_936 : vector<32x512xf32>
    %add3A_938 = arith.addf %mul3A_933, %mul3A_937 : vector<32x512xf32>
    %convert_element_type3A_939 = arith.truncf %slice3A_929 : vector<32x512xf32> to vector<32x512xbf16>
    %convert_element_type3A_940 = arith.extf %convert_element_type3A_939 : vector<32x512xbf16> to vector<32x512xf32>
    %mul3A_941 = vector.broadcast %convert_element_type3A_11 : vector<1x512xf32> to vector<32x512xf32>
    %mul3A_942 = arith.mulf %convert_element_type3A_940, %mul3A_941 : vector<32x512xf32>
    %add3A_943 = arith.addf %add3A_938, %mul3A_942 : vector<32x512xf32>
    %mul3A_944 = arith.mulf %slice3A_927, %slice3A_927 : vector<32x512xf32>
    %mul3A_945 = arith.mulf %slice3A_928, %slice3A_928 : vector<32x512xf32>
    %add3A_946 = arith.addf %mul3A_944, %mul3A_945 : vector<32x512xf32>
    %mul3A_947 = arith.mulf %slice3A_929, %slice3A_929 : vector<32x512xf32>
    %add3A_948 = arith.addf %add3A_946, %mul3A_947 : vector<32x512xf32>
    %mul3A_949 = arith.constant -2.000000e+00 : f32
    %mul3A_950 = vector.broadcast %mul3A_949 : f32 to vector<32x512xf32>
    %mul3A_951 = arith.mulf %mul3A_950, %add3A_943 : vector<32x512xf32>
    %add3A_952 = vector.broadcast %add3A_6 : vector<1x512xf32> to vector<32x512xf32>
    %add3A_953 = arith.addf %add3A_952, %mul3A_951 : vector<32x512xf32>
    %add3A_954 = arith.addf %add3A_953, %add3A_948 : vector<32x512xf32>
    %swap3A_955 = arith.constant 256 : index
    %swap3A_956 = arith.constant 0 : index
    %swap3A_957 = vector.load %arg9[%swap3A_955, %swap3A_956] : memref<512x512xf32, #tpu.memory_space<vmem>>, vector<32x512xf32>
    tpu.vector_store %arg9[%swap3A_955, %swap3A_956], %add3A_954 {strides = array<i32>} : memref<512x512xf32, #tpu.memory_space<vmem>>, vector<32x512xf32>,
    %swap3A_958 = arith.constant 256 : index
    %swap3A_959 = arith.constant 0 : index
    %swap3A_960 = vector.load %arg11[%swap3A_958, %swap3A_959] : memref<512x512xf32, #tpu.memory_space<vmem>>, vector<32x512xf32>
    tpu.vector_store %arg11[%swap3A_958, %swap3A_959], %slice3A_927 {strides = array<i32>} : memref<512x512xf32, #tpu.memory_space<vmem>>, vector<32x512xf32>,
    %swap3A_961 = arith.constant 256 : index
    %swap3A_962 = arith.constant 0 : index
    %swap3A_963 = vector.load %arg12[%swap3A_961, %swap3A_962] : memref<512x512xf32, #tpu.memory_space<vmem>>, vector<32x512xf32>
    tpu.vector_store %arg12[%swap3A_961, %swap3A_962], %slice3A_928 {strides = array<i32>} : memref<512x512xf32, #tpu.memory_space<vmem>>, vector<32x512xf32>,
    %swap3A_964 = arith.constant 256 : index
    %swap3A_965 = arith.constant 0 : index
    %swap3A_966 = vector.load %arg13[%swap3A_964, %swap3A_965] : memref<512x512xf32, #tpu.memory_space<vmem>>, vector<32x512xf32>
    tpu.vector_store %arg13[%swap3A_964, %swap3A_965], %slice3A_929 {strides = array<i32>} : memref<512x512xf32, #tpu.memory_space<vmem>>, vector<32x512xf32>,
    %get3A_967 = arith.constant 8 : index
    %get3A_968 = arith.constant 0 : index
    %get3A_969 = vector.load %arg2[%get3A_967, %get3A_968] : memref<16x512xi32, #tpu.memory_space<vmem>>, vector<1x512xi32>
    %jit3A_970 = arith.constant 64 : i32
    %div3A_971 = vector.broadcast %jit3A_970 : i32 to vector<1x512xi32>
    %div3A_972 = arith.divsi %get3A_969, %div3A_971 : vector<1x512xi32>
    %sign3A_973 = arith.constant 0 : i32
    %sign3A_974 = vector.broadcast %sign3A_973 : i32 to vector<1x512xi32>
    %sign3A_975 = arith.cmpi sgt, %get3A_969, %sign3A_974 : vector<1x512xi32>
    %sign3A_976 = arith.extui %sign3A_975 : vector<1x512xi1> to vector<1x512xi32>
    %sign3A_977 = arith.constant 0 : i32
    %sign3A_978 = vector.broadcast %sign3A_977 : i32 to vector<1x512xi32>
    %sign3A_979 = arith.cmpi slt, %get3A_969, %sign3A_978 : vector<1x512xi32>
    %sign3A_980 = arith.extui %sign3A_979 : vector<1x512xi1> to vector<1x512xi32>
    %sign3A_981 = arith.subi %sign3A_976, %sign3A_980 : vector<1x512xi32>
    %sign3A_982 = arith.constant 0 : i32
    %sign3A_983 = arith.cmpi sgt, %jit3A_970, %sign3A_982 : i32
    %sign3A_984 = arith.extui %sign3A_983 : i1 to i32
    %sign3A_985 = arith.constant 0 : i32
    %sign3A_986 = arith.cmpi slt, %jit3A_970, %sign3A_985 : i32
    %sign3A_987 = arith.extui %sign3A_986 : i1 to i32
    %sign3A_988 = arith.subi %sign3A_984, %sign3A_987 : i32
    %ne3A_989 = vector.broadcast %sign3A_988 : i32 to vector<1x512xi32>
    %ne3A_990 = arith.cmpi ne, %sign3A_981, %ne3A_989 : vector<1x512xi32>
    %rem3A_991 = vector.broadcast %jit3A_970 : i32 to vector<1x512xi32>
    %rem3A_992 = arith.remsi %get3A_969, %rem3A_991 : vector<1x512xi32>
    %ne3A_993 = arith.constant 0 : i32
    %ne3A_994 = vector.broadcast %ne3A_993 : i32 to vector<1x512xi32>
    %ne3A_995 = arith.cmpi ne, %rem3A_992, %ne3A_994 : vector<1x512xi32>
    %and3A_996 = arith.andi %ne3A_990, %ne3A_995 : vector<1x512xi1>
    %sub3A_997 = arith.constant 1 : i32
    %sub3A_998 = vector.broadcast %sub3A_997 : i32 to vector<1x512xi32>
    %sub3A_999 = arith.subi %div3A_972, %sub3A_998 : vector<1x512xi32>
    %select_n3A_1000 = arith.select %and3A_996, %sub3A_999, %div3A_972 : vector<1x512xi1>, vector<1x512xi32>
    %mul3A_1001 = arith.constant 2048 : i32
    %mul3A_1002 = vector.broadcast %mul3A_1001 : i32 to vector<1x512xi32>
    %mul3A_1003 = arith.muli %select_n3A_1000, %mul3A_1002 : vector<1x512xi32>
    %jit3A_1004 = arith.constant 64 : i32
    %eq3A_1005 = arith.constant 0 : i32
    %eq3A_1006 = arith.cmpi eq, %jit3A_1004, %eq3A_1005 : i32
    %jit3A_1007 = arith.constant 1 : i32
    %select_n3A_1008 = arith.select %eq3A_1006, %jit3A_1007, %jit3A_1004 : i32
    %rem3A_1009 = vector.broadcast %select_n3A_1008 : i32 to vector<1x512xi32>
    %rem3A_1010 = arith.remsi %get3A_969, %rem3A_1009 : vector<1x512xi32>
    %ne3A_1011 = arith.constant 0 : i32
    %ne3A_1012 = vector.broadcast %ne3A_1011 : i32 to vector<1x512xi32>
    %ne3A_1013 = arith.cmpi ne, %rem3A_1010, %ne3A_1012 : vector<1x512xi32>
    %lt3A_1014 = arith.constant 0 : i32
    %lt3A_1015 = vector.broadcast %lt3A_1014 : i32 to vector<1x512xi32>
    %lt3A_1016 = arith.cmpi slt, %rem3A_1010, %lt3A_1015 : vector<1x512xi32>
    %lt3A_1017 = arith.constant 0 : i32
    %lt3A_1018 = arith.cmpi slt, %select_n3A_1008, %lt3A_1017 : i32
    %ne3A_1019 = vector.broadcast %lt3A_1018 : i1 to vector<1x512xi1>
    %ne3A_1020 = vector.broadcast %ne3A_1019 : vector<1x512xi1> to vector<1x512xi1>
    %ne3A_1021 = arith.xori %lt3A_1016, %ne3A_1020 : vector<1x512xi1>
    %and3A_1022 = arith.andi %ne3A_1021, %ne3A_1013 : vector<1x512xi1>
    %add3A_1023 = vector.broadcast %select_n3A_1008 : i32 to vector<1x512xi32>
    %add3A_1024 = arith.addi %rem3A_1010, %add3A_1023 : vector<1x512xi32>
    %select_n3A_1025 = arith.select %and3A_1022, %add3A_1024, %rem3A_1010 : vector<1x512xi1>, vector<1x512xi32>
    %add3A_1026 = arith.addi %mul3A_1003, %select_n3A_1025 : vector<1x512xi32>
    %convert_element_type3A_1027 = arith.sitofp %add3A_1026 : vector<1x512xi32> to vector<1x512xf32>
    %mul3A_1028 = arith.constant 6.400000e+01 : f32
    %mul3A_1029 = vector.broadcast %mul3A_1028 : f32 to vector<32x512xf32>
    %mul3A_1030 = arith.mulf %convert_element_type3A_12, %mul3A_1029 : vector<32x512xf32>
    %add3A_1031 = vector.broadcast %convert_element_type3A_1027 : vector<1x512xf32> to vector<32x512xf32>
    %add3A_1032 = arith.addf %add3A_1031, %mul3A_1030 : vector<32x512xf32>
    %swap3A_1033 = arith.constant 256 : index
    %swap3A_1034 = arith.constant 0 : index
    %swap3A_1035 = vector.load %arg10[%swap3A_1033, %swap3A_1034] : memref<512x512xf32, #tpu.memory_space<vmem>>, vector<32x512xf32>
    tpu.vector_store %arg10[%swap3A_1033, %swap3A_1034], %add3A_1032 {strides = array<i32>} : memref<512x512xf32, #tpu.memory_space<vmem>>, vector<32x512xf32>,
    %get3A_1036 = arith.constant 9 : index
    %get3A_1037 = arith.constant 0 : index
    %get3A_1038 = arith.constant 0 : index
    %get3A_1039 = vector.load %arg3[%get3A_1036, %get3A_1037, %get3A_1038] : memref<16x512x128xf32, #tpu.memory_space<vmem>>, vector<1x512x128xf32>
    %get3A_1040 = vector.shape_cast %get3A_1039 : vector<1x512x128xf32> to vector<512x128xf32>
    %transpose3A_1041 = tpu.transpose %get3A_1040, [1, 0] : vector<512x128xf32> -> vector<128x512xf32>
    %slice3A_1042 = vector.extract_strided_slice %transpose3A_1041 {offsets = [0, 0], sizes = [32, 512], strides = [1, 1]} : vector<128x512xf32> to vector<32x512xf32>
    %slice3A_1043 = vector.extract_strided_slice %transpose3A_1041 {offsets = [32, 0], sizes = [32, 512], strides = [1, 1]} : vector<128x512xf32> to vector<32x512xf32>
    %slice3A_1044 = vector.extract_strided_slice %transpose3A_1041 {offsets = [64, 0], sizes = [32, 512], strides = [1, 1]} : vector<128x512xf32> to vector<32x512xf32>
    %convert_element_type3A_1045 = arith.truncf %slice3A_1042 : vector<32x512xf32> to vector<32x512xbf16>
    %convert_element_type3A_1046 = arith.extf %convert_element_type3A_1045 : vector<32x512xbf16> to vector<32x512xf32>
    %mul3A_1047 = vector.broadcast %convert_element_type3A_7 : vector<1x512xf32> to vector<32x512xf32>
    %mul3A_1048 = arith.mulf %convert_element_type3A_1046, %mul3A_1047 : vector<32x512xf32>
    %convert_element_type3A_1049 = arith.truncf %slice3A_1043 : vector<32x512xf32> to vector<32x512xbf16>
    %convert_element_type3A_1050 = arith.extf %convert_element_type3A_1049 : vector<32x512xbf16> to vector<32x512xf32>
    %mul3A_1051 = vector.broadcast %convert_element_type3A_9 : vector<1x512xf32> to vector<32x512xf32>
    %mul3A_1052 = arith.mulf %convert_element_type3A_1050, %mul3A_1051 : vector<32x512xf32>
    %add3A_1053 = arith.addf %mul3A_1048, %mul3A_1052 : vector<32x512xf32>
    %convert_element_type3A_1054 = arith.truncf %slice3A_1044 : vector<32x512xf32> to vector<32x512xbf16>
    %convert_element_type3A_1055 = arith.extf %convert_element_type3A_1054 : vector<32x512xbf16> to vector<32x512xf32>
    %mul3A_1056 = vector.broadcast %convert_element_type3A_11 : vector<1x512xf32> to vector<32x512xf32>
    %mul3A_1057 = arith.mulf %convert_element_type3A_1055, %mul3A_1056 : vector<32x512xf32>
    %add3A_1058 = arith.addf %add3A_1053, %mul3A_1057 : vector<32x512xf32>
    %mul3A_1059 = arith.mulf %slice3A_1042, %slice3A_1042 : vector<32x512xf32>
    %mul3A_1060 = arith.mulf %slice3A_1043, %slice3A_1043 : vector<32x512xf32>
    %add3A_1061 = arith.addf %mul3A_1059, %mul3A_1060 : vector<32x512xf32>
    %mul3A_1062 = arith.mulf %slice3A_1044, %slice3A_1044 : vector<32x512xf32>
    %add3A_1063 = arith.addf %add3A_1061, %mul3A_1062 : vector<32x512xf32>
    %mul3A_1064 = arith.constant -2.000000e+00 : f32
    %mul3A_1065 = vector.broadcast %mul3A_1064 : f32 to vector<32x512xf32>
    %mul3A_1066 = arith.mulf %mul3A_1065, %add3A_1058 : vector<32x512xf32>
    %add3A_1067 = vector.broadcast %add3A_6 : vector<1x512xf32> to vector<32x512xf32>
    %add3A_1068 = arith.addf %add3A_1067, %mul3A_1066 : vector<32x512xf32>
    %add3A_1069 = arith.addf %add3A_1068, %add3A_1063 : vector<32x512xf32>
    %swap3A_1070 = arith.constant 288 : index
    %swap3A_1071 = arith.constant 0 : index
    %swap3A_1072 = vector.load %arg9[%swap3A_1070, %swap3A_1071] : memref<512x512xf32, #tpu.memory_space<vmem>>, vector<32x512xf32>
    tpu.vector_store %arg9[%swap3A_1070, %swap3A_1071], %add3A_1069 {strides = array<i32>} : memref<512x512xf32, #tpu.memory_space<vmem>>, vector<32x512xf32>,
    %swap3A_1073 = arith.constant 288 : index
    %swap3A_1074 = arith.constant 0 : index
    %swap3A_1075 = vector.load %arg11[%swap3A_1073, %swap3A_1074] : memref<512x512xf32, #tpu.memory_space<vmem>>, vector<32x512xf32>
    tpu.vector_store %arg11[%swap3A_1073, %swap3A_1074], %slice3A_1042 {strides = array<i32>} : memref<512x512xf32, #tpu.memory_space<vmem>>, vector<32x512xf32>,
    %swap3A_1076 = arith.constant 288 : index
    %swap3A_1077 = arith.constant 0 : index
    %swap3A_1078 = vector.load %arg12[%swap3A_1076, %swap3A_1077] : memref<512x512xf32, #tpu.memory_space<vmem>>, vector<32x512xf32>
    tpu.vector_store %arg12[%swap3A_1076, %swap3A_1077], %slice3A_1043 {strides = array<i32>} : memref<512x512xf32, #tpu.memory_space<vmem>>, vector<32x512xf32>,
    %swap3A_1079 = arith.constant 288 : index
    %swap3A_1080 = arith.constant 0 : index
    %swap3A_1081 = vector.load %arg13[%swap3A_1079, %swap3A_1080] : memref<512x512xf32, #tpu.memory_space<vmem>>, vector<32x512xf32>
    tpu.vector_store %arg13[%swap3A_1079, %swap3A_1080], %slice3A_1044 {strides = array<i32>} : memref<512x512xf32, #tpu.memory_space<vmem>>, vector<32x512xf32>,
    %get3A_1082 = arith.constant 9 : index
    %get3A_1083 = arith.constant 0 : index
    %get3A_1084 = vector.load %arg2[%get3A_1082, %get3A_1083] : memref<16x512xi32, #tpu.memory_space<vmem>>, vector<1x512xi32>
    %jit3A_1085 = arith.constant 64 : i32
    %div3A_1086 = vector.broadcast %jit3A_1085 : i32 to vector<1x512xi32>
    %div3A_1087 = arith.divsi %get3A_1084, %div3A_1086 : vector<1x512xi32>
    %sign3A_1088 = arith.constant 0 : i32
    %sign3A_1089 = vector.broadcast %sign3A_1088 : i32 to vector<1x512xi32>
    %sign3A_1090 = arith.cmpi sgt, %get3A_1084, %sign3A_1089 : vector<1x512xi32>
    %sign3A_1091 = arith.extui %sign3A_1090 : vector<1x512xi1> to vector<1x512xi32>
    %sign3A_1092 = arith.constant 0 : i32
    %sign3A_1093 = vector.broadcast %sign3A_1092 : i32 to vector<1x512xi32>
    %sign3A_1094 = arith.cmpi slt, %get3A_1084, %sign3A_1093 : vector<1x512xi32>
    %sign3A_1095 = arith.extui %sign3A_1094 : vector<1x512xi1> to vector<1x512xi32>
    %sign3A_1096 = arith.subi %sign3A_1091, %sign3A_1095 : vector<1x512xi32>
    %sign3A_1097 = arith.constant 0 : i32
    %sign3A_1098 = arith.cmpi sgt, %jit3A_1085, %sign3A_1097 : i32
    %sign3A_1099 = arith.extui %sign3A_1098 : i1 to i32
    %sign3A_1100 = arith.constant 0 : i32
    %sign3A_1101 = arith.cmpi slt, %jit3A_1085, %sign3A_1100 : i32
    %sign3A_1102 = arith.extui %sign3A_1101 : i1 to i32
    %sign3A_1103 = arith.subi %sign3A_1099, %sign3A_1102 : i32
    %ne3A_1104 = vector.broadcast %sign3A_1103 : i32 to vector<1x512xi32>
    %ne3A_1105 = arith.cmpi ne, %sign3A_1096, %ne3A_1104 : vector<1x512xi32>
    %rem3A_1106 = vector.broadcast %jit3A_1085 : i32 to vector<1x512xi32>
    %rem3A_1107 = arith.remsi %get3A_1084, %rem3A_1106 : vector<1x512xi32>
    %ne3A_1108 = arith.constant 0 : i32
    %ne3A_1109 = vector.broadcast %ne3A_1108 : i32 to vector<1x512xi32>
    %ne3A_1110 = arith.cmpi ne, %rem3A_1107, %ne3A_1109 : vector<1x512xi32>
    %and3A_1111 = arith.andi %ne3A_1105, %ne3A_1110 : vector<1x512xi1>
    %sub3A_1112 = arith.constant 1 : i32
    %sub3A_1113 = vector.broadcast %sub3A_1112 : i32 to vector<1x512xi32>
    %sub3A_1114 = arith.subi %div3A_1087, %sub3A_1113 : vector<1x512xi32>
    %select_n3A_1115 = arith.select %and3A_1111, %sub3A_1114, %div3A_1087 : vector<1x512xi1>, vector<1x512xi32>
    %mul3A_1116 = arith.constant 2048 : i32
    %mul3A_1117 = vector.broadcast %mul3A_1116 : i32 to vector<1x512xi32>
    %mul3A_1118 = arith.muli %select_n3A_1115, %mul3A_1117 : vector<1x512xi32>
    %jit3A_1119 = arith.constant 64 : i32
    %eq3A_1120 = arith.constant 0 : i32
    %eq3A_1121 = arith.cmpi eq, %jit3A_1119, %eq3A_1120 : i32
    %jit3A_1122 = arith.constant 1 : i32
    %select_n3A_1123 = arith.select %eq3A_1121, %jit3A_1122, %jit3A_1119 : i32
    %rem3A_1124 = vector.broadcast %select_n3A_1123 : i32 to vector<1x512xi32>
    %rem3A_1125 = arith.remsi %get3A_1084, %rem3A_1124 : vector<1x512xi32>
    %ne3A_1126 = arith.constant 0 : i32
    %ne3A_1127 = vector.broadcast %ne3A_1126 : i32 to vector<1x512xi32>
    %ne3A_1128 = arith.cmpi ne, %rem3A_1125, %ne3A_1127 : vector<1x512xi32>
    %lt3A_1129 = arith.constant 0 : i32
    %lt3A_1130 = vector.broadcast %lt3A_1129 : i32 to vector<1x512xi32>
    %lt3A_1131 = arith.cmpi slt, %rem3A_1125, %lt3A_1130 : vector<1x512xi32>
    %lt3A_1132 = arith.constant 0 : i32
    %lt3A_1133 = arith.cmpi slt, %select_n3A_1123, %lt3A_1132 : i32
    %ne3A_1134 = vector.broadcast %lt3A_1133 : i1 to vector<1x512xi1>
    %ne3A_1135 = vector.broadcast %ne3A_1134 : vector<1x512xi1> to vector<1x512xi1>
    %ne3A_1136 = arith.xori %lt3A_1131, %ne3A_1135 : vector<1x512xi1>
    %and3A_1137 = arith.andi %ne3A_1136, %ne3A_1128 : vector<1x512xi1>
    %add3A_1138 = vector.broadcast %select_n3A_1123 : i32 to vector<1x512xi32>
    %add3A_1139 = arith.addi %rem3A_1125, %add3A_1138 : vector<1x512xi32>
    %select_n3A_1140 = arith.select %and3A_1137, %add3A_1139, %rem3A_1125 : vector<1x512xi1>, vector<1x512xi32>
    %add3A_1141 = arith.addi %mul3A_1118, %select_n3A_1140 : vector<1x512xi32>
    %convert_element_type3A_1142 = arith.sitofp %add3A_1141 : vector<1x512xi32> to vector<1x512xf32>
    %mul3A_1143 = arith.constant 6.400000e+01 : f32
    %mul3A_1144 = vector.broadcast %mul3A_1143 : f32 to vector<32x512xf32>
    %mul3A_1145 = arith.mulf %convert_element_type3A_12, %mul3A_1144 : vector<32x512xf32>
    %add3A_1146 = vector.broadcast %convert_element_type3A_1142 : vector<1x512xf32> to vector<32x512xf32>
    %add3A_1147 = arith.addf %add3A_1146, %mul3A_1145 : vector<32x512xf32>
    %swap3A_1148 = arith.constant 288 : index
    %swap3A_1149 = arith.constant 0 : index
    %swap3A_1150 = vector.load %arg10[%swap3A_1148, %swap3A_1149] : memref<512x512xf32, #tpu.memory_space<vmem>>, vector<32x512xf32>
    tpu.vector_store %arg10[%swap3A_1148, %swap3A_1149], %add3A_1147 {strides = array<i32>} : memref<512x512xf32, #tpu.memory_space<vmem>>, vector<32x512xf32>,
    %get3A_1151 = arith.constant 10 : index
    %get3A_1152 = arith.constant 0 : index
    %get3A_1153 = arith.constant 0 : index
    %get3A_1154 = vector.load %arg3[%get3A_1151, %get3A_1152, %get3A_1153] : memref<16x512x128xf32, #tpu.memory_space<vmem>>, vector<1x512x128xf32>
    %get3A_1155 = vector.shape_cast %get3A_1154 : vector<1x512x128xf32> to vector<512x128xf32>
    %transpose3A_1156 = tpu.transpose %get3A_1155, [1, 0] : vector<512x128xf32> -> vector<128x512xf32>
    %slice3A_1157 = vector.extract_strided_slice %transpose3A_1156 {offsets = [0, 0], sizes = [32, 512], strides = [1, 1]} : vector<128x512xf32> to vector<32x512xf32>
    %slice3A_1158 = vector.extract_strided_slice %transpose3A_1156 {offsets = [32, 0], sizes = [32, 512], strides = [1, 1]} : vector<128x512xf32> to vector<32x512xf32>
    %slice3A_1159 = vector.extract_strided_slice %transpose3A_1156 {offsets = [64, 0], sizes = [32, 512], strides = [1, 1]} : vector<128x512xf32> to vector<32x512xf32>
    %convert_element_type3A_1160 = arith.truncf %slice3A_1157 : vector<32x512xf32> to vector<32x512xbf16>
    %convert_element_type3A_1161 = arith.extf %convert_element_type3A_1160 : vector<32x512xbf16> to vector<32x512xf32>
    %mul3A_1162 = vector.broadcast %convert_element_type3A_7 : vector<1x512xf32> to vector<32x512xf32>
    %mul3A_1163 = arith.mulf %convert_element_type3A_1161, %mul3A_1162 : vector<32x512xf32>
    %convert_element_type3A_1164 = arith.truncf %slice3A_1158 : vector<32x512xf32> to vector<32x512xbf16>
    %convert_element_type3A_1165 = arith.extf %convert_element_type3A_1164 : vector<32x512xbf16> to vector<32x512xf32>
    %mul3A_1166 = vector.broadcast %convert_element_type3A_9 : vector<1x512xf32> to vector<32x512xf32>
    %mul3A_1167 = arith.mulf %convert_element_type3A_1165, %mul3A_1166 : vector<32x512xf32>
    %add3A_1168 = arith.addf %mul3A_1163, %mul3A_1167 : vector<32x512xf32>
    %convert_element_type3A_1169 = arith.truncf %slice3A_1159 : vector<32x512xf32> to vector<32x512xbf16>
    %convert_element_type3A_1170 = arith.extf %convert_element_type3A_1169 : vector<32x512xbf16> to vector<32x512xf32>
    %mul3A_1171 = vector.broadcast %convert_element_type3A_11 : vector<1x512xf32> to vector<32x512xf32>
    %mul3A_1172 = arith.mulf %convert_element_type3A_1170, %mul3A_1171 : vector<32x512xf32>
    %add3A_1173 = arith.addf %add3A_1168, %mul3A_1172 : vector<32x512xf32>
    %mul3A_1174 = arith.mulf %slice3A_1157, %slice3A_1157 : vector<32x512xf32>
    %mul3A_1175 = arith.mulf %slice3A_1158, %slice3A_1158 : vector<32x512xf32>
    %add3A_1176 = arith.addf %mul3A_1174, %mul3A_1175 : vector<32x512xf32>
    %mul3A_1177 = arith.mulf %slice3A_1159, %slice3A_1159 : vector<32x512xf32>
    %add3A_1178 = arith.addf %add3A_1176, %mul3A_1177 : vector<32x512xf32>
    %mul3A_1179 = arith.constant -2.000000e+00 : f32
    %mul3A_1180 = vector.broadcast %mul3A_1179 : f32 to vector<32x512xf32>
    %mul3A_1181 = arith.mulf %mul3A_1180, %add3A_1173 : vector<32x512xf32>
    %add3A_1182 = vector.broadcast %add3A_6 : vector<1x512xf32> to vector<32x512xf32>
    %add3A_1183 = arith.addf %add3A_1182, %mul3A_1181 : vector<32x512xf32>
    %add3A_1184 = arith.addf %add3A_1183, %add3A_1178 : vector<32x512xf32>
    %swap3A_1185 = arith.constant 320 : index
    %swap3A_1186 = arith.constant 0 : index
    %swap3A_1187 = vector.load %arg9[%swap3A_1185, %swap3A_1186] : memref<512x512xf32, #tpu.memory_space<vmem>>, vector<32x512xf32>
    tpu.vector_store %arg9[%swap3A_1185, %swap3A_1186], %add3A_1184 {strides = array<i32>} : memref<512x512xf32, #tpu.memory_space<vmem>>, vector<32x512xf32>,
    %swap3A_1188 = arith.constant 320 : index
    %swap3A_1189 = arith.constant 0 : index
    %swap3A_1190 = vector.load %arg11[%swap3A_1188, %swap3A_1189] : memref<512x512xf32, #tpu.memory_space<vmem>>, vector<32x512xf32>
    tpu.vector_store %arg11[%swap3A_1188, %swap3A_1189], %slice3A_1157 {strides = array<i32>} : memref<512x512xf32, #tpu.memory_space<vmem>>, vector<32x512xf32>,
    %swap3A_1191 = arith.constant 320 : index
    %swap3A_1192 = arith.constant 0 : index
    %swap3A_1193 = vector.load %arg12[%swap3A_1191, %swap3A_1192] : memref<512x512xf32, #tpu.memory_space<vmem>>, vector<32x512xf32>
    tpu.vector_store %arg12[%swap3A_1191, %swap3A_1192], %slice3A_1158 {strides = array<i32>} : memref<512x512xf32, #tpu.memory_space<vmem>>, vector<32x512xf32>,
    %swap3A_1194 = arith.constant 320 : index
    %swap3A_1195 = arith.constant 0 : index
    %swap3A_1196 = vector.load %arg13[%swap3A_1194, %swap3A_1195] : memref<512x512xf32, #tpu.memory_space<vmem>>, vector<32x512xf32>
    tpu.vector_store %arg13[%swap3A_1194, %swap3A_1195], %slice3A_1159 {strides = array<i32>} : memref<512x512xf32, #tpu.memory_space<vmem>>, vector<32x512xf32>,
    %get3A_1197 = arith.constant 10 : index
    %get3A_1198 = arith.constant 0 : index
    %get3A_1199 = vector.load %arg2[%get3A_1197, %get3A_1198] : memref<16x512xi32, #tpu.memory_space<vmem>>, vector<1x512xi32>
    %jit3A_1200 = arith.constant 64 : i32
    %div3A_1201 = vector.broadcast %jit3A_1200 : i32 to vector<1x512xi32>
    %div3A_1202 = arith.divsi %get3A_1199, %div3A_1201 : vector<1x512xi32>
    %sign3A_1203 = arith.constant 0 : i32
    %sign3A_1204 = vector.broadcast %sign3A_1203 : i32 to vector<1x512xi32>
    %sign3A_1205 = arith.cmpi sgt, %get3A_1199, %sign3A_1204 : vector<1x512xi32>
    %sign3A_1206 = arith.extui %sign3A_1205 : vector<1x512xi1> to vector<1x512xi32>
    %sign3A_1207 = arith.constant 0 : i32
    %sign3A_1208 = vector.broadcast %sign3A_1207 : i32 to vector<1x512xi32>
    %sign3A_1209 = arith.cmpi slt, %get3A_1199, %sign3A_1208 : vector<1x512xi32>
    %sign3A_1210 = arith.extui %sign3A_1209 : vector<1x512xi1> to vector<1x512xi32>
    %sign3A_1211 = arith.subi %sign3A_1206, %sign3A_1210 : vector<1x512xi32>
    %sign3A_1212 = arith.constant 0 : i32
    %sign3A_1213 = arith.cmpi sgt, %jit3A_1200, %sign3A_1212 : i32
    %sign3A_1214 = arith.extui %sign3A_1213 : i1 to i32
    %sign3A_1215 = arith.constant 0 : i32
    %sign3A_1216 = arith.cmpi slt, %jit3A_1200, %sign3A_1215 : i32
    %sign3A_1217 = arith.extui %sign3A_1216 : i1 to i32
    %sign3A_1218 = arith.subi %sign3A_1214, %sign3A_1217 : i32
    %ne3A_1219 = vector.broadcast %sign3A_1218 : i32 to vector<1x512xi32>
    %ne3A_1220 = arith.cmpi ne, %sign3A_1211, %ne3A_1219 : vector<1x512xi32>
    %rem3A_1221 = vector.broadcast %jit3A_1200 : i32 to vector<1x512xi32>
    %rem3A_1222 = arith.remsi %get3A_1199, %rem3A_1221 : vector<1x512xi32>
    %ne3A_1223 = arith.constant 0 : i32
    %ne3A_1224 = vector.broadcast %ne3A_1223 : i32 to vector<1x512xi32>
    %ne3A_1225 = arith.cmpi ne, %rem3A_1222, %ne3A_1224 : vector<1x512xi32>
    %and3A_1226 = arith.andi %ne3A_1220, %ne3A_1225 : vector<1x512xi1>
    %sub3A_1227 = arith.constant 1 : i32
    %sub3A_1228 = vector.broadcast %sub3A_1227 : i32 to vector<1x512xi32>
    %sub3A_1229 = arith.subi %div3A_1202, %sub3A_1228 : vector<1x512xi32>
    %select_n3A_1230 = arith.select %and3A_1226, %sub3A_1229, %div3A_1202 : vector<1x512xi1>, vector<1x512xi32>
    %mul3A_1231 = arith.constant 2048 : i32
    %mul3A_1232 = vector.broadcast %mul3A_1231 : i32 to vector<1x512xi32>
    %mul3A_1233 = arith.muli %select_n3A_1230, %mul3A_1232 : vector<1x512xi32>
    %jit3A_1234 = arith.constant 64 : i32
    %eq3A_1235 = arith.constant 0 : i32
    %eq3A_1236 = arith.cmpi eq, %jit3A_1234, %eq3A_1235 : i32
    %jit3A_1237 = arith.constant 1 : i32
    %select_n3A_1238 = arith.select %eq3A_1236, %jit3A_1237, %jit3A_1234 : i32
    %rem3A_1239 = vector.broadcast %select_n3A_1238 : i32 to vector<1x512xi32>
    %rem3A_1240 = arith.remsi %get3A_1199, %rem3A_1239 : vector<1x512xi32>
    %ne3A_1241 = arith.constant 0 : i32
    %ne3A_1242 = vector.broadcast %ne3A_1241 : i32 to vector<1x512xi32>
    %ne3A_1243 = arith.cmpi ne, %rem3A_1240, %ne3A_1242 : vector<1x512xi32>
    %lt3A_1244 = arith.constant 0 : i32
    %lt3A_1245 = vector.broadcast %lt3A_1244 : i32 to vector<1x512xi32>
    %lt3A_1246 = arith.cmpi slt, %rem3A_1240, %lt3A_1245 : vector<1x512xi32>
    %lt3A_1247 = arith.constant 0 : i32
    %lt3A_1248 = arith.cmpi slt, %select_n3A_1238, %lt3A_1247 : i32
    %ne3A_1249 = vector.broadcast %lt3A_1248 : i1 to vector<1x512xi1>
    %ne3A_1250 = vector.broadcast %ne3A_1249 : vector<1x512xi1> to vector<1x512xi1>
    %ne3A_1251 = arith.xori %lt3A_1246, %ne3A_1250 : vector<1x512xi1>
    %and3A_1252 = arith.andi %ne3A_1251, %ne3A_1243 : vector<1x512xi1>
    %add3A_1253 = vector.broadcast %select_n3A_1238 : i32 to vector<1x512xi32>
    %add3A_1254 = arith.addi %rem3A_1240, %add3A_1253 : vector<1x512xi32>
    %select_n3A_1255 = arith.select %and3A_1252, %add3A_1254, %rem3A_1240 : vector<1x512xi1>, vector<1x512xi32>
    %add3A_1256 = arith.addi %mul3A_1233, %select_n3A_1255 : vector<1x512xi32>
    %convert_element_type3A_1257 = arith.sitofp %add3A_1256 : vector<1x512xi32> to vector<1x512xf32>
    %mul3A_1258 = arith.constant 6.400000e+01 : f32
    %mul3A_1259 = vector.broadcast %mul3A_1258 : f32 to vector<32x512xf32>
    %mul3A_1260 = arith.mulf %convert_element_type3A_12, %mul3A_1259 : vector<32x512xf32>
    %add3A_1261 = vector.broadcast %convert_element_type3A_1257 : vector<1x512xf32> to vector<32x512xf32>
    %add3A_1262 = arith.addf %add3A_1261, %mul3A_1260 : vector<32x512xf32>
    %swap3A_1263 = arith.constant 320 : index
    %swap3A_1264 = arith.constant 0 : index
    %swap3A_1265 = vector.load %arg10[%swap3A_1263, %swap3A_1264] : memref<512x512xf32, #tpu.memory_space<vmem>>, vector<32x512xf32>
    tpu.vector_store %arg10[%swap3A_1263, %swap3A_1264], %add3A_1262 {strides = array<i32>} : memref<512x512xf32, #tpu.memory_space<vmem>>, vector<32x512xf32>,
    %get3A_1266 = arith.constant 11 : index
    %get3A_1267 = arith.constant 0 : index
    %get3A_1268 = arith.constant 0 : index
    %get3A_1269 = vector.load %arg3[%get3A_1266, %get3A_1267, %get3A_1268] : memref<16x512x128xf32, #tpu.memory_space<vmem>>, vector<1x512x128xf32>
    %get3A_1270 = vector.shape_cast %get3A_1269 : vector<1x512x128xf32> to vector<512x128xf32>
    %transpose3A_1271 = tpu.transpose %get3A_1270, [1, 0] : vector<512x128xf32> -> vector<128x512xf32>
    %slice3A_1272 = vector.extract_strided_slice %transpose3A_1271 {offsets = [0, 0], sizes = [32, 512], strides = [1, 1]} : vector<128x512xf32> to vector<32x512xf32>
    %slice3A_1273 = vector.extract_strided_slice %transpose3A_1271 {offsets = [32, 0], sizes = [32, 512], strides = [1, 1]} : vector<128x512xf32> to vector<32x512xf32>
    %slice3A_1274 = vector.extract_strided_slice %transpose3A_1271 {offsets = [64, 0], sizes = [32, 512], strides = [1, 1]} : vector<128x512xf32> to vector<32x512xf32>
    %convert_element_type3A_1275 = arith.truncf %slice3A_1272 : vector<32x512xf32> to vector<32x512xbf16>
    %convert_element_type3A_1276 = arith.extf %convert_element_type3A_1275 : vector<32x512xbf16> to vector<32x512xf32>
    %mul3A_1277 = vector.broadcast %convert_element_type3A_7 : vector<1x512xf32> to vector<32x512xf32>
    %mul3A_1278 = arith.mulf %convert_element_type3A_1276, %mul3A_1277 : vector<32x512xf32>
    %convert_element_type3A_1279 = arith.truncf %slice3A_1273 : vector<32x512xf32> to vector<32x512xbf16>
    %convert_element_type3A_1280 = arith.extf %convert_element_type3A_1279 : vector<32x512xbf16> to vector<32x512xf32>
    %mul3A_1281 = vector.broadcast %convert_element_type3A_9 : vector<1x512xf32> to vector<32x512xf32>
    %mul3A_1282 = arith.mulf %convert_element_type3A_1280, %mul3A_1281 : vector<32x512xf32>
    %add3A_1283 = arith.addf %mul3A_1278, %mul3A_1282 : vector<32x512xf32>
    %convert_element_type3A_1284 = arith.truncf %slice3A_1274 : vector<32x512xf32> to vector<32x512xbf16>
    %convert_element_type3A_1285 = arith.extf %convert_element_type3A_1284 : vector<32x512xbf16> to vector<32x512xf32>
    %mul3A_1286 = vector.broadcast %convert_element_type3A_11 : vector<1x512xf32> to vector<32x512xf32>
    %mul3A_1287 = arith.mulf %convert_element_type3A_1285, %mul3A_1286 : vector<32x512xf32>
    %add3A_1288 = arith.addf %add3A_1283, %mul3A_1287 : vector<32x512xf32>
    %mul3A_1289 = arith.mulf %slice3A_1272, %slice3A_1272 : vector<32x512xf32>
    %mul3A_1290 = arith.mulf %slice3A_1273, %slice3A_1273 : vector<32x512xf32>
    %add3A_1291 = arith.addf %mul3A_1289, %mul3A_1290 : vector<32x512xf32>
    %mul3A_1292 = arith.mulf %slice3A_1274, %slice3A_1274 : vector<32x512xf32>
    %add3A_1293 = arith.addf %add3A_1291, %mul3A_1292 : vector<32x512xf32>
    %mul3A_1294 = arith.constant -2.000000e+00 : f32
    %mul3A_1295 = vector.broadcast %mul3A_1294 : f32 to vector<32x512xf32>
    %mul3A_1296 = arith.mulf %mul3A_1295, %add3A_1288 : vector<32x512xf32>
    %add3A_1297 = vector.broadcast %add3A_6 : vector<1x512xf32> to vector<32x512xf32>
    %add3A_1298 = arith.addf %add3A_1297, %mul3A_1296 : vector<32x512xf32>
    %add3A_1299 = arith.addf %add3A_1298, %add3A_1293 : vector<32x512xf32>
    %swap3A_1300 = arith.constant 352 : index
    %swap3A_1301 = arith.constant 0 : index
    %swap3A_1302 = vector.load %arg9[%swap3A_1300, %swap3A_1301] : memref<512x512xf32, #tpu.memory_space<vmem>>, vector<32x512xf32>
    tpu.vector_store %arg9[%swap3A_1300, %swap3A_1301], %add3A_1299 {strides = array<i32>} : memref<512x512xf32, #tpu.memory_space<vmem>>, vector<32x512xf32>,
    %swap3A_1303 = arith.constant 352 : index
    %swap3A_1304 = arith.constant 0 : index
    %swap3A_1305 = vector.load %arg11[%swap3A_1303, %swap3A_1304] : memref<512x512xf32, #tpu.memory_space<vmem>>, vector<32x512xf32>
    tpu.vector_store %arg11[%swap3A_1303, %swap3A_1304], %slice3A_1272 {strides = array<i32>} : memref<512x512xf32, #tpu.memory_space<vmem>>, vector<32x512xf32>,
    %swap3A_1306 = arith.constant 352 : index
    %swap3A_1307 = arith.constant 0 : index
    %swap3A_1308 = vector.load %arg12[%swap3A_1306, %swap3A_1307] : memref<512x512xf32, #tpu.memory_space<vmem>>, vector<32x512xf32>
    tpu.vector_store %arg12[%swap3A_1306, %swap3A_1307], %slice3A_1273 {strides = array<i32>} : memref<512x512xf32, #tpu.memory_space<vmem>>, vector<32x512xf32>,
    %swap3A_1309 = arith.constant 352 : index
    %swap3A_1310 = arith.constant 0 : index
    %swap3A_1311 = vector.load %arg13[%swap3A_1309, %swap3A_1310] : memref<512x512xf32, #tpu.memory_space<vmem>>, vector<32x512xf32>
    tpu.vector_store %arg13[%swap3A_1309, %swap3A_1310], %slice3A_1274 {strides = array<i32>} : memref<512x512xf32, #tpu.memory_space<vmem>>, vector<32x512xf32>,
    %get3A_1312 = arith.constant 11 : index
    %get3A_1313 = arith.constant 0 : index
    %get3A_1314 = vector.load %arg2[%get3A_1312, %get3A_1313] : memref<16x512xi32, #tpu.memory_space<vmem>>, vector<1x512xi32>
    %jit3A_1315 = arith.constant 64 : i32
    %div3A_1316 = vector.broadcast %jit3A_1315 : i32 to vector<1x512xi32>
    %div3A_1317 = arith.divsi %get3A_1314, %div3A_1316 : vector<1x512xi32>
    %sign3A_1318 = arith.constant 0 : i32
    %sign3A_1319 = vector.broadcast %sign3A_1318 : i32 to vector<1x512xi32>
    %sign3A_1320 = arith.cmpi sgt, %get3A_1314, %sign3A_1319 : vector<1x512xi32>
    %sign3A_1321 = arith.extui %sign3A_1320 : vector<1x512xi1> to vector<1x512xi32>
    %sign3A_1322 = arith.constant 0 : i32
    %sign3A_1323 = vector.broadcast %sign3A_1322 : i32 to vector<1x512xi32>
    %sign3A_1324 = arith.cmpi slt, %get3A_1314, %sign3A_1323 : vector<1x512xi32>
    %sign3A_1325 = arith.extui %sign3A_1324 : vector<1x512xi1> to vector<1x512xi32>
    %sign3A_1326 = arith.subi %sign3A_1321, %sign3A_1325 : vector<1x512xi32>
    %sign3A_1327 = arith.constant 0 : i32
    %sign3A_1328 = arith.cmpi sgt, %jit3A_1315, %sign3A_1327 : i32
    %sign3A_1329 = arith.extui %sign3A_1328 : i1 to i32
    %sign3A_1330 = arith.constant 0 : i32
    %sign3A_1331 = arith.cmpi slt, %jit3A_1315, %sign3A_1330 : i32
    %sign3A_1332 = arith.extui %sign3A_1331 : i1 to i32
    %sign3A_1333 = arith.subi %sign3A_1329, %sign3A_1332 : i32
    %ne3A_1334 = vector.broadcast %sign3A_1333 : i32 to vector<1x512xi32>
    %ne3A_1335 = arith.cmpi ne, %sign3A_1326, %ne3A_1334 : vector<1x512xi32>
    %rem3A_1336 = vector.broadcast %jit3A_1315 : i32 to vector<1x512xi32>
    %rem3A_1337 = arith.remsi %get3A_1314, %rem3A_1336 : vector<1x512xi32>
    %ne3A_1338 = arith.constant 0 : i32
    %ne3A_1339 = vector.broadcast %ne3A_1338 : i32 to vector<1x512xi32>
    %ne3A_1340 = arith.cmpi ne, %rem3A_1337, %ne3A_1339 : vector<1x512xi32>
    %and3A_1341 = arith.andi %ne3A_1335, %ne3A_1340 : vector<1x512xi1>
    %sub3A_1342 = arith.constant 1 : i32
    %sub3A_1343 = vector.broadcast %sub3A_1342 : i32 to vector<1x512xi32>
    %sub3A_1344 = arith.subi %div3A_1317, %sub3A_1343 : vector<1x512xi32>
    %select_n3A_1345 = arith.select %and3A_1341, %sub3A_1344, %div3A_1317 : vector<1x512xi1>, vector<1x512xi32>
    %mul3A_1346 = arith.constant 2048 : i32
    %mul3A_1347 = vector.broadcast %mul3A_1346 : i32 to vector<1x512xi32>
    %mul3A_1348 = arith.muli %select_n3A_1345, %mul3A_1347 : vector<1x512xi32>
    %jit3A_1349 = arith.constant 64 : i32
    %eq3A_1350 = arith.constant 0 : i32
    %eq3A_1351 = arith.cmpi eq, %jit3A_1349, %eq3A_1350 : i32
    %jit3A_1352 = arith.constant 1 : i32
    %select_n3A_1353 = arith.select %eq3A_1351, %jit3A_1352, %jit3A_1349 : i32
    %rem3A_1354 = vector.broadcast %select_n3A_1353 : i32 to vector<1x512xi32>
    %rem3A_1355 = arith.remsi %get3A_1314, %rem3A_1354 : vector<1x512xi32>
    %ne3A_1356 = arith.constant 0 : i32
    %ne3A_1357 = vector.broadcast %ne3A_1356 : i32 to vector<1x512xi32>
    %ne3A_1358 = arith.cmpi ne, %rem3A_1355, %ne3A_1357 : vector<1x512xi32>
    %lt3A_1359 = arith.constant 0 : i32
    %lt3A_1360 = vector.broadcast %lt3A_1359 : i32 to vector<1x512xi32>
    %lt3A_1361 = arith.cmpi slt, %rem3A_1355, %lt3A_1360 : vector<1x512xi32>
    %lt3A_1362 = arith.constant 0 : i32
    %lt3A_1363 = arith.cmpi slt, %select_n3A_1353, %lt3A_1362 : i32
    %ne3A_1364 = vector.broadcast %lt3A_1363 : i1 to vector<1x512xi1>
    %ne3A_1365 = vector.broadcast %ne3A_1364 : vector<1x512xi1> to vector<1x512xi1>
    %ne3A_1366 = arith.xori %lt3A_1361, %ne3A_1365 : vector<1x512xi1>
    %and3A_1367 = arith.andi %ne3A_1366, %ne3A_1358 : vector<1x512xi1>
    %add3A_1368 = vector.broadcast %select_n3A_1353 : i32 to vector<1x512xi32>
    %add3A_1369 = arith.addi %rem3A_1355, %add3A_1368 : vector<1x512xi32>
    %select_n3A_1370 = arith.select %and3A_1367, %add3A_1369, %rem3A_1355 : vector<1x512xi1>, vector<1x512xi32>
    %add3A_1371 = arith.addi %mul3A_1348, %select_n3A_1370 : vector<1x512xi32>
    %convert_element_type3A_1372 = arith.sitofp %add3A_1371 : vector<1x512xi32> to vector<1x512xf32>
    %mul3A_1373 = arith.constant 6.400000e+01 : f32
    %mul3A_1374 = vector.broadcast %mul3A_1373 : f32 to vector<32x512xf32>
    %mul3A_1375 = arith.mulf %convert_element_type3A_12, %mul3A_1374 : vector<32x512xf32>
    %add3A_1376 = vector.broadcast %convert_element_type3A_1372 : vector<1x512xf32> to vector<32x512xf32>
    %add3A_1377 = arith.addf %add3A_1376, %mul3A_1375 : vector<32x512xf32>
    %swap3A_1378 = arith.constant 352 : index
    %swap3A_1379 = arith.constant 0 : index
    %swap3A_1380 = vector.load %arg10[%swap3A_1378, %swap3A_1379] : memref<512x512xf32, #tpu.memory_space<vmem>>, vector<32x512xf32>
    tpu.vector_store %arg10[%swap3A_1378, %swap3A_1379], %add3A_1377 {strides = array<i32>} : memref<512x512xf32, #tpu.memory_space<vmem>>, vector<32x512xf32>,
    %get3A_1381 = arith.constant 12 : index
    %get3A_1382 = arith.constant 0 : index
    %get3A_1383 = arith.constant 0 : index
    %get3A_1384 = vector.load %arg3[%get3A_1381, %get3A_1382, %get3A_1383] : memref<16x512x128xf32, #tpu.memory_space<vmem>>, vector<1x512x128xf32>
    %get3A_1385 = vector.shape_cast %get3A_1384 : vector<1x512x128xf32> to vector<512x128xf32>
    %transpose3A_1386 = tpu.transpose %get3A_1385, [1, 0] : vector<512x128xf32> -> vector<128x512xf32>
    %slice3A_1387 = vector.extract_strided_slice %transpose3A_1386 {offsets = [0, 0], sizes = [32, 512], strides = [1, 1]} : vector<128x512xf32> to vector<32x512xf32>
    %slice3A_1388 = vector.extract_strided_slice %transpose3A_1386 {offsets = [32, 0], sizes = [32, 512], strides = [1, 1]} : vector<128x512xf32> to vector<32x512xf32>
    %slice3A_1389 = vector.extract_strided_slice %transpose3A_1386 {offsets = [64, 0], sizes = [32, 512], strides = [1, 1]} : vector<128x512xf32> to vector<32x512xf32>
    %convert_element_type3A_1390 = arith.truncf %slice3A_1387 : vector<32x512xf32> to vector<32x512xbf16>
    %convert_element_type3A_1391 = arith.extf %convert_element_type3A_1390 : vector<32x512xbf16> to vector<32x512xf32>
    %mul3A_1392 = vector.broadcast %convert_element_type3A_7 : vector<1x512xf32> to vector<32x512xf32>
    %mul3A_1393 = arith.mulf %convert_element_type3A_1391, %mul3A_1392 : vector<32x512xf32>
    %convert_element_type3A_1394 = arith.truncf %slice3A_1388 : vector<32x512xf32> to vector<32x512xbf16>
    %convert_element_type3A_1395 = arith.extf %convert_element_type3A_1394 : vector<32x512xbf16> to vector<32x512xf32>
    %mul3A_1396 = vector.broadcast %convert_element_type3A_9 : vector<1x512xf32> to vector<32x512xf32>
    %mul3A_1397 = arith.mulf %convert_element_type3A_1395, %mul3A_1396 : vector<32x512xf32>
    %add3A_1398 = arith.addf %mul3A_1393, %mul3A_1397 : vector<32x512xf32>
    %convert_element_type3A_1399 = arith.truncf %slice3A_1389 : vector<32x512xf32> to vector<32x512xbf16>
    %convert_element_type3A_1400 = arith.extf %convert_element_type3A_1399 : vector<32x512xbf16> to vector<32x512xf32>
    %mul3A_1401 = vector.broadcast %convert_element_type3A_11 : vector<1x512xf32> to vector<32x512xf32>
    %mul3A_1402 = arith.mulf %convert_element_type3A_1400, %mul3A_1401 : vector<32x512xf32>
    %add3A_1403 = arith.addf %add3A_1398, %mul3A_1402 : vector<32x512xf32>
    %mul3A_1404 = arith.mulf %slice3A_1387, %slice3A_1387 : vector<32x512xf32>
    %mul3A_1405 = arith.mulf %slice3A_1388, %slice3A_1388 : vector<32x512xf32>
    %add3A_1406 = arith.addf %mul3A_1404, %mul3A_1405 : vector<32x512xf32>
    %mul3A_1407 = arith.mulf %slice3A_1389, %slice3A_1389 : vector<32x512xf32>
    %add3A_1408 = arith.addf %add3A_1406, %mul3A_1407 : vector<32x512xf32>
    %mul3A_1409 = arith.constant -2.000000e+00 : f32
    %mul3A_1410 = vector.broadcast %mul3A_1409 : f32 to vector<32x512xf32>
    %mul3A_1411 = arith.mulf %mul3A_1410, %add3A_1403 : vector<32x512xf32>
    %add3A_1412 = vector.broadcast %add3A_6 : vector<1x512xf32> to vector<32x512xf32>
    %add3A_1413 = arith.addf %add3A_1412, %mul3A_1411 : vector<32x512xf32>
    %add3A_1414 = arith.addf %add3A_1413, %add3A_1408 : vector<32x512xf32>
    %swap3A_1415 = arith.constant 384 : index
    %swap3A_1416 = arith.constant 0 : index
    %swap3A_1417 = vector.load %arg9[%swap3A_1415, %swap3A_1416] : memref<512x512xf32, #tpu.memory_space<vmem>>, vector<32x512xf32>
    tpu.vector_store %arg9[%swap3A_1415, %swap3A_1416], %add3A_1414 {strides = array<i32>} : memref<512x512xf32, #tpu.memory_space<vmem>>, vector<32x512xf32>,
    %swap3A_1418 = arith.constant 384 : index
    %swap3A_1419 = arith.constant 0 : index
    %swap3A_1420 = vector.load %arg11[%swap3A_1418, %swap3A_1419] : memref<512x512xf32, #tpu.memory_space<vmem>>, vector<32x512xf32>
    tpu.vector_store %arg11[%swap3A_1418, %swap3A_1419], %slice3A_1387 {strides = array<i32>} : memref<512x512xf32, #tpu.memory_space<vmem>>, vector<32x512xf32>,
    %swap3A_1421 = arith.constant 384 : index
    %swap3A_1422 = arith.constant 0 : index
    %swap3A_1423 = vector.load %arg12[%swap3A_1421, %swap3A_1422] : memref<512x512xf32, #tpu.memory_space<vmem>>, vector<32x512xf32>
    tpu.vector_store %arg12[%swap3A_1421, %swap3A_1422], %slice3A_1388 {strides = array<i32>} : memref<512x512xf32, #tpu.memory_space<vmem>>, vector<32x512xf32>,
    %swap3A_1424 = arith.constant 384 : index
    %swap3A_1425 = arith.constant 0 : index
    %swap3A_1426 = vector.load %arg13[%swap3A_1424, %swap3A_1425] : memref<512x512xf32, #tpu.memory_space<vmem>>, vector<32x512xf32>
    tpu.vector_store %arg13[%swap3A_1424, %swap3A_1425], %slice3A_1389 {strides = array<i32>} : memref<512x512xf32, #tpu.memory_space<vmem>>, vector<32x512xf32>,
    %get3A_1427 = arith.constant 12 : index
    %get3A_1428 = arith.constant 0 : index
    %get3A_1429 = vector.load %arg2[%get3A_1427, %get3A_1428] : memref<16x512xi32, #tpu.memory_space<vmem>>, vector<1x512xi32>
    %jit3A_1430 = arith.constant 64 : i32
    %div3A_1431 = vector.broadcast %jit3A_1430 : i32 to vector<1x512xi32>
    %div3A_1432 = arith.divsi %get3A_1429, %div3A_1431 : vector<1x512xi32>
    %sign3A_1433 = arith.constant 0 : i32
    %sign3A_1434 = vector.broadcast %sign3A_1433 : i32 to vector<1x512xi32>
    %sign3A_1435 = arith.cmpi sgt, %get3A_1429, %sign3A_1434 : vector<1x512xi32>
    %sign3A_1436 = arith.extui %sign3A_1435 : vector<1x512xi1> to vector<1x512xi32>
    %sign3A_1437 = arith.constant 0 : i32
    %sign3A_1438 = vector.broadcast %sign3A_1437 : i32 to vector<1x512xi32>
    %sign3A_1439 = arith.cmpi slt, %get3A_1429, %sign3A_1438 : vector<1x512xi32>
    %sign3A_1440 = arith.extui %sign3A_1439 : vector<1x512xi1> to vector<1x512xi32>
    %sign3A_1441 = arith.subi %sign3A_1436, %sign3A_1440 : vector<1x512xi32>
    %sign3A_1442 = arith.constant 0 : i32
    %sign3A_1443 = arith.cmpi sgt, %jit3A_1430, %sign3A_1442 : i32
    %sign3A_1444 = arith.extui %sign3A_1443 : i1 to i32
    %sign3A_1445 = arith.constant 0 : i32
    %sign3A_1446 = arith.cmpi slt, %jit3A_1430, %sign3A_1445 : i32
    %sign3A_1447 = arith.extui %sign3A_1446 : i1 to i32
    %sign3A_1448 = arith.subi %sign3A_1444, %sign3A_1447 : i32
    %ne3A_1449 = vector.broadcast %sign3A_1448 : i32 to vector<1x512xi32>
    %ne3A_1450 = arith.cmpi ne, %sign3A_1441, %ne3A_1449 : vector<1x512xi32>
    %rem3A_1451 = vector.broadcast %jit3A_1430 : i32 to vector<1x512xi32>
    %rem3A_1452 = arith.remsi %get3A_1429, %rem3A_1451 : vector<1x512xi32>
    %ne3A_1453 = arith.constant 0 : i32
    %ne3A_1454 = vector.broadcast %ne3A_1453 : i32 to vector<1x512xi32>
    %ne3A_1455 = arith.cmpi ne, %rem3A_1452, %ne3A_1454 : vector<1x512xi32>
    %and3A_1456 = arith.andi %ne3A_1450, %ne3A_1455 : vector<1x512xi1>
    %sub3A_1457 = arith.constant 1 : i32
    %sub3A_1458 = vector.broadcast %sub3A_1457 : i32 to vector<1x512xi32>
    %sub3A_1459 = arith.subi %div3A_1432, %sub3A_1458 : vector<1x512xi32>
    %select_n3A_1460 = arith.select %and3A_1456, %sub3A_1459, %div3A_1432 : vector<1x512xi1>, vector<1x512xi32>
    %mul3A_1461 = arith.constant 2048 : i32
    %mul3A_1462 = vector.broadcast %mul3A_1461 : i32 to vector<1x512xi32>
    %mul3A_1463 = arith.muli %select_n3A_1460, %mul3A_1462 : vector<1x512xi32>
    %jit3A_1464 = arith.constant 64 : i32
    %eq3A_1465 = arith.constant 0 : i32
    %eq3A_1466 = arith.cmpi eq, %jit3A_1464, %eq3A_1465 : i32
    %jit3A_1467 = arith.constant 1 : i32
    %select_n3A_1468 = arith.select %eq3A_1466, %jit3A_1467, %jit3A_1464 : i32
    %rem3A_1469 = vector.broadcast %select_n3A_1468 : i32 to vector<1x512xi32>
    %rem3A_1470 = arith.remsi %get3A_1429, %rem3A_1469 : vector<1x512xi32>
    %ne3A_1471 = arith.constant 0 : i32
    %ne3A_1472 = vector.broadcast %ne3A_1471 : i32 to vector<1x512xi32>
    %ne3A_1473 = arith.cmpi ne, %rem3A_1470, %ne3A_1472 : vector<1x512xi32>
    %lt3A_1474 = arith.constant 0 : i32
    %lt3A_1475 = vector.broadcast %lt3A_1474 : i32 to vector<1x512xi32>
    %lt3A_1476 = arith.cmpi slt, %rem3A_1470, %lt3A_1475 : vector<1x512xi32>
    %lt3A_1477 = arith.constant 0 : i32
    %lt3A_1478 = arith.cmpi slt, %select_n3A_1468, %lt3A_1477 : i32
    %ne3A_1479 = vector.broadcast %lt3A_1478 : i1 to vector<1x512xi1>
    %ne3A_1480 = vector.broadcast %ne3A_1479 : vector<1x512xi1> to vector<1x512xi1>
    %ne3A_1481 = arith.xori %lt3A_1476, %ne3A_1480 : vector<1x512xi1>
    %and3A_1482 = arith.andi %ne3A_1481, %ne3A_1473 : vector<1x512xi1>
    %add3A_1483 = vector.broadcast %select_n3A_1468 : i32 to vector<1x512xi32>
    %add3A_1484 = arith.addi %rem3A_1470, %add3A_1483 : vector<1x512xi32>
    %select_n3A_1485 = arith.select %and3A_1482, %add3A_1484, %rem3A_1470 : vector<1x512xi1>, vector<1x512xi32>
    %add3A_1486 = arith.addi %mul3A_1463, %select_n3A_1485 : vector<1x512xi32>
    %convert_element_type3A_1487 = arith.sitofp %add3A_1486 : vector<1x512xi32> to vector<1x512xf32>
    %mul3A_1488 = arith.constant 6.400000e+01 : f32
    %mul3A_1489 = vector.broadcast %mul3A_1488 : f32 to vector<32x512xf32>
    %mul3A_1490 = arith.mulf %convert_element_type3A_12, %mul3A_1489 : vector<32x512xf32>
    %add3A_1491 = vector.broadcast %convert_element_type3A_1487 : vector<1x512xf32> to vector<32x512xf32>
    %add3A_1492 = arith.addf %add3A_1491, %mul3A_1490 : vector<32x512xf32>
    %swap3A_1493 = arith.constant 384 : index
    %swap3A_1494 = arith.constant 0 : index
    %swap3A_1495 = vector.load %arg10[%swap3A_1493, %swap3A_1494] : memref<512x512xf32, #tpu.memory_space<vmem>>, vector<32x512xf32>
    tpu.vector_store %arg10[%swap3A_1493, %swap3A_1494], %add3A_1492 {strides = array<i32>} : memref<512x512xf32, #tpu.memory_space<vmem>>, vector<32x512xf32>,
    %get3A_1496 = arith.constant 13 : index
    %get3A_1497 = arith.constant 0 : index
    %get3A_1498 = arith.constant 0 : index
    %get3A_1499 = vector.load %arg3[%get3A_1496, %get3A_1497, %get3A_1498] : memref<16x512x128xf32, #tpu.memory_space<vmem>>, vector<1x512x128xf32>
    %get3A_1500 = vector.shape_cast %get3A_1499 : vector<1x512x128xf32> to vector<512x128xf32>
    %transpose3A_1501 = tpu.transpose %get3A_1500, [1, 0] : vector<512x128xf32> -> vector<128x512xf32>
    %slice3A_1502 = vector.extract_strided_slice %transpose3A_1501 {offsets = [0, 0], sizes = [32, 512], strides = [1, 1]} : vector<128x512xf32> to vector<32x512xf32>
    %slice3A_1503 = vector.extract_strided_slice %transpose3A_1501 {offsets = [32, 0], sizes = [32, 512], strides = [1, 1]} : vector<128x512xf32> to vector<32x512xf32>
    %slice3A_1504 = vector.extract_strided_slice %transpose3A_1501 {offsets = [64, 0], sizes = [32, 512], strides = [1, 1]} : vector<128x512xf32> to vector<32x512xf32>
    %convert_element_type3A_1505 = arith.truncf %slice3A_1502 : vector<32x512xf32> to vector<32x512xbf16>
    %convert_element_type3A_1506 = arith.extf %convert_element_type3A_1505 : vector<32x512xbf16> to vector<32x512xf32>
    %mul3A_1507 = vector.broadcast %convert_element_type3A_7 : vector<1x512xf32> to vector<32x512xf32>
    %mul3A_1508 = arith.mulf %convert_element_type3A_1506, %mul3A_1507 : vector<32x512xf32>
    %convert_element_type3A_1509 = arith.truncf %slice3A_1503 : vector<32x512xf32> to vector<32x512xbf16>
    %convert_element_type3A_1510 = arith.extf %convert_element_type3A_1509 : vector<32x512xbf16> to vector<32x512xf32>
    %mul3A_1511 = vector.broadcast %convert_element_type3A_9 : vector<1x512xf32> to vector<32x512xf32>
    %mul3A_1512 = arith.mulf %convert_element_type3A_1510, %mul3A_1511 : vector<32x512xf32>
    %add3A_1513 = arith.addf %mul3A_1508, %mul3A_1512 : vector<32x512xf32>
    %convert_element_type3A_1514 = arith.truncf %slice3A_1504 : vector<32x512xf32> to vector<32x512xbf16>
    %convert_element_type3A_1515 = arith.extf %convert_element_type3A_1514 : vector<32x512xbf16> to vector<32x512xf32>
    %mul3A_1516 = vector.broadcast %convert_element_type3A_11 : vector<1x512xf32> to vector<32x512xf32>
    %mul3A_1517 = arith.mulf %convert_element_type3A_1515, %mul3A_1516 : vector<32x512xf32>
    %add3A_1518 = arith.addf %add3A_1513, %mul3A_1517 : vector<32x512xf32>
    %mul3A_1519 = arith.mulf %slice3A_1502, %slice3A_1502 : vector<32x512xf32>
    %mul3A_1520 = arith.mulf %slice3A_1503, %slice3A_1503 : vector<32x512xf32>
    %add3A_1521 = arith.addf %mul3A_1519, %mul3A_1520 : vector<32x512xf32>
    %mul3A_1522 = arith.mulf %slice3A_1504, %slice3A_1504 : vector<32x512xf32>
    %add3A_1523 = arith.addf %add3A_1521, %mul3A_1522 : vector<32x512xf32>
    %mul3A_1524 = arith.constant -2.000000e+00 : f32
    %mul3A_1525 = vector.broadcast %mul3A_1524 : f32 to vector<32x512xf32>
    %mul3A_1526 = arith.mulf %mul3A_1525, %add3A_1518 : vector<32x512xf32>
    %add3A_1527 = vector.broadcast %add3A_6 : vector<1x512xf32> to vector<32x512xf32>
    %add3A_1528 = arith.addf %add3A_1527, %mul3A_1526 : vector<32x512xf32>
    %add3A_1529 = arith.addf %add3A_1528, %add3A_1523 : vector<32x512xf32>
    %swap3A_1530 = arith.constant 416 : index
    %swap3A_1531 = arith.constant 0 : index
    %swap3A_1532 = vector.load %arg9[%swap3A_1530, %swap3A_1531] : memref<512x512xf32, #tpu.memory_space<vmem>>, vector<32x512xf32>
    tpu.vector_store %arg9[%swap3A_1530, %swap3A_1531], %add3A_1529 {strides = array<i32>} : memref<512x512xf32, #tpu.memory_space<vmem>>, vector<32x512xf32>,
    %swap3A_1533 = arith.constant 416 : index
    %swap3A_1534 = arith.constant 0 : index
    %swap3A_1535 = vector.load %arg11[%swap3A_1533, %swap3A_1534] : memref<512x512xf32, #tpu.memory_space<vmem>>, vector<32x512xf32>
    tpu.vector_store %arg11[%swap3A_1533, %swap3A_1534], %slice3A_1502 {strides = array<i32>} : memref<512x512xf32, #tpu.memory_space<vmem>>, vector<32x512xf32>,
    %swap3A_1536 = arith.constant 416 : index
    %swap3A_1537 = arith.constant 0 : index
    %swap3A_1538 = vector.load %arg12[%swap3A_1536, %swap3A_1537] : memref<512x512xf32, #tpu.memory_space<vmem>>, vector<32x512xf32>
    tpu.vector_store %arg12[%swap3A_1536, %swap3A_1537], %slice3A_1503 {strides = array<i32>} : memref<512x512xf32, #tpu.memory_space<vmem>>, vector<32x512xf32>,
    %swap3A_1539 = arith.constant 416 : index
    %swap3A_1540 = arith.constant 0 : index
    %swap3A_1541 = vector.load %arg13[%swap3A_1539, %swap3A_1540] : memref<512x512xf32, #tpu.memory_space<vmem>>, vector<32x512xf32>
    tpu.vector_store %arg13[%swap3A_1539, %swap3A_1540], %slice3A_1504 {strides = array<i32>} : memref<512x512xf32, #tpu.memory_space<vmem>>, vector<32x512xf32>,
    %get3A_1542 = arith.constant 13 : index
    %get3A_1543 = arith.constant 0 : index
    %get3A_1544 = vector.load %arg2[%get3A_1542, %get3A_1543] : memref<16x512xi32, #tpu.memory_space<vmem>>, vector<1x512xi32>
    %jit3A_1545 = arith.constant 64 : i32
    %div3A_1546 = vector.broadcast %jit3A_1545 : i32 to vector<1x512xi32>
    %div3A_1547 = arith.divsi %get3A_1544, %div3A_1546 : vector<1x512xi32>
    %sign3A_1548 = arith.constant 0 : i32
    %sign3A_1549 = vector.broadcast %sign3A_1548 : i32 to vector<1x512xi32>
    %sign3A_1550 = arith.cmpi sgt, %get3A_1544, %sign3A_1549 : vector<1x512xi32>
    %sign3A_1551 = arith.extui %sign3A_1550 : vector<1x512xi1> to vector<1x512xi32>
    %sign3A_1552 = arith.constant 0 : i32
    %sign3A_1553 = vector.broadcast %sign3A_1552 : i32 to vector<1x512xi32>
    %sign3A_1554 = arith.cmpi slt, %get3A_1544, %sign3A_1553 : vector<1x512xi32>
    %sign3A_1555 = arith.extui %sign3A_1554 : vector<1x512xi1> to vector<1x512xi32>
    %sign3A_1556 = arith.subi %sign3A_1551, %sign3A_1555 : vector<1x512xi32>
    %sign3A_1557 = arith.constant 0 : i32
    %sign3A_1558 = arith.cmpi sgt, %jit3A_1545, %sign3A_1557 : i32
    %sign3A_1559 = arith.extui %sign3A_1558 : i1 to i32
    %sign3A_1560 = arith.constant 0 : i32
    %sign3A_1561 = arith.cmpi slt, %jit3A_1545, %sign3A_1560 : i32
    %sign3A_1562 = arith.extui %sign3A_1561 : i1 to i32
    %sign3A_1563 = arith.subi %sign3A_1559, %sign3A_1562 : i32
    %ne3A_1564 = vector.broadcast %sign3A_1563 : i32 to vector<1x512xi32>
    %ne3A_1565 = arith.cmpi ne, %sign3A_1556, %ne3A_1564 : vector<1x512xi32>
    %rem3A_1566 = vector.broadcast %jit3A_1545 : i32 to vector<1x512xi32>
    %rem3A_1567 = arith.remsi %get3A_1544, %rem3A_1566 : vector<1x512xi32>
    %ne3A_1568 = arith.constant 0 : i32
    %ne3A_1569 = vector.broadcast %ne3A_1568 : i32 to vector<1x512xi32>
    %ne3A_1570 = arith.cmpi ne, %rem3A_1567, %ne3A_1569 : vector<1x512xi32>
    %and3A_1571 = arith.andi %ne3A_1565, %ne3A_1570 : vector<1x512xi1>
    %sub3A_1572 = arith.constant 1 : i32
    %sub3A_1573 = vector.broadcast %sub3A_1572 : i32 to vector<1x512xi32>
    %sub3A_1574 = arith.subi %div3A_1547, %sub3A_1573 : vector<1x512xi32>
    %select_n3A_1575 = arith.select %and3A_1571, %sub3A_1574, %div3A_1547 : vector<1x512xi1>, vector<1x512xi32>
    %mul3A_1576 = arith.constant 2048 : i32
    %mul3A_1577 = vector.broadcast %mul3A_1576 : i32 to vector<1x512xi32>
    %mul3A_1578 = arith.muli %select_n3A_1575, %mul3A_1577 : vector<1x512xi32>
    %jit3A_1579 = arith.constant 64 : i32
    %eq3A_1580 = arith.constant 0 : i32
    %eq3A_1581 = arith.cmpi eq, %jit3A_1579, %eq3A_1580 : i32
    %jit3A_1582 = arith.constant 1 : i32
    %select_n3A_1583 = arith.select %eq3A_1581, %jit3A_1582, %jit3A_1579 : i32
    %rem3A_1584 = vector.broadcast %select_n3A_1583 : i32 to vector<1x512xi32>
    %rem3A_1585 = arith.remsi %get3A_1544, %rem3A_1584 : vector<1x512xi32>
    %ne3A_1586 = arith.constant 0 : i32
    %ne3A_1587 = vector.broadcast %ne3A_1586 : i32 to vector<1x512xi32>
    %ne3A_1588 = arith.cmpi ne, %rem3A_1585, %ne3A_1587 : vector<1x512xi32>
    %lt3A_1589 = arith.constant 0 : i32
    %lt3A_1590 = vector.broadcast %lt3A_1589 : i32 to vector<1x512xi32>
    %lt3A_1591 = arith.cmpi slt, %rem3A_1585, %lt3A_1590 : vector<1x512xi32>
    %lt3A_1592 = arith.constant 0 : i32
    %lt3A_1593 = arith.cmpi slt, %select_n3A_1583, %lt3A_1592 : i32
    %ne3A_1594 = vector.broadcast %lt3A_1593 : i1 to vector<1x512xi1>
    %ne3A_1595 = vector.broadcast %ne3A_1594 : vector<1x512xi1> to vector<1x512xi1>
    %ne3A_1596 = arith.xori %lt3A_1591, %ne3A_1595 : vector<1x512xi1>
    %and3A_1597 = arith.andi %ne3A_1596, %ne3A_1588 : vector<1x512xi1>
    %add3A_1598 = vector.broadcast %select_n3A_1583 : i32 to vector<1x512xi32>
    %add3A_1599 = arith.addi %rem3A_1585, %add3A_1598 : vector<1x512xi32>
    %select_n3A_1600 = arith.select %and3A_1597, %add3A_1599, %rem3A_1585 : vector<1x512xi1>, vector<1x512xi32>
    %add3A_1601 = arith.addi %mul3A_1578, %select_n3A_1600 : vector<1x512xi32>
    %convert_element_type3A_1602 = arith.sitofp %add3A_1601 : vector<1x512xi32> to vector<1x512xf32>
    %mul3A_1603 = arith.constant 6.400000e+01 : f32
    %mul3A_1604 = vector.broadcast %mul3A_1603 : f32 to vector<32x512xf32>
    %mul3A_1605 = arith.mulf %convert_element_type3A_12, %mul3A_1604 : vector<32x512xf32>
    %add3A_1606 = vector.broadcast %convert_element_type3A_1602 : vector<1x512xf32> to vector<32x512xf32>
    %add3A_1607 = arith.addf %add3A_1606, %mul3A_1605 : vector<32x512xf32>
    %swap3A_1608 = arith.constant 416 : index
    %swap3A_1609 = arith.constant 0 : index
    %swap3A_1610 = vector.load %arg10[%swap3A_1608, %swap3A_1609] : memref<512x512xf32, #tpu.memory_space<vmem>>, vector<32x512xf32>
    tpu.vector_store %arg10[%swap3A_1608, %swap3A_1609], %add3A_1607 {strides = array<i32>} : memref<512x512xf32, #tpu.memory_space<vmem>>, vector<32x512xf32>,
    %get3A_1611 = arith.constant 14 : index
    %get3A_1612 = arith.constant 0 : index
    %get3A_1613 = arith.constant 0 : index
    %get3A_1614 = vector.load %arg3[%get3A_1611, %get3A_1612, %get3A_1613] : memref<16x512x128xf32, #tpu.memory_space<vmem>>, vector<1x512x128xf32>
    %get3A_1615 = vector.shape_cast %get3A_1614 : vector<1x512x128xf32> to vector<512x128xf32>
    %transpose3A_1616 = tpu.transpose %get3A_1615, [1, 0] : vector<512x128xf32> -> vector<128x512xf32>
    %slice3A_1617 = vector.extract_strided_slice %transpose3A_1616 {offsets = [0, 0], sizes = [32, 512], strides = [1, 1]} : vector<128x512xf32> to vector<32x512xf32>
    %slice3A_1618 = vector.extract_strided_slice %transpose3A_1616 {offsets = [32, 0], sizes = [32, 512], strides = [1, 1]} : vector<128x512xf32> to vector<32x512xf32>
    %slice3A_1619 = vector.extract_strided_slice %transpose3A_1616 {offsets = [64, 0], sizes = [32, 512], strides = [1, 1]} : vector<128x512xf32> to vector<32x512xf32>
    %convert_element_type3A_1620 = arith.truncf %slice3A_1617 : vector<32x512xf32> to vector<32x512xbf16>
    %convert_element_type3A_1621 = arith.extf %convert_element_type3A_1620 : vector<32x512xbf16> to vector<32x512xf32>
    %mul3A_1622 = vector.broadcast %convert_element_type3A_7 : vector<1x512xf32> to vector<32x512xf32>
    %mul3A_1623 = arith.mulf %convert_element_type3A_1621, %mul3A_1622 : vector<32x512xf32>
    %convert_element_type3A_1624 = arith.truncf %slice3A_1618 : vector<32x512xf32> to vector<32x512xbf16>
    %convert_element_type3A_1625 = arith.extf %convert_element_type3A_1624 : vector<32x512xbf16> to vector<32x512xf32>
    %mul3A_1626 = vector.broadcast %convert_element_type3A_9 : vector<1x512xf32> to vector<32x512xf32>
    %mul3A_1627 = arith.mulf %convert_element_type3A_1625, %mul3A_1626 : vector<32x512xf32>
    %add3A_1628 = arith.addf %mul3A_1623, %mul3A_1627 : vector<32x512xf32>
    %convert_element_type3A_1629 = arith.truncf %slice3A_1619 : vector<32x512xf32> to vector<32x512xbf16>
    %convert_element_type3A_1630 = arith.extf %convert_element_type3A_1629 : vector<32x512xbf16> to vector<32x512xf32>
    %mul3A_1631 = vector.broadcast %convert_element_type3A_11 : vector<1x512xf32> to vector<32x512xf32>
    %mul3A_1632 = arith.mulf %convert_element_type3A_1630, %mul3A_1631 : vector<32x512xf32>
    %add3A_1633 = arith.addf %add3A_1628, %mul3A_1632 : vector<32x512xf32>
    %mul3A_1634 = arith.mulf %slice3A_1617, %slice3A_1617 : vector<32x512xf32>
    %mul3A_1635 = arith.mulf %slice3A_1618, %slice3A_1618 : vector<32x512xf32>
    %add3A_1636 = arith.addf %mul3A_1634, %mul3A_1635 : vector<32x512xf32>
    %mul3A_1637 = arith.mulf %slice3A_1619, %slice3A_1619 : vector<32x512xf32>
    %add3A_1638 = arith.addf %add3A_1636, %mul3A_1637 : vector<32x512xf32>
    %mul3A_1639 = arith.constant -2.000000e+00 : f32
    %mul3A_1640 = vector.broadcast %mul3A_1639 : f32 to vector<32x512xf32>
    %mul3A_1641 = arith.mulf %mul3A_1640, %add3A_1633 : vector<32x512xf32>
    %add3A_1642 = vector.broadcast %add3A_6 : vector<1x512xf32> to vector<32x512xf32>
    %add3A_1643 = arith.addf %add3A_1642, %mul3A_1641 : vector<32x512xf32>
    %add3A_1644 = arith.addf %add3A_1643, %add3A_1638 : vector<32x512xf32>
    %swap3A_1645 = arith.constant 448 : index
    %swap3A_1646 = arith.constant 0 : index
    %swap3A_1647 = vector.load %arg9[%swap3A_1645, %swap3A_1646] : memref<512x512xf32, #tpu.memory_space<vmem>>, vector<32x512xf32>
    tpu.vector_store %arg9[%swap3A_1645, %swap3A_1646], %add3A_1644 {strides = array<i32>} : memref<512x512xf32, #tpu.memory_space<vmem>>, vector<32x512xf32>,
    %swap3A_1648 = arith.constant 448 : index
    %swap3A_1649 = arith.constant 0 : index
    %swap3A_1650 = vector.load %arg11[%swap3A_1648, %swap3A_1649] : memref<512x512xf32, #tpu.memory_space<vmem>>, vector<32x512xf32>
    tpu.vector_store %arg11[%swap3A_1648, %swap3A_1649], %slice3A_1617 {strides = array<i32>} : memref<512x512xf32, #tpu.memory_space<vmem>>, vector<32x512xf32>,
    %swap3A_1651 = arith.constant 448 : index
    %swap3A_1652 = arith.constant 0 : index
    %swap3A_1653 = vector.load %arg12[%swap3A_1651, %swap3A_1652] : memref<512x512xf32, #tpu.memory_space<vmem>>, vector<32x512xf32>
    tpu.vector_store %arg12[%swap3A_1651, %swap3A_1652], %slice3A_1618 {strides = array<i32>} : memref<512x512xf32, #tpu.memory_space<vmem>>, vector<32x512xf32>,
    %swap3A_1654 = arith.constant 448 : index
    %swap3A_1655 = arith.constant 0 : index
    %swap3A_1656 = vector.load %arg13[%swap3A_1654, %swap3A_1655] : memref<512x512xf32, #tpu.memory_space<vmem>>, vector<32x512xf32>
    tpu.vector_store %arg13[%swap3A_1654, %swap3A_1655], %slice3A_1619 {strides = array<i32>} : memref<512x512xf32, #tpu.memory_space<vmem>>, vector<32x512xf32>,
    %get3A_1657 = arith.constant 14 : index
    %get3A_1658 = arith.constant 0 : index
    %get3A_1659 = vector.load %arg2[%get3A_1657, %get3A_1658] : memref<16x512xi32, #tpu.memory_space<vmem>>, vector<1x512xi32>
    %jit3A_1660 = arith.constant 64 : i32
    %div3A_1661 = vector.broadcast %jit3A_1660 : i32 to vector<1x512xi32>
    %div3A_1662 = arith.divsi %get3A_1659, %div3A_1661 : vector<1x512xi32>
    %sign3A_1663 = arith.constant 0 : i32
    %sign3A_1664 = vector.broadcast %sign3A_1663 : i32 to vector<1x512xi32>
    %sign3A_1665 = arith.cmpi sgt, %get3A_1659, %sign3A_1664 : vector<1x512xi32>
    %sign3A_1666 = arith.extui %sign3A_1665 : vector<1x512xi1> to vector<1x512xi32>
    %sign3A_1667 = arith.constant 0 : i32
    %sign3A_1668 = vector.broadcast %sign3A_1667 : i32 to vector<1x512xi32>
    %sign3A_1669 = arith.cmpi slt, %get3A_1659, %sign3A_1668 : vector<1x512xi32>
    %sign3A_1670 = arith.extui %sign3A_1669 : vector<1x512xi1> to vector<1x512xi32>
    %sign3A_1671 = arith.subi %sign3A_1666, %sign3A_1670 : vector<1x512xi32>
    %sign3A_1672 = arith.constant 0 : i32
    %sign3A_1673 = arith.cmpi sgt, %jit3A_1660, %sign3A_1672 : i32
    %sign3A_1674 = arith.extui %sign3A_1673 : i1 to i32
    %sign3A_1675 = arith.constant 0 : i32
    %sign3A_1676 = arith.cmpi slt, %jit3A_1660, %sign3A_1675 : i32
    %sign3A_1677 = arith.extui %sign3A_1676 : i1 to i32
    %sign3A_1678 = arith.subi %sign3A_1674, %sign3A_1677 : i32
    %ne3A_1679 = vector.broadcast %sign3A_1678 : i32 to vector<1x512xi32>
    %ne3A_1680 = arith.cmpi ne, %sign3A_1671, %ne3A_1679 : vector<1x512xi32>
    %rem3A_1681 = vector.broadcast %jit3A_1660 : i32 to vector<1x512xi32>
    %rem3A_1682 = arith.remsi %get3A_1659, %rem3A_1681 : vector<1x512xi32>
    %ne3A_1683 = arith.constant 0 : i32
    %ne3A_1684 = vector.broadcast %ne3A_1683 : i32 to vector<1x512xi32>
    %ne3A_1685 = arith.cmpi ne, %rem3A_1682, %ne3A_1684 : vector<1x512xi32>
    %and3A_1686 = arith.andi %ne3A_1680, %ne3A_1685 : vector<1x512xi1>
    %sub3A_1687 = arith.constant 1 : i32
    %sub3A_1688 = vector.broadcast %sub3A_1687 : i32 to vector<1x512xi32>
    %sub3A_1689 = arith.subi %div3A_1662, %sub3A_1688 : vector<1x512xi32>
    %select_n3A_1690 = arith.select %and3A_1686, %sub3A_1689, %div3A_1662 : vector<1x512xi1>, vector<1x512xi32>
    %mul3A_1691 = arith.constant 2048 : i32
    %mul3A_1692 = vector.broadcast %mul3A_1691 : i32 to vector<1x512xi32>
    %mul3A_1693 = arith.muli %select_n3A_1690, %mul3A_1692 : vector<1x512xi32>
    %jit3A_1694 = arith.constant 64 : i32
    %eq3A_1695 = arith.constant 0 : i32
    %eq3A_1696 = arith.cmpi eq, %jit3A_1694, %eq3A_1695 : i32
    %jit3A_1697 = arith.constant 1 : i32
    %select_n3A_1698 = arith.select %eq3A_1696, %jit3A_1697, %jit3A_1694 : i32
    %rem3A_1699 = vector.broadcast %select_n3A_1698 : i32 to vector<1x512xi32>
    %rem3A_1700 = arith.remsi %get3A_1659, %rem3A_1699 : vector<1x512xi32>
    %ne3A_1701 = arith.constant 0 : i32
    %ne3A_1702 = vector.broadcast %ne3A_1701 : i32 to vector<1x512xi32>
    %ne3A_1703 = arith.cmpi ne, %rem3A_1700, %ne3A_1702 : vector<1x512xi32>
    %lt3A_1704 = arith.constant 0 : i32
    %lt3A_1705 = vector.broadcast %lt3A_1704 : i32 to vector<1x512xi32>
    %lt3A_1706 = arith.cmpi slt, %rem3A_1700, %lt3A_1705 : vector<1x512xi32>
    %lt3A_1707 = arith.constant 0 : i32
    %lt3A_1708 = arith.cmpi slt, %select_n3A_1698, %lt3A_1707 : i32
    %ne3A_1709 = vector.broadcast %lt3A_1708 : i1 to vector<1x512xi1>
    %ne3A_1710 = vector.broadcast %ne3A_1709 : vector<1x512xi1> to vector<1x512xi1>
    %ne3A_1711 = arith.xori %lt3A_1706, %ne3A_1710 : vector<1x512xi1>
    %and3A_1712 = arith.andi %ne3A_1711, %ne3A_1703 : vector<1x512xi1>
    %add3A_1713 = vector.broadcast %select_n3A_1698 : i32 to vector<1x512xi32>
    %add3A_1714 = arith.addi %rem3A_1700, %add3A_1713 : vector<1x512xi32>
    %select_n3A_1715 = arith.select %and3A_1712, %add3A_1714, %rem3A_1700 : vector<1x512xi1>, vector<1x512xi32>
    %add3A_1716 = arith.addi %mul3A_1693, %select_n3A_1715 : vector<1x512xi32>
    %convert_element_type3A_1717 = arith.sitofp %add3A_1716 : vector<1x512xi32> to vector<1x512xf32>
    %mul3A_1718 = arith.constant 6.400000e+01 : f32
    %mul3A_1719 = vector.broadcast %mul3A_1718 : f32 to vector<32x512xf32>
    %mul3A_1720 = arith.mulf %convert_element_type3A_12, %mul3A_1719 : vector<32x512xf32>
    %add3A_1721 = vector.broadcast %convert_element_type3A_1717 : vector<1x512xf32> to vector<32x512xf32>
    %add3A_1722 = arith.addf %add3A_1721, %mul3A_1720 : vector<32x512xf32>
    %swap3A_1723 = arith.constant 448 : index
    %swap3A_1724 = arith.constant 0 : index
    %swap3A_1725 = vector.load %arg10[%swap3A_1723, %swap3A_1724] : memref<512x512xf32, #tpu.memory_space<vmem>>, vector<32x512xf32>
    tpu.vector_store %arg10[%swap3A_1723, %swap3A_1724], %add3A_1722 {strides = array<i32>} : memref<512x512xf32, #tpu.memory_space<vmem>>, vector<32x512xf32>,
    %get3A_1726 = arith.constant 15 : index
    %get3A_1727 = arith.constant 0 : index
    %get3A_1728 = arith.constant 0 : index
    %get3A_1729 = vector.load %arg3[%get3A_1726, %get3A_1727, %get3A_1728] : memref<16x512x128xf32, #tpu.memory_space<vmem>>, vector<1x512x128xf32>
    %get3A_1730 = vector.shape_cast %get3A_1729 : vector<1x512x128xf32> to vector<512x128xf32>
    %transpose3A_1731 = tpu.transpose %get3A_1730, [1, 0] : vector<512x128xf32> -> vector<128x512xf32>
    %slice3A_1732 = vector.extract_strided_slice %transpose3A_1731 {offsets = [0, 0], sizes = [32, 512], strides = [1, 1]} : vector<128x512xf32> to vector<32x512xf32>
    %slice3A_1733 = vector.extract_strided_slice %transpose3A_1731 {offsets = [32, 0], sizes = [32, 512], strides = [1, 1]} : vector<128x512xf32> to vector<32x512xf32>
    %slice3A_1734 = vector.extract_strided_slice %transpose3A_1731 {offsets = [64, 0], sizes = [32, 512], strides = [1, 1]} : vector<128x512xf32> to vector<32x512xf32>
    %convert_element_type3A_1735 = arith.truncf %slice3A_1732 : vector<32x512xf32> to vector<32x512xbf16>
    %convert_element_type3A_1736 = arith.extf %convert_element_type3A_1735 : vector<32x512xbf16> to vector<32x512xf32>
    %mul3A_1737 = vector.broadcast %convert_element_type3A_7 : vector<1x512xf32> to vector<32x512xf32>
    %mul3A_1738 = arith.mulf %convert_element_type3A_1736, %mul3A_1737 : vector<32x512xf32>
    %convert_element_type3A_1739 = arith.truncf %slice3A_1733 : vector<32x512xf32> to vector<32x512xbf16>
    %convert_element_type3A_1740 = arith.extf %convert_element_type3A_1739 : vector<32x512xbf16> to vector<32x512xf32>
    %mul3A_1741 = vector.broadcast %convert_element_type3A_9 : vector<1x512xf32> to vector<32x512xf32>
    %mul3A_1742 = arith.mulf %convert_element_type3A_1740, %mul3A_1741 : vector<32x512xf32>
    %add3A_1743 = arith.addf %mul3A_1738, %mul3A_1742 : vector<32x512xf32>
    %convert_element_type3A_1744 = arith.truncf %slice3A_1734 : vector<32x512xf32> to vector<32x512xbf16>
    %convert_element_type3A_1745 = arith.extf %convert_element_type3A_1744 : vector<32x512xbf16> to vector<32x512xf32>
    %mul3A_1746 = vector.broadcast %convert_element_type3A_11 : vector<1x512xf32> to vector<32x512xf32>
    %mul3A_1747 = arith.mulf %convert_element_type3A_1745, %mul3A_1746 : vector<32x512xf32>
    %add3A_1748 = arith.addf %add3A_1743, %mul3A_1747 : vector<32x512xf32>
    %mul3A_1749 = arith.mulf %slice3A_1732, %slice3A_1732 : vector<32x512xf32>
    %mul3A_1750 = arith.mulf %slice3A_1733, %slice3A_1733 : vector<32x512xf32>
    %add3A_1751 = arith.addf %mul3A_1749, %mul3A_1750 : vector<32x512xf32>
    %mul3A_1752 = arith.mulf %slice3A_1734, %slice3A_1734 : vector<32x512xf32>
    %add3A_1753 = arith.addf %add3A_1751, %mul3A_1752 : vector<32x512xf32>
    %mul3A_1754 = arith.constant -2.000000e+00 : f32
    %mul3A_1755 = vector.broadcast %mul3A_1754 : f32 to vector<32x512xf32>
    %mul3A_1756 = arith.mulf %mul3A_1755, %add3A_1748 : vector<32x512xf32>
    %add3A_1757 = vector.broadcast %add3A_6 : vector<1x512xf32> to vector<32x512xf32>
    %add3A_1758 = arith.addf %add3A_1757, %mul3A_1756 : vector<32x512xf32>
    %add3A_1759 = arith.addf %add3A_1758, %add3A_1753 : vector<32x512xf32>
    %swap3A_1760 = arith.constant 480 : index
    %swap3A_1761 = arith.constant 0 : index
    %swap3A_1762 = vector.load %arg9[%swap3A_1760, %swap3A_1761] : memref<512x512xf32, #tpu.memory_space<vmem>>, vector<32x512xf32>
    tpu.vector_store %arg9[%swap3A_1760, %swap3A_1761], %add3A_1759 {strides = array<i32>} : memref<512x512xf32, #tpu.memory_space<vmem>>, vector<32x512xf32>,
    %swap3A_1763 = arith.constant 480 : index
    %swap3A_1764 = arith.constant 0 : index
    %swap3A_1765 = vector.load %arg11[%swap3A_1763, %swap3A_1764] : memref<512x512xf32, #tpu.memory_space<vmem>>, vector<32x512xf32>
    tpu.vector_store %arg11[%swap3A_1763, %swap3A_1764], %slice3A_1732 {strides = array<i32>} : memref<512x512xf32, #tpu.memory_space<vmem>>, vector<32x512xf32>,
    %swap3A_1766 = arith.constant 480 : index
    %swap3A_1767 = arith.constant 0 : index
    %swap3A_1768 = vector.load %arg12[%swap3A_1766, %swap3A_1767] : memref<512x512xf32, #tpu.memory_space<vmem>>, vector<32x512xf32>
    tpu.vector_store %arg12[%swap3A_1766, %swap3A_1767], %slice3A_1733 {strides = array<i32>} : memref<512x512xf32, #tpu.memory_space<vmem>>, vector<32x512xf32>,
    %swap3A_1769 = arith.constant 480 : index
    %swap3A_1770 = arith.constant 0 : index
    %swap3A_1771 = vector.load %arg13[%swap3A_1769, %swap3A_1770] : memref<512x512xf32, #tpu.memory_space<vmem>>, vector<32x512xf32>
    tpu.vector_store %arg13[%swap3A_1769, %swap3A_1770], %slice3A_1734 {strides = array<i32>} : memref<512x512xf32, #tpu.memory_space<vmem>>, vector<32x512xf32>,
    %get3A_1772 = arith.constant 15 : index
    %get3A_1773 = arith.constant 0 : index
    %get3A_1774 = vector.load %arg2[%get3A_1772, %get3A_1773] : memref<16x512xi32, #tpu.memory_space<vmem>>, vector<1x512xi32>
    %jit3A_1775 = arith.constant 64 : i32
    %div3A_1776 = vector.broadcast %jit3A_1775 : i32 to vector<1x512xi32>
    %div3A_1777 = arith.divsi %get3A_1774, %div3A_1776 : vector<1x512xi32>
    %sign3A_1778 = arith.constant 0 : i32
    %sign3A_1779 = vector.broadcast %sign3A_1778 : i32 to vector<1x512xi32>
    %sign3A_1780 = arith.cmpi sgt, %get3A_1774, %sign3A_1779 : vector<1x512xi32>
    %sign3A_1781 = arith.extui %sign3A_1780 : vector<1x512xi1> to vector<1x512xi32>
    %sign3A_1782 = arith.constant 0 : i32
    %sign3A_1783 = vector.broadcast %sign3A_1782 : i32 to vector<1x512xi32>
    %sign3A_1784 = arith.cmpi slt, %get3A_1774, %sign3A_1783 : vector<1x512xi32>
    %sign3A_1785 = arith.extui %sign3A_1784 : vector<1x512xi1> to vector<1x512xi32>
    %sign3A_1786 = arith.subi %sign3A_1781, %sign3A_1785 : vector<1x512xi32>
    %sign3A_1787 = arith.constant 0 : i32
    %sign3A_1788 = arith.cmpi sgt, %jit3A_1775, %sign3A_1787 : i32
    %sign3A_1789 = arith.extui %sign3A_1788 : i1 to i32
    %sign3A_1790 = arith.constant 0 : i32
    %sign3A_1791 = arith.cmpi slt, %jit3A_1775, %sign3A_1790 : i32
    %sign3A_1792 = arith.extui %sign3A_1791 : i1 to i32
    %sign3A_1793 = arith.subi %sign3A_1789, %sign3A_1792 : i32
    %ne3A_1794 = vector.broadcast %sign3A_1793 : i32 to vector<1x512xi32>
    %ne3A_1795 = arith.cmpi ne, %sign3A_1786, %ne3A_1794 : vector<1x512xi32>
    %rem3A_1796 = vector.broadcast %jit3A_1775 : i32 to vector<1x512xi32>
    %rem3A_1797 = arith.remsi %get3A_1774, %rem3A_1796 : vector<1x512xi32>
    %ne3A_1798 = arith.constant 0 : i32
    %ne3A_1799 = vector.broadcast %ne3A_1798 : i32 to vector<1x512xi32>
    %ne3A_1800 = arith.cmpi ne, %rem3A_1797, %ne3A_1799 : vector<1x512xi32>
    %and3A_1801 = arith.andi %ne3A_1795, %ne3A_1800 : vector<1x512xi1>
    %sub3A_1802 = arith.constant 1 : i32
    %sub3A_1803 = vector.broadcast %sub3A_1802 : i32 to vector<1x512xi32>
    %sub3A_1804 = arith.subi %div3A_1777, %sub3A_1803 : vector<1x512xi32>
    %select_n3A_1805 = arith.select %and3A_1801, %sub3A_1804, %div3A_1777 : vector<1x512xi1>, vector<1x512xi32>
    %mul3A_1806 = arith.constant 2048 : i32
    %mul3A_1807 = vector.broadcast %mul3A_1806 : i32 to vector<1x512xi32>
    %mul3A_1808 = arith.muli %select_n3A_1805, %mul3A_1807 : vector<1x512xi32>
    %jit3A_1809 = arith.constant 64 : i32
    %eq3A_1810 = arith.constant 0 : i32
    %eq3A_1811 = arith.cmpi eq, %jit3A_1809, %eq3A_1810 : i32
    %jit3A_1812 = arith.constant 1 : i32
    %select_n3A_1813 = arith.select %eq3A_1811, %jit3A_1812, %jit3A_1809 : i32
    %rem3A_1814 = vector.broadcast %select_n3A_1813 : i32 to vector<1x512xi32>
    %rem3A_1815 = arith.remsi %get3A_1774, %rem3A_1814 : vector<1x512xi32>
    %ne3A_1816 = arith.constant 0 : i32
    %ne3A_1817 = vector.broadcast %ne3A_1816 : i32 to vector<1x512xi32>
    %ne3A_1818 = arith.cmpi ne, %rem3A_1815, %ne3A_1817 : vector<1x512xi32>
    %lt3A_1819 = arith.constant 0 : i32
    %lt3A_1820 = vector.broadcast %lt3A_1819 : i32 to vector<1x512xi32>
    %lt3A_1821 = arith.cmpi slt, %rem3A_1815, %lt3A_1820 : vector<1x512xi32>
    %lt3A_1822 = arith.constant 0 : i32
    %lt3A_1823 = arith.cmpi slt, %select_n3A_1813, %lt3A_1822 : i32
    %ne3A_1824 = vector.broadcast %lt3A_1823 : i1 to vector<1x512xi1>
    %ne3A_1825 = vector.broadcast %ne3A_1824 : vector<1x512xi1> to vector<1x512xi1>
    %ne3A_1826 = arith.xori %lt3A_1821, %ne3A_1825 : vector<1x512xi1>
    %and3A_1827 = arith.andi %ne3A_1826, %ne3A_1818 : vector<1x512xi1>
    %add3A_1828 = vector.broadcast %select_n3A_1813 : i32 to vector<1x512xi32>
    %add3A_1829 = arith.addi %rem3A_1815, %add3A_1828 : vector<1x512xi32>
    %select_n3A_1830 = arith.select %and3A_1827, %add3A_1829, %rem3A_1815 : vector<1x512xi1>, vector<1x512xi32>
    %add3A_1831 = arith.addi %mul3A_1808, %select_n3A_1830 : vector<1x512xi32>
    %convert_element_type3A_1832 = arith.sitofp %add3A_1831 : vector<1x512xi32> to vector<1x512xf32>
    %mul3A_1833 = arith.constant 6.400000e+01 : f32
    %mul3A_1834 = vector.broadcast %mul3A_1833 : f32 to vector<32x512xf32>
    %mul3A_1835 = arith.mulf %convert_element_type3A_12, %mul3A_1834 : vector<32x512xf32>
    %add3A_1836 = vector.broadcast %convert_element_type3A_1832 : vector<1x512xf32> to vector<32x512xf32>
    %add3A_1837 = arith.addf %add3A_1836, %mul3A_1835 : vector<32x512xf32>
    %swap3A_1838 = arith.constant 480 : index
    %swap3A_1839 = arith.constant 0 : index
    %swap3A_1840 = vector.load %arg10[%swap3A_1838, %swap3A_1839] : memref<512x512xf32, #tpu.memory_space<vmem>>, vector<32x512xf32>
    tpu.vector_store %arg10[%swap3A_1838, %swap3A_1839], %add3A_1837 {strides = array<i32>} : memref<512x512xf32, #tpu.memory_space<vmem>>, vector<32x512xf32>,
    %get3A_1841 = arith.constant 0 : index
    %get3A_1842 = arith.constant 0 : index
    %get3A_1843 = vector.load %arg9[%get3A_1841, %get3A_1842] : memref<512x512xf32, #tpu.memory_space<vmem>>, vector<512x512xf32>
    %get3A_1844 = arith.constant 0 : index
    %get3A_1845 = arith.constant 0 : index
    %get3A_1846 = vector.load %arg10[%get3A_1844, %get3A_1845] : memref<512x512xf32, #tpu.memory_space<vmem>>, vector<512x512xf32>
    %get3A_1847 = arith.constant 0 : index
    %get3A_1848 = arith.constant 0 : index
    %get3A_1849 = vector.load %arg11[%get3A_1847, %get3A_1848] : memref<512x512xf32, #tpu.memory_space<vmem>>, vector<512x512xf32>
    %get3A_1850 = arith.constant 0 : index
    %get3A_1851 = arith.constant 0 : index
    %get3A_1852 = vector.load %arg12[%get3A_1850, %get3A_1851] : memref<512x512xf32, #tpu.memory_space<vmem>>, vector<512x512xf32>
    %get3A_1853 = arith.constant 0 : index
    %get3A_1854 = arith.constant 0 : index
    %get3A_1855 = vector.load %arg13[%get3A_1853, %get3A_1854] : memref<512x512xf32, #tpu.memory_space<vmem>>, vector<512x512xf32>
    %get3A_1856 = arith.constant 0 : index
    %get3A_1857 = arith.constant 0 : index
    %get3A_1858 = vector.load %arg4[%get3A_1856, %get3A_1857] : memref<64x3xf32, #tpu.memory_space<vmem>>, vector<64x3xf32>
    %get3A_1859 = arith.constant 0 : index
    %get3A_1860 = arith.constant 0 : index
    %get3A_1861 = vector.load %arg5[%get3A_1859, %get3A_1860] : memref<64x1xf32, #tpu.memory_space<vmem>>, vector<64x1xf32>
    %get3A_1862 = arith.constant 0 : index
    %get3A_1863 = arith.constant 0 : index
    %get3A_1864 = vector.load %arg6[%get3A_1862, %get3A_1863] : memref<128x64xf32, #tpu.memory_space<vmem>>, vector<128x64xf32>
    %get3A_1865 = arith.constant 0 : index
    %get3A_1866 = arith.constant 0 : index
    %get3A_1867 = vector.load %arg7[%get3A_1865, %get3A_1866] : memref<128x1xf32, #tpu.memory_space<vmem>>, vector<128x1xf32>
    %reduce_min3A = arith.constant dense<0x7F800000> : vector<512xf32>
    %reduce_min3A_1868 = vector.multi_reduction <minimumf>, %get3A_1843, %reduce_min3A [0] : vector<512x512xf32> to vector<512xf32>
    %broadcast_in_dim3A = vector.shape_cast %reduce_min3A_1868 : vector<512xf32> to vector<1x512xf32>
    %eq3A_1869 = vector.broadcast %broadcast_in_dim3A : vector<1x512xf32> to vector<512x512xf32>
    %eq3A_1870 = arith.cmpf oeq, %get3A_1843, %eq3A_1869 : vector<512x512xf32>
    %jit3A_1871 = arith.constant 1.000000e+09 : f32
    %broadcast_in_dim3A_1872 = vector.broadcast %jit3A_1871 : f32 to vector<512x512xf32>
    %select_n3A_1873 = arith.select %eq3A_1870, %get3A_1846, %broadcast_in_dim3A_1872 : vector<512x512xi1>, vector<512x512xf32>
    %reduce_min3A_1874 = arith.constant dense<0x7F800000> : vector<512xf32>
    %reduce_min3A_1875 = vector.multi_reduction <minimumf>, %select_n3A_1873, %reduce_min3A_1874 [0] : vector<512x512xf32> to vector<512xf32>
    %broadcast_in_dim3A_1876 = vector.shape_cast %reduce_min3A_1875 : vector<512xf32> to vector<1x512xf32>
    %eq3A_1877 = vector.broadcast %broadcast_in_dim3A_1876 : vector<1x512xf32> to vector<512x512xf32>
    %eq3A_1878 = arith.cmpf oeq, %get3A_1846, %eq3A_1877 : vector<512x512xf32>
    %jit3A_1879 = arith.constant 0.000000e+00 : f32
    %broadcast_in_dim3A_1880 = vector.broadcast %jit3A_1879 : f32 to vector<512x512xf32>
    %select_n3A_1881 = arith.select %eq3A_1878, %get3A_1849, %broadcast_in_dim3A_1880 : vector<512x512xi1>, vector<512x512xf32>
    %reduce_sum3A = arith.constant dense<0.000000e+00> : vector<512xf32>
    %reduce_sum3A_1882 = vector.multi_reduction <add>, %select_n3A_1881, %reduce_sum3A [0] : vector<512x512xf32> to vector<512xf32>
    %broadcast_in_dim3A_1883 = vector.shape_cast %reduce_sum3A_1882 : vector<512xf32> to vector<1x512xf32>
    %jit3A_1884 = arith.constant 0.000000e+00 : f32
    %broadcast_in_dim3A_1885 = vector.broadcast %jit3A_1884 : f32 to vector<512x512xf32>
    %select_n3A_1886 = arith.select %eq3A_1878, %get3A_1852, %broadcast_in_dim3A_1885 : vector<512x512xi1>, vector<512x512xf32>
    %reduce_sum3A_1887 = arith.constant dense<0.000000e+00> : vector<512xf32>
    %reduce_sum3A_1888 = vector.multi_reduction <add>, %select_n3A_1886, %reduce_sum3A_1887 [0] : vector<512x512xf32> to vector<512xf32>
    %broadcast_in_dim3A_1889 = vector.shape_cast %reduce_sum3A_1888 : vector<512xf32> to vector<1x512xf32>
    %jit3A_1890 = arith.constant 0.000000e+00 : f32
    %broadcast_in_dim3A_1891 = vector.broadcast %jit3A_1890 : f32 to vector<512x512xf32>
    %select_n3A_1892 = arith.select %eq3A_1878, %get3A_1855, %broadcast_in_dim3A_1891 : vector<512x512xi1>, vector<512x512xf32>
    %reduce_sum3A_1893 = arith.constant dense<0.000000e+00> : vector<512xf32>
    %reduce_sum3A_1894 = vector.multi_reduction <add>, %select_n3A_1892, %reduce_sum3A_1893 [0] : vector<512x512xf32> to vector<512xf32>
    %broadcast_in_dim3A_1895 = vector.shape_cast %reduce_sum3A_1894 : vector<512xf32> to vector<1x512xf32>
    %jit3A_1896 = arith.constant 0x7F800000 : f32
    %broadcast_in_dim3A_1897 = vector.broadcast %jit3A_1896 : f32 to vector<512x512xf32>
    %select_n3A_1898 = arith.select %eq3A_1878, %broadcast_in_dim3A_1897, %get3A_1843 : vector<512x512xi1>, vector<512x512xf32>
    %sub3A_1899 = arith.subf %broadcast_in_dim3A_1883, %slice3A : vector<1x512xf32>
    %sub3A_1900 = arith.subf %broadcast_in_dim3A_1889, %slice3A_2 : vector<1x512xf32>
    %sub3A_1901 = arith.subf %broadcast_in_dim3A_1895, %slice3A_3 : vector<1x512xf32>
    %le3A = arith.constant 1.200000e-01 : f32
    %le3A_1902 = vector.broadcast %le3A : f32 to vector<1x512xf32>
    %le3A_1903 = arith.cmpf ole, %sub3A_1899, %le3A_1902 : vector<1x512xf32>
    %ge3A = arith.constant -1.200000e-01 : f32
    %ge3A_1904 = vector.broadcast %ge3A : f32 to vector<1x512xf32>
    %ge3A_1905 = arith.cmpf oge, %sub3A_1899, %ge3A_1904 : vector<1x512xf32>
    %and3A_1906 = arith.andi %le3A_1903, %ge3A_1905 : vector<1x512xi1>
    %le3A_1907 = arith.constant 1.200000e-01 : f32
    %le3A_1908 = vector.broadcast %le3A_1907 : f32 to vector<1x512xf32>
    %le3A_1909 = arith.cmpf ole, %sub3A_1900, %le3A_1908 : vector<1x512xf32>
    %and3A_1910 = arith.andi %and3A_1906, %le3A_1909 : vector<1x512xi1>
    %ge3A_1911 = arith.constant -1.200000e-01 : f32
    %ge3A_1912 = vector.broadcast %ge3A_1911 : f32 to vector<1x512xf32>
    %ge3A_1913 = arith.cmpf oge, %sub3A_1900, %ge3A_1912 : vector<1x512xf32>
    %and3A_1914 = arith.andi %and3A_1910, %ge3A_1913 : vector<1x512xi1>
    %le3A_1915 = arith.constant 1.200000e-01 : f32
    %le3A_1916 = vector.broadcast %le3A_1915 : f32 to vector<1x512xf32>
    %le3A_1917 = arith.cmpf ole, %sub3A_1901, %le3A_1916 : vector<1x512xf32>
    %and3A_1918 = arith.andi %and3A_1914, %le3A_1917 : vector<1x512xi1>
    %ge3A_1919 = arith.constant -1.200000e-01 : f32
    %ge3A_1920 = vector.broadcast %ge3A_1919 : f32 to vector<1x512xf32>
    %ge3A_1921 = arith.cmpf oge, %sub3A_1901, %ge3A_1920 : vector<1x512xf32>
    %and3A_1922 = arith.andi %and3A_1918, %ge3A_1921 : vector<1x512xi1>
    %select_n3A_1923 = arith.select %and3A_1922, %sub3A_1899, %sub3A_1899 : vector<1x512xi1>, vector<1x512xf32>
    %select_n3A_1924 = arith.select %and3A_1922, %sub3A_1900, %sub3A_1900 : vector<1x512xi1>, vector<1x512xf32>
    %select_n3A_1925 = arith.select %and3A_1922, %sub3A_1901, %sub3A_1901 : vector<1x512xi1>, vector<1x512xf32>
    %concatenate3A = tpu.concatenate %select_n3A_1923, %select_n3A_1924, %select_n3A_1925 in 0 : vector<1x512xf32>, vector<1x512xf32>, vector<1x512xf32> -> vector<3x512xf32>
    %convert_element_type3A_1926 = arith.truncf %get3A_1858 : vector<64x3xf32> to vector<64x3xbf16>
    %convert_element_type3A_1927 = arith.truncf %concatenate3A : vector<3x512xf32> to vector<3x512xbf16>
    %dot_general3A = arith.constant dense<0.000000e+00> : vector<64x512xf32>
    %dot_general3A_1928 = tpu.matmul %convert_element_type3A_1926, %convert_element_type3A_1927, %dot_general3A {dimension_numbers = #tpu.dot_dimension_numbers<[1], [0], [0], [1], [0, 0, 1, 1], [], []>, transpose_lhs_hint = false} : vector<64x3xbf16>, vector<3x512xbf16>, vector<64x512xf32> -> vector<64x512xf32>
    %add3A_1929 = vector.broadcast %get3A_1861 : vector<64x1xf32> to vector<64x512xf32>
    %add3A_1930 = arith.addf %dot_general3A_1928, %add3A_1929 : vector<64x512xf32>
    %max3A = arith.constant 0.000000e+00 : f32
    %max3A_1931 = vector.broadcast %max3A : f32 to vector<64x512xf32>
    %max3A_1932 = arith.maximumf %add3A_1930, %max3A_1931 : vector<64x512xf32>
    %convert_element_type3A_1933 = arith.truncf %get3A_1864 : vector<128x64xf32> to vector<128x64xbf16>
    %convert_element_type3A_1934 = arith.truncf %max3A_1932 : vector<64x512xf32> to vector<64x512xbf16>
    %dot_general3A_1935 = arith.constant dense<0.000000e+00> : vector<128x512xf32>
    %dot_general3A_1936 = tpu.matmul %convert_element_type3A_1933, %convert_element_type3A_1934, %dot_general3A_1935 {dimension_numbers = #tpu.dot_dimension_numbers<[1], [0], [0], [1], [0, 0, 1, 1], [], []>, transpose_lhs_hint = false} : vector<128x64xbf16>, vector<64x512xbf16>, vector<128x512xf32> -> vector<128x512xf32>
    %add3A_1937 = vector.broadcast %get3A_1867 : vector<128x1xf32> to vector<128x512xf32>
    %add3A_1938 = arith.addf %dot_general3A_1936, %add3A_1937 : vector<128x512xf32>
    %reduce_min3A_1939 = arith.constant dense<0x7F800000> : vector<512xf32>
    %reduce_min3A_1940 = vector.multi_reduction <minimumf>, %select_n3A_1898, %reduce_min3A_1939 [0] : vector<512x512xf32> to vector<512xf32>
    %broadcast_in_dim3A_1941 = vector.shape_cast %reduce_min3A_1940 : vector<512xf32> to vector<1x512xf32>
    %eq3A_1942 = vector.broadcast %broadcast_in_dim3A_1941 : vector<1x512xf32> to vector<512x512xf32>
    %eq3A_1943 = arith.cmpf oeq, %select_n3A_1898, %eq3A_1942 : vector<512x512xf32>
    %jit3A_1944 = arith.constant 1.000000e+09 : f32
    %broadcast_in_dim3A_1945 = vector.broadcast %jit3A_1944 : f32 to vector<512x512xf32>
    %select_n3A_1946 = arith.select %eq3A_1943, %get3A_1846, %broadcast_in_dim3A_1945 : vector<512x512xi1>, vector<512x512xf32>
    %reduce_min3A_1947 = arith.constant dense<0x7F800000> : vector<512xf32>
    %reduce_min3A_1948 = vector.multi_reduction <minimumf>, %select_n3A_1946, %reduce_min3A_1947 [0] : vector<512x512xf32> to vector<512xf32>
    %broadcast_in_dim3A_1949 = vector.shape_cast %reduce_min3A_1948 : vector<512xf32> to vector<1x512xf32>
    %eq3A_1950 = vector.broadcast %broadcast_in_dim3A_1949 : vector<1x512xf32> to vector<512x512xf32>
    %eq3A_1951 = arith.cmpf oeq, %get3A_1846, %eq3A_1950 : vector<512x512xf32>
    %jit3A_1952 = arith.constant 0.000000e+00 : f32
    %broadcast_in_dim3A_1953 = vector.broadcast %jit3A_1952 : f32 to vector<512x512xf32>
    %select_n3A_1954 = arith.select %eq3A_1951, %get3A_1849, %broadcast_in_dim3A_1953 : vector<512x512xi1>, vector<512x512xf32>
    %reduce_sum3A_1955 = arith.constant dense<0.000000e+00> : vector<512xf32>
    %reduce_sum3A_1956 = vector.multi_reduction <add>, %select_n3A_1954, %reduce_sum3A_1955 [0] : vector<512x512xf32> to vector<512xf32>
    %broadcast_in_dim3A_1957 = vector.shape_cast %reduce_sum3A_1956 : vector<512xf32> to vector<1x512xf32>
    %jit3A_1958 = arith.constant 0.000000e+00 : f32
    %broadcast_in_dim3A_1959 = vector.broadcast %jit3A_1958 : f32 to vector<512x512xf32>
    %select_n3A_1960 = arith.select %eq3A_1951, %get3A_1852, %broadcast_in_dim3A_1959 : vector<512x512xi1>, vector<512x512xf32>
    %reduce_sum3A_1961 = arith.constant dense<0.000000e+00> : vector<512xf32>
    %reduce_sum3A_1962 = vector.multi_reduction <add>, %select_n3A_1960, %reduce_sum3A_1961 [0] : vector<512x512xf32> to vector<512xf32>
    %broadcast_in_dim3A_1963 = vector.shape_cast %reduce_sum3A_1962 : vector<512xf32> to vector<1x512xf32>
    %jit3A_1964 = arith.constant 0.000000e+00 : f32
    %broadcast_in_dim3A_1965 = vector.broadcast %jit3A_1964 : f32 to vector<512x512xf32>
    %select_n3A_1966 = arith.select %eq3A_1951, %get3A_1855, %broadcast_in_dim3A_1965 : vector<512x512xi1>, vector<512x512xf32>
    %reduce_sum3A_1967 = arith.constant dense<0.000000e+00> : vector<512xf32>
    %reduce_sum3A_1968 = vector.multi_reduction <add>, %select_n3A_1966, %reduce_sum3A_1967 [0] : vector<512x512xf32> to vector<512xf32>
    %broadcast_in_dim3A_1969 = vector.shape_cast %reduce_sum3A_1968 : vector<512xf32> to vector<1x512xf32>
    %jit3A_1970 = arith.constant 0x7F800000 : f32
    %broadcast_in_dim3A_1971 = vector.broadcast %jit3A_1970 : f32 to vector<512x512xf32>
    %select_n3A_1972 = arith.select %eq3A_1951, %broadcast_in_dim3A_1971, %select_n3A_1898 : vector<512x512xi1>, vector<512x512xf32>
    %sub3A_1973 = arith.subf %broadcast_in_dim3A_1957, %slice3A : vector<1x512xf32>
    %sub3A_1974 = arith.subf %broadcast_in_dim3A_1963, %slice3A_2 : vector<1x512xf32>
    %sub3A_1975 = arith.subf %broadcast_in_dim3A_1969, %slice3A_3 : vector<1x512xf32>
    %le3A_1976 = arith.constant 1.200000e-01 : f32
    %le3A_1977 = vector.broadcast %le3A_1976 : f32 to vector<1x512xf32>
    %le3A_1978 = arith.cmpf ole, %sub3A_1973, %le3A_1977 : vector<1x512xf32>
    %ge3A_1979 = arith.constant -1.200000e-01 : f32
    %ge3A_1980 = vector.broadcast %ge3A_1979 : f32 to vector<1x512xf32>
    %ge3A_1981 = arith.cmpf oge, %sub3A_1973, %ge3A_1980 : vector<1x512xf32>
    %and3A_1982 = arith.andi %le3A_1978, %ge3A_1981 : vector<1x512xi1>
    %le3A_1983 = arith.constant 1.200000e-01 : f32
    %le3A_1984 = vector.broadcast %le3A_1983 : f32 to vector<1x512xf32>
    %le3A_1985 = arith.cmpf ole, %sub3A_1974, %le3A_1984 : vector<1x512xf32>
    %and3A_1986 = arith.andi %and3A_1982, %le3A_1985 : vector<1x512xi1>
    %ge3A_1987 = arith.constant -1.200000e-01 : f32
    %ge3A_1988 = vector.broadcast %ge3A_1987 : f32 to vector<1x512xf32>
    %ge3A_1989 = arith.cmpf oge, %sub3A_1974, %ge3A_1988 : vector<1x512xf32>
    %and3A_1990 = arith.andi %and3A_1986, %ge3A_1989 : vector<1x512xi1>
    %le3A_1991 = arith.constant 1.200000e-01 : f32
    %le3A_1992 = vector.broadcast %le3A_1991 : f32 to vector<1x512xf32>
    %le3A_1993 = arith.cmpf ole, %sub3A_1975, %le3A_1992 : vector<1x512xf32>
    %and3A_1994 = arith.andi %and3A_1990, %le3A_1993 : vector<1x512xi1>
    %ge3A_1995 = arith.constant -1.200000e-01 : f32
    %ge3A_1996 = vector.broadcast %ge3A_1995 : f32 to vector<1x512xf32>
    %ge3A_1997 = arith.cmpf oge, %sub3A_1975, %ge3A_1996 : vector<1x512xf32>
    %and3A_1998 = arith.andi %and3A_1994, %ge3A_1997 : vector<1x512xi1>
    %select_n3A_1999 = arith.select %and3A_1998, %sub3A_1973, %sub3A_1899 : vector<1x512xi1>, vector<1x512xf32>
    %select_n3A_2000 = arith.select %and3A_1998, %sub3A_1974, %sub3A_1900 : vector<1x512xi1>, vector<1x512xf32>
    %select_n3A_2001 = arith.select %and3A_1998, %sub3A_1975, %sub3A_1901 : vector<1x512xi1>, vector<1x512xf32>
    %concatenate3A_2002 = tpu.concatenate %select_n3A_1999, %select_n3A_2000, %select_n3A_2001 in 0 : vector<1x512xf32>, vector<1x512xf32>, vector<1x512xf32> -> vector<3x512xf32>
    %convert_element_type3A_2003 = arith.truncf %get3A_1858 : vector<64x3xf32> to vector<64x3xbf16>
    %convert_element_type3A_2004 = arith.truncf %concatenate3A_2002 : vector<3x512xf32> to vector<3x512xbf16>
    %dot_general3A_2005 = arith.constant dense<0.000000e+00> : vector<64x512xf32>
    %dot_general3A_2006 = tpu.matmul %convert_element_type3A_2003, %convert_element_type3A_2004, %dot_general3A_2005 {dimension_numbers = #tpu.dot_dimension_numbers<[1], [0], [0], [1], [0, 0, 1, 1], [], []>, transpose_lhs_hint = false} : vector<64x3xbf16>, vector<3x512xbf16>, vector<64x512xf32> -> vector<64x512xf32>
    %add3A_2007 = vector.broadcast %get3A_1861 : vector<64x1xf32> to vector<64x512xf32>
    %add3A_2008 = arith.addf %dot_general3A_2006, %add3A_2007 : vector<64x512xf32>
    %max3A_2009 = arith.constant 0.000000e+00 : f32
    %max3A_2010 = vector.broadcast %max3A_2009 : f32 to vector<64x512xf32>
    %max3A_2011 = arith.maximumf %add3A_2008, %max3A_2010 : vector<64x512xf32>
    %convert_element_type3A_2012 = arith.truncf %get3A_1864 : vector<128x64xf32> to vector<128x64xbf16>
    %convert_element_type3A_2013 = arith.truncf %max3A_2011 : vector<64x512xf32> to vector<64x512xbf16>
    %dot_general3A_2014 = arith.constant dense<0.000000e+00> : vector<128x512xf32>
    %dot_general3A_2015 = tpu.matmul %convert_element_type3A_2012, %convert_element_type3A_2013, %dot_general3A_2014 {dimension_numbers = #tpu.dot_dimension_numbers<[1], [0], [0], [1], [0, 0, 1, 1], [], []>, transpose_lhs_hint = false} : vector<128x64xbf16>, vector<64x512xbf16>, vector<128x512xf32> -> vector<128x512xf32>
    %add3A_2016 = vector.broadcast %get3A_1867 : vector<128x1xf32> to vector<128x512xf32>
    %add3A_2017 = arith.addf %dot_general3A_2015, %add3A_2016 : vector<128x512xf32>
    %max3A_2018 = arith.maximumf %add3A_1938, %add3A_2017 : vector<128x512xf32>
    %reduce_min3A_2019 = arith.constant dense<0x7F800000> : vector<512xf32>
    %reduce_min3A_2020 = vector.multi_reduction <minimumf>, %select_n3A_1972, %reduce_min3A_2019 [0] : vector<512x512xf32> to vector<512xf32>
    %broadcast_in_dim3A_2021 = vector.shape_cast %reduce_min3A_2020 : vector<512xf32> to vector<1x512xf32>
    %eq3A_2022 = vector.broadcast %broadcast_in_dim3A_2021 : vector<1x512xf32> to vector<512x512xf32>
    %eq3A_2023 = arith.cmpf oeq, %select_n3A_1972, %eq3A_2022 : vector<512x512xf32>
    %jit3A_2024 = arith.constant 1.000000e+09 : f32
    %broadcast_in_dim3A_2025 = vector.broadcast %jit3A_2024 : f32 to vector<512x512xf32>
    %select_n3A_2026 = arith.select %eq3A_2023, %get3A_1846, %broadcast_in_dim3A_2025 : vector<512x512xi1>, vector<512x512xf32>
    %reduce_min3A_2027 = arith.constant dense<0x7F800000> : vector<512xf32>
    %reduce_min3A_2028 = vector.multi_reduction <minimumf>, %select_n3A_2026, %reduce_min3A_2027 [0] : vector<512x512xf32> to vector<512xf32>
    %broadcast_in_dim3A_2029 = vector.shape_cast %reduce_min3A_2028 : vector<512xf32> to vector<1x512xf32>
    %eq3A_2030 = vector.broadcast %broadcast_in_dim3A_2029 : vector<1x512xf32> to vector<512x512xf32>
    %eq3A_2031 = arith.cmpf oeq, %get3A_1846, %eq3A_2030 : vector<512x512xf32>
    %jit3A_2032 = arith.constant 0.000000e+00 : f32
    %broadcast_in_dim3A_2033 = vector.broadcast %jit3A_2032 : f32 to vector<512x512xf32>
    %select_n3A_2034 = arith.select %eq3A_2031, %get3A_1849, %broadcast_in_dim3A_2033 : vector<512x512xi1>, vector<512x512xf32>
    %reduce_sum3A_2035 = arith.constant dense<0.000000e+00> : vector<512xf32>
    %reduce_sum3A_2036 = vector.multi_reduction <add>, %select_n3A_2034, %reduce_sum3A_2035 [0] : vector<512x512xf32> to vector<512xf32>
    %broadcast_in_dim3A_2037 = vector.shape_cast %reduce_sum3A_2036 : vector<512xf32> to vector<1x512xf32>
    %jit3A_2038 = arith.constant 0.000000e+00 : f32
    %broadcast_in_dim3A_2039 = vector.broadcast %jit3A_2038 : f32 to vector<512x512xf32>
    %select_n3A_2040 = arith.select %eq3A_2031, %get3A_1852, %broadcast_in_dim3A_2039 : vector<512x512xi1>, vector<512x512xf32>
    %reduce_sum3A_2041 = arith.constant dense<0.000000e+00> : vector<512xf32>
    %reduce_sum3A_2042 = vector.multi_reduction <add>, %select_n3A_2040, %reduce_sum3A_2041 [0] : vector<512x512xf32> to vector<512xf32>
    %broadcast_in_dim3A_2043 = vector.shape_cast %reduce_sum3A_2042 : vector<512xf32> to vector<1x512xf32>
    %jit3A_2044 = arith.constant 0.000000e+00 : f32
    %broadcast_in_dim3A_2045 = vector.broadcast %jit3A_2044 : f32 to vector<512x512xf32>
    %select_n3A_2046 = arith.select %eq3A_2031, %get3A_1855, %broadcast_in_dim3A_2045 : vector<512x512xi1>, vector<512x512xf32>
    %reduce_sum3A_2047 = arith.constant dense<0.000000e+00> : vector<512xf32>
    %reduce_sum3A_2048 = vector.multi_reduction <add>, %select_n3A_2046, %reduce_sum3A_2047 [0] : vector<512x512xf32> to vector<512xf32>
    %broadcast_in_dim3A_2049 = vector.shape_cast %reduce_sum3A_2048 : vector<512xf32> to vector<1x512xf32>
    %jit3A_2050 = arith.constant 0x7F800000 : f32
    %broadcast_in_dim3A_2051 = vector.broadcast %jit3A_2050 : f32 to vector<512x512xf32>
    %select_n3A_2052 = arith.select %eq3A_2031, %broadcast_in_dim3A_2051, %select_n3A_1972 : vector<512x512xi1>, vector<512x512xf32>
    %sub3A_2053 = arith.subf %broadcast_in_dim3A_2037, %slice3A : vector<1x512xf32>
    %sub3A_2054 = arith.subf %broadcast_in_dim3A_2043, %slice3A_2 : vector<1x512xf32>
    %sub3A_2055 = arith.subf %broadcast_in_dim3A_2049, %slice3A_3 : vector<1x512xf32>
    %le3A_2056 = arith.constant 1.200000e-01 : f32
    %le3A_2057 = vector.broadcast %le3A_2056 : f32 to vector<1x512xf32>
    %le3A_2058 = arith.cmpf ole, %sub3A_2053, %le3A_2057 : vector<1x512xf32>
    %ge3A_2059 = arith.constant -1.200000e-01 : f32
    %ge3A_2060 = vector.broadcast %ge3A_2059 : f32 to vector<1x512xf32>
    %ge3A_2061 = arith.cmpf oge, %sub3A_2053, %ge3A_2060 : vector<1x512xf32>
    %and3A_2062 = arith.andi %le3A_2058, %ge3A_2061 : vector<1x512xi1>
    %le3A_2063 = arith.constant 1.200000e-01 : f32
    %le3A_2064 = vector.broadcast %le3A_2063 : f32 to vector<1x512xf32>
    %le3A_2065 = arith.cmpf ole, %sub3A_2054, %le3A_2064 : vector<1x512xf32>
    %and3A_2066 = arith.andi %and3A_2062, %le3A_2065 : vector<1x512xi1>
    %ge3A_2067 = arith.constant -1.200000e-01 : f32
    %ge3A_2068 = vector.broadcast %ge3A_2067 : f32 to vector<1x512xf32>
    %ge3A_2069 = arith.cmpf oge, %sub3A_2054, %ge3A_2068 : vector<1x512xf32>
    %and3A_2070 = arith.andi %and3A_2066, %ge3A_2069 : vector<1x512xi1>
    %le3A_2071 = arith.constant 1.200000e-01 : f32
    %le3A_2072 = vector.broadcast %le3A_2071 : f32 to vector<1x512xf32>
    %le3A_2073 = arith.cmpf ole, %sub3A_2055, %le3A_2072 : vector<1x512xf32>
    %and3A_2074 = arith.andi %and3A_2070, %le3A_2073 : vector<1x512xi1>
    %ge3A_2075 = arith.constant -1.200000e-01 : f32
    %ge3A_2076 = vector.broadcast %ge3A_2075 : f32 to vector<1x512xf32>
    %ge3A_2077 = arith.cmpf oge, %sub3A_2055, %ge3A_2076 : vector<1x512xf32>
    %and3A_2078 = arith.andi %and3A_2074, %ge3A_2077 : vector<1x512xi1>
    %select_n3A_2079 = arith.select %and3A_2078, %sub3A_2053, %sub3A_1899 : vector<1x512xi1>, vector<1x512xf32>
    %select_n3A_2080 = arith.select %and3A_2078, %sub3A_2054, %sub3A_1900 : vector<1x512xi1>, vector<1x512xf32>
    %select_n3A_2081 = arith.select %and3A_2078, %sub3A_2055, %sub3A_1901 : vector<1x512xi1>, vector<1x512xf32>
    %concatenate3A_2082 = tpu.concatenate %select_n3A_2079, %select_n3A_2080, %select_n3A_2081 in 0 : vector<1x512xf32>, vector<1x512xf32>, vector<1x512xf32> -> vector<3x512xf32>
    %convert_element_type3A_2083 = arith.truncf %get3A_1858 : vector<64x3xf32> to vector<64x3xbf16>
    %convert_element_type3A_2084 = arith.truncf %concatenate3A_2082 : vector<3x512xf32> to vector<3x512xbf16>
    %dot_general3A_2085 = arith.constant dense<0.000000e+00> : vector<64x512xf32>
    %dot_general3A_2086 = tpu.matmul %convert_element_type3A_2083, %convert_element_type3A_2084, %dot_general3A_2085 {dimension_numbers = #tpu.dot_dimension_numbers<[1], [0], [0], [1], [0, 0, 1, 1], [], []>, transpose_lhs_hint = false} : vector<64x3xbf16>, vector<3x512xbf16>, vector<64x512xf32> -> vector<64x512xf32>
    %add3A_2087 = vector.broadcast %get3A_1861 : vector<64x1xf32> to vector<64x512xf32>
    %add3A_2088 = arith.addf %dot_general3A_2086, %add3A_2087 : vector<64x512xf32>
    %max3A_2089 = arith.constant 0.000000e+00 : f32
    %max3A_2090 = vector.broadcast %max3A_2089 : f32 to vector<64x512xf32>
    %max3A_2091 = arith.maximumf %add3A_2088, %max3A_2090 : vector<64x512xf32>
    %convert_element_type3A_2092 = arith.truncf %get3A_1864 : vector<128x64xf32> to vector<128x64xbf16>
    %convert_element_type3A_2093 = arith.truncf %max3A_2091 : vector<64x512xf32> to vector<64x512xbf16>
    %dot_general3A_2094 = arith.constant dense<0.000000e+00> : vector<128x512xf32>
    %dot_general3A_2095 = tpu.matmul %convert_element_type3A_2092, %convert_element_type3A_2093, %dot_general3A_2094 {dimension_numbers = #tpu.dot_dimension_numbers<[1], [0], [0], [1], [0, 0, 1, 1], [], []>, transpose_lhs_hint = false} : vector<128x64xbf16>, vector<64x512xbf16>, vector<128x512xf32> -> vector<128x512xf32>
    %add3A_2096 = vector.broadcast %get3A_1867 : vector<128x1xf32> to vector<128x512xf32>
    %add3A_2097 = arith.addf %dot_general3A_2095, %add3A_2096 : vector<128x512xf32>
    %max3A_2098 = arith.maximumf %max3A_2018, %add3A_2097 : vector<128x512xf32>
    %reduce_min3A_2099 = arith.constant dense<0x7F800000> : vector<512xf32>
    %reduce_min3A_2100 = vector.multi_reduction <minimumf>, %select_n3A_2052, %reduce_min3A_2099 [0] : vector<512x512xf32> to vector<512xf32>
    %broadcast_in_dim3A_2101 = vector.shape_cast %reduce_min3A_2100 : vector<512xf32> to vector<1x512xf32>
    %eq3A_2102 = vector.broadcast %broadcast_in_dim3A_2101 : vector<1x512xf32> to vector<512x512xf32>
    %eq3A_2103 = arith.cmpf oeq, %select_n3A_2052, %eq3A_2102 : vector<512x512xf32>
    %jit3A_2104 = arith.constant 1.000000e+09 : f32
    %broadcast_in_dim3A_2105 = vector.broadcast %jit3A_2104 : f32 to vector<512x512xf32>
    %select_n3A_2106 = arith.select %eq3A_2103, %get3A_1846, %broadcast_in_dim3A_2105 : vector<512x512xi1>, vector<512x512xf32>
    %reduce_min3A_2107 = arith.constant dense<0x7F800000> : vector<512xf32>
    %reduce_min3A_2108 = vector.multi_reduction <minimumf>, %select_n3A_2106, %reduce_min3A_2107 [0] : vector<512x512xf32> to vector<512xf32>
    %broadcast_in_dim3A_2109 = vector.shape_cast %reduce_min3A_2108 : vector<512xf32> to vector<1x512xf32>
    %eq3A_2110 = vector.broadcast %broadcast_in_dim3A_2109 : vector<1x512xf32> to vector<512x512xf32>
    %eq3A_2111 = arith.cmpf oeq, %get3A_1846, %eq3A_2110 : vector<512x512xf32>
    %jit3A_2112 = arith.constant 0.000000e+00 : f32
    %broadcast_in_dim3A_2113 = vector.broadcast %jit3A_2112 : f32 to vector<512x512xf32>
    %select_n3A_2114 = arith.select %eq3A_2111, %get3A_1849, %broadcast_in_dim3A_2113 : vector<512x512xi1>, vector<512x512xf32>
    %reduce_sum3A_2115 = arith.constant dense<0.000000e+00> : vector<512xf32>
    %reduce_sum3A_2116 = vector.multi_reduction <add>, %select_n3A_2114, %reduce_sum3A_2115 [0] : vector<512x512xf32> to vector<512xf32>
    %broadcast_in_dim3A_2117 = vector.shape_cast %reduce_sum3A_2116 : vector<512xf32> to vector<1x512xf32>
    %jit3A_2118 = arith.constant 0.000000e+00 : f32
    %broadcast_in_dim3A_2119 = vector.broadcast %jit3A_2118 : f32 to vector<512x512xf32>
    %select_n3A_2120 = arith.select %eq3A_2111, %get3A_1852, %broadcast_in_dim3A_2119 : vector<512x512xi1>, vector<512x512xf32>
    %reduce_sum3A_2121 = arith.constant dense<0.000000e+00> : vector<512xf32>
    %reduce_sum3A_2122 = vector.multi_reduction <add>, %select_n3A_2120, %reduce_sum3A_2121 [0] : vector<512x512xf32> to vector<512xf32>
    %broadcast_in_dim3A_2123 = vector.shape_cast %reduce_sum3A_2122 : vector<512xf32> to vector<1x512xf32>
    %jit3A_2124 = arith.constant 0.000000e+00 : f32
    %broadcast_in_dim3A_2125 = vector.broadcast %jit3A_2124 : f32 to vector<512x512xf32>
    %select_n3A_2126 = arith.select %eq3A_2111, %get3A_1855, %broadcast_in_dim3A_2125 : vector<512x512xi1>, vector<512x512xf32>
    %reduce_sum3A_2127 = arith.constant dense<0.000000e+00> : vector<512xf32>
    %reduce_sum3A_2128 = vector.multi_reduction <add>, %select_n3A_2126, %reduce_sum3A_2127 [0] : vector<512x512xf32> to vector<512xf32>
    %broadcast_in_dim3A_2129 = vector.shape_cast %reduce_sum3A_2128 : vector<512xf32> to vector<1x512xf32>
    %jit3A_2130 = arith.constant 0x7F800000 : f32
    %broadcast_in_dim3A_2131 = vector.broadcast %jit3A_2130 : f32 to vector<512x512xf32>
    %select_n3A_2132 = arith.select %eq3A_2111, %broadcast_in_dim3A_2131, %select_n3A_2052 : vector<512x512xi1>, vector<512x512xf32>
    %sub3A_2133 = arith.subf %broadcast_in_dim3A_2117, %slice3A : vector<1x512xf32>
    %sub3A_2134 = arith.subf %broadcast_in_dim3A_2123, %slice3A_2 : vector<1x512xf32>
    %sub3A_2135 = arith.subf %broadcast_in_dim3A_2129, %slice3A_3 : vector<1x512xf32>
    %le3A_2136 = arith.constant 1.200000e-01 : f32
    %le3A_2137 = vector.broadcast %le3A_2136 : f32 to vector<1x512xf32>
    %le3A_2138 = arith.cmpf ole, %sub3A_2133, %le3A_2137 : vector<1x512xf32>
    %ge3A_2139 = arith.constant -1.200000e-01 : f32
    %ge3A_2140 = vector.broadcast %ge3A_2139 : f32 to vector<1x512xf32>
    %ge3A_2141 = arith.cmpf oge, %sub3A_2133, %ge3A_2140 : vector<1x512xf32>
    %and3A_2142 = arith.andi %le3A_2138, %ge3A_2141 : vector<1x512xi1>
    %le3A_2143 = arith.constant 1.200000e-01 : f32
    %le3A_2144 = vector.broadcast %le3A_2143 : f32 to vector<1x512xf32>
    %le3A_2145 = arith.cmpf ole, %sub3A_2134, %le3A_2144 : vector<1x512xf32>
    %and3A_2146 = arith.andi %and3A_2142, %le3A_2145 : vector<1x512xi1>
    %ge3A_2147 = arith.constant -1.200000e-01 : f32
    %ge3A_2148 = vector.broadcast %ge3A_2147 : f32 to vector<1x512xf32>
    %ge3A_2149 = arith.cmpf oge, %sub3A_2134, %ge3A_2148 : vector<1x512xf32>
    %and3A_2150 = arith.andi %and3A_2146, %ge3A_2149 : vector<1x512xi1>
    %le3A_2151 = arith.constant 1.200000e-01 : f32
    %le3A_2152 = vector.broadcast %le3A_2151 : f32 to vector<1x512xf32>
    %le3A_2153 = arith.cmpf ole, %sub3A_2135, %le3A_2152 : vector<1x512xf32>
    %and3A_2154 = arith.andi %and3A_2150, %le3A_2153 : vector<1x512xi1>
    %ge3A_2155 = arith.constant -1.200000e-01 : f32
    %ge3A_2156 = vector.broadcast %ge3A_2155 : f32 to vector<1x512xf32>
    %ge3A_2157 = arith.cmpf oge, %sub3A_2135, %ge3A_2156 : vector<1x512xf32>
    %and3A_2158 = arith.andi %and3A_2154, %ge3A_2157 : vector<1x512xi1>
    %select_n3A_2159 = arith.select %and3A_2158, %sub3A_2133, %sub3A_1899 : vector<1x512xi1>, vector<1x512xf32>
    %select_n3A_2160 = arith.select %and3A_2158, %sub3A_2134, %sub3A_1900 : vector<1x512xi1>, vector<1x512xf32>
    %select_n3A_2161 = arith.select %and3A_2158, %sub3A_2135, %sub3A_1901 : vector<1x512xi1>, vector<1x512xf32>
    %concatenate3A_2162 = tpu.concatenate %select_n3A_2159, %select_n3A_2160, %select_n3A_2161 in 0 : vector<1x512xf32>, vector<1x512xf32>, vector<1x512xf32> -> vector<3x512xf32>
    %convert_element_type3A_2163 = arith.truncf %get3A_1858 : vector<64x3xf32> to vector<64x3xbf16>
    %convert_element_type3A_2164 = arith.truncf %concatenate3A_2162 : vector<3x512xf32> to vector<3x512xbf16>
    %dot_general3A_2165 = arith.constant dense<0.000000e+00> : vector<64x512xf32>
    %dot_general3A_2166 = tpu.matmul %convert_element_type3A_2163, %convert_element_type3A_2164, %dot_general3A_2165 {dimension_numbers = #tpu.dot_dimension_numbers<[1], [0], [0], [1], [0, 0, 1, 1], [], []>, transpose_lhs_hint = false} : vector<64x3xbf16>, vector<3x512xbf16>, vector<64x512xf32> -> vector<64x512xf32>
    %add3A_2167 = vector.broadcast %get3A_1861 : vector<64x1xf32> to vector<64x512xf32>
    %add3A_2168 = arith.addf %dot_general3A_2166, %add3A_2167 : vector<64x512xf32>
    %max3A_2169 = arith.constant 0.000000e+00 : f32
    %max3A_2170 = vector.broadcast %max3A_2169 : f32 to vector<64x512xf32>
    %max3A_2171 = arith.maximumf %add3A_2168, %max3A_2170 : vector<64x512xf32>
    %convert_element_type3A_2172 = arith.truncf %get3A_1864 : vector<128x64xf32> to vector<128x64xbf16>
    %convert_element_type3A_2173 = arith.truncf %max3A_2171 : vector<64x512xf32> to vector<64x512xbf16>
    %dot_general3A_2174 = arith.constant dense<0.000000e+00> : vector<128x512xf32>
    %dot_general3A_2175 = tpu.matmul %convert_element_type3A_2172, %convert_element_type3A_2173, %dot_general3A_2174 {dimension_numbers = #tpu.dot_dimension_numbers<[1], [0], [0], [1], [0, 0, 1, 1], [], []>, transpose_lhs_hint = false} : vector<128x64xbf16>, vector<64x512xbf16>, vector<128x512xf32> -> vector<128x512xf32>
    %add3A_2176 = vector.broadcast %get3A_1867 : vector<128x1xf32> to vector<128x512xf32>
    %add3A_2177 = arith.addf %dot_general3A_2175, %add3A_2176 : vector<128x512xf32>
    %max3A_2178 = arith.maximumf %max3A_2098, %add3A_2177 : vector<128x512xf32>
    %reduce_min3A_2179 = arith.constant dense<0x7F800000> : vector<512xf32>
    %reduce_min3A_2180 = vector.multi_reduction <minimumf>, %select_n3A_2132, %reduce_min3A_2179 [0] : vector<512x512xf32> to vector<512xf32>
    %broadcast_in_dim3A_2181 = vector.shape_cast %reduce_min3A_2180 : vector<512xf32> to vector<1x512xf32>
    %eq3A_2182 = vector.broadcast %broadcast_in_dim3A_2181 : vector<1x512xf32> to vector<512x512xf32>
    %eq3A_2183 = arith.cmpf oeq, %select_n3A_2132, %eq3A_2182 : vector<512x512xf32>
    %jit3A_2184 = arith.constant 1.000000e+09 : f32
    %broadcast_in_dim3A_2185 = vector.broadcast %jit3A_2184 : f32 to vector<512x512xf32>
    %select_n3A_2186 = arith.select %eq3A_2183, %get3A_1846, %broadcast_in_dim3A_2185 : vector<512x512xi1>, vector<512x512xf32>
    %reduce_min3A_2187 = arith.constant dense<0x7F800000> : vector<512xf32>
    %reduce_min3A_2188 = vector.multi_reduction <minimumf>, %select_n3A_2186, %reduce_min3A_2187 [0] : vector<512x512xf32> to vector<512xf32>
    %broadcast_in_dim3A_2189 = vector.shape_cast %reduce_min3A_2188 : vector<512xf32> to vector<1x512xf32>
    %eq3A_2190 = vector.broadcast %broadcast_in_dim3A_2189 : vector<1x512xf32> to vector<512x512xf32>
    %eq3A_2191 = arith.cmpf oeq, %get3A_1846, %eq3A_2190 : vector<512x512xf32>
    %jit3A_2192 = arith.constant 0.000000e+00 : f32
    %broadcast_in_dim3A_2193 = vector.broadcast %jit3A_2192 : f32 to vector<512x512xf32>
    %select_n3A_2194 = arith.select %eq3A_2191, %get3A_1849, %broadcast_in_dim3A_2193 : vector<512x512xi1>, vector<512x512xf32>
    %reduce_sum3A_2195 = arith.constant dense<0.000000e+00> : vector<512xf32>
    %reduce_sum3A_2196 = vector.multi_reduction <add>, %select_n3A_2194, %reduce_sum3A_2195 [0] : vector<512x512xf32> to vector<512xf32>
    %broadcast_in_dim3A_2197 = vector.shape_cast %reduce_sum3A_2196 : vector<512xf32> to vector<1x512xf32>
    %jit3A_2198 = arith.constant 0.000000e+00 : f32
    %broadcast_in_dim3A_2199 = vector.broadcast %jit3A_2198 : f32 to vector<512x512xf32>
    %select_n3A_2200 = arith.select %eq3A_2191, %get3A_1852, %broadcast_in_dim3A_2199 : vector<512x512xi1>, vector<512x512xf32>
    %reduce_sum3A_2201 = arith.constant dense<0.000000e+00> : vector<512xf32>
    %reduce_sum3A_2202 = vector.multi_reduction <add>, %select_n3A_2200, %reduce_sum3A_2201 [0] : vector<512x512xf32> to vector<512xf32>
    %broadcast_in_dim3A_2203 = vector.shape_cast %reduce_sum3A_2202 : vector<512xf32> to vector<1x512xf32>
    %jit3A_2204 = arith.constant 0.000000e+00 : f32
    %broadcast_in_dim3A_2205 = vector.broadcast %jit3A_2204 : f32 to vector<512x512xf32>
    %select_n3A_2206 = arith.select %eq3A_2191, %get3A_1855, %broadcast_in_dim3A_2205 : vector<512x512xi1>, vector<512x512xf32>
    %reduce_sum3A_2207 = arith.constant dense<0.000000e+00> : vector<512xf32>
    %reduce_sum3A_2208 = vector.multi_reduction <add>, %select_n3A_2206, %reduce_sum3A_2207 [0] : vector<512x512xf32> to vector<512xf32>
    %broadcast_in_dim3A_2209 = vector.shape_cast %reduce_sum3A_2208 : vector<512xf32> to vector<1x512xf32>
    %jit3A_2210 = arith.constant 0x7F800000 : f32
    %broadcast_in_dim3A_2211 = vector.broadcast %jit3A_2210 : f32 to vector<512x512xf32>
    %select_n3A_2212 = arith.select %eq3A_2191, %broadcast_in_dim3A_2211, %select_n3A_2132 : vector<512x512xi1>, vector<512x512xf32>
    %sub3A_2213 = arith.subf %broadcast_in_dim3A_2197, %slice3A : vector<1x512xf32>
    %sub3A_2214 = arith.subf %broadcast_in_dim3A_2203, %slice3A_2 : vector<1x512xf32>
    %sub3A_2215 = arith.subf %broadcast_in_dim3A_2209, %slice3A_3 : vector<1x512xf32>
    %le3A_2216 = arith.constant 1.200000e-01 : f32
    %le3A_2217 = vector.broadcast %le3A_2216 : f32 to vector<1x512xf32>
    %le3A_2218 = arith.cmpf ole, %sub3A_2213, %le3A_2217 : vector<1x512xf32>
    %ge3A_2219 = arith.constant -1.200000e-01 : f32
    %ge3A_2220 = vector.broadcast %ge3A_2219 : f32 to vector<1x512xf32>
    %ge3A_2221 = arith.cmpf oge, %sub3A_2213, %ge3A_2220 : vector<1x512xf32>
    %and3A_2222 = arith.andi %le3A_2218, %ge3A_2221 : vector<1x512xi1>
    %le3A_2223 = arith.constant 1.200000e-01 : f32
    %le3A_2224 = vector.broadcast %le3A_2223 : f32 to vector<1x512xf32>
    %le3A_2225 = arith.cmpf ole, %sub3A_2214, %le3A_2224 : vector<1x512xf32>
    %and3A_2226 = arith.andi %and3A_2222, %le3A_2225 : vector<1x512xi1>
    %ge3A_2227 = arith.constant -1.200000e-01 : f32
    %ge3A_2228 = vector.broadcast %ge3A_2227 : f32 to vector<1x512xf32>
    %ge3A_2229 = arith.cmpf oge, %sub3A_2214, %ge3A_2228 : vector<1x512xf32>
    %and3A_2230 = arith.andi %and3A_2226, %ge3A_2229 : vector<1x512xi1>
    %le3A_2231 = arith.constant 1.200000e-01 : f32
    %le3A_2232 = vector.broadcast %le3A_2231 : f32 to vector<1x512xf32>
    %le3A_2233 = arith.cmpf ole, %sub3A_2215, %le3A_2232 : vector<1x512xf32>
    %and3A_2234 = arith.andi %and3A_2230, %le3A_2233 : vector<1x512xi1>
    %ge3A_2235 = arith.constant -1.200000e-01 : f32
    %ge3A_2236 = vector.broadcast %ge3A_2235 : f32 to vector<1x512xf32>
    %ge3A_2237 = arith.cmpf oge, %sub3A_2215, %ge3A_2236 : vector<1x512xf32>
    %and3A_2238 = arith.andi %and3A_2234, %ge3A_2237 : vector<1x512xi1>
    %select_n3A_2239 = arith.select %and3A_2238, %sub3A_2213, %sub3A_1899 : vector<1x512xi1>, vector<1x512xf32>
    %select_n3A_2240 = arith.select %and3A_2238, %sub3A_2214, %sub3A_1900 : vector<1x512xi1>, vector<1x512xf32>
    %select_n3A_2241 = arith.select %and3A_2238, %sub3A_2215, %sub3A_1901 : vector<1x512xi1>, vector<1x512xf32>
    %concatenate3A_2242 = tpu.concatenate %select_n3A_2239, %select_n3A_2240, %select_n3A_2241 in 0 : vector<1x512xf32>, vector<1x512xf32>, vector<1x512xf32> -> vector<3x512xf32>
    %convert_element_type3A_2243 = arith.truncf %get3A_1858 : vector<64x3xf32> to vector<64x3xbf16>
    %convert_element_type3A_2244 = arith.truncf %concatenate3A_2242 : vector<3x512xf32> to vector<3x512xbf16>
    %dot_general3A_2245 = arith.constant dense<0.000000e+00> : vector<64x512xf32>
    %dot_general3A_2246 = tpu.matmul %convert_element_type3A_2243, %convert_element_type3A_2244, %dot_general3A_2245 {dimension_numbers = #tpu.dot_dimension_numbers<[1], [0], [0], [1], [0, 0, 1, 1], [], []>, transpose_lhs_hint = false} : vector<64x3xbf16>, vector<3x512xbf16>, vector<64x512xf32> -> vector<64x512xf32>
    %add3A_2247 = vector.broadcast %get3A_1861 : vector<64x1xf32> to vector<64x512xf32>
    %add3A_2248 = arith.addf %dot_general3A_2246, %add3A_2247 : vector<64x512xf32>
    %max3A_2249 = arith.constant 0.000000e+00 : f32
    %max3A_2250 = vector.broadcast %max3A_2249 : f32 to vector<64x512xf32>
    %max3A_2251 = arith.maximumf %add3A_2248, %max3A_2250 : vector<64x512xf32>
    %convert_element_type3A_2252 = arith.truncf %get3A_1864 : vector<128x64xf32> to vector<128x64xbf16>
    %convert_element_type3A_2253 = arith.truncf %max3A_2251 : vector<64x512xf32> to vector<64x512xbf16>
    %dot_general3A_2254 = arith.constant dense<0.000000e+00> : vector<128x512xf32>
    %dot_general3A_2255 = tpu.matmul %convert_element_type3A_2252, %convert_element_type3A_2253, %dot_general3A_2254 {dimension_numbers = #tpu.dot_dimension_numbers<[1], [0], [0], [1], [0, 0, 1, 1], [], []>, transpose_lhs_hint = false} : vector<128x64xbf16>, vector<64x512xbf16>, vector<128x512xf32> -> vector<128x512xf32>
    %add3A_2256 = vector.broadcast %get3A_1867 : vector<128x1xf32> to vector<128x512xf32>
    %add3A_2257 = arith.addf %dot_general3A_2255, %add3A_2256 : vector<128x512xf32>
    %max3A_2258 = arith.maximumf %max3A_2178, %add3A_2257 : vector<128x512xf32>
    %reduce_min3A_2259 = arith.constant dense<0x7F800000> : vector<512xf32>
    %reduce_min3A_2260 = vector.multi_reduction <minimumf>, %select_n3A_2212, %reduce_min3A_2259 [0] : vector<512x512xf32> to vector<512xf32>
    %broadcast_in_dim3A_2261 = vector.shape_cast %reduce_min3A_2260 : vector<512xf32> to vector<1x512xf32>
    %eq3A_2262 = vector.broadcast %broadcast_in_dim3A_2261 : vector<1x512xf32> to vector<512x512xf32>
    %eq3A_2263 = arith.cmpf oeq, %select_n3A_2212, %eq3A_2262 : vector<512x512xf32>
    %jit3A_2264 = arith.constant 1.000000e+09 : f32
    %broadcast_in_dim3A_2265 = vector.broadcast %jit3A_2264 : f32 to vector<512x512xf32>
    %select_n3A_2266 = arith.select %eq3A_2263, %get3A_1846, %broadcast_in_dim3A_2265 : vector<512x512xi1>, vector<512x512xf32>
    %reduce_min3A_2267 = arith.constant dense<0x7F800000> : vector<512xf32>
    %reduce_min3A_2268 = vector.multi_reduction <minimumf>, %select_n3A_2266, %reduce_min3A_2267 [0] : vector<512x512xf32> to vector<512xf32>
    %broadcast_in_dim3A_2269 = vector.shape_cast %reduce_min3A_2268 : vector<512xf32> to vector<1x512xf32>
    %eq3A_2270 = vector.broadcast %broadcast_in_dim3A_2269 : vector<1x512xf32> to vector<512x512xf32>
    %eq3A_2271 = arith.cmpf oeq, %get3A_1846, %eq3A_2270 : vector<512x512xf32>
    %jit3A_2272 = arith.constant 0.000000e+00 : f32
    %broadcast_in_dim3A_2273 = vector.broadcast %jit3A_2272 : f32 to vector<512x512xf32>
    %select_n3A_2274 = arith.select %eq3A_2271, %get3A_1849, %broadcast_in_dim3A_2273 : vector<512x512xi1>, vector<512x512xf32>
    %reduce_sum3A_2275 = arith.constant dense<0.000000e+00> : vector<512xf32>
    %reduce_sum3A_2276 = vector.multi_reduction <add>, %select_n3A_2274, %reduce_sum3A_2275 [0] : vector<512x512xf32> to vector<512xf32>
    %broadcast_in_dim3A_2277 = vector.shape_cast %reduce_sum3A_2276 : vector<512xf32> to vector<1x512xf32>
    %jit3A_2278 = arith.constant 0.000000e+00 : f32
    %broadcast_in_dim3A_2279 = vector.broadcast %jit3A_2278 : f32 to vector<512x512xf32>
    %select_n3A_2280 = arith.select %eq3A_2271, %get3A_1852, %broadcast_in_dim3A_2279 : vector<512x512xi1>, vector<512x512xf32>
    %reduce_sum3A_2281 = arith.constant dense<0.000000e+00> : vector<512xf32>
    %reduce_sum3A_2282 = vector.multi_reduction <add>, %select_n3A_2280, %reduce_sum3A_2281 [0] : vector<512x512xf32> to vector<512xf32>
    %broadcast_in_dim3A_2283 = vector.shape_cast %reduce_sum3A_2282 : vector<512xf32> to vector<1x512xf32>
    %jit3A_2284 = arith.constant 0.000000e+00 : f32
    %broadcast_in_dim3A_2285 = vector.broadcast %jit3A_2284 : f32 to vector<512x512xf32>
    %select_n3A_2286 = arith.select %eq3A_2271, %get3A_1855, %broadcast_in_dim3A_2285 : vector<512x512xi1>, vector<512x512xf32>
    %reduce_sum3A_2287 = arith.constant dense<0.000000e+00> : vector<512xf32>
    %reduce_sum3A_2288 = vector.multi_reduction <add>, %select_n3A_2286, %reduce_sum3A_2287 [0] : vector<512x512xf32> to vector<512xf32>
    %broadcast_in_dim3A_2289 = vector.shape_cast %reduce_sum3A_2288 : vector<512xf32> to vector<1x512xf32>
    %jit3A_2290 = arith.constant 0x7F800000 : f32
    %broadcast_in_dim3A_2291 = vector.broadcast %jit3A_2290 : f32 to vector<512x512xf32>
    %select_n3A_2292 = arith.select %eq3A_2271, %broadcast_in_dim3A_2291, %select_n3A_2212 : vector<512x512xi1>, vector<512x512xf32>
    %sub3A_2293 = arith.subf %broadcast_in_dim3A_2277, %slice3A : vector<1x512xf32>
    %sub3A_2294 = arith.subf %broadcast_in_dim3A_2283, %slice3A_2 : vector<1x512xf32>
    %sub3A_2295 = arith.subf %broadcast_in_dim3A_2289, %slice3A_3 : vector<1x512xf32>
    %le3A_2296 = arith.constant 1.200000e-01 : f32
    %le3A_2297 = vector.broadcast %le3A_2296 : f32 to vector<1x512xf32>
    %le3A_2298 = arith.cmpf ole, %sub3A_2293, %le3A_2297 : vector<1x512xf32>
    %ge3A_2299 = arith.constant -1.200000e-01 : f32
    %ge3A_2300 = vector.broadcast %ge3A_2299 : f32 to vector<1x512xf32>
    %ge3A_2301 = arith.cmpf oge, %sub3A_2293, %ge3A_2300 : vector<1x512xf32>
    %and3A_2302 = arith.andi %le3A_2298, %ge3A_2301 : vector<1x512xi1>
    %le3A_2303 = arith.constant 1.200000e-01 : f32
    %le3A_2304 = vector.broadcast %le3A_2303 : f32 to vector<1x512xf32>
    %le3A_2305 = arith.cmpf ole, %sub3A_2294, %le3A_2304 : vector<1x512xf32>
    %and3A_2306 = arith.andi %and3A_2302, %le3A_2305 : vector<1x512xi1>
    %ge3A_2307 = arith.constant -1.200000e-01 : f32
    %ge3A_2308 = vector.broadcast %ge3A_2307 : f32 to vector<1x512xf32>
    %ge3A_2309 = arith.cmpf oge, %sub3A_2294, %ge3A_2308 : vector<1x512xf32>
    %and3A_2310 = arith.andi %and3A_2306, %ge3A_2309 : vector<1x512xi1>
    %le3A_2311 = arith.constant 1.200000e-01 : f32
    %le3A_2312 = vector.broadcast %le3A_2311 : f32 to vector<1x512xf32>
    %le3A_2313 = arith.cmpf ole, %sub3A_2295, %le3A_2312 : vector<1x512xf32>
    %and3A_2314 = arith.andi %and3A_2310, %le3A_2313 : vector<1x512xi1>
    %ge3A_2315 = arith.constant -1.200000e-01 : f32
    %ge3A_2316 = vector.broadcast %ge3A_2315 : f32 to vector<1x512xf32>
    %ge3A_2317 = arith.cmpf oge, %sub3A_2295, %ge3A_2316 : vector<1x512xf32>
    %and3A_2318 = arith.andi %and3A_2314, %ge3A_2317 : vector<1x512xi1>
    %select_n3A_2319 = arith.select %and3A_2318, %sub3A_2293, %sub3A_1899 : vector<1x512xi1>, vector<1x512xf32>
    %select_n3A_2320 = arith.select %and3A_2318, %sub3A_2294, %sub3A_1900 : vector<1x512xi1>, vector<1x512xf32>
    %select_n3A_2321 = arith.select %and3A_2318, %sub3A_2295, %sub3A_1901 : vector<1x512xi1>, vector<1x512xf32>
    %concatenate3A_2322 = tpu.concatenate %select_n3A_2319, %select_n3A_2320, %select_n3A_2321 in 0 : vector<1x512xf32>, vector<1x512xf32>, vector<1x512xf32> -> vector<3x512xf32>
    %convert_element_type3A_2323 = arith.truncf %get3A_1858 : vector<64x3xf32> to vector<64x3xbf16>
    %convert_element_type3A_2324 = arith.truncf %concatenate3A_2322 : vector<3x512xf32> to vector<3x512xbf16>
    %dot_general3A_2325 = arith.constant dense<0.000000e+00> : vector<64x512xf32>
    %dot_general3A_2326 = tpu.matmul %convert_element_type3A_2323, %convert_element_type3A_2324, %dot_general3A_2325 {dimension_numbers = #tpu.dot_dimension_numbers<[1], [0], [0], [1], [0, 0, 1, 1], [], []>, transpose_lhs_hint = false} : vector<64x3xbf16>, vector<3x512xbf16>, vector<64x512xf32> -> vector<64x512xf32>
    %add3A_2327 = vector.broadcast %get3A_1861 : vector<64x1xf32> to vector<64x512xf32>
    %add3A_2328 = arith.addf %dot_general3A_2326, %add3A_2327 : vector<64x512xf32>
    %max3A_2329 = arith.constant 0.000000e+00 : f32
    %max3A_2330 = vector.broadcast %max3A_2329 : f32 to vector<64x512xf32>
    %max3A_2331 = arith.maximumf %add3A_2328, %max3A_2330 : vector<64x512xf32>
    %convert_element_type3A_2332 = arith.truncf %get3A_1864 : vector<128x64xf32> to vector<128x64xbf16>
    %convert_element_type3A_2333 = arith.truncf %max3A_2331 : vector<64x512xf32> to vector<64x512xbf16>
    %dot_general3A_2334 = arith.constant dense<0.000000e+00> : vector<128x512xf32>
    %dot_general3A_2335 = tpu.matmul %convert_element_type3A_2332, %convert_element_type3A_2333, %dot_general3A_2334 {dimension_numbers = #tpu.dot_dimension_numbers<[1], [0], [0], [1], [0, 0, 1, 1], [], []>, transpose_lhs_hint = false} : vector<128x64xbf16>, vector<64x512xbf16>, vector<128x512xf32> -> vector<128x512xf32>
    %add3A_2336 = vector.broadcast %get3A_1867 : vector<128x1xf32> to vector<128x512xf32>
    %add3A_2337 = arith.addf %dot_general3A_2335, %add3A_2336 : vector<128x512xf32>
    %max3A_2338 = arith.maximumf %max3A_2258, %add3A_2337 : vector<128x512xf32>
    %reduce_min3A_2339 = arith.constant dense<0x7F800000> : vector<512xf32>
    %reduce_min3A_2340 = vector.multi_reduction <minimumf>, %select_n3A_2292, %reduce_min3A_2339 [0] : vector<512x512xf32> to vector<512xf32>
    %broadcast_in_dim3A_2341 = vector.shape_cast %reduce_min3A_2340 : vector<512xf32> to vector<1x512xf32>
    %eq3A_2342 = vector.broadcast %broadcast_in_dim3A_2341 : vector<1x512xf32> to vector<512x512xf32>
    %eq3A_2343 = arith.cmpf oeq, %select_n3A_2292, %eq3A_2342 : vector<512x512xf32>
    %jit3A_2344 = arith.constant 1.000000e+09 : f32
    %broadcast_in_dim3A_2345 = vector.broadcast %jit3A_2344 : f32 to vector<512x512xf32>
    %select_n3A_2346 = arith.select %eq3A_2343, %get3A_1846, %broadcast_in_dim3A_2345 : vector<512x512xi1>, vector<512x512xf32>
    %reduce_min3A_2347 = arith.constant dense<0x7F800000> : vector<512xf32>
    %reduce_min3A_2348 = vector.multi_reduction <minimumf>, %select_n3A_2346, %reduce_min3A_2347 [0] : vector<512x512xf32> to vector<512xf32>
    %broadcast_in_dim3A_2349 = vector.shape_cast %reduce_min3A_2348 : vector<512xf32> to vector<1x512xf32>
    %eq3A_2350 = vector.broadcast %broadcast_in_dim3A_2349 : vector<1x512xf32> to vector<512x512xf32>
    %eq3A_2351 = arith.cmpf oeq, %get3A_1846, %eq3A_2350 : vector<512x512xf32>
    %jit3A_2352 = arith.constant 0.000000e+00 : f32
    %broadcast_in_dim3A_2353 = vector.broadcast %jit3A_2352 : f32 to vector<512x512xf32>
    %select_n3A_2354 = arith.select %eq3A_2351, %get3A_1849, %broadcast_in_dim3A_2353 : vector<512x512xi1>, vector<512x512xf32>
    %reduce_sum3A_2355 = arith.constant dense<0.000000e+00> : vector<512xf32>
    %reduce_sum3A_2356 = vector.multi_reduction <add>, %select_n3A_2354, %reduce_sum3A_2355 [0] : vector<512x512xf32> to vector<512xf32>
    %broadcast_in_dim3A_2357 = vector.shape_cast %reduce_sum3A_2356 : vector<512xf32> to vector<1x512xf32>
    %jit3A_2358 = arith.constant 0.000000e+00 : f32
    %broadcast_in_dim3A_2359 = vector.broadcast %jit3A_2358 : f32 to vector<512x512xf32>
    %select_n3A_2360 = arith.select %eq3A_2351, %get3A_1852, %broadcast_in_dim3A_2359 : vector<512x512xi1>, vector<512x512xf32>
    %reduce_sum3A_2361 = arith.constant dense<0.000000e+00> : vector<512xf32>
    %reduce_sum3A_2362 = vector.multi_reduction <add>, %select_n3A_2360, %reduce_sum3A_2361 [0] : vector<512x512xf32> to vector<512xf32>
    %broadcast_in_dim3A_2363 = vector.shape_cast %reduce_sum3A_2362 : vector<512xf32> to vector<1x512xf32>
    %jit3A_2364 = arith.constant 0.000000e+00 : f32
    %broadcast_in_dim3A_2365 = vector.broadcast %jit3A_2364 : f32 to vector<512x512xf32>
    %select_n3A_2366 = arith.select %eq3A_2351, %get3A_1855, %broadcast_in_dim3A_2365 : vector<512x512xi1>, vector<512x512xf32>
    %reduce_sum3A_2367 = arith.constant dense<0.000000e+00> : vector<512xf32>
    %reduce_sum3A_2368 = vector.multi_reduction <add>, %select_n3A_2366, %reduce_sum3A_2367 [0] : vector<512x512xf32> to vector<512xf32>
    %broadcast_in_dim3A_2369 = vector.shape_cast %reduce_sum3A_2368 : vector<512xf32> to vector<1x512xf32>
    %jit3A_2370 = arith.constant 0x7F800000 : f32
    %broadcast_in_dim3A_2371 = vector.broadcast %jit3A_2370 : f32 to vector<512x512xf32>
    %select_n3A_2372 = arith.select %eq3A_2351, %broadcast_in_dim3A_2371, %select_n3A_2292 : vector<512x512xi1>, vector<512x512xf32>
    %sub3A_2373 = arith.subf %broadcast_in_dim3A_2357, %slice3A : vector<1x512xf32>
    %sub3A_2374 = arith.subf %broadcast_in_dim3A_2363, %slice3A_2 : vector<1x512xf32>
    %sub3A_2375 = arith.subf %broadcast_in_dim3A_2369, %slice3A_3 : vector<1x512xf32>
    %le3A_2376 = arith.constant 1.200000e-01 : f32
    %le3A_2377 = vector.broadcast %le3A_2376 : f32 to vector<1x512xf32>
    %le3A_2378 = arith.cmpf ole, %sub3A_2373, %le3A_2377 : vector<1x512xf32>
    %ge3A_2379 = arith.constant -1.200000e-01 : f32
    %ge3A_2380 = vector.broadcast %ge3A_2379 : f32 to vector<1x512xf32>
    %ge3A_2381 = arith.cmpf oge, %sub3A_2373, %ge3A_2380 : vector<1x512xf32>
    %and3A_2382 = arith.andi %le3A_2378, %ge3A_2381 : vector<1x512xi1>
    %le3A_2383 = arith.constant 1.200000e-01 : f32
    %le3A_2384 = vector.broadcast %le3A_2383 : f32 to vector<1x512xf32>
    %le3A_2385 = arith.cmpf ole, %sub3A_2374, %le3A_2384 : vector<1x512xf32>
    %and3A_2386 = arith.andi %and3A_2382, %le3A_2385 : vector<1x512xi1>
    %ge3A_2387 = arith.constant -1.200000e-01 : f32
    %ge3A_2388 = vector.broadcast %ge3A_2387 : f32 to vector<1x512xf32>
    %ge3A_2389 = arith.cmpf oge, %sub3A_2374, %ge3A_2388 : vector<1x512xf32>
    %and3A_2390 = arith.andi %and3A_2386, %ge3A_2389 : vector<1x512xi1>
    %le3A_2391 = arith.constant 1.200000e-01 : f32
    %le3A_2392 = vector.broadcast %le3A_2391 : f32 to vector<1x512xf32>
    %le3A_2393 = arith.cmpf ole, %sub3A_2375, %le3A_2392 : vector<1x512xf32>
    %and3A_2394 = arith.andi %and3A_2390, %le3A_2393 : vector<1x512xi1>
    %ge3A_2395 = arith.constant -1.200000e-01 : f32
    %ge3A_2396 = vector.broadcast %ge3A_2395 : f32 to vector<1x512xf32>
    %ge3A_2397 = arith.cmpf oge, %sub3A_2375, %ge3A_2396 : vector<1x512xf32>
    %and3A_2398 = arith.andi %and3A_2394, %ge3A_2397 : vector<1x512xi1>
    %select_n3A_2399 = arith.select %and3A_2398, %sub3A_2373, %sub3A_1899 : vector<1x512xi1>, vector<1x512xf32>
    %select_n3A_2400 = arith.select %and3A_2398, %sub3A_2374, %sub3A_1900 : vector<1x512xi1>, vector<1x512xf32>
    %select_n3A_2401 = arith.select %and3A_2398, %sub3A_2375, %sub3A_1901 : vector<1x512xi1>, vector<1x512xf32>
    %concatenate3A_2402 = tpu.concatenate %select_n3A_2399, %select_n3A_2400, %select_n3A_2401 in 0 : vector<1x512xf32>, vector<1x512xf32>, vector<1x512xf32> -> vector<3x512xf32>
    %convert_element_type3A_2403 = arith.truncf %get3A_1858 : vector<64x3xf32> to vector<64x3xbf16>
    %convert_element_type3A_2404 = arith.truncf %concatenate3A_2402 : vector<3x512xf32> to vector<3x512xbf16>
    %dot_general3A_2405 = arith.constant dense<0.000000e+00> : vector<64x512xf32>
    %dot_general3A_2406 = tpu.matmul %convert_element_type3A_2403, %convert_element_type3A_2404, %dot_general3A_2405 {dimension_numbers = #tpu.dot_dimension_numbers<[1], [0], [0], [1], [0, 0, 1, 1], [], []>, transpose_lhs_hint = false} : vector<64x3xbf16>, vector<3x512xbf16>, vector<64x512xf32> -> vector<64x512xf32>
    %add3A_2407 = vector.broadcast %get3A_1861 : vector<64x1xf32> to vector<64x512xf32>
    %add3A_2408 = arith.addf %dot_general3A_2406, %add3A_2407 : vector<64x512xf32>
    %max3A_2409 = arith.constant 0.000000e+00 : f32
    %max3A_2410 = vector.broadcast %max3A_2409 : f32 to vector<64x512xf32>
    %max3A_2411 = arith.maximumf %add3A_2408, %max3A_2410 : vector<64x512xf32>
    %convert_element_type3A_2412 = arith.truncf %get3A_1864 : vector<128x64xf32> to vector<128x64xbf16>
    %convert_element_type3A_2413 = arith.truncf %max3A_2411 : vector<64x512xf32> to vector<64x512xbf16>
    %dot_general3A_2414 = arith.constant dense<0.000000e+00> : vector<128x512xf32>
    %dot_general3A_2415 = tpu.matmul %convert_element_type3A_2412, %convert_element_type3A_2413, %dot_general3A_2414 {dimension_numbers = #tpu.dot_dimension_numbers<[1], [0], [0], [1], [0, 0, 1, 1], [], []>, transpose_lhs_hint = false} : vector<128x64xbf16>, vector<64x512xbf16>, vector<128x512xf32> -> vector<128x512xf32>
    %add3A_2416 = vector.broadcast %get3A_1867 : vector<128x1xf32> to vector<128x512xf32>
    %add3A_2417 = arith.addf %dot_general3A_2415, %add3A_2416 : vector<128x512xf32>
    %max3A_2418 = arith.maximumf %max3A_2338, %add3A_2417 : vector<128x512xf32>
    %reduce_min3A_2419 = arith.constant dense<0x7F800000> : vector<512xf32>
    %reduce_min3A_2420 = vector.multi_reduction <minimumf>, %select_n3A_2372, %reduce_min3A_2419 [0] : vector<512x512xf32> to vector<512xf32>
    %broadcast_in_dim3A_2421 = vector.shape_cast %reduce_min3A_2420 : vector<512xf32> to vector<1x512xf32>
    %eq3A_2422 = vector.broadcast %broadcast_in_dim3A_2421 : vector<1x512xf32> to vector<512x512xf32>
    %eq3A_2423 = arith.cmpf oeq, %select_n3A_2372, %eq3A_2422 : vector<512x512xf32>
    %jit3A_2424 = arith.constant 1.000000e+09 : f32
    %broadcast_in_dim3A_2425 = vector.broadcast %jit3A_2424 : f32 to vector<512x512xf32>
    %select_n3A_2426 = arith.select %eq3A_2423, %get3A_1846, %broadcast_in_dim3A_2425 : vector<512x512xi1>, vector<512x512xf32>
    %reduce_min3A_2427 = arith.constant dense<0x7F800000> : vector<512xf32>
    %reduce_min3A_2428 = vector.multi_reduction <minimumf>, %select_n3A_2426, %reduce_min3A_2427 [0] : vector<512x512xf32> to vector<512xf32>
    %broadcast_in_dim3A_2429 = vector.shape_cast %reduce_min3A_2428 : vector<512xf32> to vector<1x512xf32>
    %eq3A_2430 = vector.broadcast %broadcast_in_dim3A_2429 : vector<1x512xf32> to vector<512x512xf32>
    %eq3A_2431 = arith.cmpf oeq, %get3A_1846, %eq3A_2430 : vector<512x512xf32>
    %jit3A_2432 = arith.constant 0.000000e+00 : f32
    %broadcast_in_dim3A_2433 = vector.broadcast %jit3A_2432 : f32 to vector<512x512xf32>
    %select_n3A_2434 = arith.select %eq3A_2431, %get3A_1849, %broadcast_in_dim3A_2433 : vector<512x512xi1>, vector<512x512xf32>
    %reduce_sum3A_2435 = arith.constant dense<0.000000e+00> : vector<512xf32>
    %reduce_sum3A_2436 = vector.multi_reduction <add>, %select_n3A_2434, %reduce_sum3A_2435 [0] : vector<512x512xf32> to vector<512xf32>
    %broadcast_in_dim3A_2437 = vector.shape_cast %reduce_sum3A_2436 : vector<512xf32> to vector<1x512xf32>
    %jit3A_2438 = arith.constant 0.000000e+00 : f32
    %broadcast_in_dim3A_2439 = vector.broadcast %jit3A_2438 : f32 to vector<512x512xf32>
    %select_n3A_2440 = arith.select %eq3A_2431, %get3A_1852, %broadcast_in_dim3A_2439 : vector<512x512xi1>, vector<512x512xf32>
    %reduce_sum3A_2441 = arith.constant dense<0.000000e+00> : vector<512xf32>
    %reduce_sum3A_2442 = vector.multi_reduction <add>, %select_n3A_2440, %reduce_sum3A_2441 [0] : vector<512x512xf32> to vector<512xf32>
    %broadcast_in_dim3A_2443 = vector.shape_cast %reduce_sum3A_2442 : vector<512xf32> to vector<1x512xf32>
    %jit3A_2444 = arith.constant 0.000000e+00 : f32
    %broadcast_in_dim3A_2445 = vector.broadcast %jit3A_2444 : f32 to vector<512x512xf32>
    %select_n3A_2446 = arith.select %eq3A_2431, %get3A_1855, %broadcast_in_dim3A_2445 : vector<512x512xi1>, vector<512x512xf32>
    %reduce_sum3A_2447 = arith.constant dense<0.000000e+00> : vector<512xf32>
    %reduce_sum3A_2448 = vector.multi_reduction <add>, %select_n3A_2446, %reduce_sum3A_2447 [0] : vector<512x512xf32> to vector<512xf32>
    %broadcast_in_dim3A_2449 = vector.shape_cast %reduce_sum3A_2448 : vector<512xf32> to vector<1x512xf32>
    %jit3A_2450 = arith.constant 0x7F800000 : f32
    %broadcast_in_dim3A_2451 = vector.broadcast %jit3A_2450 : f32 to vector<512x512xf32>
    %select_n3A_2452 = arith.select %eq3A_2431, %broadcast_in_dim3A_2451, %select_n3A_2372 : vector<512x512xi1>, vector<512x512xf32>
    %sub3A_2453 = arith.subf %broadcast_in_dim3A_2437, %slice3A : vector<1x512xf32>
    %sub3A_2454 = arith.subf %broadcast_in_dim3A_2443, %slice3A_2 : vector<1x512xf32>
    %sub3A_2455 = arith.subf %broadcast_in_dim3A_2449, %slice3A_3 : vector<1x512xf32>
    %le3A_2456 = arith.constant 1.200000e-01 : f32
    %le3A_2457 = vector.broadcast %le3A_2456 : f32 to vector<1x512xf32>
    %le3A_2458 = arith.cmpf ole, %sub3A_2453, %le3A_2457 : vector<1x512xf32>
    %ge3A_2459 = arith.constant -1.200000e-01 : f32
    %ge3A_2460 = vector.broadcast %ge3A_2459 : f32 to vector<1x512xf32>
    %ge3A_2461 = arith.cmpf oge, %sub3A_2453, %ge3A_2460 : vector<1x512xf32>
    %and3A_2462 = arith.andi %le3A_2458, %ge3A_2461 : vector<1x512xi1>
    %le3A_2463 = arith.constant 1.200000e-01 : f32
    %le3A_2464 = vector.broadcast %le3A_2463 : f32 to vector<1x512xf32>
    %le3A_2465 = arith.cmpf ole, %sub3A_2454, %le3A_2464 : vector<1x512xf32>
    %and3A_2466 = arith.andi %and3A_2462, %le3A_2465 : vector<1x512xi1>
    %ge3A_2467 = arith.constant -1.200000e-01 : f32
    %ge3A_2468 = vector.broadcast %ge3A_2467 : f32 to vector<1x512xf32>
    %ge3A_2469 = arith.cmpf oge, %sub3A_2454, %ge3A_2468 : vector<1x512xf32>
    %and3A_2470 = arith.andi %and3A_2466, %ge3A_2469 : vector<1x512xi1>
    %le3A_2471 = arith.constant 1.200000e-01 : f32
    %le3A_2472 = vector.broadcast %le3A_2471 : f32 to vector<1x512xf32>
    %le3A_2473 = arith.cmpf ole, %sub3A_2455, %le3A_2472 : vector<1x512xf32>
    %and3A_2474 = arith.andi %and3A_2470, %le3A_2473 : vector<1x512xi1>
    %ge3A_2475 = arith.constant -1.200000e-01 : f32
    %ge3A_2476 = vector.broadcast %ge3A_2475 : f32 to vector<1x512xf32>
    %ge3A_2477 = arith.cmpf oge, %sub3A_2455, %ge3A_2476 : vector<1x512xf32>
    %and3A_2478 = arith.andi %and3A_2474, %ge3A_2477 : vector<1x512xi1>
    %select_n3A_2479 = arith.select %and3A_2478, %sub3A_2453, %sub3A_1899 : vector<1x512xi1>, vector<1x512xf32>
    %select_n3A_2480 = arith.select %and3A_2478, %sub3A_2454, %sub3A_1900 : vector<1x512xi1>, vector<1x512xf32>
    %select_n3A_2481 = arith.select %and3A_2478, %sub3A_2455, %sub3A_1901 : vector<1x512xi1>, vector<1x512xf32>
    %concatenate3A_2482 = tpu.concatenate %select_n3A_2479, %select_n3A_2480, %select_n3A_2481 in 0 : vector<1x512xf32>, vector<1x512xf32>, vector<1x512xf32> -> vector<3x512xf32>
    %convert_element_type3A_2483 = arith.truncf %get3A_1858 : vector<64x3xf32> to vector<64x3xbf16>
    %convert_element_type3A_2484 = arith.truncf %concatenate3A_2482 : vector<3x512xf32> to vector<3x512xbf16>
    %dot_general3A_2485 = arith.constant dense<0.000000e+00> : vector<64x512xf32>
    %dot_general3A_2486 = tpu.matmul %convert_element_type3A_2483, %convert_element_type3A_2484, %dot_general3A_2485 {dimension_numbers = #tpu.dot_dimension_numbers<[1], [0], [0], [1], [0, 0, 1, 1], [], []>, transpose_lhs_hint = false} : vector<64x3xbf16>, vector<3x512xbf16>, vector<64x512xf32> -> vector<64x512xf32>
    %add3A_2487 = vector.broadcast %get3A_1861 : vector<64x1xf32> to vector<64x512xf32>
    %add3A_2488 = arith.addf %dot_general3A_2486, %add3A_2487 : vector<64x512xf32>
    %max3A_2489 = arith.constant 0.000000e+00 : f32
    %max3A_2490 = vector.broadcast %max3A_2489 : f32 to vector<64x512xf32>
    %max3A_2491 = arith.maximumf %add3A_2488, %max3A_2490 : vector<64x512xf32>
    %convert_element_type3A_2492 = arith.truncf %get3A_1864 : vector<128x64xf32> to vector<128x64xbf16>
    %convert_element_type3A_2493 = arith.truncf %max3A_2491 : vector<64x512xf32> to vector<64x512xbf16>
    %dot_general3A_2494 = arith.constant dense<0.000000e+00> : vector<128x512xf32>
    %dot_general3A_2495 = tpu.matmul %convert_element_type3A_2492, %convert_element_type3A_2493, %dot_general3A_2494 {dimension_numbers = #tpu.dot_dimension_numbers<[1], [0], [0], [1], [0, 0, 1, 1], [], []>, transpose_lhs_hint = false} : vector<128x64xbf16>, vector<64x512xbf16>, vector<128x512xf32> -> vector<128x512xf32>
    %add3A_2496 = vector.broadcast %get3A_1867 : vector<128x1xf32> to vector<128x512xf32>
    %add3A_2497 = arith.addf %dot_general3A_2495, %add3A_2496 : vector<128x512xf32>
    %max3A_2498 = arith.maximumf %max3A_2418, %add3A_2497 : vector<128x512xf32>
    %reduce_min3A_2499 = arith.constant dense<0x7F800000> : vector<512xf32>
    %reduce_min3A_2500 = vector.multi_reduction <minimumf>, %select_n3A_2452, %reduce_min3A_2499 [0] : vector<512x512xf32> to vector<512xf32>
    %broadcast_in_dim3A_2501 = vector.shape_cast %reduce_min3A_2500 : vector<512xf32> to vector<1x512xf32>
    %eq3A_2502 = vector.broadcast %broadcast_in_dim3A_2501 : vector<1x512xf32> to vector<512x512xf32>
    %eq3A_2503 = arith.cmpf oeq, %select_n3A_2452, %eq3A_2502 : vector<512x512xf32>
    %jit3A_2504 = arith.constant 1.000000e+09 : f32
    %broadcast_in_dim3A_2505 = vector.broadcast %jit3A_2504 : f32 to vector<512x512xf32>
    %select_n3A_2506 = arith.select %eq3A_2503, %get3A_1846, %broadcast_in_dim3A_2505 : vector<512x512xi1>, vector<512x512xf32>
    %reduce_min3A_2507 = arith.constant dense<0x7F800000> : vector<512xf32>
    %reduce_min3A_2508 = vector.multi_reduction <minimumf>, %select_n3A_2506, %reduce_min3A_2507 [0] : vector<512x512xf32> to vector<512xf32>
    %broadcast_in_dim3A_2509 = vector.shape_cast %reduce_min3A_2508 : vector<512xf32> to vector<1x512xf32>
    %eq3A_2510 = vector.broadcast %broadcast_in_dim3A_2509 : vector<1x512xf32> to vector<512x512xf32>
    %eq3A_2511 = arith.cmpf oeq, %get3A_1846, %eq3A_2510 : vector<512x512xf32>
    %jit3A_2512 = arith.constant 0.000000e+00 : f32
    %broadcast_in_dim3A_2513 = vector.broadcast %jit3A_2512 : f32 to vector<512x512xf32>
    %select_n3A_2514 = arith.select %eq3A_2511, %get3A_1849, %broadcast_in_dim3A_2513 : vector<512x512xi1>, vector<512x512xf32>
    %reduce_sum3A_2515 = arith.constant dense<0.000000e+00> : vector<512xf32>
    %reduce_sum3A_2516 = vector.multi_reduction <add>, %select_n3A_2514, %reduce_sum3A_2515 [0] : vector<512x512xf32> to vector<512xf32>
    %broadcast_in_dim3A_2517 = vector.shape_cast %reduce_sum3A_2516 : vector<512xf32> to vector<1x512xf32>
    %jit3A_2518 = arith.constant 0.000000e+00 : f32
    %broadcast_in_dim3A_2519 = vector.broadcast %jit3A_2518 : f32 to vector<512x512xf32>
    %select_n3A_2520 = arith.select %eq3A_2511, %get3A_1852, %broadcast_in_dim3A_2519 : vector<512x512xi1>, vector<512x512xf32>
    %reduce_sum3A_2521 = arith.constant dense<0.000000e+00> : vector<512xf32>
    %reduce_sum3A_2522 = vector.multi_reduction <add>, %select_n3A_2520, %reduce_sum3A_2521 [0] : vector<512x512xf32> to vector<512xf32>
    %broadcast_in_dim3A_2523 = vector.shape_cast %reduce_sum3A_2522 : vector<512xf32> to vector<1x512xf32>
    %jit3A_2524 = arith.constant 0.000000e+00 : f32
    %broadcast_in_dim3A_2525 = vector.broadcast %jit3A_2524 : f32 to vector<512x512xf32>
    %select_n3A_2526 = arith.select %eq3A_2511, %get3A_1855, %broadcast_in_dim3A_2525 : vector<512x512xi1>, vector<512x512xf32>
    %reduce_sum3A_2527 = arith.constant dense<0.000000e+00> : vector<512xf32>
    %reduce_sum3A_2528 = vector.multi_reduction <add>, %select_n3A_2526, %reduce_sum3A_2527 [0] : vector<512x512xf32> to vector<512xf32>
    %broadcast_in_dim3A_2529 = vector.shape_cast %reduce_sum3A_2528 : vector<512xf32> to vector<1x512xf32>
    %jit3A_2530 = arith.constant 0x7F800000 : f32
    %broadcast_in_dim3A_2531 = vector.broadcast %jit3A_2530 : f32 to vector<512x512xf32>
    %select_n3A_2532 = arith.select %eq3A_2511, %broadcast_in_dim3A_2531, %select_n3A_2452 : vector<512x512xi1>, vector<512x512xf32>
    %sub3A_2533 = arith.subf %broadcast_in_dim3A_2517, %slice3A : vector<1x512xf32>
    %sub3A_2534 = arith.subf %broadcast_in_dim3A_2523, %slice3A_2 : vector<1x512xf32>
    %sub3A_2535 = arith.subf %broadcast_in_dim3A_2529, %slice3A_3 : vector<1x512xf32>
    %le3A_2536 = arith.constant 1.200000e-01 : f32
    %le3A_2537 = vector.broadcast %le3A_2536 : f32 to vector<1x512xf32>
    %le3A_2538 = arith.cmpf ole, %sub3A_2533, %le3A_2537 : vector<1x512xf32>
    %ge3A_2539 = arith.constant -1.200000e-01 : f32
    %ge3A_2540 = vector.broadcast %ge3A_2539 : f32 to vector<1x512xf32>
    %ge3A_2541 = arith.cmpf oge, %sub3A_2533, %ge3A_2540 : vector<1x512xf32>
    %and3A_2542 = arith.andi %le3A_2538, %ge3A_2541 : vector<1x512xi1>
    %le3A_2543 = arith.constant 1.200000e-01 : f32
    %le3A_2544 = vector.broadcast %le3A_2543 : f32 to vector<1x512xf32>
    %le3A_2545 = arith.cmpf ole, %sub3A_2534, %le3A_2544 : vector<1x512xf32>
    %and3A_2546 = arith.andi %and3A_2542, %le3A_2545 : vector<1x512xi1>
    %ge3A_2547 = arith.constant -1.200000e-01 : f32
    %ge3A_2548 = vector.broadcast %ge3A_2547 : f32 to vector<1x512xf32>
    %ge3A_2549 = arith.cmpf oge, %sub3A_2534, %ge3A_2548 : vector<1x512xf32>
    %and3A_2550 = arith.andi %and3A_2546, %ge3A_2549 : vector<1x512xi1>
    %le3A_2551 = arith.constant 1.200000e-01 : f32
    %le3A_2552 = vector.broadcast %le3A_2551 : f32 to vector<1x512xf32>
    %le3A_2553 = arith.cmpf ole, %sub3A_2535, %le3A_2552 : vector<1x512xf32>
    %and3A_2554 = arith.andi %and3A_2550, %le3A_2553 : vector<1x512xi1>
    %ge3A_2555 = arith.constant -1.200000e-01 : f32
    %ge3A_2556 = vector.broadcast %ge3A_2555 : f32 to vector<1x512xf32>
    %ge3A_2557 = arith.cmpf oge, %sub3A_2535, %ge3A_2556 : vector<1x512xf32>
    %and3A_2558 = arith.andi %and3A_2554, %ge3A_2557 : vector<1x512xi1>
    %select_n3A_2559 = arith.select %and3A_2558, %sub3A_2533, %sub3A_1899 : vector<1x512xi1>, vector<1x512xf32>
    %select_n3A_2560 = arith.select %and3A_2558, %sub3A_2534, %sub3A_1900 : vector<1x512xi1>, vector<1x512xf32>
    %select_n3A_2561 = arith.select %and3A_2558, %sub3A_2535, %sub3A_1901 : vector<1x512xi1>, vector<1x512xf32>
    %concatenate3A_2562 = tpu.concatenate %select_n3A_2559, %select_n3A_2560, %select_n3A_2561 in 0 : vector<1x512xf32>, vector<1x512xf32>, vector<1x512xf32> -> vector<3x512xf32>
    %convert_element_type3A_2563 = arith.truncf %get3A_1858 : vector<64x3xf32> to vector<64x3xbf16>
    %convert_element_type3A_2564 = arith.truncf %concatenate3A_2562 : vector<3x512xf32> to vector<3x512xbf16>
    %dot_general3A_2565 = arith.constant dense<0.000000e+00> : vector<64x512xf32>
    %dot_general3A_2566 = tpu.matmul %convert_element_type3A_2563, %convert_element_type3A_2564, %dot_general3A_2565 {dimension_numbers = #tpu.dot_dimension_numbers<[1], [0], [0], [1], [0, 0, 1, 1], [], []>, transpose_lhs_hint = false} : vector<64x3xbf16>, vector<3x512xbf16>, vector<64x512xf32> -> vector<64x512xf32>
    %add3A_2567 = vector.broadcast %get3A_1861 : vector<64x1xf32> to vector<64x512xf32>
    %add3A_2568 = arith.addf %dot_general3A_2566, %add3A_2567 : vector<64x512xf32>
    %max3A_2569 = arith.constant 0.000000e+00 : f32
    %max3A_2570 = vector.broadcast %max3A_2569 : f32 to vector<64x512xf32>
    %max3A_2571 = arith.maximumf %add3A_2568, %max3A_2570 : vector<64x512xf32>
    %convert_element_type3A_2572 = arith.truncf %get3A_1864 : vector<128x64xf32> to vector<128x64xbf16>
    %convert_element_type3A_2573 = arith.truncf %max3A_2571 : vector<64x512xf32> to vector<64x512xbf16>
    %dot_general3A_2574 = arith.constant dense<0.000000e+00> : vector<128x512xf32>
    %dot_general3A_2575 = tpu.matmul %convert_element_type3A_2572, %convert_element_type3A_2573, %dot_general3A_2574 {dimension_numbers = #tpu.dot_dimension_numbers<[1], [0], [0], [1], [0, 0, 1, 1], [], []>, transpose_lhs_hint = false} : vector<128x64xbf16>, vector<64x512xbf16>, vector<128x512xf32> -> vector<128x512xf32>
    %add3A_2576 = vector.broadcast %get3A_1867 : vector<128x1xf32> to vector<128x512xf32>
    %add3A_2577 = arith.addf %dot_general3A_2575, %add3A_2576 : vector<128x512xf32>
    %max3A_2578 = arith.maximumf %max3A_2498, %add3A_2577 : vector<128x512xf32>
    %reduce_min3A_2579 = arith.constant dense<0x7F800000> : vector<512xf32>
    %reduce_min3A_2580 = vector.multi_reduction <minimumf>, %select_n3A_2532, %reduce_min3A_2579 [0] : vector<512x512xf32> to vector<512xf32>
    %broadcast_in_dim3A_2581 = vector.shape_cast %reduce_min3A_2580 : vector<512xf32> to vector<1x512xf32>
    %eq3A_2582 = vector.broadcast %broadcast_in_dim3A_2581 : vector<1x512xf32> to vector<512x512xf32>
    %eq3A_2583 = arith.cmpf oeq, %select_n3A_2532, %eq3A_2582 : vector<512x512xf32>
    %jit3A_2584 = arith.constant 1.000000e+09 : f32
    %broadcast_in_dim3A_2585 = vector.broadcast %jit3A_2584 : f32 to vector<512x512xf32>
    %select_n3A_2586 = arith.select %eq3A_2583, %get3A_1846, %broadcast_in_dim3A_2585 : vector<512x512xi1>, vector<512x512xf32>
    %reduce_min3A_2587 = arith.constant dense<0x7F800000> : vector<512xf32>
    %reduce_min3A_2588 = vector.multi_reduction <minimumf>, %select_n3A_2586, %reduce_min3A_2587 [0] : vector<512x512xf32> to vector<512xf32>
    %broadcast_in_dim3A_2589 = vector.shape_cast %reduce_min3A_2588 : vector<512xf32> to vector<1x512xf32>
    %eq3A_2590 = vector.broadcast %broadcast_in_dim3A_2589 : vector<1x512xf32> to vector<512x512xf32>
    %eq3A_2591 = arith.cmpf oeq, %get3A_1846, %eq3A_2590 : vector<512x512xf32>
    %jit3A_2592 = arith.constant 0.000000e+00 : f32
    %broadcast_in_dim3A_2593 = vector.broadcast %jit3A_2592 : f32 to vector<512x512xf32>
    %select_n3A_2594 = arith.select %eq3A_2591, %get3A_1849, %broadcast_in_dim3A_2593 : vector<512x512xi1>, vector<512x512xf32>
    %reduce_sum3A_2595 = arith.constant dense<0.000000e+00> : vector<512xf32>
    %reduce_sum3A_2596 = vector.multi_reduction <add>, %select_n3A_2594, %reduce_sum3A_2595 [0] : vector<512x512xf32> to vector<512xf32>
    %broadcast_in_dim3A_2597 = vector.shape_cast %reduce_sum3A_2596 : vector<512xf32> to vector<1x512xf32>
    %jit3A_2598 = arith.constant 0.000000e+00 : f32
    %broadcast_in_dim3A_2599 = vector.broadcast %jit3A_2598 : f32 to vector<512x512xf32>
    %select_n3A_2600 = arith.select %eq3A_2591, %get3A_1852, %broadcast_in_dim3A_2599 : vector<512x512xi1>, vector<512x512xf32>
    %reduce_sum3A_2601 = arith.constant dense<0.000000e+00> : vector<512xf32>
    %reduce_sum3A_2602 = vector.multi_reduction <add>, %select_n3A_2600, %reduce_sum3A_2601 [0] : vector<512x512xf32> to vector<512xf32>
    %broadcast_in_dim3A_2603 = vector.shape_cast %reduce_sum3A_2602 : vector<512xf32> to vector<1x512xf32>
    %jit3A_2604 = arith.constant 0.000000e+00 : f32
    %broadcast_in_dim3A_2605 = vector.broadcast %jit3A_2604 : f32 to vector<512x512xf32>
    %select_n3A_2606 = arith.select %eq3A_2591, %get3A_1855, %broadcast_in_dim3A_2605 : vector<512x512xi1>, vector<512x512xf32>
    %reduce_sum3A_2607 = arith.constant dense<0.000000e+00> : vector<512xf32>
    %reduce_sum3A_2608 = vector.multi_reduction <add>, %select_n3A_2606, %reduce_sum3A_2607 [0] : vector<512x512xf32> to vector<512xf32>
    %broadcast_in_dim3A_2609 = vector.shape_cast %reduce_sum3A_2608 : vector<512xf32> to vector<1x512xf32>
    %jit3A_2610 = arith.constant 0x7F800000 : f32
    %broadcast_in_dim3A_2611 = vector.broadcast %jit3A_2610 : f32 to vector<512x512xf32>
    %select_n3A_2612 = arith.select %eq3A_2591, %broadcast_in_dim3A_2611, %select_n3A_2532 : vector<512x512xi1>, vector<512x512xf32>
    %sub3A_2613 = arith.subf %broadcast_in_dim3A_2597, %slice3A : vector<1x512xf32>
    %sub3A_2614 = arith.subf %broadcast_in_dim3A_2603, %slice3A_2 : vector<1x512xf32>
    %sub3A_2615 = arith.subf %broadcast_in_dim3A_2609, %slice3A_3 : vector<1x512xf32>
    %le3A_2616 = arith.constant 1.200000e-01 : f32
    %le3A_2617 = vector.broadcast %le3A_2616 : f32 to vector<1x512xf32>
    %le3A_2618 = arith.cmpf ole, %sub3A_2613, %le3A_2617 : vector<1x512xf32>
    %ge3A_2619 = arith.constant -1.200000e-01 : f32
    %ge3A_2620 = vector.broadcast %ge3A_2619 : f32 to vector<1x512xf32>
    %ge3A_2621 = arith.cmpf oge, %sub3A_2613, %ge3A_2620 : vector<1x512xf32>
    %and3A_2622 = arith.andi %le3A_2618, %ge3A_2621 : vector<1x512xi1>
    %le3A_2623 = arith.constant 1.200000e-01 : f32
    %le3A_2624 = vector.broadcast %le3A_2623 : f32 to vector<1x512xf32>
    %le3A_2625 = arith.cmpf ole, %sub3A_2614, %le3A_2624 : vector<1x512xf32>
    %and3A_2626 = arith.andi %and3A_2622, %le3A_2625 : vector<1x512xi1>
    %ge3A_2627 = arith.constant -1.200000e-01 : f32
    %ge3A_2628 = vector.broadcast %ge3A_2627 : f32 to vector<1x512xf32>
    %ge3A_2629 = arith.cmpf oge, %sub3A_2614, %ge3A_2628 : vector<1x512xf32>
    %and3A_2630 = arith.andi %and3A_2626, %ge3A_2629 : vector<1x512xi1>
    %le3A_2631 = arith.constant 1.200000e-01 : f32
    %le3A_2632 = vector.broadcast %le3A_2631 : f32 to vector<1x512xf32>
    %le3A_2633 = arith.cmpf ole, %sub3A_2615, %le3A_2632 : vector<1x512xf32>
    %and3A_2634 = arith.andi %and3A_2630, %le3A_2633 : vector<1x512xi1>
    %ge3A_2635 = arith.constant -1.200000e-01 : f32
    %ge3A_2636 = vector.broadcast %ge3A_2635 : f32 to vector<1x512xf32>
    %ge3A_2637 = arith.cmpf oge, %sub3A_2615, %ge3A_2636 : vector<1x512xf32>
    %and3A_2638 = arith.andi %and3A_2634, %ge3A_2637 : vector<1x512xi1>
    %select_n3A_2639 = arith.select %and3A_2638, %sub3A_2613, %sub3A_1899 : vector<1x512xi1>, vector<1x512xf32>
    %select_n3A_2640 = arith.select %and3A_2638, %sub3A_2614, %sub3A_1900 : vector<1x512xi1>, vector<1x512xf32>
    %select_n3A_2641 = arith.select %and3A_2638, %sub3A_2615, %sub3A_1901 : vector<1x512xi1>, vector<1x512xf32>
    %concatenate3A_2642 = tpu.concatenate %select_n3A_2639, %select_n3A_2640, %select_n3A_2641 in 0 : vector<1x512xf32>, vector<1x512xf32>, vector<1x512xf32> -> vector<3x512xf32>
    %convert_element_type3A_2643 = arith.truncf %get3A_1858 : vector<64x3xf32> to vector<64x3xbf16>
    %convert_element_type3A_2644 = arith.truncf %concatenate3A_2642 : vector<3x512xf32> to vector<3x512xbf16>
    %dot_general3A_2645 = arith.constant dense<0.000000e+00> : vector<64x512xf32>
    %dot_general3A_2646 = tpu.matmul %convert_element_type3A_2643, %convert_element_type3A_2644, %dot_general3A_2645 {dimension_numbers = #tpu.dot_dimension_numbers<[1], [0], [0], [1], [0, 0, 1, 1], [], []>, transpose_lhs_hint = false} : vector<64x3xbf16>, vector<3x512xbf16>, vector<64x512xf32> -> vector<64x512xf32>
    %add3A_2647 = vector.broadcast %get3A_1861 : vector<64x1xf32> to vector<64x512xf32>
    %add3A_2648 = arith.addf %dot_general3A_2646, %add3A_2647 : vector<64x512xf32>
    %max3A_2649 = arith.constant 0.000000e+00 : f32
    %max3A_2650 = vector.broadcast %max3A_2649 : f32 to vector<64x512xf32>
    %max3A_2651 = arith.maximumf %add3A_2648, %max3A_2650 : vector<64x512xf32>
    %convert_element_type3A_2652 = arith.truncf %get3A_1864 : vector<128x64xf32> to vector<128x64xbf16>
    %convert_element_type3A_2653 = arith.truncf %max3A_2651 : vector<64x512xf32> to vector<64x512xbf16>
    %dot_general3A_2654 = arith.constant dense<0.000000e+00> : vector<128x512xf32>
    %dot_general3A_2655 = tpu.matmul %convert_element_type3A_2652, %convert_element_type3A_2653, %dot_general3A_2654 {dimension_numbers = #tpu.dot_dimension_numbers<[1], [0], [0], [1], [0, 0, 1, 1], [], []>, transpose_lhs_hint = false} : vector<128x64xbf16>, vector<64x512xbf16>, vector<128x512xf32> -> vector<128x512xf32>
    %add3A_2656 = vector.broadcast %get3A_1867 : vector<128x1xf32> to vector<128x512xf32>
    %add3A_2657 = arith.addf %dot_general3A_2655, %add3A_2656 : vector<128x512xf32>
    %max3A_2658 = arith.maximumf %max3A_2578, %add3A_2657 : vector<128x512xf32>
    %reduce_min3A_2659 = arith.constant dense<0x7F800000> : vector<512xf32>
    %reduce_min3A_2660 = vector.multi_reduction <minimumf>, %select_n3A_2612, %reduce_min3A_2659 [0] : vector<512x512xf32> to vector<512xf32>
    %broadcast_in_dim3A_2661 = vector.shape_cast %reduce_min3A_2660 : vector<512xf32> to vector<1x512xf32>
    %eq3A_2662 = vector.broadcast %broadcast_in_dim3A_2661 : vector<1x512xf32> to vector<512x512xf32>
    %eq3A_2663 = arith.cmpf oeq, %select_n3A_2612, %eq3A_2662 : vector<512x512xf32>
    %jit3A_2664 = arith.constant 1.000000e+09 : f32
    %broadcast_in_dim3A_2665 = vector.broadcast %jit3A_2664 : f32 to vector<512x512xf32>
    %select_n3A_2666 = arith.select %eq3A_2663, %get3A_1846, %broadcast_in_dim3A_2665 : vector<512x512xi1>, vector<512x512xf32>
    %reduce_min3A_2667 = arith.constant dense<0x7F800000> : vector<512xf32>
    %reduce_min3A_2668 = vector.multi_reduction <minimumf>, %select_n3A_2666, %reduce_min3A_2667 [0] : vector<512x512xf32> to vector<512xf32>
    %broadcast_in_dim3A_2669 = vector.shape_cast %reduce_min3A_2668 : vector<512xf32> to vector<1x512xf32>
    %eq3A_2670 = vector.broadcast %broadcast_in_dim3A_2669 : vector<1x512xf32> to vector<512x512xf32>
    %eq3A_2671 = arith.cmpf oeq, %get3A_1846, %eq3A_2670 : vector<512x512xf32>
    %jit3A_2672 = arith.constant 0.000000e+00 : f32
    %broadcast_in_dim3A_2673 = vector.broadcast %jit3A_2672 : f32 to vector<512x512xf32>
    %select_n3A_2674 = arith.select %eq3A_2671, %get3A_1849, %broadcast_in_dim3A_2673 : vector<512x512xi1>, vector<512x512xf32>
    %reduce_sum3A_2675 = arith.constant dense<0.000000e+00> : vector<512xf32>
    %reduce_sum3A_2676 = vector.multi_reduction <add>, %select_n3A_2674, %reduce_sum3A_2675 [0] : vector<512x512xf32> to vector<512xf32>
    %broadcast_in_dim3A_2677 = vector.shape_cast %reduce_sum3A_2676 : vector<512xf32> to vector<1x512xf32>
    %jit3A_2678 = arith.constant 0.000000e+00 : f32
    %broadcast_in_dim3A_2679 = vector.broadcast %jit3A_2678 : f32 to vector<512x512xf32>
    %select_n3A_2680 = arith.select %eq3A_2671, %get3A_1852, %broadcast_in_dim3A_2679 : vector<512x512xi1>, vector<512x512xf32>
    %reduce_sum3A_2681 = arith.constant dense<0.000000e+00> : vector<512xf32>
    %reduce_sum3A_2682 = vector.multi_reduction <add>, %select_n3A_2680, %reduce_sum3A_2681 [0] : vector<512x512xf32> to vector<512xf32>
    %broadcast_in_dim3A_2683 = vector.shape_cast %reduce_sum3A_2682 : vector<512xf32> to vector<1x512xf32>
    %jit3A_2684 = arith.constant 0.000000e+00 : f32
    %broadcast_in_dim3A_2685 = vector.broadcast %jit3A_2684 : f32 to vector<512x512xf32>
    %select_n3A_2686 = arith.select %eq3A_2671, %get3A_1855, %broadcast_in_dim3A_2685 : vector<512x512xi1>, vector<512x512xf32>
    %reduce_sum3A_2687 = arith.constant dense<0.000000e+00> : vector<512xf32>
    %reduce_sum3A_2688 = vector.multi_reduction <add>, %select_n3A_2686, %reduce_sum3A_2687 [0] : vector<512x512xf32> to vector<512xf32>
    %broadcast_in_dim3A_2689 = vector.shape_cast %reduce_sum3A_2688 : vector<512xf32> to vector<1x512xf32>
    %jit3A_2690 = arith.constant 0x7F800000 : f32
    %broadcast_in_dim3A_2691 = vector.broadcast %jit3A_2690 : f32 to vector<512x512xf32>
    %select_n3A_2692 = arith.select %eq3A_2671, %broadcast_in_dim3A_2691, %select_n3A_2612 : vector<512x512xi1>, vector<512x512xf32>
    %sub3A_2693 = arith.subf %broadcast_in_dim3A_2677, %slice3A : vector<1x512xf32>
    %sub3A_2694 = arith.subf %broadcast_in_dim3A_2683, %slice3A_2 : vector<1x512xf32>
    %sub3A_2695 = arith.subf %broadcast_in_dim3A_2689, %slice3A_3 : vector<1x512xf32>
    %le3A_2696 = arith.constant 1.200000e-01 : f32
    %le3A_2697 = vector.broadcast %le3A_2696 : f32 to vector<1x512xf32>
    %le3A_2698 = arith.cmpf ole, %sub3A_2693, %le3A_2697 : vector<1x512xf32>
    %ge3A_2699 = arith.constant -1.200000e-01 : f32
    %ge3A_2700 = vector.broadcast %ge3A_2699 : f32 to vector<1x512xf32>
    %ge3A_2701 = arith.cmpf oge, %sub3A_2693, %ge3A_2700 : vector<1x512xf32>
    %and3A_2702 = arith.andi %le3A_2698, %ge3A_2701 : vector<1x512xi1>
    %le3A_2703 = arith.constant 1.200000e-01 : f32
    %le3A_2704 = vector.broadcast %le3A_2703 : f32 to vector<1x512xf32>
    %le3A_2705 = arith.cmpf ole, %sub3A_2694, %le3A_2704 : vector<1x512xf32>
    %and3A_2706 = arith.andi %and3A_2702, %le3A_2705 : vector<1x512xi1>
    %ge3A_2707 = arith.constant -1.200000e-01 : f32
    %ge3A_2708 = vector.broadcast %ge3A_2707 : f32 to vector<1x512xf32>
    %ge3A_2709 = arith.cmpf oge, %sub3A_2694, %ge3A_2708 : vector<1x512xf32>
    %and3A_2710 = arith.andi %and3A_2706, %ge3A_2709 : vector<1x512xi1>
    %le3A_2711 = arith.constant 1.200000e-01 : f32
    %le3A_2712 = vector.broadcast %le3A_2711 : f32 to vector<1x512xf32>
    %le3A_2713 = arith.cmpf ole, %sub3A_2695, %le3A_2712 : vector<1x512xf32>
    %and3A_2714 = arith.andi %and3A_2710, %le3A_2713 : vector<1x512xi1>
    %ge3A_2715 = arith.constant -1.200000e-01 : f32
    %ge3A_2716 = vector.broadcast %ge3A_2715 : f32 to vector<1x512xf32>
    %ge3A_2717 = arith.cmpf oge, %sub3A_2695, %ge3A_2716 : vector<1x512xf32>
    %and3A_2718 = arith.andi %and3A_2714, %ge3A_2717 : vector<1x512xi1>
    %select_n3A_2719 = arith.select %and3A_2718, %sub3A_2693, %sub3A_1899 : vector<1x512xi1>, vector<1x512xf32>
    %select_n3A_2720 = arith.select %and3A_2718, %sub3A_2694, %sub3A_1900 : vector<1x512xi1>, vector<1x512xf32>
    %select_n3A_2721 = arith.select %and3A_2718, %sub3A_2695, %sub3A_1901 : vector<1x512xi1>, vector<1x512xf32>
    %concatenate3A_2722 = tpu.concatenate %select_n3A_2719, %select_n3A_2720, %select_n3A_2721 in 0 : vector<1x512xf32>, vector<1x512xf32>, vector<1x512xf32> -> vector<3x512xf32>
    %convert_element_type3A_2723 = arith.truncf %get3A_1858 : vector<64x3xf32> to vector<64x3xbf16>
    %convert_element_type3A_2724 = arith.truncf %concatenate3A_2722 : vector<3x512xf32> to vector<3x512xbf16>
    %dot_general3A_2725 = arith.constant dense<0.000000e+00> : vector<64x512xf32>
    %dot_general3A_2726 = tpu.matmul %convert_element_type3A_2723, %convert_element_type3A_2724, %dot_general3A_2725 {dimension_numbers = #tpu.dot_dimension_numbers<[1], [0], [0], [1], [0, 0, 1, 1], [], []>, transpose_lhs_hint = false} : vector<64x3xbf16>, vector<3x512xbf16>, vector<64x512xf32> -> vector<64x512xf32>
    %add3A_2727 = vector.broadcast %get3A_1861 : vector<64x1xf32> to vector<64x512xf32>
    %add3A_2728 = arith.addf %dot_general3A_2726, %add3A_2727 : vector<64x512xf32>
    %max3A_2729 = arith.constant 0.000000e+00 : f32
    %max3A_2730 = vector.broadcast %max3A_2729 : f32 to vector<64x512xf32>
    %max3A_2731 = arith.maximumf %add3A_2728, %max3A_2730 : vector<64x512xf32>
    %convert_element_type3A_2732 = arith.truncf %get3A_1864 : vector<128x64xf32> to vector<128x64xbf16>
    %convert_element_type3A_2733 = arith.truncf %max3A_2731 : vector<64x512xf32> to vector<64x512xbf16>
    %dot_general3A_2734 = arith.constant dense<0.000000e+00> : vector<128x512xf32>
    %dot_general3A_2735 = tpu.matmul %convert_element_type3A_2732, %convert_element_type3A_2733, %dot_general3A_2734 {dimension_numbers = #tpu.dot_dimension_numbers<[1], [0], [0], [1], [0, 0, 1, 1], [], []>, transpose_lhs_hint = false} : vector<128x64xbf16>, vector<64x512xbf16>, vector<128x512xf32> -> vector<128x512xf32>
    %add3A_2736 = vector.broadcast %get3A_1867 : vector<128x1xf32> to vector<128x512xf32>
    %add3A_2737 = arith.addf %dot_general3A_2735, %add3A_2736 : vector<128x512xf32>
    %max3A_2738 = arith.maximumf %max3A_2658, %add3A_2737 : vector<128x512xf32>
    %reduce_min3A_2739 = arith.constant dense<0x7F800000> : vector<512xf32>
    %reduce_min3A_2740 = vector.multi_reduction <minimumf>, %select_n3A_2692, %reduce_min3A_2739 [0] : vector<512x512xf32> to vector<512xf32>
    %broadcast_in_dim3A_2741 = vector.shape_cast %reduce_min3A_2740 : vector<512xf32> to vector<1x512xf32>
    %eq3A_2742 = vector.broadcast %broadcast_in_dim3A_2741 : vector<1x512xf32> to vector<512x512xf32>
    %eq3A_2743 = arith.cmpf oeq, %select_n3A_2692, %eq3A_2742 : vector<512x512xf32>
    %jit3A_2744 = arith.constant 1.000000e+09 : f32
    %broadcast_in_dim3A_2745 = vector.broadcast %jit3A_2744 : f32 to vector<512x512xf32>
    %select_n3A_2746 = arith.select %eq3A_2743, %get3A_1846, %broadcast_in_dim3A_2745 : vector<512x512xi1>, vector<512x512xf32>
    %reduce_min3A_2747 = arith.constant dense<0x7F800000> : vector<512xf32>
    %reduce_min3A_2748 = vector.multi_reduction <minimumf>, %select_n3A_2746, %reduce_min3A_2747 [0] : vector<512x512xf32> to vector<512xf32>
    %broadcast_in_dim3A_2749 = vector.shape_cast %reduce_min3A_2748 : vector<512xf32> to vector<1x512xf32>
    %eq3A_2750 = vector.broadcast %broadcast_in_dim3A_2749 : vector<1x512xf32> to vector<512x512xf32>
    %eq3A_2751 = arith.cmpf oeq, %get3A_1846, %eq3A_2750 : vector<512x512xf32>
    %jit3A_2752 = arith.constant 0.000000e+00 : f32
    %broadcast_in_dim3A_2753 = vector.broadcast %jit3A_2752 : f32 to vector<512x512xf32>
    %select_n3A_2754 = arith.select %eq3A_2751, %get3A_1849, %broadcast_in_dim3A_2753 : vector<512x512xi1>, vector<512x512xf32>
    %reduce_sum3A_2755 = arith.constant dense<0.000000e+00> : vector<512xf32>
    %reduce_sum3A_2756 = vector.multi_reduction <add>, %select_n3A_2754, %reduce_sum3A_2755 [0] : vector<512x512xf32> to vector<512xf32>
    %broadcast_in_dim3A_2757 = vector.shape_cast %reduce_sum3A_2756 : vector<512xf32> to vector<1x512xf32>
    %jit3A_2758 = arith.constant 0.000000e+00 : f32
    %broadcast_in_dim3A_2759 = vector.broadcast %jit3A_2758 : f32 to vector<512x512xf32>
    %select_n3A_2760 = arith.select %eq3A_2751, %get3A_1852, %broadcast_in_dim3A_2759 : vector<512x512xi1>, vector<512x512xf32>
    %reduce_sum3A_2761 = arith.constant dense<0.000000e+00> : vector<512xf32>
    %reduce_sum3A_2762 = vector.multi_reduction <add>, %select_n3A_2760, %reduce_sum3A_2761 [0] : vector<512x512xf32> to vector<512xf32>
    %broadcast_in_dim3A_2763 = vector.shape_cast %reduce_sum3A_2762 : vector<512xf32> to vector<1x512xf32>
    %jit3A_2764 = arith.constant 0.000000e+00 : f32
    %broadcast_in_dim3A_2765 = vector.broadcast %jit3A_2764 : f32 to vector<512x512xf32>
    %select_n3A_2766 = arith.select %eq3A_2751, %get3A_1855, %broadcast_in_dim3A_2765 : vector<512x512xi1>, vector<512x512xf32>
    %reduce_sum3A_2767 = arith.constant dense<0.000000e+00> : vector<512xf32>
    %reduce_sum3A_2768 = vector.multi_reduction <add>, %select_n3A_2766, %reduce_sum3A_2767 [0] : vector<512x512xf32> to vector<512xf32>
    %broadcast_in_dim3A_2769 = vector.shape_cast %reduce_sum3A_2768 : vector<512xf32> to vector<1x512xf32>
    %jit3A_2770 = arith.constant 0x7F800000 : f32
    %broadcast_in_dim3A_2771 = vector.broadcast %jit3A_2770 : f32 to vector<512x512xf32>
    %select_n3A_2772 = arith.select %eq3A_2751, %broadcast_in_dim3A_2771, %select_n3A_2692 : vector<512x512xi1>, vector<512x512xf32>
    %sub3A_2773 = arith.subf %broadcast_in_dim3A_2757, %slice3A : vector<1x512xf32>
    %sub3A_2774 = arith.subf %broadcast_in_dim3A_2763, %slice3A_2 : vector<1x512xf32>
    %sub3A_2775 = arith.subf %broadcast_in_dim3A_2769, %slice3A_3 : vector<1x512xf32>
    %le3A_2776 = arith.constant 1.200000e-01 : f32
    %le3A_2777 = vector.broadcast %le3A_2776 : f32 to vector<1x512xf32>
    %le3A_2778 = arith.cmpf ole, %sub3A_2773, %le3A_2777 : vector<1x512xf32>
    %ge3A_2779 = arith.constant -1.200000e-01 : f32
    %ge3A_2780 = vector.broadcast %ge3A_2779 : f32 to vector<1x512xf32>
    %ge3A_2781 = arith.cmpf oge, %sub3A_2773, %ge3A_2780 : vector<1x512xf32>
    %and3A_2782 = arith.andi %le3A_2778, %ge3A_2781 : vector<1x512xi1>
    %le3A_2783 = arith.constant 1.200000e-01 : f32
    %le3A_2784 = vector.broadcast %le3A_2783 : f32 to vector<1x512xf32>
    %le3A_2785 = arith.cmpf ole, %sub3A_2774, %le3A_2784 : vector<1x512xf32>
    %and3A_2786 = arith.andi %and3A_2782, %le3A_2785 : vector<1x512xi1>
    %ge3A_2787 = arith.constant -1.200000e-01 : f32
    %ge3A_2788 = vector.broadcast %ge3A_2787 : f32 to vector<1x512xf32>
    %ge3A_2789 = arith.cmpf oge, %sub3A_2774, %ge3A_2788 : vector<1x512xf32>
    %and3A_2790 = arith.andi %and3A_2786, %ge3A_2789 : vector<1x512xi1>
    %le3A_2791 = arith.constant 1.200000e-01 : f32
    %le3A_2792 = vector.broadcast %le3A_2791 : f32 to vector<1x512xf32>
    %le3A_2793 = arith.cmpf ole, %sub3A_2775, %le3A_2792 : vector<1x512xf32>
    %and3A_2794 = arith.andi %and3A_2790, %le3A_2793 : vector<1x512xi1>
    %ge3A_2795 = arith.constant -1.200000e-01 : f32
    %ge3A_2796 = vector.broadcast %ge3A_2795 : f32 to vector<1x512xf32>
    %ge3A_2797 = arith.cmpf oge, %sub3A_2775, %ge3A_2796 : vector<1x512xf32>
    %and3A_2798 = arith.andi %and3A_2794, %ge3A_2797 : vector<1x512xi1>
    %select_n3A_2799 = arith.select %and3A_2798, %sub3A_2773, %sub3A_1899 : vector<1x512xi1>, vector<1x512xf32>
    %select_n3A_2800 = arith.select %and3A_2798, %sub3A_2774, %sub3A_1900 : vector<1x512xi1>, vector<1x512xf32>
    %select_n3A_2801 = arith.select %and3A_2798, %sub3A_2775, %sub3A_1901 : vector<1x512xi1>, vector<1x512xf32>
    %concatenate3A_2802 = tpu.concatenate %select_n3A_2799, %select_n3A_2800, %select_n3A_2801 in 0 : vector<1x512xf32>, vector<1x512xf32>, vector<1x512xf32> -> vector<3x512xf32>
    %convert_element_type3A_2803 = arith.truncf %get3A_1858 : vector<64x3xf32> to vector<64x3xbf16>
    %convert_element_type3A_2804 = arith.truncf %concatenate3A_2802 : vector<3x512xf32> to vector<3x512xbf16>
    %dot_general3A_2805 = arith.constant dense<0.000000e+00> : vector<64x512xf32>
    %dot_general3A_2806 = tpu.matmul %convert_element_type3A_2803, %convert_element_type3A_2804, %dot_general3A_2805 {dimension_numbers = #tpu.dot_dimension_numbers<[1], [0], [0], [1], [0, 0, 1, 1], [], []>, transpose_lhs_hint = false} : vector<64x3xbf16>, vector<3x512xbf16>, vector<64x512xf32> -> vector<64x512xf32>
    %add3A_2807 = vector.broadcast %get3A_1861 : vector<64x1xf32> to vector<64x512xf32>
    %add3A_2808 = arith.addf %dot_general3A_2806, %add3A_2807 : vector<64x512xf32>
    %max3A_2809 = arith.constant 0.000000e+00 : f32
    %max3A_2810 = vector.broadcast %max3A_2809 : f32 to vector<64x512xf32>
    %max3A_2811 = arith.maximumf %add3A_2808, %max3A_2810 : vector<64x512xf32>
    %convert_element_type3A_2812 = arith.truncf %get3A_1864 : vector<128x64xf32> to vector<128x64xbf16>
    %convert_element_type3A_2813 = arith.truncf %max3A_2811 : vector<64x512xf32> to vector<64x512xbf16>
    %dot_general3A_2814 = arith.constant dense<0.000000e+00> : vector<128x512xf32>
    %dot_general3A_2815 = tpu.matmul %convert_element_type3A_2812, %convert_element_type3A_2813, %dot_general3A_2814 {dimension_numbers = #tpu.dot_dimension_numbers<[1], [0], [0], [1], [0, 0, 1, 1], [], []>, transpose_lhs_hint = false} : vector<128x64xbf16>, vector<64x512xbf16>, vector<128x512xf32> -> vector<128x512xf32>
    %add3A_2816 = vector.broadcast %get3A_1867 : vector<128x1xf32> to vector<128x512xf32>
    %add3A_2817 = arith.addf %dot_general3A_2815, %add3A_2816 : vector<128x512xf32>
    %max3A_2818 = arith.maximumf %max3A_2738, %add3A_2817 : vector<128x512xf32>
    %reduce_min3A_2819 = arith.constant dense<0x7F800000> : vector<512xf32>
    %reduce_min3A_2820 = vector.multi_reduction <minimumf>, %select_n3A_2772, %reduce_min3A_2819 [0] : vector<512x512xf32> to vector<512xf32>
    %broadcast_in_dim3A_2821 = vector.shape_cast %reduce_min3A_2820 : vector<512xf32> to vector<1x512xf32>
    %eq3A_2822 = vector.broadcast %broadcast_in_dim3A_2821 : vector<1x512xf32> to vector<512x512xf32>
    %eq3A_2823 = arith.cmpf oeq, %select_n3A_2772, %eq3A_2822 : vector<512x512xf32>
    %jit3A_2824 = arith.constant 1.000000e+09 : f32
    %broadcast_in_dim3A_2825 = vector.broadcast %jit3A_2824 : f32 to vector<512x512xf32>
    %select_n3A_2826 = arith.select %eq3A_2823, %get3A_1846, %broadcast_in_dim3A_2825 : vector<512x512xi1>, vector<512x512xf32>
    %reduce_min3A_2827 = arith.constant dense<0x7F800000> : vector<512xf32>
    %reduce_min3A_2828 = vector.multi_reduction <minimumf>, %select_n3A_2826, %reduce_min3A_2827 [0] : vector<512x512xf32> to vector<512xf32>
    %broadcast_in_dim3A_2829 = vector.shape_cast %reduce_min3A_2828 : vector<512xf32> to vector<1x512xf32>
    %eq3A_2830 = vector.broadcast %broadcast_in_dim3A_2829 : vector<1x512xf32> to vector<512x512xf32>
    %eq3A_2831 = arith.cmpf oeq, %get3A_1846, %eq3A_2830 : vector<512x512xf32>
    %jit3A_2832 = arith.constant 0.000000e+00 : f32
    %broadcast_in_dim3A_2833 = vector.broadcast %jit3A_2832 : f32 to vector<512x512xf32>
    %select_n3A_2834 = arith.select %eq3A_2831, %get3A_1849, %broadcast_in_dim3A_2833 : vector<512x512xi1>, vector<512x512xf32>
    %reduce_sum3A_2835 = arith.constant dense<0.000000e+00> : vector<512xf32>
    %reduce_sum3A_2836 = vector.multi_reduction <add>, %select_n3A_2834, %reduce_sum3A_2835 [0] : vector<512x512xf32> to vector<512xf32>
    %broadcast_in_dim3A_2837 = vector.shape_cast %reduce_sum3A_2836 : vector<512xf32> to vector<1x512xf32>
    %jit3A_2838 = arith.constant 0.000000e+00 : f32
    %broadcast_in_dim3A_2839 = vector.broadcast %jit3A_2838 : f32 to vector<512x512xf32>
    %select_n3A_2840 = arith.select %eq3A_2831, %get3A_1852, %broadcast_in_dim3A_2839 : vector<512x512xi1>, vector<512x512xf32>
    %reduce_sum3A_2841 = arith.constant dense<0.000000e+00> : vector<512xf32>
    %reduce_sum3A_2842 = vector.multi_reduction <add>, %select_n3A_2840, %reduce_sum3A_2841 [0] : vector<512x512xf32> to vector<512xf32>
    %broadcast_in_dim3A_2843 = vector.shape_cast %reduce_sum3A_2842 : vector<512xf32> to vector<1x512xf32>
    %jit3A_2844 = arith.constant 0.000000e+00 : f32
    %broadcast_in_dim3A_2845 = vector.broadcast %jit3A_2844 : f32 to vector<512x512xf32>
    %select_n3A_2846 = arith.select %eq3A_2831, %get3A_1855, %broadcast_in_dim3A_2845 : vector<512x512xi1>, vector<512x512xf32>
    %reduce_sum3A_2847 = arith.constant dense<0.000000e+00> : vector<512xf32>
    %reduce_sum3A_2848 = vector.multi_reduction <add>, %select_n3A_2846, %reduce_sum3A_2847 [0] : vector<512x512xf32> to vector<512xf32>
    %broadcast_in_dim3A_2849 = vector.shape_cast %reduce_sum3A_2848 : vector<512xf32> to vector<1x512xf32>
    %jit3A_2850 = arith.constant 0x7F800000 : f32
    %broadcast_in_dim3A_2851 = vector.broadcast %jit3A_2850 : f32 to vector<512x512xf32>
    %select_n3A_2852 = arith.select %eq3A_2831, %broadcast_in_dim3A_2851, %select_n3A_2772 : vector<512x512xi1>, vector<512x512xf32>
    %sub3A_2853 = arith.subf %broadcast_in_dim3A_2837, %slice3A : vector<1x512xf32>
    %sub3A_2854 = arith.subf %broadcast_in_dim3A_2843, %slice3A_2 : vector<1x512xf32>
    %sub3A_2855 = arith.subf %broadcast_in_dim3A_2849, %slice3A_3 : vector<1x512xf32>
    %le3A_2856 = arith.constant 1.200000e-01 : f32
    %le3A_2857 = vector.broadcast %le3A_2856 : f32 to vector<1x512xf32>
    %le3A_2858 = arith.cmpf ole, %sub3A_2853, %le3A_2857 : vector<1x512xf32>
    %ge3A_2859 = arith.constant -1.200000e-01 : f32
    %ge3A_2860 = vector.broadcast %ge3A_2859 : f32 to vector<1x512xf32>
    %ge3A_2861 = arith.cmpf oge, %sub3A_2853, %ge3A_2860 : vector<1x512xf32>
    %and3A_2862 = arith.andi %le3A_2858, %ge3A_2861 : vector<1x512xi1>
    %le3A_2863 = arith.constant 1.200000e-01 : f32
    %le3A_2864 = vector.broadcast %le3A_2863 : f32 to vector<1x512xf32>
    %le3A_2865 = arith.cmpf ole, %sub3A_2854, %le3A_2864 : vector<1x512xf32>
    %and3A_2866 = arith.andi %and3A_2862, %le3A_2865 : vector<1x512xi1>
    %ge3A_2867 = arith.constant -1.200000e-01 : f32
    %ge3A_2868 = vector.broadcast %ge3A_2867 : f32 to vector<1x512xf32>
    %ge3A_2869 = arith.cmpf oge, %sub3A_2854, %ge3A_2868 : vector<1x512xf32>
    %and3A_2870 = arith.andi %and3A_2866, %ge3A_2869 : vector<1x512xi1>
    %le3A_2871 = arith.constant 1.200000e-01 : f32
    %le3A_2872 = vector.broadcast %le3A_2871 : f32 to vector<1x512xf32>
    %le3A_2873 = arith.cmpf ole, %sub3A_2855, %le3A_2872 : vector<1x512xf32>
    %and3A_2874 = arith.andi %and3A_2870, %le3A_2873 : vector<1x512xi1>
    %ge3A_2875 = arith.constant -1.200000e-01 : f32
    %ge3A_2876 = vector.broadcast %ge3A_2875 : f32 to vector<1x512xf32>
    %ge3A_2877 = arith.cmpf oge, %sub3A_2855, %ge3A_2876 : vector<1x512xf32>
    %and3A_2878 = arith.andi %and3A_2874, %ge3A_2877 : vector<1x512xi1>
    %select_n3A_2879 = arith.select %and3A_2878, %sub3A_2853, %sub3A_1899 : vector<1x512xi1>, vector<1x512xf32>
    %select_n3A_2880 = arith.select %and3A_2878, %sub3A_2854, %sub3A_1900 : vector<1x512xi1>, vector<1x512xf32>
    %select_n3A_2881 = arith.select %and3A_2878, %sub3A_2855, %sub3A_1901 : vector<1x512xi1>, vector<1x512xf32>
    %concatenate3A_2882 = tpu.concatenate %select_n3A_2879, %select_n3A_2880, %select_n3A_2881 in 0 : vector<1x512xf32>, vector<1x512xf32>, vector<1x512xf32> -> vector<3x512xf32>
    %convert_element_type3A_2883 = arith.truncf %get3A_1858 : vector<64x3xf32> to vector<64x3xbf16>
    %convert_element_type3A_2884 = arith.truncf %concatenate3A_2882 : vector<3x512xf32> to vector<3x512xbf16>
    %dot_general3A_2885 = arith.constant dense<0.000000e+00> : vector<64x512xf32>
    %dot_general3A_2886 = tpu.matmul %convert_element_type3A_2883, %convert_element_type3A_2884, %dot_general3A_2885 {dimension_numbers = #tpu.dot_dimension_numbers<[1], [0], [0], [1], [0, 0, 1, 1], [], []>, transpose_lhs_hint = false} : vector<64x3xbf16>, vector<3x512xbf16>, vector<64x512xf32> -> vector<64x512xf32>
    %add3A_2887 = vector.broadcast %get3A_1861 : vector<64x1xf32> to vector<64x512xf32>
    %add3A_2888 = arith.addf %dot_general3A_2886, %add3A_2887 : vector<64x512xf32>
    %max3A_2889 = arith.constant 0.000000e+00 : f32
    %max3A_2890 = vector.broadcast %max3A_2889 : f32 to vector<64x512xf32>
    %max3A_2891 = arith.maximumf %add3A_2888, %max3A_2890 : vector<64x512xf32>
    %convert_element_type3A_2892 = arith.truncf %get3A_1864 : vector<128x64xf32> to vector<128x64xbf16>
    %convert_element_type3A_2893 = arith.truncf %max3A_2891 : vector<64x512xf32> to vector<64x512xbf16>
    %dot_general3A_2894 = arith.constant dense<0.000000e+00> : vector<128x512xf32>
    %dot_general3A_2895 = tpu.matmul %convert_element_type3A_2892, %convert_element_type3A_2893, %dot_general3A_2894 {dimension_numbers = #tpu.dot_dimension_numbers<[1], [0], [0], [1], [0, 0, 1, 1], [], []>, transpose_lhs_hint = false} : vector<128x64xbf16>, vector<64x512xbf16>, vector<128x512xf32> -> vector<128x512xf32>
    %add3A_2896 = vector.broadcast %get3A_1867 : vector<128x1xf32> to vector<128x512xf32>
    %add3A_2897 = arith.addf %dot_general3A_2895, %add3A_2896 : vector<128x512xf32>
    %max3A_2898 = arith.maximumf %max3A_2818, %add3A_2897 : vector<128x512xf32>
    %reduce_min3A_2899 = arith.constant dense<0x7F800000> : vector<512xf32>
    %reduce_min3A_2900 = vector.multi_reduction <minimumf>, %select_n3A_2852, %reduce_min3A_2899 [0] : vector<512x512xf32> to vector<512xf32>
    %broadcast_in_dim3A_2901 = vector.shape_cast %reduce_min3A_2900 : vector<512xf32> to vector<1x512xf32>
    %eq3A_2902 = vector.broadcast %broadcast_in_dim3A_2901 : vector<1x512xf32> to vector<512x512xf32>
    %eq3A_2903 = arith.cmpf oeq, %select_n3A_2852, %eq3A_2902 : vector<512x512xf32>
    %jit3A_2904 = arith.constant 1.000000e+09 : f32
    %broadcast_in_dim3A_2905 = vector.broadcast %jit3A_2904 : f32 to vector<512x512xf32>
    %select_n3A_2906 = arith.select %eq3A_2903, %get3A_1846, %broadcast_in_dim3A_2905 : vector<512x512xi1>, vector<512x512xf32>
    %reduce_min3A_2907 = arith.constant dense<0x7F800000> : vector<512xf32>
    %reduce_min3A_2908 = vector.multi_reduction <minimumf>, %select_n3A_2906, %reduce_min3A_2907 [0] : vector<512x512xf32> to vector<512xf32>
    %broadcast_in_dim3A_2909 = vector.shape_cast %reduce_min3A_2908 : vector<512xf32> to vector<1x512xf32>
    %eq3A_2910 = vector.broadcast %broadcast_in_dim3A_2909 : vector<1x512xf32> to vector<512x512xf32>
    %eq3A_2911 = arith.cmpf oeq, %get3A_1846, %eq3A_2910 : vector<512x512xf32>
    %jit3A_2912 = arith.constant 0.000000e+00 : f32
    %broadcast_in_dim3A_2913 = vector.broadcast %jit3A_2912 : f32 to vector<512x512xf32>
    %select_n3A_2914 = arith.select %eq3A_2911, %get3A_1849, %broadcast_in_dim3A_2913 : vector<512x512xi1>, vector<512x512xf32>
    %reduce_sum3A_2915 = arith.constant dense<0.000000e+00> : vector<512xf32>
    %reduce_sum3A_2916 = vector.multi_reduction <add>, %select_n3A_2914, %reduce_sum3A_2915 [0] : vector<512x512xf32> to vector<512xf32>
    %broadcast_in_dim3A_2917 = vector.shape_cast %reduce_sum3A_2916 : vector<512xf32> to vector<1x512xf32>
    %jit3A_2918 = arith.constant 0.000000e+00 : f32
    %broadcast_in_dim3A_2919 = vector.broadcast %jit3A_2918 : f32 to vector<512x512xf32>
    %select_n3A_2920 = arith.select %eq3A_2911, %get3A_1852, %broadcast_in_dim3A_2919 : vector<512x512xi1>, vector<512x512xf32>
    %reduce_sum3A_2921 = arith.constant dense<0.000000e+00> : vector<512xf32>
    %reduce_sum3A_2922 = vector.multi_reduction <add>, %select_n3A_2920, %reduce_sum3A_2921 [0] : vector<512x512xf32> to vector<512xf32>
    %broadcast_in_dim3A_2923 = vector.shape_cast %reduce_sum3A_2922 : vector<512xf32> to vector<1x512xf32>
    %jit3A_2924 = arith.constant 0.000000e+00 : f32
    %broadcast_in_dim3A_2925 = vector.broadcast %jit3A_2924 : f32 to vector<512x512xf32>
    %select_n3A_2926 = arith.select %eq3A_2911, %get3A_1855, %broadcast_in_dim3A_2925 : vector<512x512xi1>, vector<512x512xf32>
    %reduce_sum3A_2927 = arith.constant dense<0.000000e+00> : vector<512xf32>
    %reduce_sum3A_2928 = vector.multi_reduction <add>, %select_n3A_2926, %reduce_sum3A_2927 [0] : vector<512x512xf32> to vector<512xf32>
    %broadcast_in_dim3A_2929 = vector.shape_cast %reduce_sum3A_2928 : vector<512xf32> to vector<1x512xf32>
    %jit3A_2930 = arith.constant 0x7F800000 : f32
    %broadcast_in_dim3A_2931 = vector.broadcast %jit3A_2930 : f32 to vector<512x512xf32>
    %select_n3A_2932 = arith.select %eq3A_2911, %broadcast_in_dim3A_2931, %select_n3A_2852 : vector<512x512xi1>, vector<512x512xf32>
    %sub3A_2933 = arith.subf %broadcast_in_dim3A_2917, %slice3A : vector<1x512xf32>
    %sub3A_2934 = arith.subf %broadcast_in_dim3A_2923, %slice3A_2 : vector<1x512xf32>
    %sub3A_2935 = arith.subf %broadcast_in_dim3A_2929, %slice3A_3 : vector<1x512xf32>
    %le3A_2936 = arith.constant 1.200000e-01 : f32
    %le3A_2937 = vector.broadcast %le3A_2936 : f32 to vector<1x512xf32>
    %le3A_2938 = arith.cmpf ole, %sub3A_2933, %le3A_2937 : vector<1x512xf32>
    %ge3A_2939 = arith.constant -1.200000e-01 : f32
    %ge3A_2940 = vector.broadcast %ge3A_2939 : f32 to vector<1x512xf32>
    %ge3A_2941 = arith.cmpf oge, %sub3A_2933, %ge3A_2940 : vector<1x512xf32>
    %and3A_2942 = arith.andi %le3A_2938, %ge3A_2941 : vector<1x512xi1>
    %le3A_2943 = arith.constant 1.200000e-01 : f32
    %le3A_2944 = vector.broadcast %le3A_2943 : f32 to vector<1x512xf32>
    %le3A_2945 = arith.cmpf ole, %sub3A_2934, %le3A_2944 : vector<1x512xf32>
    %and3A_2946 = arith.andi %and3A_2942, %le3A_2945 : vector<1x512xi1>
    %ge3A_2947 = arith.constant -1.200000e-01 : f32
    %ge3A_2948 = vector.broadcast %ge3A_2947 : f32 to vector<1x512xf32>
    %ge3A_2949 = arith.cmpf oge, %sub3A_2934, %ge3A_2948 : vector<1x512xf32>
    %and3A_2950 = arith.andi %and3A_2946, %ge3A_2949 : vector<1x512xi1>
    %le3A_2951 = arith.constant 1.200000e-01 : f32
    %le3A_2952 = vector.broadcast %le3A_2951 : f32 to vector<1x512xf32>
    %le3A_2953 = arith.cmpf ole, %sub3A_2935, %le3A_2952 : vector<1x512xf32>
    %and3A_2954 = arith.andi %and3A_2950, %le3A_2953 : vector<1x512xi1>
    %ge3A_2955 = arith.constant -1.200000e-01 : f32
    %ge3A_2956 = vector.broadcast %ge3A_2955 : f32 to vector<1x512xf32>
    %ge3A_2957 = arith.cmpf oge, %sub3A_2935, %ge3A_2956 : vector<1x512xf32>
    %and3A_2958 = arith.andi %and3A_2954, %ge3A_2957 : vector<1x512xi1>
    %select_n3A_2959 = arith.select %and3A_2958, %sub3A_2933, %sub3A_1899 : vector<1x512xi1>, vector<1x512xf32>
    %select_n3A_2960 = arith.select %and3A_2958, %sub3A_2934, %sub3A_1900 : vector<1x512xi1>, vector<1x512xf32>
    %select_n3A_2961 = arith.select %and3A_2958, %sub3A_2935, %sub3A_1901 : vector<1x512xi1>, vector<1x512xf32>
    %concatenate3A_2962 = tpu.concatenate %select_n3A_2959, %select_n3A_2960, %select_n3A_2961 in 0 : vector<1x512xf32>, vector<1x512xf32>, vector<1x512xf32> -> vector<3x512xf32>
    %convert_element_type3A_2963 = arith.truncf %get3A_1858 : vector<64x3xf32> to vector<64x3xbf16>
    %convert_element_type3A_2964 = arith.truncf %concatenate3A_2962 : vector<3x512xf32> to vector<3x512xbf16>
    %dot_general3A_2965 = arith.constant dense<0.000000e+00> : vector<64x512xf32>
    %dot_general3A_2966 = tpu.matmul %convert_element_type3A_2963, %convert_element_type3A_2964, %dot_general3A_2965 {dimension_numbers = #tpu.dot_dimension_numbers<[1], [0], [0], [1], [0, 0, 1, 1], [], []>, transpose_lhs_hint = false} : vector<64x3xbf16>, vector<3x512xbf16>, vector<64x512xf32> -> vector<64x512xf32>
    %add3A_2967 = vector.broadcast %get3A_1861 : vector<64x1xf32> to vector<64x512xf32>
    %add3A_2968 = arith.addf %dot_general3A_2966, %add3A_2967 : vector<64x512xf32>
    %max3A_2969 = arith.constant 0.000000e+00 : f32
    %max3A_2970 = vector.broadcast %max3A_2969 : f32 to vector<64x512xf32>
    %max3A_2971 = arith.maximumf %add3A_2968, %max3A_2970 : vector<64x512xf32>
    %convert_element_type3A_2972 = arith.truncf %get3A_1864 : vector<128x64xf32> to vector<128x64xbf16>
    %convert_element_type3A_2973 = arith.truncf %max3A_2971 : vector<64x512xf32> to vector<64x512xbf16>
    %dot_general3A_2974 = arith.constant dense<0.000000e+00> : vector<128x512xf32>
    %dot_general3A_2975 = tpu.matmul %convert_element_type3A_2972, %convert_element_type3A_2973, %dot_general3A_2974 {dimension_numbers = #tpu.dot_dimension_numbers<[1], [0], [0], [1], [0, 0, 1, 1], [], []>, transpose_lhs_hint = false} : vector<128x64xbf16>, vector<64x512xbf16>, vector<128x512xf32> -> vector<128x512xf32>
    %add3A_2976 = vector.broadcast %get3A_1867 : vector<128x1xf32> to vector<128x512xf32>
    %add3A_2977 = arith.addf %dot_general3A_2975, %add3A_2976 : vector<128x512xf32>
    %max3A_2978 = arith.maximumf %max3A_2898, %add3A_2977 : vector<128x512xf32>
    %reduce_min3A_2979 = arith.constant dense<0x7F800000> : vector<512xf32>
    %reduce_min3A_2980 = vector.multi_reduction <minimumf>, %select_n3A_2932, %reduce_min3A_2979 [0] : vector<512x512xf32> to vector<512xf32>
    %broadcast_in_dim3A_2981 = vector.shape_cast %reduce_min3A_2980 : vector<512xf32> to vector<1x512xf32>
    %eq3A_2982 = vector.broadcast %broadcast_in_dim3A_2981 : vector<1x512xf32> to vector<512x512xf32>
    %eq3A_2983 = arith.cmpf oeq, %select_n3A_2932, %eq3A_2982 : vector<512x512xf32>
    %jit3A_2984 = arith.constant 1.000000e+09 : f32
    %broadcast_in_dim3A_2985 = vector.broadcast %jit3A_2984 : f32 to vector<512x512xf32>
    %select_n3A_2986 = arith.select %eq3A_2983, %get3A_1846, %broadcast_in_dim3A_2985 : vector<512x512xi1>, vector<512x512xf32>
    %reduce_min3A_2987 = arith.constant dense<0x7F800000> : vector<512xf32>
    %reduce_min3A_2988 = vector.multi_reduction <minimumf>, %select_n3A_2986, %reduce_min3A_2987 [0] : vector<512x512xf32> to vector<512xf32>
    %broadcast_in_dim3A_2989 = vector.shape_cast %reduce_min3A_2988 : vector<512xf32> to vector<1x512xf32>
    %eq3A_2990 = vector.broadcast %broadcast_in_dim3A_2989 : vector<1x512xf32> to vector<512x512xf32>
    %eq3A_2991 = arith.cmpf oeq, %get3A_1846, %eq3A_2990 : vector<512x512xf32>
    %jit3A_2992 = arith.constant 0.000000e+00 : f32
    %broadcast_in_dim3A_2993 = vector.broadcast %jit3A_2992 : f32 to vector<512x512xf32>
    %select_n3A_2994 = arith.select %eq3A_2991, %get3A_1849, %broadcast_in_dim3A_2993 : vector<512x512xi1>, vector<512x512xf32>
    %reduce_sum3A_2995 = arith.constant dense<0.000000e+00> : vector<512xf32>
    %reduce_sum3A_2996 = vector.multi_reduction <add>, %select_n3A_2994, %reduce_sum3A_2995 [0] : vector<512x512xf32> to vector<512xf32>
    %broadcast_in_dim3A_2997 = vector.shape_cast %reduce_sum3A_2996 : vector<512xf32> to vector<1x512xf32>
    %jit3A_2998 = arith.constant 0.000000e+00 : f32
    %broadcast_in_dim3A_2999 = vector.broadcast %jit3A_2998 : f32 to vector<512x512xf32>
    %select_n3A_3000 = arith.select %eq3A_2991, %get3A_1852, %broadcast_in_dim3A_2999 : vector<512x512xi1>, vector<512x512xf32>
    %reduce_sum3A_3001 = arith.constant dense<0.000000e+00> : vector<512xf32>
    %reduce_sum3A_3002 = vector.multi_reduction <add>, %select_n3A_3000, %reduce_sum3A_3001 [0] : vector<512x512xf32> to vector<512xf32>
    %broadcast_in_dim3A_3003 = vector.shape_cast %reduce_sum3A_3002 : vector<512xf32> to vector<1x512xf32>
    %jit3A_3004 = arith.constant 0.000000e+00 : f32
    %broadcast_in_dim3A_3005 = vector.broadcast %jit3A_3004 : f32 to vector<512x512xf32>
    %select_n3A_3006 = arith.select %eq3A_2991, %get3A_1855, %broadcast_in_dim3A_3005 : vector<512x512xi1>, vector<512x512xf32>
    %reduce_sum3A_3007 = arith.constant dense<0.000000e+00> : vector<512xf32>
    %reduce_sum3A_3008 = vector.multi_reduction <add>, %select_n3A_3006, %reduce_sum3A_3007 [0] : vector<512x512xf32> to vector<512xf32>
    %broadcast_in_dim3A_3009 = vector.shape_cast %reduce_sum3A_3008 : vector<512xf32> to vector<1x512xf32>
    %jit3A_3010 = arith.constant 0x7F800000 : f32
    %broadcast_in_dim3A_3011 = vector.broadcast %jit3A_3010 : f32 to vector<512x512xf32>
    %select_n3A_3012 = arith.select %eq3A_2991, %broadcast_in_dim3A_3011, %select_n3A_2932 : vector<512x512xi1>, vector<512x512xf32>
    %sub3A_3013 = arith.subf %broadcast_in_dim3A_2997, %slice3A : vector<1x512xf32>
    %sub3A_3014 = arith.subf %broadcast_in_dim3A_3003, %slice3A_2 : vector<1x512xf32>
    %sub3A_3015 = arith.subf %broadcast_in_dim3A_3009, %slice3A_3 : vector<1x512xf32>
    %le3A_3016 = arith.constant 1.200000e-01 : f32
    %le3A_3017 = vector.broadcast %le3A_3016 : f32 to vector<1x512xf32>
    %le3A_3018 = arith.cmpf ole, %sub3A_3013, %le3A_3017 : vector<1x512xf32>
    %ge3A_3019 = arith.constant -1.200000e-01 : f32
    %ge3A_3020 = vector.broadcast %ge3A_3019 : f32 to vector<1x512xf32>
    %ge3A_3021 = arith.cmpf oge, %sub3A_3013, %ge3A_3020 : vector<1x512xf32>
    %and3A_3022 = arith.andi %le3A_3018, %ge3A_3021 : vector<1x512xi1>
    %le3A_3023 = arith.constant 1.200000e-01 : f32
    %le3A_3024 = vector.broadcast %le3A_3023 : f32 to vector<1x512xf32>
    %le3A_3025 = arith.cmpf ole, %sub3A_3014, %le3A_3024 : vector<1x512xf32>
    %and3A_3026 = arith.andi %and3A_3022, %le3A_3025 : vector<1x512xi1>
    %ge3A_3027 = arith.constant -1.200000e-01 : f32
    %ge3A_3028 = vector.broadcast %ge3A_3027 : f32 to vector<1x512xf32>
    %ge3A_3029 = arith.cmpf oge, %sub3A_3014, %ge3A_3028 : vector<1x512xf32>
    %and3A_3030 = arith.andi %and3A_3026, %ge3A_3029 : vector<1x512xi1>
    %le3A_3031 = arith.constant 1.200000e-01 : f32
    %le3A_3032 = vector.broadcast %le3A_3031 : f32 to vector<1x512xf32>
    %le3A_3033 = arith.cmpf ole, %sub3A_3015, %le3A_3032 : vector<1x512xf32>
    %and3A_3034 = arith.andi %and3A_3030, %le3A_3033 : vector<1x512xi1>
    %ge3A_3035 = arith.constant -1.200000e-01 : f32
    %ge3A_3036 = vector.broadcast %ge3A_3035 : f32 to vector<1x512xf32>
    %ge3A_3037 = arith.cmpf oge, %sub3A_3015, %ge3A_3036 : vector<1x512xf32>
    %and3A_3038 = arith.andi %and3A_3034, %ge3A_3037 : vector<1x512xi1>
    %select_n3A_3039 = arith.select %and3A_3038, %sub3A_3013, %sub3A_1899 : vector<1x512xi1>, vector<1x512xf32>
    %select_n3A_3040 = arith.select %and3A_3038, %sub3A_3014, %sub3A_1900 : vector<1x512xi1>, vector<1x512xf32>
    %select_n3A_3041 = arith.select %and3A_3038, %sub3A_3015, %sub3A_1901 : vector<1x512xi1>, vector<1x512xf32>
    %concatenate3A_3042 = tpu.concatenate %select_n3A_3039, %select_n3A_3040, %select_n3A_3041 in 0 : vector<1x512xf32>, vector<1x512xf32>, vector<1x512xf32> -> vector<3x512xf32>
    %convert_element_type3A_3043 = arith.truncf %get3A_1858 : vector<64x3xf32> to vector<64x3xbf16>
    %convert_element_type3A_3044 = arith.truncf %concatenate3A_3042 : vector<3x512xf32> to vector<3x512xbf16>
    %dot_general3A_3045 = arith.constant dense<0.000000e+00> : vector<64x512xf32>
    %dot_general3A_3046 = tpu.matmul %convert_element_type3A_3043, %convert_element_type3A_3044, %dot_general3A_3045 {dimension_numbers = #tpu.dot_dimension_numbers<[1], [0], [0], [1], [0, 0, 1, 1], [], []>, transpose_lhs_hint = false} : vector<64x3xbf16>, vector<3x512xbf16>, vector<64x512xf32> -> vector<64x512xf32>
    %add3A_3047 = vector.broadcast %get3A_1861 : vector<64x1xf32> to vector<64x512xf32>
    %add3A_3048 = arith.addf %dot_general3A_3046, %add3A_3047 : vector<64x512xf32>
    %max3A_3049 = arith.constant 0.000000e+00 : f32
    %max3A_3050 = vector.broadcast %max3A_3049 : f32 to vector<64x512xf32>
    %max3A_3051 = arith.maximumf %add3A_3048, %max3A_3050 : vector<64x512xf32>
    %convert_element_type3A_3052 = arith.truncf %get3A_1864 : vector<128x64xf32> to vector<128x64xbf16>
    %convert_element_type3A_3053 = arith.truncf %max3A_3051 : vector<64x512xf32> to vector<64x512xbf16>
    %dot_general3A_3054 = arith.constant dense<0.000000e+00> : vector<128x512xf32>
    %dot_general3A_3055 = tpu.matmul %convert_element_type3A_3052, %convert_element_type3A_3053, %dot_general3A_3054 {dimension_numbers = #tpu.dot_dimension_numbers<[1], [0], [0], [1], [0, 0, 1, 1], [], []>, transpose_lhs_hint = false} : vector<128x64xbf16>, vector<64x512xbf16>, vector<128x512xf32> -> vector<128x512xf32>
    %add3A_3056 = vector.broadcast %get3A_1867 : vector<128x1xf32> to vector<128x512xf32>
    %add3A_3057 = arith.addf %dot_general3A_3055, %add3A_3056 : vector<128x512xf32>
    %max3A_3058 = arith.maximumf %max3A_2978, %add3A_3057 : vector<128x512xf32>
    %reduce_min3A_3059 = arith.constant dense<0x7F800000> : vector<512xf32>
    %reduce_min3A_3060 = vector.multi_reduction <minimumf>, %select_n3A_3012, %reduce_min3A_3059 [0] : vector<512x512xf32> to vector<512xf32>
    %broadcast_in_dim3A_3061 = vector.shape_cast %reduce_min3A_3060 : vector<512xf32> to vector<1x512xf32>
    %eq3A_3062 = vector.broadcast %broadcast_in_dim3A_3061 : vector<1x512xf32> to vector<512x512xf32>
    %eq3A_3063 = arith.cmpf oeq, %select_n3A_3012, %eq3A_3062 : vector<512x512xf32>
    %jit3A_3064 = arith.constant 1.000000e+09 : f32
    %broadcast_in_dim3A_3065 = vector.broadcast %jit3A_3064 : f32 to vector<512x512xf32>
    %select_n3A_3066 = arith.select %eq3A_3063, %get3A_1846, %broadcast_in_dim3A_3065 : vector<512x512xi1>, vector<512x512xf32>
    %reduce_min3A_3067 = arith.constant dense<0x7F800000> : vector<512xf32>
    %reduce_min3A_3068 = vector.multi_reduction <minimumf>, %select_n3A_3066, %reduce_min3A_3067 [0] : vector<512x512xf32> to vector<512xf32>
    %broadcast_in_dim3A_3069 = vector.shape_cast %reduce_min3A_3068 : vector<512xf32> to vector<1x512xf32>
    %eq3A_3070 = vector.broadcast %broadcast_in_dim3A_3069 : vector<1x512xf32> to vector<512x512xf32>
    %eq3A_3071 = arith.cmpf oeq, %get3A_1846, %eq3A_3070 : vector<512x512xf32>
    %jit3A_3072 = arith.constant 0.000000e+00 : f32
    %broadcast_in_dim3A_3073 = vector.broadcast %jit3A_3072 : f32 to vector<512x512xf32>
    %select_n3A_3074 = arith.select %eq3A_3071, %get3A_1849, %broadcast_in_dim3A_3073 : vector<512x512xi1>, vector<512x512xf32>
    %reduce_sum3A_3075 = arith.constant dense<0.000000e+00> : vector<512xf32>
    %reduce_sum3A_3076 = vector.multi_reduction <add>, %select_n3A_3074, %reduce_sum3A_3075 [0] : vector<512x512xf32> to vector<512xf32>
    %broadcast_in_dim3A_3077 = vector.shape_cast %reduce_sum3A_3076 : vector<512xf32> to vector<1x512xf32>
    %jit3A_3078 = arith.constant 0.000000e+00 : f32
    %broadcast_in_dim3A_3079 = vector.broadcast %jit3A_3078 : f32 to vector<512x512xf32>
    %select_n3A_3080 = arith.select %eq3A_3071, %get3A_1852, %broadcast_in_dim3A_3079 : vector<512x512xi1>, vector<512x512xf32>
    %reduce_sum3A_3081 = arith.constant dense<0.000000e+00> : vector<512xf32>
    %reduce_sum3A_3082 = vector.multi_reduction <add>, %select_n3A_3080, %reduce_sum3A_3081 [0] : vector<512x512xf32> to vector<512xf32>
    %broadcast_in_dim3A_3083 = vector.shape_cast %reduce_sum3A_3082 : vector<512xf32> to vector<1x512xf32>
    %jit3A_3084 = arith.constant 0.000000e+00 : f32
    %broadcast_in_dim3A_3085 = vector.broadcast %jit3A_3084 : f32 to vector<512x512xf32>
    %select_n3A_3086 = arith.select %eq3A_3071, %get3A_1855, %broadcast_in_dim3A_3085 : vector<512x512xi1>, vector<512x512xf32>
    %reduce_sum3A_3087 = arith.constant dense<0.000000e+00> : vector<512xf32>
    %reduce_sum3A_3088 = vector.multi_reduction <add>, %select_n3A_3086, %reduce_sum3A_3087 [0] : vector<512x512xf32> to vector<512xf32>
    %broadcast_in_dim3A_3089 = vector.shape_cast %reduce_sum3A_3088 : vector<512xf32> to vector<1x512xf32>
    %sub3A_3090 = arith.subf %broadcast_in_dim3A_3077, %slice3A : vector<1x512xf32>
    %sub3A_3091 = arith.subf %broadcast_in_dim3A_3083, %slice3A_2 : vector<1x512xf32>
    %sub3A_3092 = arith.subf %broadcast_in_dim3A_3089, %slice3A_3 : vector<1x512xf32>
    %le3A_3093 = arith.constant 1.200000e-01 : f32
    %le3A_3094 = vector.broadcast %le3A_3093 : f32 to vector<1x512xf32>
    %le3A_3095 = arith.cmpf ole, %sub3A_3090, %le3A_3094 : vector<1x512xf32>
    %ge3A_3096 = arith.constant -1.200000e-01 : f32
    %ge3A_3097 = vector.broadcast %ge3A_3096 : f32 to vector<1x512xf32>
    %ge3A_3098 = arith.cmpf oge, %sub3A_3090, %ge3A_3097 : vector<1x512xf32>
    %and3A_3099 = arith.andi %le3A_3095, %ge3A_3098 : vector<1x512xi1>
    %le3A_3100 = arith.constant 1.200000e-01 : f32
    %le3A_3101 = vector.broadcast %le3A_3100 : f32 to vector<1x512xf32>
    %le3A_3102 = arith.cmpf ole, %sub3A_3091, %le3A_3101 : vector<1x512xf32>
    %and3A_3103 = arith.andi %and3A_3099, %le3A_3102 : vector<1x512xi1>
    %ge3A_3104 = arith.constant -1.200000e-01 : f32
    %ge3A_3105 = vector.broadcast %ge3A_3104 : f32 to vector<1x512xf32>
    %ge3A_3106 = arith.cmpf oge, %sub3A_3091, %ge3A_3105 : vector<1x512xf32>
    %and3A_3107 = arith.andi %and3A_3103, %ge3A_3106 : vector<1x512xi1>
    %le3A_3108 = arith.constant 1.200000e-01 : f32
    %le3A_3109 = vector.broadcast %le3A_3108 : f32 to vector<1x512xf32>
    %le3A_3110 = arith.cmpf ole, %sub3A_3092, %le3A_3109 : vector<1x512xf32>
    %and3A_3111 = arith.andi %and3A_3107, %le3A_3110 : vector<1x512xi1>
    %ge3A_3112 = arith.constant -1.200000e-01 : f32
    %ge3A_3113 = vector.broadcast %ge3A_3112 : f32 to vector<1x512xf32>
    %ge3A_3114 = arith.cmpf oge, %sub3A_3092, %ge3A_3113 : vector<1x512xf32>
    %and3A_3115 = arith.andi %and3A_3111, %ge3A_3114 : vector<1x512xi1>
    %select_n3A_3116 = arith.select %and3A_3115, %sub3A_3090, %sub3A_1899 : vector<1x512xi1>, vector<1x512xf32>
    %select_n3A_3117 = arith.select %and3A_3115, %sub3A_3091, %sub3A_1900 : vector<1x512xi1>, vector<1x512xf32>
    %select_n3A_3118 = arith.select %and3A_3115, %sub3A_3092, %sub3A_1901 : vector<1x512xi1>, vector<1x512xf32>
    %concatenate3A_3119 = tpu.concatenate %select_n3A_3116, %select_n3A_3117, %select_n3A_3118 in 0 : vector<1x512xf32>, vector<1x512xf32>, vector<1x512xf32> -> vector<3x512xf32>
    %convert_element_type3A_3120 = arith.truncf %get3A_1858 : vector<64x3xf32> to vector<64x3xbf16>
    %convert_element_type3A_3121 = arith.truncf %concatenate3A_3119 : vector<3x512xf32> to vector<3x512xbf16>
    %dot_general3A_3122 = arith.constant dense<0.000000e+00> : vector<64x512xf32>
    %dot_general3A_3123 = tpu.matmul %convert_element_type3A_3120, %convert_element_type3A_3121, %dot_general3A_3122 {dimension_numbers = #tpu.dot_dimension_numbers<[1], [0], [0], [1], [0, 0, 1, 1], [], []>, transpose_lhs_hint = false} : vector<64x3xbf16>, vector<3x512xbf16>, vector<64x512xf32> -> vector<64x512xf32>
    %add3A_3124 = vector.broadcast %get3A_1861 : vector<64x1xf32> to vector<64x512xf32>
    %add3A_3125 = arith.addf %dot_general3A_3123, %add3A_3124 : vector<64x512xf32>
    %max3A_3126 = arith.constant 0.000000e+00 : f32
    %max3A_3127 = vector.broadcast %max3A_3126 : f32 to vector<64x512xf32>
    %max3A_3128 = arith.maximumf %add3A_3125, %max3A_3127 : vector<64x512xf32>
    %convert_element_type3A_3129 = arith.truncf %get3A_1864 : vector<128x64xf32> to vector<128x64xbf16>
    %convert_element_type3A_3130 = arith.truncf %max3A_3128 : vector<64x512xf32> to vector<64x512xbf16>
    %dot_general3A_3131 = arith.constant dense<0.000000e+00> : vector<128x512xf32>
    %dot_general3A_3132 = tpu.matmul %convert_element_type3A_3129, %convert_element_type3A_3130, %dot_general3A_3131 {dimension_numbers = #tpu.dot_dimension_numbers<[1], [0], [0], [1], [0, 0, 1, 1], [], []>, transpose_lhs_hint = false} : vector<128x64xbf16>, vector<64x512xbf16>, vector<128x512xf32> -> vector<128x512xf32>
    %add3A_3133 = vector.broadcast %get3A_1867 : vector<128x1xf32> to vector<128x512xf32>
    %add3A_3134 = arith.addf %dot_general3A_3132, %add3A_3133 : vector<128x512xf32>
    %max3A_3135 = arith.maximumf %max3A_3058, %add3A_3134 : vector<128x512xf32>
    %transpose3A_3136 = tpu.transpose %max3A_3135, [1, 0] : vector<128x512xf32> -> vector<512x128xf32>
    %swap3A_3137 = arith.constant 0 : index
    %swap3A_3138 = arith.constant 0 : index
    %swap3A_3139 = vector.load %arg8[%swap3A_3137, %swap3A_3138] : memref<512x128xf32, #tpu.memory_space<vmem>>, vector<512x128xf32>
    tpu.vector_store %arg8[%swap3A_3137, %swap3A_3138], %transpose3A_3136 {strides = array<i32>} : memref<512x128xf32, #tpu.memory_space<vmem>>, vector<512x128xf32>,
    return
  }
  func.func @transform_0(%arg0: i32) -> (i32, i32) {
    %c0_i32 = arith.constant 0 : i32
    %c0_i32_0 = arith.constant 0 : i32
    return %c0_i32, %arg0 : i32, i32
  }
  func.func @transform_1(%arg0: i32) -> (i32, i32) {
    %c0_i32 = arith.constant 0 : i32
    %c0_i32_0 = arith.constant 0 : i32
    return %c0_i32, %arg0 : i32, i32
  }
  func.func @transform_2(%arg0: i32) -> (i32, i32, i32) {
    %c0_i32 = arith.constant 0 : i32
    %c0_i32_0 = arith.constant 0 : i32
    %c0_i32_1 = arith.constant 0 : i32
    return %c0_i32, %arg0, %c0_i32_0 : i32, i32, i32
  }
  func.func @transform_3(%arg0: i32) -> (i32, i32) {
    %c0_i32 = arith.constant 0 : i32
    %c0_i32_0 = arith.constant 0 : i32
    %c0_i32_1 = arith.constant 0 : i32
    return %c0_i32, %c0_i32_0 : i32, i32
  }
  func.func @transform_4(%arg0: i32) -> (i32, i32) {
    %c0_i32 = arith.constant 0 : i32
    %c0_i32_0 = arith.constant 0 : i32
    %c0_i32_1 = arith.constant 0 : i32
    return %c0_i32, %c0_i32_0 : i32, i32
  }
  func.func @transform_5(%arg0: i32) -> (i32, i32) {
    %c0_i32 = arith.constant 0 : i32
    %c0_i32_0 = arith.constant 0 : i32
    %c0_i32_1 = arith.constant 0 : i32
    return %c0_i32, %c0_i32_0 : i32, i32
  }
  func.func @transform_6(%arg0: i32) -> (i32, i32) {
    %c0_i32 = arith.constant 0 : i32
    %c0_i32_0 = arith.constant 0 : i32
    %c0_i32_1 = arith.constant 0 : i32
    return %c0_i32, %c0_i32_0 : i32, i32
  }
  func.func @transform_7(%arg0: i32) -> (i32, i32) {
    %c0_i32 = arith.constant 0 : i32
    %c0_i32_0 = arith.constant 0 : i32
    return %arg0, %c0_i32 : i32, i32
  }
}

</mosaic_0001>

<sc_bundles>
// kernel: kernel.6.cloned.1.call-start
scs
__scs_entry_jumppad:
0x0: {  	(pc) =	sbr.rel $0x88, $3  }
0x1: {  	(tag) =	ssettag $0x0;
	lr =	simm.s32 $0x1  }
0x2: {  	[smem:$0x3F9B] =	sst lr;
	_ =	strace $0xD0000000  }
0x3: {  	_ = 	snop  }
0x4: {  	_ = 	snop  }
0x5: {  	_ = 	snop  }
0x6: {  	_ = 	snop  }
0x7: {  	_ = 	snop  }
__scs_overlays_trampoline_lowered:
0x8: {  	[smem:$0x3FAA] =	sst s0  }
0x9: {  	[smem:$0x3FAB] =	sst s1  }
0xa: {  	[smem:$0x3FAC] =	sst s2  }
0xb: {  	[smem:$0x3FAD] =	sst s3  }
0xc: {  	[smem:$0x3FAE] =	sst s4  }
0xd: {  	[smem:$0x3FAF] =	sst s5  }
0xe: {  	[smem:$0x3FB0] =	sst s6  }
0xf: {  	[smem:$0x3FB1] =	sst s7  }
0x10: {  	[smem:$0x3FB2] =	sst s8  }
0x11: {  	[smem:$0x3FB3] =	sst s9;
	s0 =	simm.s32 @!p0 $0x0  }
0x12: {  	s1 =	sld [smem:$0x3F99];
	s0 =	simm.s32 @p0 $0x1  }
0x13: {  	[smem:$0x3FB4] =	sst s0;
	s0 =	simm.s32 @!p1 $0x0  }
0x14: {  	s2 =	sld [smem:$0x3F98];
	s0 =	simm.s32 @p1 $0x1  }
0x15: {  	[smem:$0x3FB5] =	sst s0;
	s0 =	simm.s32 @!p2 $0x0  }
0x16: {  	s3 =	sld [smem:$0x3FDB];
	s0 =	simm.s32 @p2 $0x1  }
0x17: {  	s4 =	simm.s32 $0x1BF5;
	[smem:$0x3FB7] =	sst s0  }
0x18: {  	s0 =	sld [smem:$0x3F9A];
	_ =	swait.ge [sflag:s4], $0x0  }
0x19: {  	s7 =	sld [smem:$0x3F9B]  }
0x1a: {  	s8 =	sadd.s32 $0xFFFFE003, lr  }
0x1b: {  	s9 =	sadd.s32 $0xFFFFFEF7, lr;
	s5 =	simm.s32 $0xFFFFFFFF;
	p2 =	slt.u32 s8, $0xFFFFF086  }
0x1c: {  	p1 =	slt.u32 s9, $0xF7A;
	s5 =	simm.s32 @!p2 $0x0  }
0x1d: {  	s5 =	simm.s32 @p1 $0x1;
	p0 =	seq.s32 s7, s2  }
0x1e: {  	s7 =	smul.u32 @!p0 $0xF7A, s2;
	p2 =	seq.s32 @!p0 s5, $0x0  }
0x1f: {  	s9 =	smul.u32 $0xF7A, s1;
	s8 =	simm.s32 @!p0 $0x1BF5;
	p2 =	por !p2, p0  }
0x20: {  	[sflag:s8] =	ssyncset.s32 @!p0 $0xFFFFF086;
	s6 =	sadd.s32 @!p0 s3, s7;
	s7 =	simm.s32 @!p0 $0x108  }
0x21: {  	s3 =	sadd.s32 s3, s9;
	s6 =	sadd.s32 @!p0 $0x88, s6;
	s7 =	simm.s32 @p2 $0x1082  }
0x22: {  	[simem:s7], [sflag:s8] =	dma.local @!p0 [hbm:s6], $0xF7A  }
0x23: {  	s9 =	sor.u32 $0xD0000000, s2;
	s6 =	simm.s32 $0x108;
	_ =	swait.ge @!p0 [sflag:s8], $0x0  }
0x24: {  	s3 =	sadd.s32 $0x88, s3;
	s6 =	simm.s32 @!p1 $0x1082;
	[sflag:s4] =	ssyncset.s32 $0xFFFFF086  }
0x25: {  	[simem:s6], [sflag:s4] =	dma.local [hbm:s3], $0xF7A  }
0x26: {  	[smem:$0x3F9B] =	sst s1;
	(tag) =	ssettag s2;
	_ =	strace s9  }
0x27: {  	s1 =	sld [smem:$0x3FAB]  }
0x28: {  	s2 =	sld [smem:$0x3FAC]  }
0x29: {  	s4 =	sld [smem:$0x3FAE]  }
0x2a: {  	p0 =	seq.s32 s5, $0x0;
	s5 =	sld [smem:$0x3FAF]  }
0x2b: {  	s6 =	sld [smem:$0x3FB0]  }
0x2c: {  	s7 =	sld [smem:$0x3FB1]  }
0x2d: {  	s3 =	simm.s32 $0x108;
	s8 =	sld [smem:$0x3FB2]  }
0x2e: {  	s3 =	simm.s32 @!p0 $0x1082;
	s9 =	sld [smem:$0x3FB3]  }
0x2f: {  	lr =	sadd.s32 s0, s3;
	s0 =	sld [smem:$0x3FAA]  }
0x30: {  	s3 =	sld [smem:$0x3FAD]  }
0x31: {  	[smem:$0x3FB6] =	sst s10  }
0x32: {  	s10 =	sld [smem:$0x3FB4];
	_ =	sdelay $0x3  }
0x33: {  	p0 =	seq.s32 s10, $0x1;
	s10 =	sld [smem:$0x3FB6];
	_ =	sdelay $0x3  }
0x34: {  	[smem:$0x3FB6] =	sst s10  }
0x35: {  	s10 =	sld [smem:$0x3FB5];
	_ =	sdelay $0x3  }
0x36: {  	p1 =	seq.s32 s10, $0x1;
	s10 =	sld [smem:$0x3FB6];
	_ =	sdelay $0x3  }
0x37: {  	[smem:$0x3FB6] =	sst s10  }
0x38: {  	s10 =	sld [smem:$0x3FB7]  }
0x39: {  	_ = 	snop;
	(pc) =	sbr.ind lr, $3  }
0x3a: {  	_ = 	snop  }
0x3b: {  	_ = 	snop  }
0x3c: {  	p2 =	seq.s32 s10, $0x1;
	s10 =	sld [smem:$0x3FB6]  }
0x3d: {  	_ =	shalt  }
0x3e: {  	_ =	shalt  }
0x3f: {  	_ =	shalt  }
0x40: {  	_ =	shalt  }
0x41: {  	_ =	shalt  }
0x42: {  	_ =	shalt  }
0x43: {  	_ =	shalt  }
0x44: {  	_ =	shalt  }
0x45: {  	_ =	shalt  }
0x46: {  	_ =	shalt  }
0x47: {  	_ =	shalt  }
0x48: {  	_ =	shalt  }
0x49: {  	_ =	shalt  }
0x4a: {  	_ =	shalt  }
0x4b: {  	_ =	shalt  }
0x4c: {  	_ =	shalt  }
0x4d: {  	_ =	shalt  }
0x4e: {  	_ =	shalt  }
0x4f: {  	_ =	shalt  }
0x50: {  	_ =	shalt  }
0x51: {  	_ =	shalt  }
0x52: {  	_ =	shalt  }
0x53: {  	_ =	shalt  }
0x54: {  	_ =	shalt  }
0x55: {  	_ =	shalt  }
0x56: {  	_ =	shalt  }
0x57: {  	_ =	shalt  }
0x58: {  	_ =	shalt  }
0x59: {  	_ =	shalt  }
0x5a: {  	_ =	shalt  }
0x5b: {  	_ =	shalt  }
0x5c: {  	_ =	shalt  }
0x5d: {  	_ =	shalt  }
0x5e: {  	_ =	shalt  }
0x5f: {  	_ =	shalt  }
0x60: {  	_ =	shalt  }
0x61: {  	_ =	shalt  }
0x62: {  	_ =	shalt  }
0x63: {  	_ =	shalt  }
0x64: {  	_ =	shalt  }
0x65: {  	_ =	shalt  }
0x66: {  	_ =	shalt  }
0x67: {  	_ =	shalt  }
0x68: {  	_ =	shalt  }
0x69: {  	_ =	shalt  }
0x6a: {  	_ =	shalt  }
0x6b: {  	_ =	shalt  }
0x6c: {  	_ =	shalt  }
0x6d: {  	_ =	shalt  }
0x6e: {  	_ =	shalt  }
0x6f: {  	_ =	shalt  }
0x70: {  	_ =	shalt  }
0x71: {  	_ =	shalt  }
0x72: {  	_ =	shalt  }
0x73: {  	_ =	shalt  }
0x74: {  	_ =	shalt  }
0x75: {  	_ =	shalt  }
0x76: {  	_ =	shalt  }
0x77: {  	_ =	shalt  }
0x78: {  	_ =	shalt  }
0x79: {  	_ =	shalt  }
0x7a: {  	_ =	shalt  }
0x7b: {  	_ =	shalt  }
0x7c: {  	_ =	shalt  }
0x7d: {  	_ =	shalt  }
0x7e: {  	_ =	shalt  }
0x7f: {  	_ =	shalt  }
0x80: {  	_ =	shalt  }
0x81: {  	_ =	shalt  }
0x82: {  	_ =	shalt  }
0x83: {  	_ =	shalt  }
0x84: {  	_ =	shalt  }
0x85: {  	_ =	shalt  }
0x86: {  	_ =	shalt  }
0x87: {  	_ =	shalt  }
.Lfunc_end0:
.L_simem_size_0:
called_computation_lowered:
.L_overlay_start_0:
0x88: {  	s2 =	sld [smem:$0x3FD9]  }
0x89: {  	s3 =	sld [smem:$0x3FFE];
	_ =	sdelay $0x1  }
0x8a: {  	s1 =	srdreg.scid  }
0x8b: {  	s0 =	sand.u32 $0x1, s1  }
0x8c: {  	s16 =	sshll.u32 s0, $0xA;
	s2 =	sadd.s32 s3, s2  }
0x8d: {  	s2 =	sadd.s32 s2, s16  }
0x8e: {  	[smem:$0x3FC2] =	sst s2  }
0x8f: {  	_ = 	snop  }
0x90: {  	(tm) =	ssettm $0x1  }
0x91: {  	s17 =	sld [smem:$0x3FFB];
	_ =	sdelay $0x3  }
0x92: {  	_ =	strace s17  }
0x93: {  	s2 =	sld [smem:$0x3FFC];
	_ =	sdelay $0x3  }
0x94: {  	_ =	strace s2  }
0x95: {  	s2 =	sld [smem:$0x3FFD];
	_ =	sdelay $0x3  }
0x96: {  	_ =	strace s2  }
0x97: {  	_ =	strace $0x8FFFFFFF  }
0x98: {  	s18 =	sld [smem:$0x3FDB];
	_ =	sdelay $0x1  }
0x99: {  	s19 =	simm.s32 $_scs_section_size  }
0x9a: {  	s4 =	simm.s32 $_size__tile_overlayer_lowered;
	s5 =	simm.s32 $_tile_overlayer_lowered  }
0x9b: {  	s22 =	simm.s32 $0x1BFF;
	s21 =	sshll.u32 s5, $0x1;
	s2 =	sadd.s32 s19, s18  }
0x9c: {  	s6 =	simm.s32 $0x0;
	s20 =	sshll.u32 s4, $0x1;
	s4 =	sadd.s32 s21, s2  }
0x9d: {  	[timem:s6], [sflag:s22] =	dma.local [hbm:s4], s20  }
0x9e: {  	_ =	swait.ge [sflag:s22], s20  }
0x9f: {  	s3 =	ssub.s32 $0x0, s20;
	[sflag:s22] =	ssyncset.done $0x0  }
0xa0: {  	[sflag:s22] =	ssyncadd.s32 s3;
	_ =	sdelay $0x1  }
0xa1: {  	s23 =	simm.s32 $0x1B8B  }
0xa2: {  	_ =	swait.ge [sflag:s23], $0x1  }
0xa3: {  	[sflag:s23] =	ssyncset.done $0x0  }
0xa4: {  	s25 =	simm.s32 $0x1B8E;
	s24 =	sld [smem:$0x3FFE];
	[sflag:s23] =	ssyncadd.s32 $0xFFFFFFFF  }
0xa5: {  	s26 =	simm.s32 $execute0_lowered;
	[smem:$0x3FD2] =	sst s25  }
0xa6: {  	s4 =	sshll.u32 s26, $0x1;
	_ =	strace $0x80000046;
	[dreg:$0x1] =	wrdreg $0xFFFFFFFF  }
0xa7: {  	s28 =	simm.s32 $_size_execute0_lowered;
	s2 =	sadd.s32 s2, s4;
	[dreg:$0x0] =	wrdreg $0x0  }
0xa8: {  	s4 =	sshll.u32 s28, $0x1;
	[dreg:$0x2] =	wrdreg s2  }
0xa9: {  	[dreg:$0x3] =	wrdreg s4  }
0xaa: {  	[dreg:$0x4] =	wrdreg $0xC0  }
0xab: {  	_ =	task [dreg:s6], $0x5FFFF  }
0xac: {  	[dreg:$0x1] =	wrdreg $0xFFFFFFFF  }
0xad: {  	[dreg:$0x0] =	wrdreg $0x60  }
0xae: {  	[dreg:$0x2] =	wrdreg s24  }
0xaf: {  	[dreg:$0x3] =	wrdreg $0x9  }
0xb0: {  	_ =	task.clear_ibuf [dreg:s6], $0x4FFFF;
	_ =	strace $0x90000046  }
0xb1: {  	s29 =	simm.s32 $0x9;
	_ =	strace $0x80000048  }
0xb2: {  	_ =	swait.ge [sflag:s29], $0x1  }
0xb3: {  	[sflag:s29] =	ssyncadd.s32 $0xFFFFFFFF  }
0xb4: {  	_ =	strace $0x90000048  }
0xb5: {  	_ =	sfence  }
0xb6: {  	s30 =	sld [smem:$0x0];
	_ =	sdelay $0x2  }
0xb7: {  	s31 =	sshll.u32 s1, $0xD;
	s1 =	sshrl.u32 s1, $0x2  }
0xb8: {  	s3 =	sand.u32 $0x4000, s31;
	s1 =	sadd.s32 s1, s30  }
0xb9: {  	s0 =	sor.u32 s3, s0;
	s1 =	sshll.u32 s1, $0x11  }
0xba: {  	s0 =	sor.u32 s1, s0  }
0xbb: {  	s0 =	sadd.s32 $0x8F2B, s0  }
0xbc: {  	[sflag:s0] =	ssyncadd.remote.s32 $0x1  }
0xbd: {  	_ =	sfence.sel $0xFFFF  }
0xbe: {  	[dreg:$0x0] =	wrdreg $0xFFFFFFFF;
	(pc) =	sbr.abs _section_cstart, $3  }
0xbf: {  	[dreg:$0x1] =	wrdreg $0xFFFFFFFF  }
0xc0: {  	_ =	task.clear_ibuf [dreg:s6], $0x2FFFF;
	_ =	strace $0x9FFFFFFF  }
0xc1: {  	(tm) =	ssettm $0x7FFFFFFF  }
tec
execute0_lowered:
.L_overlay_start_1:
0x0: {  	(tag) =	ssettag $0x1  }
0x1: {  	s4 =	rddreg [dreg:$0x0]  }
0x2: {  	s2 =	srdreg.scid;
	s0 =	rddreg [dreg:$0x1]  }
0x3: {  	s1 =	stileid.u32;
	s12 =	simm.s32 $0xA000;
	s13 =	simm.s32 $0x1  }
0x4: {  	s14 =	simm.s32 $0x2;
	s15 =	simm.s32 $0x1F00;
	s16 =	simm.s32 $0x0  }
0x5: {  	s8 =	sand.u32 $0x1, s2;
	s2 =	simm.s32 $0x0;
	s3 =	sshll.u32 s1, $0xE  }
0x6: {  	s9 =	sadd.s32 $0x13400, s4;
	s11 =	sshll.u32 s1, $0x12;
	s5 =	sshll.u32 s8, $0xD  }
0x7: {  	[smem:$0x7FF] =	sst s2;
	s7 =	ssub.s32 $0x2, s8;
	s8 =	sshll.u32 s8, $0x11  }
0x8: {  	s5 =	sor.u32 s5, s3;
	_ =	strace $0x80000047;
	s3 =	sadd.s32 $0xB400, s4  }
0x9: {  	s31 =	sshrl.u32 s7, $0x1;
	s6 =	sshrl.u32 s5, $0x3;
	s5 =	sshll.u32 s5, $0x4  }
0xa: {  	s7 =	ssub.s32 s7, s31;
	s6 =	sadd.s32 s6, s4;
	s10 =	sadd.s32 s9, s5  }
0xb: {  	s5 =	smax.u32 s7, $0x1;
	s9 =	sadd.s32 s11, s9;
	s11 =	simm.s32 $0x2000  }
0xc: {  	s4 =	sadd.s32 $0x3400, s6;
	s6 =	sadd.s32 $0x1E000, s10;
	s7 =	sadd.s32 $0x1F000, s10  }
0xd: {  	s8 =	sadd.s32 s8, s9;
	s9 =	simm.s32 $0x3;
	s10 =	simm.s32 $0x100  }
.LBB2_1:
0xe: {  	[tilespmem:s2], [sflag:$0x3] =	stream.linear.gather [hbm4b:s4+s2], $0x2000, $0x38;
	[tilespmem:$0x12000] =	vst v63  }
0xf: {  	_ =	swait.ge [sflag:s9], $0x2000  }
0x10: {  	[sflag:s9] =	ssyncset.done $0x0  }
0x11: {  	[sflag:s9] =	ssyncadd.s32 $0xFFFFE000  }
0x12: {  	[tilespmem:s11], [sflag:$0x1] =	stream.indirect.gather [hbm4b:s3+s10], $0x80, s2, s10, $0xb8;
	[tilespmem:$0x12000] =	vst v63  }
0x13: {  	s17 =	simm.s32 $0x100  }
0x14: {  	[tilespmem:s12], [sflag:$0x2] =	stream.indirect.gather [hbm4b:s3+s10], $0x80, s17, s10, $0xb8;
	[tilespmem:$0x12000] =	vst v63  }
0x15: {  	_ =	swait.ge [sflag:s13], $0x8000  }
0x16: {  	[sflag:s13] =	ssyncset.done $0x0  }
0x17: {  	s31 =	sadd.s32 $0x0, s8;
	[sflag:s13] =	ssyncadd.s32 $0xFFFF8000  }
0x18: {  	[hbm4b:s31+s2] =	stream.linear.scatter [tilespmem:s11], [sflag:$0x3], $0x8000, $0x38;
	[tilespmem:$0x12000] =	vst v63  }
0x19: {  	_ =	swait.ge [sflag:s9], $0x8000  }
0x1a: {  	[sflag:s9] =	ssyncset.done $0x0  }
0x1b: {  	s18 =	simm.s32 $0x200;
	[sflag:s9] =	ssyncadd.s32 $0xFFFF8000  }
0x1c: {  	[tilespmem:s11], [sflag:$0x1] =	stream.indirect.gather [hbm4b:s3+s10], $0x80, s18, s10, $0xb8;
	[tilespmem:$0x12000] =	vst v63  }
0x1d: {  	_ =	swait.ge [sflag:s14], $0x8000  }
0x1e: {  	[sflag:s14] =	ssyncset.done $0x0  }
0x1f: {  	s17 =	sadd.s32 $0x1000, s31;
	[sflag:s14] =	ssyncadd.s32 $0xFFFF8000  }
0x20: {  	[hbm4b:s17+s2] =	stream.linear.scatter [tilespmem:s12], [sflag:$0x3], $0x8000, $0x38;
	[tilespmem:$0x12000] =	vst v63  }
0x21: {  	s19 =	simm.s32 $0x4000;
	_ =	swait.ge [sflag:s9], $0x8000  }
0x22: {  	s18 =	simm.s32 $0x2000;
	s17 =	simm.s32 $0x400;
	[sflag:s9] =	ssyncset.done $0x0  }
.LBB2_2:
0x23: {  	p0 =	sne.s32 s19, $0x1C000;
	s20 =	sadd.s32 $0xFFFFFF00, s17;
	[sflag:s9] =	ssyncadd.s32 $0xFFFF8000  }
0x24: {  	[tilespmem:s12], [sflag:$0x2] =	stream.indirect.gather [hbm4b:s3+s10], $0x80, s20, s10, $0xb8;
	[tilespmem:$0x12000] =	vst v63  }
0x25: {  	s20 =	smov.u32 s19;
	s19 =	sadd.s32 $0x2000, s19;
	_ =	swait.ge [sflag:s13], $0x8000  }
0x26: {  	[sflag:s13] =	ssyncset.done $0x0  }
0x27: {  	s21 =	sadd.s32 s18, s8;
	s18 =	smov.u32 s20;
	[sflag:s13] =	ssyncadd.s32 $0xFFFF8000  }
0x28: {  	[hbm4b:s21+s2] =	stream.linear.scatter [tilespmem:s11], [sflag:$0x3], $0x8000, $0x38;
	[tilespmem:$0x12000] =	vst v63  }
0x29: {  	_ =	swait.ge [sflag:s9], $0x8000  }
0x2a: {  	[sflag:s9] =	ssyncset.done $0x0  }
0x2b: {  	[sflag:s9] =	ssyncadd.s32 $0xFFFF8000  }
0x2c: {  	[tilespmem:s11], [sflag:$0x1] =	stream.indirect.gather [hbm4b:s3+s10], $0x80, s17, s10, $0xb8;
	[tilespmem:$0x12000] =	vst v63  }
0x2d: {  	_ =	swait.ge [sflag:s14], $0x8000  }
.Ltmp0:
0x2e: {  	[sflag:s14] =	ssyncset.done $0x0;
	(pc) =	sbr.rel @p0 .LBB2_2-.Ltmp0, $4  }
0x2f: {  	s20 =	sadd.s32 $0x1000, s21;
	[sflag:s14] =	ssyncadd.s32 $0xFFFF8000  }
0x30: {  	[hbm4b:s20+s2] =	stream.linear.scatter [tilespmem:s12], [sflag:$0x3], $0x8000, $0x38;
	[tilespmem:$0x12000] =	vst v63  }
0x31: {  	_ =	swait.ge [sflag:s9], $0x8000  }
0x32: {  	s17 =	sadd.s32 $0x200, s17;
	[sflag:s9] =	ssyncset.done $0x0  }
0x33: {  	s19 =	sadd.s32 $0xFFFFFF00, s17;
	[sflag:s9] =	ssyncadd.s32 $0xFFFF8000  }
0x34: {  	[tilespmem:s12], [sflag:$0x2] =	stream.indirect.gather [hbm4b:s3+s10], $0x80, s19, s10, $0xb8;
	[tilespmem:$0x12000] =	vst v63  }
0x35: {  	_ =	swait.ge [sflag:s13], $0x8000  }
0x36: {  	[sflag:s13] =	ssyncset.done $0x0  }
0x37: {  	s18 =	sadd.s32 s18, s8;
	[sflag:s13] =	ssyncadd.s32 $0xFFFF8000  }
0x38: {  	[hbm4b:s18+s2] =	stream.linear.scatter [tilespmem:s11], [sflag:$0x3], $0x8000, $0x38;
	[tilespmem:$0x12000] =	vst v63  }
0x39: {  	_ =	swait.ge [sflag:s9], $0x8000  }
0x3a: {  	[sflag:s9] =	ssyncset.done $0x0  }
0x3b: {  	[sflag:s9] =	ssyncadd.s32 $0xFFFF8000  }
0x3c: {  	[tilespmem:s11], [sflag:$0x1] =	stream.indirect.gather [hbm4b:s3+s10], $0x80, s17, s10, $0xb8;
	[tilespmem:$0x12000] =	vst v63  }
0x3d: {  	_ =	swait.ge [sflag:s14], $0x8000  }
0x3e: {  	[sflag:s14] =	ssyncset.done $0x0  }
0x3f: {  	s31 =	sadd.s32 $0x1000, s18;
	[sflag:s14] =	ssyncadd.s32 $0xFFFF8000  }
0x40: {  	[hbm4b:s31+s2] =	stream.linear.scatter [tilespmem:s12], [sflag:$0x3], $0x8000, $0x38;
	[tilespmem:$0x12000] =	vst v63  }
0x41: {  	_ =	swait.ge [sflag:s9], $0x8000  }
0x42: {  	[sflag:s9] =	ssyncset.done $0x0  }
0x43: {  	[sflag:s9] =	ssyncadd.s32 $0xFFFF8000  }
0x44: {  	[tilespmem:s12], [sflag:$0x2] =	stream.indirect.gather [hbm4b:s3+s10], $0x80, s15, s10, $0xb8;
	[tilespmem:$0x12000] =	vst v63  }
0x45: {  	_ =	swait.ge [sflag:s13], $0x8000  }
0x46: {  	[sflag:s13] =	ssyncset.done $0x0  }
0x47: {  	[sflag:s13] =	ssyncadd.s32 $0xFFFF8000  }
0x48: {  	[hbm4b:s6+s2] =	stream.linear.scatter [tilespmem:s11], [sflag:$0x3], $0x8000, $0x38;
	[tilespmem:$0x12000] =	vst v63  }
0x49: {  	_ =	swait.ge [sflag:s9], $0x8000  }
0x4a: {  	[sflag:s9] =	ssyncset.done $0x0  }
0x4b: {  	[sflag:s9] =	ssyncadd.s32 $0xFFFF8000  }
0x4c: {  	s16 =	sadd.s32 $0x1, s16;
	_ =	swait.ge [sflag:s14], $0x8000  }
0x4d: {  	p0 =	sne.s32 s16, s5;
	[sflag:s14] =	ssyncset.done $0x0  }
.Ltmp1:
0x4e: {  	[sflag:s14] =	ssyncadd.s32 $0xFFFF8000;
	(pc) =	sbr.rel @p0 .LBB2_1-.Ltmp1, $4  }
0x4f: {  	[hbm4b:s7+s2] =	stream.linear.scatter [tilespmem:s12], [sflag:$0x3], $0x8000, $0x38;
	[tilespmem:$0x12000] =	vst v63  }
0x50: {  	_ =	swait.ge [sflag:s9], $0x8000  }
0x51: {  	[sflag:s9] =	ssyncset.done $0x0  }
0x52: {  	[sflag:s9] =	ssyncadd.s32 $0xFFFF8000  }
0x53: {  	_ =	sfence.sel $0x180000  }
0x54: {  	[bflag:$0x0] =	sbarrier.arrive $0xFFFF  }
0x55: {  	p0 =	sne.s32 s1, $0x0;
	_ =	strace $0x90000047  }
0x56: {  	s0 =	sadd.s32 @!p0 $0x100000, s0;
	[bflag:$0x2] =	sbarrier.arrive $0xFFFF  }
0x57: {  	[sflag:s0] =	ssyncadd.tile.s32 @!p0 $0x1;
	_ =	shalt  }
.Lfunc_end2:
_tile_overlayer_lowered:
.L_overlay_start_2:
0x58: {  	(tag) =	ssettag $0x2  }
0x59: {  	s0 =	rddreg [dreg:$0x0];
	s2 =	stileid.u32  }
0x5a: {  	s1 =	rddreg [dreg:$0x1];
	p0 =	sne.s32 s2, $0x0  }
0x5b: {  	s3 =	rddreg [dreg:$0x2];
	[bflag:$0x3] =	sbarrier.arrive $0xFFFF;
	s2 =	simm.s32 @!p0 $0x1C03  }
0x5c: {  	[timem:s3], [sflag:s2] =	dma.local @!p0 [hbm:s0], s1  }
0x5d: {  	s0 =	simm.s32 @!p0 $0x3  }
0x5e: {  	_ =	swait.ge @!p0 [sflag:s0], s1  }
0x5f: {  	s1 =	ssub.s32 @!p0 $0x0, s1;
	[sflag:s0] =	ssyncset.done @!p0 $0x0  }
0x60: {  	[sflag:s0] =	ssyncadd.s32 @!p0 s1  }
0x61: {  	[bflag:$0x3] =	sbarrier.arrive $0xFFFF  }
0x62: {  	_ =	shalt  }

</sc_bundles>
